<compile_context>
chip_gen: v7x
topology: tpu7x:2x2x1
jax: 0.10.2.dev20260603
libtpu: 0.0.44.dev20260713+nightly
codegen_flags: <defaults>
</compile_context>

<pallas_src>
import jax
import jax.numpy as jnp
from jax.experimental import pallas as pl
from jax.experimental.pallas import tpu as pltpu

F32 = jnp.float32
K = 4096
NKER = 27
EPS_BN = 1e-5


def _lr(x):
    return jnp.where(x >= 0, x, 0.01 * x)


def _onehot(cl, k):
    return (cl[:, None] == jax.lax.broadcasted_iota(jnp.int32, (cl.shape[0], k), 1)).astype(jnp.bfloat16)


def _dotCb(a, b):
    return jax.lax.dot_general(a, b.astype(jnp.bfloat16), (((0,), (0,)), ((), ())),
                               preferred_element_type=F32)


def _dotb(a, b):
    return jax.lax.dot_general(a, b.astype(jnp.bfloat16), (((1,), (0,)), ((), ())),
                               preferred_element_type=F32)


def _dotT(a, b):
    return jax.lax.dot_general(a, b, (((1,), (1,)), ((), ())), preferred_element_type=F32)


def _dotC(a, b):
    return jax.lax.dot_general(a, b, (((0,), (0,)), ((), ())), preferred_element_type=F32)


def _dot(a, b):
    return jax.lax.dot_general(a, b, (((1,), (0,)), ((), ())), preferred_element_type=F32)



def _gram_k(x_ref, s_ref, g_ref):
    i = pl.program_id(0)

    @pl.when(i == 0)
    def _():
        s_ref[...] = jnp.zeros_like(s_ref)
        g_ref[...] = jnp.zeros_like(g_ref)

    x = x_ref[...]
    s_ref[...] += jnp.sum(x, 0, keepdims=True)
    g_ref[...] += _dotC(x, x)


def _stats_k(x_ref, s_ref, q_ref):
    i = pl.program_id(0)

    @pl.when(i == 0)
    def _():
        s_ref[...] = jnp.zeros_like(s_ref)
        q_ref[...] = jnp.zeros_like(q_ref)

    x = x_ref[...].astype(F32)
    s_ref[...] += jnp.sum(x, 0, keepdims=True)
    q_ref[...] += jnp.sum(x * x, 0, keepdims=True)


def _pw_k(x_ref, cl_ref, w_ref, sc_ref, sh_ref, pw_ref, seg_ref, cnt_ref):
    i = pl.program_id(0)

    @pl.when(i == 0)
    def _():
        seg_ref[...] = jnp.zeros_like(seg_ref)
        cnt_ref[...] = jnp.zeros_like(cnt_ref)

    x = x_ref[...]
    pw = _lr(_dotT(x, w_ref[...]) * sc_ref[...] + sh_ref[...])
    pw_ref[...] = pw
    oh = _onehot(cl_ref[0, 0, :], K)
    seg_ref[...] += _dotCb(oh, pw)
    cnt_ref[...] += _dotCb(oh, jnp.ones((x.shape[0], 1), F32))


def _mproj_k(seg_ref, cnt_ref, w_ref, out_ref):
    m = seg_ref[...] / jnp.maximum(cnt_ref[...], 1.0)
    out_ref[...] = _dotT(m, w_ref[...])


def _t_k(pw_ref, cl_ref, mp_ref, w_ref, t_ref, mx_ref):
    i = pl.program_id(0)

    @pl.when(i == 0)
    def _():
        mx_ref[...] = jnp.full_like(mx_ref, -1e30)

    oh = _onehot(cl_ref[0, 0, :], K)
    t = _dotT(pw_ref[...], w_ref[...]) - _dotb(oh, mp_ref[...])
    t_ref[...] = t
    mx_ref[...] = jnp.maximum(mx_ref[...], jnp.max(t))


def _esum_k(t_ref, cl_ref, mx_ref, seg2_ref):
    i = pl.program_id(0)

    @pl.when(i == 0)
    def _():
        seg2_ref[...] = jnp.zeros_like(seg2_ref)

    e = jnp.exp(t_ref[...] - mx_ref[...])
    oh = _onehot(cl_ref[0, 0, :], K)
    seg2_ref[...] += _dotCb(oh, e)


def _pf_k(t_ref, cl_ref, mx_ref, seg2_ref, x_ref, wp_ref, sc_ref, sh_ref, segpf_ref):
    i = pl.program_id(0)

    @pl.when(i == 0)
    def _():
        segpf_ref[...] = jnp.zeros_like(segpf_ref)

    oh = _onehot(cl_ref[0, 0, :], K)
    e = jnp.exp(t_ref[...] - mx_ref[...])
    den = _dotb(oh, seg2_ref[...]) + 1e-6
    pw3 = e / den
    pf = _lr(_dotT(x_ref[...], wp_ref[...]) * sc_ref[...] + sh_ref[...]) * pw3
    segpf_ref[...] += _dotCb(oh, pf)


def _comb_k(x_ref, cl_ref, s0_ref, s1_ref, s2_ref, adp_ref, ab_ref,
            w3_ref, sc3_ref, sh3_ref, fa_ref, fb_ref,
            y_ref, ys_ref, yq_ref):
    i = pl.program_id(0)

    @pl.when(i == 0)
    def _():
        ys_ref[...] = jnp.zeros_like(ys_ref)
        yq_ref[...] = jnp.zeros_like(yq_ref)

    x = x_ref[...]
    lg = _dotT(x, adp_ref[...]) + ab_ref[...]
    m = jnp.max(lg, 1, keepdims=True)
    e = jnp.exp(lg - m)
    a = e / jnp.sum(e, 1, keepdims=True)
    fagg = jnp.zeros((x.shape[0], x.shape[1]), F32)
    for j, s_ref in enumerate((s0_ref, s1_ref, s2_ref)):
        oh = _onehot(cl_ref[j, 0, 0, :], K)
        fagg += a[:, j:j + 1] * _dotb(oh, s_ref[...])
    f2 = _lr(_dotT(x, w3_ref[...]) * sc3_ref[...] + sh3_ref[...])
    y = _dotT(f2, fa_ref[...]) + _dotT(fagg, fb_ref[...])
    y_ref[...] = y
    ys_ref[...] += jnp.sum(y, 0, keepdims=True)
    yq_ref[...] += jnp.sum(y * y, 0, keepdims=True)


def _fuse_apply_k(y_ref, x_ref, sc_ref, sh_ref, o_ref, ob_ref):
    v = _lr(y_ref[...] * sc_ref[...] + sh_ref[...]) + x_ref[...]
    o_ref[...] = v
    ob_ref[...] = v.astype(jnp.bfloat16)


def _aff_lrelu_k(x_ref, sc_ref, sh_ref, o_ref):
    r = _lr(x_ref[...].astype(F32) * sc_ref[...] + sh_ref[...])
    o_ref[...] = r.astype(o_ref.dtype)


def _final_k(h_ref, r_ref, sc_ref, sh_ref, o_ref):
    o_ref[...] = _lr(h_ref[...].astype(F32) * sc_ref[...] + sh_ref[...] + r_ref[...])


def _conv_k(koff_ref, xg_ref, w_ref, o_ref):
    b = pl.program_id(0)
    bp = xg_ref.shape[0]
    g0 = b * bp
    g1 = g0 + bp - 1
    k0 = jnp.int32(0)
    k1 = jnp.int32(0)
    for k in range(1, NKER):
        k0 += (koff_ref[k] <= g0).astype(jnp.int32)
        k1 += (koff_ref[k] <= g1).astype(jnp.int32)
    xg = xg_ref[...]
    y0 = _dotT(xg, w_ref[k0].astype(xg.dtype))
    y1 = _dotT(xg, w_ref[k1].astype(xg.dtype))
    bnd = koff_ref[k0 + 1]
    gvec = g0 + jax.lax.broadcasted_iota(jnp.int32, (bp, 1), 0)
    o_ref[...] = jnp.where(gvec < bnd, y0, y1).astype(o_ref.dtype)



def _row_specs(nb, b, c):
    return pl.BlockSpec((b, c), lambda i: (i, 0))


def kernel(feat, clusters, proj_W, proj_g, proj_b, lw_W, lw_g, lw_b, wt_W, adp_W, fuse_W, fuse_g, fuse_b, conv_W1, conv_W2, cbn1_g, cbn1_b, cbn2_g, cbn2_b, pairs_in, pairs_out, koff):
    n, c = feat.shape
    B = 400
    nb = n // B
    row = _row_specs(nb, B, c)
    full_cc = pl.BlockSpec((c, c), lambda i: (0, 0))
    full_1c = pl.BlockSpec((1, c), lambda i: (0, 0))
    full_kc = pl.BlockSpec((K, c), lambda i: (0, 0))
    full_k1 = pl.BlockSpec((K, 1), lambda i: (0, 0))
    one1 = pl.BlockSpec((1, 1), lambda i: (0, 0))
    cl_spec = pl.BlockSpec((1, 1, B), lambda i: (i, 0, 0))
    sd = jax.ShapeDtypeStruct

    s, g = pl.pallas_call(
        _gram_k, grid=(nb,),
        in_specs=[row],
        out_specs=[full_1c, full_cc],
        out_shape=[sd((1, c), F32), sd((c, c), F32)],
    )(feat)
    mu = s / n
    e2 = g / n

    def bn_affine(w, gg, bb):
        m = (mu @ w.T)[0]
        v = jnp.einsum('oc,cd,od->o', w, e2, w) - m * m
        sc = gg / jnp.sqrt(v + EPS_BN)
        sh = bb - m * sc
        return sc.reshape(1, c), sh.reshape(1, c)

    feats_seg = []
    cl_r = clusters.reshape(3, nb, 1, B)
    for i in range(3):
        sc_lw, sh_lw = bn_affine(lw_W[i], lw_g[i], lw_b[i])
        pw, seg, cnt = pl.pallas_call(
            _pw_k, grid=(nb,),
            in_specs=[row, cl_spec, full_cc, full_1c, full_1c],
            out_specs=[row, full_kc, full_k1],
            out_shape=[sd((n, c), F32), sd((K, c), F32), sd((K, 1), F32)],
        )(feat, cl_r[i], lw_W[i], sc_lw, sh_lw)

        mproj = pl.pallas_call(
            _mproj_k, grid=(1,),
            in_specs=[full_kc, full_k1, full_cc],
            out_specs=full_kc,
            out_shape=sd((K, c), F32),
        )(seg, cnt, wt_W[i])

        t, mx = pl.pallas_call(
            _t_k, grid=(nb,),
            in_specs=[row, cl_spec, full_kc, full_cc],
            out_specs=[row, one1],
            out_shape=[sd((n, c), F32), sd((1, 1), F32)],
        )(pw, cl_r[i], mproj, wt_W[i])

        seg2 = pl.pallas_call(
            _esum_k, grid=(nb,),
            in_specs=[row, cl_spec, one1],
            out_specs=full_kc,
            out_shape=sd((K, c), F32),
        )(t, cl_r[i], mx)

        sc_p, sh_p = bn_affine(proj_W[i], proj_g[i], proj_b[i])
        segpf = pl.pallas_call(
            _pf_k, grid=(nb,),
            in_specs=[row, cl_spec, one1, full_kc, row, full_cc, full_1c, full_1c],
            out_specs=full_kc,
            out_shape=sd((K, c), F32),
        )(t, cl_r[i], mx, seg2, feat, proj_W[i], sc_p, sh_p)
        feats_seg.append(segpf)

    BC = 200
    nbc = n // BC
    rowc = pl.BlockSpec((BC, c), lambda i: (i, 0))
    cl_c = pl.BlockSpec((3, 1, 1, BC), lambda i: (0, i, 0, 0))
    adp_p = jnp.pad(adp_W, ((0, 5), (0, 0)))
    abias = jnp.concatenate([jnp.zeros((1, 3), F32), jnp.full((1, 5), -1e30, F32)], 1)
    full_8c = pl.BlockSpec((8, c), lambda i: (0, 0))
    full_18 = pl.BlockSpec((1, 8), lambda i: (0, 0))
    kc = pl.BlockSpec((K, c), lambda i: (0, 0))
    sc3, sh3 = bn_affine(proj_W[3], proj_g[3], proj_b[3])
    y, ys, yq = pl.pallas_call(
        _comb_k, grid=(nbc,),
        in_specs=[rowc, cl_c, kc, kc, kc, full_8c, full_18,
                  pl.BlockSpec((c, c), lambda i: (0, 0)), pl.BlockSpec((1, c), lambda i: (0, 0)),
                  pl.BlockSpec((1, c), lambda i: (0, 0)),
                  pl.BlockSpec((c, c), lambda i: (0, 0)), pl.BlockSpec((c, c), lambda i: (0, 0))],
        out_specs=[rowc, pl.BlockSpec((1, c), lambda i: (0, 0)), pl.BlockSpec((1, c), lambda i: (0, 0))],
        out_shape=[sd((n, c), F32), sd((1, c), F32), sd((1, c), F32)],
    )(feat, clusters.reshape(3, nbc, 1, BC), feats_seg[0], feats_seg[1], feats_seg[2],
      adp_p, abias, proj_W[3], sc3, sh3, fuse_W[:, :c], fuse_W[:, c:])

    def stats_affine(s_, q_, gg, bb):
        m = s_[0] / n
        v = q_[0] / n - m * m
        sc = gg / jnp.sqrt(v + EPS_BN)
        sh = bb - m * sc
        return sc.reshape(1, c), sh.reshape(1, c)

    sc_f, sh_f = stats_affine(ys, yq, fuse_g, fuse_b)
    fused, fused_b = pl.pallas_call(
        _fuse_apply_k, grid=(nb,),
        in_specs=[row, row, full_1c, full_1c],
        out_specs=[row, row],
        out_shape=[sd((n, c), F32), sd((n, c), jnp.bfloat16)],
    )(y, feat, sc_f, sh_f)

    p = pairs_in.shape[0]
    BP = 512
    npb = -(-p // BP)
    pad = npb * BP - p
    pin_p = jnp.pad(pairs_in, (0, pad))
    pout_p = jnp.pad(pairs_out, (0, pad), constant_values=n)
    koff32 = jnp.asarray(koff).astype(jnp.int32)
    rowp = pl.BlockSpec((BP, c), lambda i: (i, 0))
    wspec = pl.BlockSpec((NKER, c, c), lambda i: (0, 0, 0))
    smem = pl.BlockSpec(memory_space=pltpu.SMEM)

    def subm(x, w):
        xg = x[pin_p]
        v = pl.pallas_call(
            _conv_k, grid=(npb,),
            in_specs=[smem, rowp, wspec],
            out_specs=rowp,
            out_shape=sd((npb * BP, c), jnp.bfloat16),
        )(koff32, xg, w)
        return jnp.zeros((n, c), jnp.bfloat16).at[pout_p].add(v, mode='drop')

    def bn_stats(x):
        s_, q_ = pl.pallas_call(
            _stats_k, grid=(nb,),
            in_specs=[row],
            out_specs=[full_1c, full_1c],
            out_shape=[sd((1, c), F32), sd((1, c), F32)],
        )(x)
        return s_, q_

    h = subm(fused_b, conv_W1)
    s1, q1 = bn_stats(h)
    sc1, sh1 = stats_affine(s1, q1, cbn1_g, cbn1_b)
    h1n = pl.pallas_call(
        _aff_lrelu_k, grid=(nb,),
        in_specs=[row, full_1c, full_1c],
        out_specs=row,
        out_shape=sd((n, c), jnp.bfloat16),
    )(h, sc1, sh1)

    h2 = subm(h1n, conv_W2)
    s2, q2 = bn_stats(h2)
    sc2, sh2 = stats_affine(s2, q2, cbn2_g, cbn2_b)
    out = pl.pallas_call(
        _final_k, grid=(nb,),
        in_specs=[row, row, full_1c, full_1c],
        out_specs=row,
        out_shape=sd((n, c), F32),
    )(h2, fused, sc2, sh2)
    return out

# --- scband reference (transcript-rebuilt; emitter-appended) ---
"""Pipeline reference for scband-spconv-basic-block-29738353558082 (READ-ONLY COPY).

The authoritative reference and input builder live on the scoring server;
editing this copy changes nothing except your own understanding.
"""

import jax, jax.numpy as jnp
import numpy as np

N = 100000
C = 128
K = 4096
G = 64
NKER = 27

def _bn(x, g, b):
    m = x.mean(0)
    v = x.var(0)
    return (x - m) / jnp.sqrt(v + 1e-5) * g + b

def _lrelu(x):
    return jnp.where(x >= 0, x, 0.01 * x)

def setup_inputs(seed: int = 0):
    rng = np.random.default_rng(0)
    flat = rng.choice(G * G * G, size=N, replace=False)
    grid = -np.ones(G * G * G, dtype=np.int64)
    grid[flat] = np.arange(N)
    cz, cy, cx = np.unravel_index(flat, (G, G, G))
    coords = np.stack([cz, cy, cx], 1).astype(np.int64)
    pin, pout, koff = [], [], [0]
    for dz in (-1, 0, 1):
        for dy in (-1, 0, 1):
            for dx in (-1, 0, 1):
                nb = coords + np.array([dz, dy, dx])
                valid = np.all((nb >= 0) & (nb < G), axis=1)
                nf = nb[valid, 0] * G * G + nb[valid, 1] * G + nb[valid, 2]
                src = grid[nf]
                ok = src >= 0
                pin.append(src[ok].astype(np.int32))
                pout.append(np.arange(N, dtype=np.int32)[valid][ok])
                koff.append(koff[-1] + int(ok.sum()))
    key = jax.random.key(seed)
    ks = jax.random.split(key, 16)
    s = 1.0 / np.sqrt(C)
    inp = {}
    inp['feat'] = jax.random.normal(ks[0], (N, C), jnp.float32)
    inp['clusters'] = jax.random.randint(ks[1], (3, N), 0, K, jnp.int32)
    inp['proj_W'] = jax.random.normal(ks[2], (4, C, C), jnp.float32) * s
    inp['proj_g'] = jnp.ones((4, C), jnp.float32)
    inp['proj_b'] = jnp.zeros((4, C), jnp.float32)
    inp['lw_W'] = jax.random.normal(ks[3], (3, C, C), jnp.float32) * s
    inp['lw_g'] = jnp.ones((3, C), jnp.float32)
    inp['lw_b'] = jnp.zeros((3, C), jnp.float32)
    inp['wt_W'] = jax.random.normal(ks[4], (3, C, C), jnp.float32) * s
    inp['adp_W'] = jax.random.normal(ks[5], (3, C), jnp.float32) * s
    inp['fuse_W'] = jax.random.normal(ks[6], (C, 2 * C), jnp.float32) * s
    inp['fuse_g'] = jnp.ones((C,), jnp.float32)
    inp['fuse_b'] = jnp.zeros((C,), jnp.float32)
    inp['conv_W1'] = jax.random.normal(ks[7], (NKER, C, C), jnp.float32) * s * 0.2
    inp['conv_W2'] = jax.random.normal(ks[8], (NKER, C, C), jnp.float32) * s * 0.2
    inp['cbn1_g'] = jnp.ones((C,), jnp.float32)
    inp['cbn1_b'] = jnp.zeros((C,), jnp.float32)
    inp['cbn2_g'] = jnp.ones((C,), jnp.float32)
    inp['cbn2_b'] = jnp.zeros((C,), jnp.float32)
    inp['pairs_in'] = jnp.asarray(np.concatenate(pin))
    inp['pairs_out'] = jnp.asarray(np.concatenate(pout))
    inp['koff'] = np.asarray(koff, dtype=np.int64)
    return inp

def reference(feat, clusters, proj_W, proj_g, proj_b, lw_W, lw_g, lw_b, wt_W, adp_W, fuse_W, fuse_g, fuse_b, conv_W1, conv_W2, cbn1_g, cbn1_b, cbn2_g, cbn2_b, pairs_in, pairs_out, koff):
    def seg_sum(x, ids):
        return jax.ops.segment_sum(x, ids, num_segments=K)
    def seg_mean(x, ids):
        s_ = jax.ops.segment_sum(x, ids, num_segments=K)
        c_ = jax.ops.segment_sum(jnp.ones((x.shape[0], 1), x.dtype), ids, num_segments=K)
        return s_ / jnp.clip(c_, 1.0)
    def subm(x, W):
        out = jnp.zeros_like(x)
        p = jnp.arange(pairs_in.shape[0])
        xg = x[pairs_in]
        for k in range(NKER):
            mask = ((p >= koff[k]) & (p < koff[k + 1])).astype(x.dtype)[:, None]
            out = out.at[pairs_out].add((xg @ W[k].T) * mask)
        return out
    feats = []
    for i in range(3):
        cl = clusters[i]
        pw = _lrelu(_bn(feat @ lw_W[i].T, lw_g[i], lw_b[i]))
        pw = pw - seg_mean(pw, cl)[cl]
        pw = pw @ wt_W[i].T
        pw = jnp.exp(pw - jnp.max(pw))
        pw = pw / (seg_sum(pw, cl)[cl] + 1e-6)
        pf = _lrelu(_bn(feat @ proj_W[i].T, proj_g[i], proj_b[i])) * pw
        feats.append(seg_sum(pf, cl)[cl])
    adp = jax.nn.softmax(feat @ adp_W.T, axis=1)
    fagg = jnp.einsum('ln,lnc->lc', adp, jnp.stack(feats, 1))
    f2 = _lrelu(_bn(feat @ proj_W[3].T, proj_g[3], proj_b[3]))
    fused = _lrelu(_bn(jnp.concatenate([f2, fagg], 1) @ fuse_W.T, fuse_g, fuse_b)) + feat
    res = fused
    h = subm(fused, conv_W1)
    h = _lrelu(_bn(h, cbn1_g, cbn1_b))
    h = subm(h, conv_W2)
    h = _bn(h, cbn2_g, cbn2_b)
    return _lrelu(h + res)

if __name__ == "__main__":
    import jax
    _d = setup_inputs()
    print(jax.jit(kernel)(*tuple(_d.values())))

</pallas_src>

<mosaic_0001>
module attributes {stable_mosaic.version = 14 : i64} {
  func.func @_gram_k(%arg0: i32, %arg1: memref<400x128xf32, #tpu.memory_space<vmem>>, %arg2: memref<1x128xf32, #tpu.memory_space<vmem>>, %arg3: memref<128x128xf32, #tpu.memory_space<vmem>>) attributes {dimension_semantics = [#tpu.dimension_semantics<arbitrary>], iteration_bounds = array<i64: 250>, scalar_prefetch = 0 : i64, scratch_operands = 0 : i64, tpu.core_type = #tpu.core_type<tc>, window_params = [{transform_indices = @transform_0, window_bounds = array<i64: 400, 128>}, {pipeline_mode = #tpu.pipeline_mode<synchronous>, transform_indices = @transform_1, window_bounds = array<i64: 1, 128>}, {pipeline_mode = #tpu.pipeline_mode<synchronous>, transform_indices = @transform_2, window_bounds = array<i64: 128, 128>}]} {
    %eq3A = arith.constant 0 : i32
    %eq3A_0 = arith.cmpi eq, %arg0, %eq3A : i32
    %convert_element_type3A = arith.extui %eq3A_0 : i1 to i32
    %cond3A = arith.constant 0 : i32
    %cond3A_1 = arith.cmpi ne, %convert_element_type3A, %cond3A : i32
    scf.if %cond3A_1 {
      %broadcast_in_dim3A_18 = arith.constant 0.000000e+00 : f32
      %broadcast_in_dim3A_19 = vector.broadcast %broadcast_in_dim3A_18 : f32 to vector<1x128xf32>
      %swap3A_20 = arith.constant 0 : index
      %swap3A_21 = arith.constant 0 : index
      %swap3A_22 = vector.load %arg2[%swap3A_20, %swap3A_21] : memref<1x128xf32, #tpu.memory_space<vmem>>, vector<1x128xf32>
      tpu.vector_store %arg2[%swap3A_20, %swap3A_21], %broadcast_in_dim3A_19 {strides = array<i32>} : memref<1x128xf32, #tpu.memory_space<vmem>>, vector<1x128xf32>,
      %broadcast_in_dim3A_23 = arith.constant 0.000000e+00 : f32
      %broadcast_in_dim3A_24 = vector.broadcast %broadcast_in_dim3A_23 : f32 to vector<128x128xf32>
      %swap3A_25 = arith.constant 0 : index
      %swap3A_26 = arith.constant 0 : index
      %swap3A_27 = vector.load %arg3[%swap3A_25, %swap3A_26] : memref<128x128xf32, #tpu.memory_space<vmem>>, vector<128x128xf32>
      tpu.vector_store %arg3[%swap3A_25, %swap3A_26], %broadcast_in_dim3A_24 {strides = array<i32>} : memref<128x128xf32, #tpu.memory_space<vmem>>, vector<128x128xf32>,
    } else {
    }
    %get3A = arith.constant 0 : index
    %get3A_2 = arith.constant 0 : index
    %get3A_3 = vector.load %arg1[%get3A, %get3A_2] : memref<400x128xf32, #tpu.memory_space<vmem>>, vector<400x128xf32>
    %get3A_4 = arith.constant 0 : index
    %get3A_5 = arith.constant 0 : index
    %get3A_6 = vector.load %arg2[%get3A_4, %get3A_5] : memref<1x128xf32, #tpu.memory_space<vmem>>, vector<1x128xf32>
    %reduce_sum3A = arith.constant dense<0.000000e+00> : vector<128xf32>
    %reduce_sum3A_7 = vector.multi_reduction <add>, %get3A_3, %reduce_sum3A [0] : vector<400x128xf32> to vector<128xf32>
    %broadcast_in_dim3A = vector.shape_cast %reduce_sum3A_7 : vector<128xf32> to vector<1x128xf32>
    %add3A = arith.addf %get3A_6, %broadcast_in_dim3A : vector<1x128xf32>
    %swap3A = arith.constant 0 : index
    %swap3A_8 = arith.constant 0 : index
    %swap3A_9 = vector.load %arg2[%swap3A, %swap3A_8] : memref<1x128xf32, #tpu.memory_space<vmem>>, vector<1x128xf32>
    tpu.vector_store %arg2[%swap3A, %swap3A_8], %add3A {strides = array<i32>} : memref<1x128xf32, #tpu.memory_space<vmem>>, vector<1x128xf32>,
    %get3A_10 = arith.constant 0 : index
    %get3A_11 = arith.constant 0 : index
    %get3A_12 = vector.load %arg3[%get3A_10, %get3A_11] : memref<128x128xf32, #tpu.memory_space<vmem>>, vector<128x128xf32>
    %dot_general3A = arith.constant dense<0.000000e+00> : vector<128x128xf32>
    %dot_general3A_13 = tpu.matmul %get3A_3, %get3A_3, %dot_general3A {dimension_numbers = #tpu.dot_dimension_numbers<[0], [0], [1], [1], [0, 1, 1, 1], [], []>, transpose_lhs_hint = false} : vector<400x128xf32>, vector<400x128xf32>, vector<128x128xf32> -> vector<128x128xf32>
    %add3A_14 = arith.addf %get3A_12, %dot_general3A_13 : vector<128x128xf32>
    %swap3A_15 = arith.constant 0 : index
    %swap3A_16 = arith.constant 0 : index
    %swap3A_17 = vector.load %arg3[%swap3A_15, %swap3A_16] : memref<128x128xf32, #tpu.memory_space<vmem>>, vector<128x128xf32>
    tpu.vector_store %arg3[%swap3A_15, %swap3A_16], %add3A_14 {strides = array<i32>} : memref<128x128xf32, #tpu.memory_space<vmem>>, vector<128x128xf32>,
    return
  }
  func.func @transform_0(%arg0: i32) -> (i32, i32) {
    %c0_i32 = arith.constant 0 : i32
    %c0_i32_0 = arith.constant 0 : i32
    return %arg0, %c0_i32 : i32, i32
  }
  func.func @transform_1(%arg0: i32) -> (i32, i32) {
    %c0_i32 = arith.constant 0 : i32
    %c0_i32_0 = arith.constant 0 : i32
    %c0_i32_1 = arith.constant 0 : i32
    return %c0_i32, %c0_i32_0 : i32, i32
  }
  func.func @transform_2(%arg0: i32) -> (i32, i32) {
    %c0_i32 = arith.constant 0 : i32
    %c0_i32_0 = arith.constant 0 : i32
    %c0_i32_1 = arith.constant 0 : i32
    return %c0_i32, %c0_i32_0 : i32, i32
  }
}

module attributes {stable_mosaic.version = 14 : i64} {
  func.func @_pw_k(%arg0: i32, %arg1: memref<400x128xf32, #tpu.memory_space<vmem>>, %arg2: memref<1x1x400xi32, #tpu.memory_space<vmem>>, %arg3: memref<128x128xf32, #tpu.memory_space<vmem>>, %arg4: memref<1x128xf32, #tpu.memory_space<vmem>>, %arg5: memref<1x128xf32, #tpu.memory_space<vmem>>, %arg6: memref<400x128xf32, #tpu.memory_space<vmem>>, %arg7: memref<4096x128xf32, #tpu.memory_space<vmem>>, %arg8: memref<4096x1xf32, #tpu.memory_space<vmem>>) attributes {dimension_semantics = [#tpu.dimension_semantics<arbitrary>], iteration_bounds = array<i64: 250>, scalar_prefetch = 0 : i64, scratch_operands = 0 : i64, tpu.core_type = #tpu.core_type<tc>, window_params = [{transform_indices = @transform_0, window_bounds = array<i64: 400, 128>}, {transform_indices = @transform_1, window_bounds = array<i64: 1, 1, 400>}, {pipeline_mode = #tpu.pipeline_mode<synchronous>, transform_indices = @transform_2, window_bounds = array<i64: 128, 128>}, {pipeline_mode = #tpu.pipeline_mode<synchronous>, transform_indices = @transform_3, window_bounds = array<i64: 1, 128>}, {pipeline_mode = #tpu.pipeline_mode<synchronous>, transform_indices = @transform_4, window_bounds = array<i64: 1, 128>}, {transform_indices = @transform_5, window_bounds = array<i64: 400, 128>}, {pipeline_mode = #tpu.pipeline_mode<synchronous>, transform_indices = @transform_6, window_bounds = array<i64: 4096, 128>}, {pipeline_mode = #tpu.pipeline_mode<synchronous>, transform_indices = @transform_7, window_bounds = array<i64: 4096, 1>}]} {
    %eq3A = arith.constant 0 : i32
    %eq3A_0 = arith.cmpi eq, %arg0, %eq3A : i32
    %convert_element_type3A = arith.extui %eq3A_0 : i1 to i32
    %cond3A = arith.constant 0 : i32
    %cond3A_1 = arith.cmpi ne, %convert_element_type3A, %cond3A : i32
    scf.if %cond3A_1 {
      %broadcast_in_dim3A_55 = arith.constant 0.000000e+00 : f32
      %broadcast_in_dim3A_56 = vector.broadcast %broadcast_in_dim3A_55 : f32 to vector<4096x128xf32>
      %swap3A_57 = arith.constant 0 : index
      %swap3A_58 = arith.constant 0 : index
      %swap3A_59 = vector.load %arg7[%swap3A_57, %swap3A_58] : memref<4096x128xf32, #tpu.memory_space<vmem>>, vector<4096x128xf32>
      tpu.vector_store %arg7[%swap3A_57, %swap3A_58], %broadcast_in_dim3A_56 {strides = array<i32>} : memref<4096x128xf32, #tpu.memory_space<vmem>>, vector<4096x128xf32>,
      %broadcast_in_dim3A_60 = arith.constant 0.000000e+00 : f32
      %broadcast_in_dim3A_61 = vector.broadcast %broadcast_in_dim3A_60 : f32 to vector<4096x1xf32>
      %swap3A_62 = arith.constant 0 : index
      %swap3A_63 = arith.constant 0 : index
      %swap3A_64 = vector.load %arg8[%swap3A_62, %swap3A_63] : memref<4096x1xf32, #tpu.memory_space<vmem>>, vector<4096x1xf32>
      tpu.vector_store %arg8[%swap3A_62, %swap3A_63], %broadcast_in_dim3A_61 {strides = array<i32>} : memref<4096x1xf32, #tpu.memory_space<vmem>>, vector<4096x1xf32>,
    } else {
    }
    %get3A = arith.constant 0 : index
    %get3A_2 = arith.constant 0 : index
    %get3A_3 = vector.load %arg1[%get3A, %get3A_2] : memref<400x128xf32, #tpu.memory_space<vmem>>, vector<400x128xf32>
    %get3A_4 = arith.constant 0 : index
    %get3A_5 = arith.constant 0 : index
    %get3A_6 = vector.load %arg3[%get3A_4, %get3A_5] : memref<128x128xf32, #tpu.memory_space<vmem>>, vector<128x128xf32>
    %dot_general3A = arith.constant dense<0.000000e+00> : vector<400x128xf32>
    %dot_general3A_7 = tpu.matmul %get3A_3, %get3A_6, %dot_general3A {dimension_numbers = #tpu.dot_dimension_numbers<[1], [1], [0], [0], [0, 0, 1, 0], [], []>, transpose_lhs_hint = false} : vector<400x128xf32>, vector<128x128xf32>, vector<400x128xf32> -> vector<400x128xf32>
    %get3A_8 = arith.constant 0 : index
    %get3A_9 = arith.constant 0 : index
    %get3A_10 = vector.load %arg4[%get3A_8, %get3A_9] : memref<1x128xf32, #tpu.memory_space<vmem>>, vector<1x128xf32>
    %mul3A = vector.broadcast %get3A_10 : vector<1x128xf32> to vector<400x128xf32>
    %mul3A_11 = arith.mulf %dot_general3A_7, %mul3A : vector<400x128xf32>
    %get3A_12 = arith.constant 0 : index
    %get3A_13 = arith.constant 0 : index
    %get3A_14 = vector.load %arg5[%get3A_12, %get3A_13] : memref<1x128xf32, #tpu.memory_space<vmem>>, vector<1x128xf32>
    %add3A = vector.broadcast %get3A_14 : vector<1x128xf32> to vector<400x128xf32>
    %add3A_15 = arith.addf %mul3A_11, %add3A : vector<400x128xf32>
    %ge3A = arith.constant 0.000000e+00 : f32
    %ge3A_16 = vector.broadcast %ge3A : f32 to vector<400x128xf32>
    %ge3A_17 = arith.cmpf oge, %add3A_15, %ge3A_16 : vector<400x128xf32>
    %mul3A_18 = arith.constant 0.00999999977 : f32
    %mul3A_19 = vector.broadcast %mul3A_18 : f32 to vector<400x128xf32>
    %mul3A_20 = arith.mulf %mul3A_19, %add3A_15 : vector<400x128xf32>
    %select_n3A = arith.select %ge3A_17, %add3A_15, %mul3A_20 : vector<400x128xi1>, vector<400x128xf32>
    %swap3A = arith.constant 0 : index
    %swap3A_21 = arith.constant 0 : index
    %swap3A_22 = vector.load %arg6[%swap3A, %swap3A_21] : memref<400x128xf32, #tpu.memory_space<vmem>>, vector<400x128xf32>
    tpu.vector_store %arg6[%swap3A, %swap3A_21], %select_n3A {strides = array<i32>} : memref<400x128xf32, #tpu.memory_space<vmem>>, vector<400x128xf32>,
    %get3A_23 = arith.constant 0 : index
    %get3A_24 = arith.constant 0 : index
    %get3A_25 = arith.constant 0 : index
    %get3A_26 = vector.load %arg2[%get3A_23, %get3A_24, %get3A_25] : memref<1x1x400xi32, #tpu.memory_space<vmem>>, vector<1x1x400xi32>
    %get3A_27 = vector.shape_cast %get3A_26 : vector<1x1x400xi32> to vector<400xi32>
    %broadcast_in_dim3A = vector.shape_cast %get3A_27 : vector<400xi32> to vector<400x1xi32>
    %iota3A = tpu.iota {dimensions = array<i32: 1>} : vector<400x4096xi32>
    %eq3A_28 = vector.broadcast %broadcast_in_dim3A : vector<400x1xi32> to vector<400x4096xi32>
    %eq3A_29 = arith.cmpi eq, %eq3A_28, %iota3A : vector<400x4096xi32>
    %convert_element_type3A_30 = arith.extui %eq3A_29 : vector<400x4096xi1> to vector<400x4096xi32>
    %convert_element_type3A_31 = arith.sitofp %convert_element_type3A_30 : vector<400x4096xi32> to vector<400x4096xf32>
    %convert_element_type3A_32 = arith.truncf %convert_element_type3A_31 : vector<400x4096xf32> to vector<400x4096xbf16>
    %get3A_33 = arith.constant 0 : index
    %get3A_34 = arith.constant 0 : index
    %get3A_35 = vector.load %arg7[%get3A_33, %get3A_34] : memref<4096x128xf32, #tpu.memory_space<vmem>>, vector<4096x128xf32>
    %convert_element_type3A_36 = arith.truncf %select_n3A : vector<400x128xf32> to vector<400x128xbf16>
    %dot_general3A_37 = arith.constant dense<0.000000e+00> : vector<4096x128xf32>
    %dot_general3A_38 = tpu.matmul %convert_element_type3A_32, %convert_element_type3A_36, %dot_general3A_37 {dimension_numbers = #tpu.dot_dimension_numbers<[0], [0], [1], [1], [0, 1, 1, 1], [], []>, transpose_lhs_hint = false} : vector<400x4096xbf16>, vector<400x128xbf16>, vector<4096x128xf32> -> vector<4096x128xf32>
    %add3A_39 = arith.addf %get3A_35, %dot_general3A_38 : vector<4096x128xf32>
    %swap3A_40 = arith.constant 0 : index
    %swap3A_41 = arith.constant 0 : index
    %swap3A_42 = vector.load %arg7[%swap3A_40, %swap3A_41] : memref<4096x128xf32, #tpu.memory_space<vmem>>, vector<4096x128xf32>
    tpu.vector_store %arg7[%swap3A_40, %swap3A_41], %add3A_39 {strides = array<i32>} : memref<4096x128xf32, #tpu.memory_space<vmem>>, vector<4096x128xf32>,
    %get3A_43 = arith.constant 0 : index
    %get3A_44 = arith.constant 0 : index
    %get3A_45 = vector.load %arg8[%get3A_43, %get3A_44] : memref<4096x1xf32, #tpu.memory_space<vmem>>, vector<4096x1xf32>
    %broadcast_in_dim3A_46 = arith.constant 1.000000e+00 : f32
    %broadcast_in_dim3A_47 = vector.broadcast %broadcast_in_dim3A_46 : f32 to vector<400x1xf32>
    %convert_element_type3A_48 = arith.truncf %broadcast_in_dim3A_47 : vector<400x1xf32> to vector<400x1xbf16>
    %dot_general3A_49 = arith.constant dense<0.000000e+00> : vector<4096x1xf32>
    %dot_general3A_50 = tpu.matmul %convert_element_type3A_32, %convert_element_type3A_48, %dot_general3A_49 {dimension_numbers = #tpu.dot_dimension_numbers<[0], [0], [1], [1], [0, 1, 1, 1], [], []>, transpose_lhs_hint = false} : vector<400x4096xbf16>, vector<400x1xbf16>, vector<4096x1xf32> -> vector<4096x1xf32>
    %add3A_51 = arith.addf %get3A_45, %dot_general3A_50 : vector<4096x1xf32>
    %swap3A_52 = arith.constant 0 : index
    %swap3A_53 = arith.constant 0 : index
    %swap3A_54 = vector.load %arg8[%swap3A_52, %swap3A_53] : memref<4096x1xf32, #tpu.memory_space<vmem>>, vector<4096x1xf32>
    tpu.vector_store %arg8[%swap3A_52, %swap3A_53], %add3A_51 {strides = array<i32>} : memref<4096x1xf32, #tpu.memory_space<vmem>>, vector<4096x1xf32>,
    return
  }
  func.func @transform_0(%arg0: i32) -> (i32, i32) {
    %c0_i32 = arith.constant 0 : i32
    %c0_i32_0 = arith.constant 0 : i32
    return %arg0, %c0_i32 : i32, i32
  }
  func.func @transform_1(%arg0: i32) -> (i32, i32, i32) {
    %c0_i32 = arith.constant 0 : i32
    %c0_i32_0 = arith.constant 0 : i32
    %c0_i32_1 = arith.constant 0 : i32
    return %arg0, %c0_i32, %c0_i32_0 : i32, i32, i32
  }
  func.func @transform_2(%arg0: i32) -> (i32, i32) {
    %c0_i32 = arith.constant 0 : i32
    %c0_i32_0 = arith.constant 0 : i32
    %c0_i32_1 = arith.constant 0 : i32
    return %c0_i32, %c0_i32_0 : i32, i32
  }
  func.func @transform_3(%arg0: i32) -> (i32, i32) {
    %c0_i32 = arith.constant 0 : i32
    %c0_i32_0 = arith.constant 0 : i32
    %c0_i32_1 = arith.constant 0 : i32
    return %c0_i32, %c0_i32_0 : i32, i32
  }
  func.func @transform_4(%arg0: i32) -> (i32, i32) {
    %c0_i32 = arith.constant 0 : i32
    %c0_i32_0 = arith.constant 0 : i32
    %c0_i32_1 = arith.constant 0 : i32
    return %c0_i32, %c0_i32_0 : i32, i32
  }
  func.func @transform_5(%arg0: i32) -> (i32, i32) {
    %c0_i32 = arith.constant 0 : i32
    %c0_i32_0 = arith.constant 0 : i32
    return %arg0, %c0_i32 : i32, i32
  }
  func.func @transform_6(%arg0: i32) -> (i32, i32) {
    %c0_i32 = arith.constant 0 : i32
    %c0_i32_0 = arith.constant 0 : i32
    %c0_i32_1 = arith.constant 0 : i32
    return %c0_i32, %c0_i32_0 : i32, i32
  }
  func.func @transform_7(%arg0: i32) -> (i32, i32) {
    %c0_i32 = arith.constant 0 : i32
    %c0_i32_0 = arith.constant 0 : i32
    %c0_i32_1 = arith.constant 0 : i32
    return %c0_i32, %c0_i32_0 : i32, i32
  }
}

module attributes {stable_mosaic.version = 14 : i64} {
  func.func @_mproj_k(%arg0: i32, %arg1: memref<4096x128xf32, #tpu.memory_space<vmem>>, %arg2: memref<4096x1xf32, #tpu.memory_space<vmem>>, %arg3: memref<128x128xf32, #tpu.memory_space<vmem>>, %arg4: memref<4096x128xf32, #tpu.memory_space<vmem>>) attributes {dimension_semantics = [#tpu.dimension_semantics<arbitrary>], iteration_bounds = array<i64: 1>, scalar_prefetch = 0 : i64, scratch_operands = 0 : i64, tpu.core_type = #tpu.core_type<tc>, window_params = [{pipeline_mode = #tpu.pipeline_mode<synchronous>, transform_indices = @transform_0, window_bounds = array<i64: 4096, 128>}, {pipeline_mode = #tpu.pipeline_mode<synchronous>, transform_indices = @transform_1, window_bounds = array<i64: 4096, 1>}, {pipeline_mode = #tpu.pipeline_mode<synchronous>, transform_indices = @transform_2, window_bounds = array<i64: 128, 128>}, {pipeline_mode = #tpu.pipeline_mode<synchronous>, transform_indices = @transform_3, window_bounds = array<i64: 4096, 128>}]} {
    %get3A = arith.constant 0 : index
    %get3A_0 = arith.constant 0 : index
    %get3A_1 = vector.load %arg1[%get3A, %get3A_0] : memref<4096x128xf32, #tpu.memory_space<vmem>>, vector<4096x128xf32>
    %get3A_2 = arith.constant 0 : index
    %get3A_3 = arith.constant 0 : index
    %get3A_4 = vector.load %arg2[%get3A_2, %get3A_3] : memref<4096x1xf32, #tpu.memory_space<vmem>>, vector<4096x1xf32>
    %max3A = arith.constant 1.000000e+00 : f32
    %max3A_5 = vector.broadcast %max3A : f32 to vector<4096x1xf32>
    %max3A_6 = arith.maximumf %get3A_4, %max3A_5 : vector<4096x1xf32>
    %div3A = vector.broadcast %max3A_6 : vector<4096x1xf32> to vector<4096x128xf32>
    %div3A_7 = arith.divf %get3A_1, %div3A : vector<4096x128xf32>
    %get3A_8 = arith.constant 0 : index
    %get3A_9 = arith.constant 0 : index
    %get3A_10 = vector.load %arg3[%get3A_8, %get3A_9] : memref<128x128xf32, #tpu.memory_space<vmem>>, vector<128x128xf32>
    %dot_general3A = arith.constant dense<0.000000e+00> : vector<4096x128xf32>
    %dot_general3A_11 = tpu.matmul %div3A_7, %get3A_10, %dot_general3A {dimension_numbers = #tpu.dot_dimension_numbers<[1], [1], [0], [0], [0, 0, 1, 0], [], []>, transpose_lhs_hint = false} : vector<4096x128xf32>, vector<128x128xf32>, vector<4096x128xf32> -> vector<4096x128xf32>
    %swap3A = arith.constant 0 : index
    %swap3A_12 = arith.constant 0 : index
    %swap3A_13 = vector.load %arg4[%swap3A, %swap3A_12] : memref<4096x128xf32, #tpu.memory_space<vmem>>, vector<4096x128xf32>
    tpu.vector_store %arg4[%swap3A, %swap3A_12], %dot_general3A_11 {strides = array<i32>} : memref<4096x128xf32, #tpu.memory_space<vmem>>, vector<4096x128xf32>,
    return
  }
  func.func @transform_0(%arg0: i32) -> (i32, i32) {
    %c0_i32 = arith.constant 0 : i32
    %c0_i32_0 = arith.constant 0 : i32
    %c0_i32_1 = arith.constant 0 : i32
    return %c0_i32, %c0_i32_0 : i32, i32
  }
  func.func @transform_1(%arg0: i32) -> (i32, i32) {
    %c0_i32 = arith.constant 0 : i32
    %c0_i32_0 = arith.constant 0 : i32
    %c0_i32_1 = arith.constant 0 : i32
    return %c0_i32, %c0_i32_0 : i32, i32
  }
  func.func @transform_2(%arg0: i32) -> (i32, i32) {
    %c0_i32 = arith.constant 0 : i32
    %c0_i32_0 = arith.constant 0 : i32
    %c0_i32_1 = arith.constant 0 : i32
    return %c0_i32, %c0_i32_0 : i32, i32
  }
  func.func @transform_3(%arg0: i32) -> (i32, i32) {
    %c0_i32 = arith.constant 0 : i32
    %c0_i32_0 = arith.constant 0 : i32
    %c0_i32_1 = arith.constant 0 : i32
    return %c0_i32, %c0_i32_0 : i32, i32
  }
}

module attributes {stable_mosaic.version = 14 : i64} {
  func.func @_t_k(%arg0: i32, %arg1: memref<400x128xf32, #tpu.memory_space<vmem>>, %arg2: memref<1x1x400xi32, #tpu.memory_space<vmem>>, %arg3: memref<4096x128xf32, #tpu.memory_space<vmem>>, %arg4: memref<128x128xf32, #tpu.memory_space<vmem>>, %arg5: memref<400x128xf32, #tpu.memory_space<vmem>>, %arg6: memref<1x1xf32, #tpu.memory_space<vmem>>) attributes {dimension_semantics = [#tpu.dimension_semantics<arbitrary>], iteration_bounds = array<i64: 250>, scalar_prefetch = 0 : i64, scratch_operands = 0 : i64, tpu.core_type = #tpu.core_type<tc>, window_params = [{transform_indices = @transform_0, window_bounds = array<i64: 400, 128>}, {transform_indices = @transform_1, window_bounds = array<i64: 1, 1, 400>}, {pipeline_mode = #tpu.pipeline_mode<synchronous>, transform_indices = @transform_2, window_bounds = array<i64: 4096, 128>}, {pipeline_mode = #tpu.pipeline_mode<synchronous>, transform_indices = @transform_3, window_bounds = array<i64: 128, 128>}, {transform_indices = @transform_4, window_bounds = array<i64: 400, 128>}, {pipeline_mode = #tpu.pipeline_mode<synchronous>, transform_indices = @transform_5, window_bounds = array<i64: 1, 1>}]} {
    %eq3A = arith.constant 0 : i32
    %eq3A_0 = arith.cmpi eq, %arg0, %eq3A : i32
    %convert_element_type3A = arith.extui %eq3A_0 : i1 to i32
    %cond3A = arith.constant 0 : i32
    %cond3A_1 = arith.cmpi ne, %convert_element_type3A, %cond3A : i32
    scf.if %cond3A_1 {
      %broadcast_in_dim3A_37 = arith.constant -1.000000e+30 : f32
      %broadcast_in_dim3A_38 = vector.broadcast %broadcast_in_dim3A_37 : f32 to vector<1x1xf32>
      %swap3A_39 = arith.constant 0 : index
      %swap3A_40 = arith.constant 0 : index
      %swap3A_41 = vector.load %arg6[%swap3A_39, %swap3A_40] : memref<1x1xf32, #tpu.memory_space<vmem>>, vector<1x1xf32>
      tpu.vector_store %arg6[%swap3A_39, %swap3A_40], %broadcast_in_dim3A_38 {strides = array<i32>} : memref<1x1xf32, #tpu.memory_space<vmem>>, vector<1x1xf32>,
    } else {
    }
    %get3A = arith.constant 0 : index
    %get3A_2 = arith.constant 0 : index
    %get3A_3 = arith.constant 0 : index
    %get3A_4 = vector.load %arg2[%get3A, %get3A_2, %get3A_3] : memref<1x1x400xi32, #tpu.memory_space<vmem>>, vector<1x1x400xi32>
    %get3A_5 = vector.shape_cast %get3A_4 : vector<1x1x400xi32> to vector<400xi32>
    %broadcast_in_dim3A = vector.shape_cast %get3A_5 : vector<400xi32> to vector<400x1xi32>
    %iota3A = tpu.iota {dimensions = array<i32: 1>} : vector<400x4096xi32>
    %eq3A_6 = vector.broadcast %broadcast_in_dim3A : vector<400x1xi32> to vector<400x4096xi32>
    %eq3A_7 = arith.cmpi eq, %eq3A_6, %iota3A : vector<400x4096xi32>
    %convert_element_type3A_8 = arith.extui %eq3A_7 : vector<400x4096xi1> to vector<400x4096xi32>
    %convert_element_type3A_9 = arith.sitofp %convert_element_type3A_8 : vector<400x4096xi32> to vector<400x4096xf32>
    %convert_element_type3A_10 = arith.truncf %convert_element_type3A_9 : vector<400x4096xf32> to vector<400x4096xbf16>
    %get3A_11 = arith.constant 0 : index
    %get3A_12 = arith.constant 0 : index
    %get3A_13 = vector.load %arg1[%get3A_11, %get3A_12] : memref<400x128xf32, #tpu.memory_space<vmem>>, vector<400x128xf32>
    %get3A_14 = arith.constant 0 : index
    %get3A_15 = arith.constant 0 : index
    %get3A_16 = vector.load %arg4[%get3A_14, %get3A_15] : memref<128x128xf32, #tpu.memory_space<vmem>>, vector<128x128xf32>
    %dot_general3A = arith.constant dense<0.000000e+00> : vector<400x128xf32>
    %dot_general3A_17 = tpu.matmul %get3A_13, %get3A_16, %dot_general3A {dimension_numbers = #tpu.dot_dimension_numbers<[1], [1], [0], [0], [0, 0, 1, 0], [], []>, transpose_lhs_hint = false} : vector<400x128xf32>, vector<128x128xf32>, vector<400x128xf32> -> vector<400x128xf32>
    %get3A_18 = arith.constant 0 : index
    %get3A_19 = arith.constant 0 : index
    %get3A_20 = vector.load %arg3[%get3A_18, %get3A_19] : memref<4096x128xf32, #tpu.memory_space<vmem>>, vector<4096x128xf32>
    %convert_element_type3A_21 = arith.truncf %get3A_20 : vector<4096x128xf32> to vector<4096x128xbf16>
    %dot_general3A_22 = arith.constant dense<0.000000e+00> : vector<400x128xf32>
    %dot_general3A_23 = tpu.matmul %convert_element_type3A_10, %convert_element_type3A_21, %dot_general3A_22 {dimension_numbers = #tpu.dot_dimension_numbers<[1], [0], [0], [1], [0, 0, 1, 1], [], []>, transpose_lhs_hint = false} : vector<400x4096xbf16>, vector<4096x128xbf16>, vector<400x128xf32> -> vector<400x128xf32>
    %sub3A = arith.subf %dot_general3A_17, %dot_general3A_23 : vector<400x128xf32>
    %swap3A = arith.constant 0 : index
    %swap3A_24 = arith.constant 0 : index
    %swap3A_25 = vector.load %arg5[%swap3A, %swap3A_24] : memref<400x128xf32, #tpu.memory_space<vmem>>, vector<400x128xf32>
    tpu.vector_store %arg5[%swap3A, %swap3A_24], %sub3A {strides = array<i32>} : memref<400x128xf32, #tpu.memory_space<vmem>>, vector<400x128xf32>,
    %get3A_26 = arith.constant 0 : index
    %get3A_27 = arith.constant 0 : index
    %get3A_28 = vector.load %arg6[%get3A_26, %get3A_27] : memref<1x1xf32, #tpu.memory_space<vmem>>, vector<1x1xf32>
    %reduce_max3A = vector.shape_cast %sub3A : vector<400x128xf32> to vector<1x400x128xf32>
    %reduce_max3A_29 = arith.constant dense<0xFF800000> : vector<1xf32>
    %reduce_max3A_30 = vector.multi_reduction <maximumf>, %reduce_max3A, %reduce_max3A_29 [1, 2] : vector<1x400x128xf32> to vector<1xf32>
    %reduce_max3A_31 = vector.shape_cast %reduce_max3A_30 : vector<1xf32> to vector<1x1x1xf32>
    %reduce_max3A_32 = vector.extract %reduce_max3A_31[0, 0, 0] : f32 from vector<1x1x1xf32>
    %max3A = vector.broadcast %reduce_max3A_32 : f32 to vector<1x1xf32>
    %max3A_33 = arith.maximumf %get3A_28, %max3A : vector<1x1xf32>
    %swap3A_34 = arith.constant 0 : index
    %swap3A_35 = arith.constant 0 : index
    %swap3A_36 = vector.load %arg6[%swap3A_34, %swap3A_35] : memref<1x1xf32, #tpu.memory_space<vmem>>, vector<1x1xf32>
    tpu.vector_store %arg6[%swap3A_34, %swap3A_35], %max3A_33 {strides = array<i32>} : memref<1x1xf32, #tpu.memory_space<vmem>>, vector<1x1xf32>,
    return
  }
  func.func @transform_0(%arg0: i32) -> (i32, i32) {
    %c0_i32 = arith.constant 0 : i32
    %c0_i32_0 = arith.constant 0 : i32
    return %arg0, %c0_i32 : i32, i32
  }
  func.func @transform_1(%arg0: i32) -> (i32, i32, i32) {
    %c0_i32 = arith.constant 0 : i32
    %c0_i32_0 = arith.constant 0 : i32
    %c0_i32_1 = arith.constant 0 : i32
    return %arg0, %c0_i32, %c0_i32_0 : i32, i32, i32
  }
  func.func @transform_2(%arg0: i32) -> (i32, i32) {
    %c0_i32 = arith.constant 0 : i32
    %c0_i32_0 = arith.constant 0 : i32
    %c0_i32_1 = arith.constant 0 : i32
    return %c0_i32, %c0_i32_0 : i32, i32
  }
  func.func @transform_3(%arg0: i32) -> (i32, i32) {
    %c0_i32 = arith.constant 0 : i32
    %c0_i32_0 = arith.constant 0 : i32
    %c0_i32_1 = arith.constant 0 : i32
    return %c0_i32, %c0_i32_0 : i32, i32
  }
  func.func @transform_4(%arg0: i32) -> (i32, i32) {
    %c0_i32 = arith.constant 0 : i32
    %c0_i32_0 = arith.constant 0 : i32
    return %arg0, %c0_i32 : i32, i32
  }
  func.func @transform_5(%arg0: i32) -> (i32, i32) {
    %c0_i32 = arith.constant 0 : i32
    %c0_i32_0 = arith.constant 0 : i32
    %c0_i32_1 = arith.constant 0 : i32
    return %c0_i32, %c0_i32_0 : i32, i32
  }
}

module attributes {stable_mosaic.version = 14 : i64} {
  func.func @_esum_k(%arg0: i32, %arg1: memref<400x128xf32, #tpu.memory_space<vmem>>, %arg2: memref<1x1x400xi32, #tpu.memory_space<vmem>>, %arg3: memref<1x1xf32, #tpu.memory_space<vmem>>, %arg4: memref<4096x128xf32, #tpu.memory_space<vmem>>) attributes {dimension_semantics = [#tpu.dimension_semantics<arbitrary>], iteration_bounds = array<i64: 250>, scalar_prefetch = 0 : i64, scratch_operands = 0 : i64, tpu.core_type = #tpu.core_type<tc>, window_params = [{transform_indices = @transform_0, window_bounds = array<i64: 400, 128>}, {transform_indices = @transform_1, window_bounds = array<i64: 1, 1, 400>}, {pipeline_mode = #tpu.pipeline_mode<synchronous>, transform_indices = @transform_2, window_bounds = array<i64: 1, 1>}, {pipeline_mode = #tpu.pipeline_mode<synchronous>, transform_indices = @transform_3, window_bounds = array<i64: 4096, 128>}]} {
    %eq3A = arith.constant 0 : i32
    %eq3A_0 = arith.cmpi eq, %arg0, %eq3A : i32
    %convert_element_type3A = arith.extui %eq3A_0 : i1 to i32
    %cond3A = arith.constant 0 : i32
    %cond3A_1 = arith.cmpi ne, %convert_element_type3A, %cond3A : i32
    scf.if %cond3A_1 {
      %broadcast_in_dim3A_25 = arith.constant 0.000000e+00 : f32
      %broadcast_in_dim3A_26 = vector.broadcast %broadcast_in_dim3A_25 : f32 to vector<4096x128xf32>
      %swap3A_27 = arith.constant 0 : index
      %swap3A_28 = arith.constant 0 : index
      %swap3A_29 = vector.load %arg4[%swap3A_27, %swap3A_28] : memref<4096x128xf32, #tpu.memory_space<vmem>>, vector<4096x128xf32>
      tpu.vector_store %arg4[%swap3A_27, %swap3A_28], %broadcast_in_dim3A_26 {strides = array<i32>} : memref<4096x128xf32, #tpu.memory_space<vmem>>, vector<4096x128xf32>,
    } else {
    }
    %get3A = arith.constant 0 : index
    %get3A_2 = arith.constant 0 : index
    %get3A_3 = vector.load %arg1[%get3A, %get3A_2] : memref<400x128xf32, #tpu.memory_space<vmem>>, vector<400x128xf32>
    %get3A_4 = arith.constant 0 : index
    %get3A_5 = arith.constant 0 : index
    %get3A_6 = vector.load %arg3[%get3A_4, %get3A_5] : memref<1x1xf32, #tpu.memory_space<vmem>>, vector<1x1xf32>
    %sub3A = vector.broadcast %get3A_6 : vector<1x1xf32> to vector<400x128xf32>
    %sub3A_7 = arith.subf %get3A_3, %sub3A : vector<400x128xf32>
    %exp3A = math.exp %sub3A_7 : vector<400x128xf32>
    %get3A_8 = arith.constant 0 : index
    %get3A_9 = arith.constant 0 : index
    %get3A_10 = arith.constant 0 : index
    %get3A_11 = vector.load %arg2[%get3A_8, %get3A_9, %get3A_10] : memref<1x1x400xi32, #tpu.memory_space<vmem>>, vector<1x1x400xi32>
    %get3A_12 = vector.shape_cast %get3A_11 : vector<1x1x400xi32> to vector<400xi32>
    %broadcast_in_dim3A = vector.shape_cast %get3A_12 : vector<400xi32> to vector<400x1xi32>
    %iota3A = tpu.iota {dimensions = array<i32: 1>} : vector<400x4096xi32>
    %eq3A_13 = vector.broadcast %broadcast_in_dim3A : vector<400x1xi32> to vector<400x4096xi32>
    %eq3A_14 = arith.cmpi eq, %eq3A_13, %iota3A : vector<400x4096xi32>
    %convert_element_type3A_15 = arith.extui %eq3A_14 : vector<400x4096xi1> to vector<400x4096xi32>
    %convert_element_type3A_16 = arith.sitofp %convert_element_type3A_15 : vector<400x4096xi32> to vector<400x4096xf32>
    %convert_element_type3A_17 = arith.truncf %convert_element_type3A_16 : vector<400x4096xf32> to vector<400x4096xbf16>
    %get3A_18 = arith.constant 0 : index
    %get3A_19 = arith.constant 0 : index
    %get3A_20 = vector.load %arg4[%get3A_18, %get3A_19] : memref<4096x128xf32, #tpu.memory_space<vmem>>, vector<4096x128xf32>
    %convert_element_type3A_21 = arith.truncf %exp3A : vector<400x128xf32> to vector<400x128xbf16>
    %dot_general3A = arith.constant dense<0.000000e+00> : vector<4096x128xf32>
    %dot_general3A_22 = tpu.matmul %convert_element_type3A_17, %convert_element_type3A_21, %dot_general3A {dimension_numbers = #tpu.dot_dimension_numbers<[0], [0], [1], [1], [0, 1, 1, 1], [], []>, transpose_lhs_hint = false} : vector<400x4096xbf16>, vector<400x128xbf16>, vector<4096x128xf32> -> vector<4096x128xf32>
    %add3A = arith.addf %get3A_20, %dot_general3A_22 : vector<4096x128xf32>
    %swap3A = arith.constant 0 : index
    %swap3A_23 = arith.constant 0 : index
    %swap3A_24 = vector.load %arg4[%swap3A, %swap3A_23] : memref<4096x128xf32, #tpu.memory_space<vmem>>, vector<4096x128xf32>
    tpu.vector_store %arg4[%swap3A, %swap3A_23], %add3A {strides = array<i32>} : memref<4096x128xf32, #tpu.memory_space<vmem>>, vector<4096x128xf32>,
    return
  }
  func.func @transform_0(%arg0: i32) -> (i32, i32) {
    %c0_i32 = arith.constant 0 : i32
    %c0_i32_0 = arith.constant 0 : i32
    return %arg0, %c0_i32 : i32, i32
  }
  func.func @transform_1(%arg0: i32) -> (i32, i32, i32) {
    %c0_i32 = arith.constant 0 : i32
    %c0_i32_0 = arith.constant 0 : i32
    %c0_i32_1 = arith.constant 0 : i32
    return %arg0, %c0_i32, %c0_i32_0 : i32, i32, i32
  }
  func.func @transform_2(%arg0: i32) -> (i32, i32) {
    %c0_i32 = arith.constant 0 : i32
    %c0_i32_0 = arith.constant 0 : i32
    %c0_i32_1 = arith.constant 0 : i32
    return %c0_i32, %c0_i32_0 : i32, i32
  }
  func.func @transform_3(%arg0: i32) -> (i32, i32) {
    %c0_i32 = arith.constant 0 : i32
    %c0_i32_0 = arith.constant 0 : i32
    %c0_i32_1 = arith.constant 0 : i32
    return %c0_i32, %c0_i32_0 : i32, i32
  }
}

module attributes {stable_mosaic.version = 14 : i64} {
  func.func @_pf_k(%arg0: i32, %arg1: memref<400x128xf32, #tpu.memory_space<vmem>>, %arg2: memref<1x1x400xi32, #tpu.memory_space<vmem>>, %arg3: memref<1x1xf32, #tpu.memory_space<vmem>>, %arg4: memref<4096x128xf32, #tpu.memory_space<vmem>>, %arg5: memref<400x128xf32, #tpu.memory_space<vmem>>, %arg6: memref<128x128xf32, #tpu.memory_space<vmem>>, %arg7: memref<1x128xf32, #tpu.memory_space<vmem>>, %arg8: memref<1x128xf32, #tpu.memory_space<vmem>>, %arg9: memref<4096x128xf32, #tpu.memory_space<vmem>>) attributes {dimension_semantics = [#tpu.dimension_semantics<arbitrary>], iteration_bounds = array<i64: 250>, scalar_prefetch = 0 : i64, scratch_operands = 0 : i64, tpu.core_type = #tpu.core_type<tc>, window_params = [{transform_indices = @transform_0, window_bounds = array<i64: 400, 128>}, {transform_indices = @transform_1, window_bounds = array<i64: 1, 1, 400>}, {pipeline_mode = #tpu.pipeline_mode<synchronous>, transform_indices = @transform_2, window_bounds = array<i64: 1, 1>}, {pipeline_mode = #tpu.pipeline_mode<synchronous>, transform_indices = @transform_3, window_bounds = array<i64: 4096, 128>}, {transform_indices = @transform_4, window_bounds = array<i64: 400, 128>}, {pipeline_mode = #tpu.pipeline_mode<synchronous>, transform_indices = @transform_5, window_bounds = array<i64: 128, 128>}, {pipeline_mode = #tpu.pipeline_mode<synchronous>, transform_indices = @transform_6, window_bounds = array<i64: 1, 128>}, {pipeline_mode = #tpu.pipeline_mode<synchronous>, transform_indices = @transform_7, window_bounds = array<i64: 1, 128>}, {pipeline_mode = #tpu.pipeline_mode<synchronous>, transform_indices = @transform_8, window_bounds = array<i64: 4096, 128>}]} {
    %eq3A = arith.constant 0 : i32
    %eq3A_0 = arith.cmpi eq, %arg0, %eq3A : i32
    %convert_element_type3A = arith.extui %eq3A_0 : i1 to i32
    %cond3A = arith.constant 0 : i32
    %cond3A_1 = arith.cmpi ne, %convert_element_type3A, %cond3A : i32
    scf.if %cond3A_1 {
      %broadcast_in_dim3A_57 = arith.constant 0.000000e+00 : f32
      %broadcast_in_dim3A_58 = vector.broadcast %broadcast_in_dim3A_57 : f32 to vector<4096x128xf32>
      %swap3A_59 = arith.constant 0 : index
      %swap3A_60 = arith.constant 0 : index
      %swap3A_61 = vector.load %arg9[%swap3A_59, %swap3A_60] : memref<4096x128xf32, #tpu.memory_space<vmem>>, vector<4096x128xf32>
      tpu.vector_store %arg9[%swap3A_59, %swap3A_60], %broadcast_in_dim3A_58 {strides = array<i32>} : memref<4096x128xf32, #tpu.memory_space<vmem>>, vector<4096x128xf32>,
    } else {
    }
    %get3A = arith.constant 0 : index
    %get3A_2 = arith.constant 0 : index
    %get3A_3 = arith.constant 0 : index
    %get3A_4 = vector.load %arg2[%get3A, %get3A_2, %get3A_3] : memref<1x1x400xi32, #tpu.memory_space<vmem>>, vector<1x1x400xi32>
    %get3A_5 = vector.shape_cast %get3A_4 : vector<1x1x400xi32> to vector<400xi32>
    %broadcast_in_dim3A = vector.shape_cast %get3A_5 : vector<400xi32> to vector<400x1xi32>
    %iota3A = tpu.iota {dimensions = array<i32: 1>} : vector<400x4096xi32>
    %eq3A_6 = vector.broadcast %broadcast_in_dim3A : vector<400x1xi32> to vector<400x4096xi32>
    %eq3A_7 = arith.cmpi eq, %eq3A_6, %iota3A : vector<400x4096xi32>
    %convert_element_type3A_8 = arith.extui %eq3A_7 : vector<400x4096xi1> to vector<400x4096xi32>
    %convert_element_type3A_9 = arith.sitofp %convert_element_type3A_8 : vector<400x4096xi32> to vector<400x4096xf32>
    %convert_element_type3A_10 = arith.truncf %convert_element_type3A_9 : vector<400x4096xf32> to vector<400x4096xbf16>
    %get3A_11 = arith.constant 0 : index
    %get3A_12 = arith.constant 0 : index
    %get3A_13 = vector.load %arg1[%get3A_11, %get3A_12] : memref<400x128xf32, #tpu.memory_space<vmem>>, vector<400x128xf32>
    %get3A_14 = arith.constant 0 : index
    %get3A_15 = arith.constant 0 : index
    %get3A_16 = vector.load %arg3[%get3A_14, %get3A_15] : memref<1x1xf32, #tpu.memory_space<vmem>>, vector<1x1xf32>
    %sub3A = vector.broadcast %get3A_16 : vector<1x1xf32> to vector<400x128xf32>
    %sub3A_17 = arith.subf %get3A_13, %sub3A : vector<400x128xf32>
    %exp3A = math.exp %sub3A_17 : vector<400x128xf32>
    %get3A_18 = arith.constant 0 : index
    %get3A_19 = arith.constant 0 : index
    %get3A_20 = vector.load %arg4[%get3A_18, %get3A_19] : memref<4096x128xf32, #tpu.memory_space<vmem>>, vector<4096x128xf32>
    %convert_element_type3A_21 = arith.truncf %get3A_20 : vector<4096x128xf32> to vector<4096x128xbf16>
    %dot_general3A = arith.constant dense<0.000000e+00> : vector<400x128xf32>
    %dot_general3A_22 = tpu.matmul %convert_element_type3A_10, %convert_element_type3A_21, %dot_general3A {dimension_numbers = #tpu.dot_dimension_numbers<[1], [0], [0], [1], [0, 0, 1, 1], [], []>, transpose_lhs_hint = false} : vector<400x4096xbf16>, vector<4096x128xbf16>, vector<400x128xf32> -> vector<400x128xf32>
    %add3A = arith.constant 9.99999997E-7 : f32
    %add3A_23 = vector.broadcast %add3A : f32 to vector<400x128xf32>
    %add3A_24 = arith.addf %dot_general3A_22, %add3A_23 : vector<400x128xf32>
    %div3A = arith.divf %exp3A, %add3A_24 : vector<400x128xf32>
    %get3A_25 = arith.constant 0 : index
    %get3A_26 = arith.constant 0 : index
    %get3A_27 = vector.load %arg5[%get3A_25, %get3A_26] : memref<400x128xf32, #tpu.memory_space<vmem>>, vector<400x128xf32>
    %get3A_28 = arith.constant 0 : index
    %get3A_29 = arith.constant 0 : index
    %get3A_30 = vector.load %arg6[%get3A_28, %get3A_29] : memref<128x128xf32, #tpu.memory_space<vmem>>, vector<128x128xf32>
    %dot_general3A_31 = arith.constant dense<0.000000e+00> : vector<400x128xf32>
    %dot_general3A_32 = tpu.matmul %get3A_27, %get3A_30, %dot_general3A_31 {dimension_numbers = #tpu.dot_dimension_numbers<[1], [1], [0], [0], [0, 0, 1, 0], [], []>, transpose_lhs_hint = false} : vector<400x128xf32>, vector<128x128xf32>, vector<400x128xf32> -> vector<400x128xf32>
    %get3A_33 = arith.constant 0 : index
    %get3A_34 = arith.constant 0 : index
    %get3A_35 = vector.load %arg7[%get3A_33, %get3A_34] : memref<1x128xf32, #tpu.memory_space<vmem>>, vector<1x128xf32>
    %mul3A = vector.broadcast %get3A_35 : vector<1x128xf32> to vector<400x128xf32>
    %mul3A_36 = arith.mulf %dot_general3A_32, %mul3A : vector<400x128xf32>
    %get3A_37 = arith.constant 0 : index
    %get3A_38 = arith.constant 0 : index
    %get3A_39 = vector.load %arg8[%get3A_37, %get3A_38] : memref<1x128xf32, #tpu.memory_space<vmem>>, vector<1x128xf32>
    %add3A_40 = vector.broadcast %get3A_39 : vector<1x128xf32> to vector<400x128xf32>
    %add3A_41 = arith.addf %mul3A_36, %add3A_40 : vector<400x128xf32>
    %ge3A = arith.constant 0.000000e+00 : f32
    %ge3A_42 = vector.broadcast %ge3A : f32 to vector<400x128xf32>
    %ge3A_43 = arith.cmpf oge, %add3A_41, %ge3A_42 : vector<400x128xf32>
    %mul3A_44 = arith.constant 0.00999999977 : f32
    %mul3A_45 = vector.broadcast %mul3A_44 : f32 to vector<400x128xf32>
    %mul3A_46 = arith.mulf %mul3A_45, %add3A_41 : vector<400x128xf32>
    %select_n3A = arith.select %ge3A_43, %add3A_41, %mul3A_46 : vector<400x128xi1>, vector<400x128xf32>
    %mul3A_47 = arith.mulf %select_n3A, %div3A : vector<400x128xf32>
    %get3A_48 = arith.constant 0 : index
    %get3A_49 = arith.constant 0 : index
    %get3A_50 = vector.load %arg9[%get3A_48, %get3A_49] : memref<4096x128xf32, #tpu.memory_space<vmem>>, vector<4096x128xf32>
    %convert_element_type3A_51 = arith.truncf %mul3A_47 : vector<400x128xf32> to vector<400x128xbf16>
    %dot_general3A_52 = arith.constant dense<0.000000e+00> : vector<4096x128xf32>
    %dot_general3A_53 = tpu.matmul %convert_element_type3A_10, %convert_element_type3A_51, %dot_general3A_52 {dimension_numbers = #tpu.dot_dimension_numbers<[0], [0], [1], [1], [0, 1, 1, 1], [], []>, transpose_lhs_hint = false} : vector<400x4096xbf16>, vector<400x128xbf16>, vector<4096x128xf32> -> vector<4096x128xf32>
    %add3A_54 = arith.addf %get3A_50, %dot_general3A_53 : vector<4096x128xf32>
    %swap3A = arith.constant 0 : index
    %swap3A_55 = arith.constant 0 : index
    %swap3A_56 = vector.load %arg9[%swap3A, %swap3A_55] : memref<4096x128xf32, #tpu.memory_space<vmem>>, vector<4096x128xf32>
    tpu.vector_store %arg9[%swap3A, %swap3A_55], %add3A_54 {strides = array<i32>} : memref<4096x128xf32, #tpu.memory_space<vmem>>, vector<4096x128xf32>,
    return
  }
  func.func @transform_0(%arg0: i32) -> (i32, i32) {
    %c0_i32 = arith.constant 0 : i32
    %c0_i32_0 = arith.constant 0 : i32
    return %arg0, %c0_i32 : i32, i32
  }
  func.func @transform_1(%arg0: i32) -> (i32, i32, i32) {
    %c0_i32 = arith.constant 0 : i32
    %c0_i32_0 = arith.constant 0 : i32
    %c0_i32_1 = arith.constant 0 : i32
    return %arg0, %c0_i32, %c0_i32_0 : i32, i32, i32
  }
  func.func @transform_2(%arg0: i32) -> (i32, i32) {
    %c0_i32 = arith.constant 0 : i32
    %c0_i32_0 = arith.constant 0 : i32
    %c0_i32_1 = arith.constant 0 : i32
    return %c0_i32, %c0_i32_0 : i32, i32
  }
  func.func @transform_3(%arg0: i32) -> (i32, i32) {
    %c0_i32 = arith.constant 0 : i32
    %c0_i32_0 = arith.constant 0 : i32
    %c0_i32_1 = arith.constant 0 : i32
    return %c0_i32, %c0_i32_0 : i32, i32
  }
  func.func @transform_4(%arg0: i32) -> (i32, i32) {
    %c0_i32 = arith.constant 0 : i32
    %c0_i32_0 = arith.constant 0 : i32
    return %arg0, %c0_i32 : i32, i32
  }
  func.func @transform_5(%arg0: i32) -> (i32, i32) {
    %c0_i32 = arith.constant 0 : i32
    %c0_i32_0 = arith.constant 0 : i32
    %c0_i32_1 = arith.constant 0 : i32
    return %c0_i32, %c0_i32_0 : i32, i32
  }
  func.func @transform_6(%arg0: i32) -> (i32, i32) {
    %c0_i32 = arith.constant 0 : i32
    %c0_i32_0 = arith.constant 0 : i32
    %c0_i32_1 = arith.constant 0 : i32
    return %c0_i32, %c0_i32_0 : i32, i32
  }
  func.func @transform_7(%arg0: i32) -> (i32, i32) {
    %c0_i32 = arith.constant 0 : i32
    %c0_i32_0 = arith.constant 0 : i32
    %c0_i32_1 = arith.constant 0 : i32
    return %c0_i32, %c0_i32_0 : i32, i32
  }
  func.func @transform_8(%arg0: i32) -> (i32, i32) {
    %c0_i32 = arith.constant 0 : i32
    %c0_i32_0 = arith.constant 0 : i32
    %c0_i32_1 = arith.constant 0 : i32
    return %c0_i32, %c0_i32_0 : i32, i32
  }
}

module attributes {stable_mosaic.version = 14 : i64} {
  func.func @_comb_k(%arg0: i32, %arg1: memref<200x128xf32, #tpu.memory_space<vmem>>, %arg2: memref<3x1x1x200xi32, #tpu.memory_space<vmem>>, %arg3: memref<4096x128xf32, #tpu.memory_space<vmem>>, %arg4: memref<4096x128xf32, #tpu.memory_space<vmem>>, %arg5: memref<4096x128xf32, #tpu.memory_space<vmem>>, %arg6: memref<8x128xf32, #tpu.memory_space<vmem>>, %arg7: memref<1x8xf32, #tpu.memory_space<vmem>>, %arg8: memref<128x128xf32, #tpu.memory_space<vmem>>, %arg9: memref<1x128xf32, #tpu.memory_space<vmem>>, %arg10: memref<1x128xf32, #tpu.memory_space<vmem>>, %arg11: memref<128x128xf32, #tpu.memory_space<vmem>>, %arg12: memref<128x128xf32, #tpu.memory_space<vmem>>, %arg13: memref<200x128xf32, #tpu.memory_space<vmem>>, %arg14: memref<1x128xf32, #tpu.memory_space<vmem>>, %arg15: memref<1x128xf32, #tpu.memory_space<vmem>>) attributes {dimension_semantics = [#tpu.dimension_semantics<arbitrary>], iteration_bounds = array<i64: 500>, scalar_prefetch = 0 : i64, scratch_operands = 0 : i64, tpu.core_type = #tpu.core_type<tc>, window_params = [{transform_indices = @transform_0, window_bounds = array<i64: 200, 128>}, {transform_indices = @transform_1, window_bounds = array<i64: 3, 1, 1, 200>}, {pipeline_mode = #tpu.pipeline_mode<synchronous>, transform_indices = @transform_2, window_bounds = array<i64: 4096, 128>}, {pipeline_mode = #tpu.pipeline_mode<synchronous>, transform_indices = @transform_3, window_bounds = array<i64: 4096, 128>}, {pipeline_mode = #tpu.pipeline_mode<synchronous>, transform_indices = @transform_4, window_bounds = array<i64: 4096, 128>}, {pipeline_mode = #tpu.pipeline_mode<synchronous>, transform_indices = @transform_5, window_bounds = array<i64: 8, 128>}, {pipeline_mode = #tpu.pipeline_mode<synchronous>, transform_indices = @transform_6, window_bounds = array<i64: 1, 8>}, {pipeline_mode = #tpu.pipeline_mode<synchronous>, transform_indices = @transform_7, window_bounds = array<i64: 128, 128>}, {pipeline_mode = #tpu.pipeline_mode<synchronous>, transform_indices = @transform_8, window_bounds = array<i64: 1, 128>}, {pipeline_mode = #tpu.pipeline_mode<synchronous>, transform_indices = @transform_9, window_bounds = array<i64: 1, 128>}, {pipeline_mode = #tpu.pipeline_mode<synchronous>, transform_indices = @transform_10, window_bounds = array<i64: 128, 128>}, {pipeline_mode = #tpu.pipeline_mode<synchronous>, transform_indices = @transform_11, window_bounds = array<i64: 128, 128>}, {transform_indices = @transform_12, window_bounds = array<i64: 200, 128>}, {pipeline_mode = #tpu.pipeline_mode<synchronous>, transform_indices = @transform_13, window_bounds = array<i64: 1, 128>}, {pipeline_mode = #tpu.pipeline_mode<synchronous>, transform_indices = @transform_14, window_bounds = array<i64: 1, 128>}]} {
    %eq3A = arith.constant 0 : i32
    %eq3A_0 = arith.cmpi eq, %arg0, %eq3A : i32
    %convert_element_type3A = arith.extui %eq3A_0 : i1 to i32
    %cond3A = arith.constant 0 : i32
    %cond3A_1 = arith.cmpi ne, %convert_element_type3A, %cond3A : i32
    scf.if %cond3A_1 {
      %broadcast_in_dim3A_139 = arith.constant 0.000000e+00 : f32
      %broadcast_in_dim3A_140 = vector.broadcast %broadcast_in_dim3A_139 : f32 to vector<1x128xf32>
      %swap3A_141 = arith.constant 0 : index
      %swap3A_142 = arith.constant 0 : index
      %swap3A_143 = vector.load %arg14[%swap3A_141, %swap3A_142] : memref<1x128xf32, #tpu.memory_space<vmem>>, vector<1x128xf32>
      tpu.vector_store %arg14[%swap3A_141, %swap3A_142], %broadcast_in_dim3A_140 {strides = array<i32>} : memref<1x128xf32, #tpu.memory_space<vmem>>, vector<1x128xf32>,
      %broadcast_in_dim3A_144 = arith.constant 0.000000e+00 : f32
      %broadcast_in_dim3A_145 = vector.broadcast %broadcast_in_dim3A_144 : f32 to vector<1x128xf32>
      %swap3A_146 = arith.constant 0 : index
      %swap3A_147 = arith.constant 0 : index
      %swap3A_148 = vector.load %arg15[%swap3A_146, %swap3A_147] : memref<1x128xf32, #tpu.memory_space<vmem>>, vector<1x128xf32>
      tpu.vector_store %arg15[%swap3A_146, %swap3A_147], %broadcast_in_dim3A_145 {strides = array<i32>} : memref<1x128xf32, #tpu.memory_space<vmem>>, vector<1x128xf32>,
    } else {
    }
    %get3A = arith.constant 0 : index
    %get3A_2 = arith.constant 0 : index
    %get3A_3 = vector.load %arg1[%get3A, %get3A_2] : memref<200x128xf32, #tpu.memory_space<vmem>>, vector<200x128xf32>
    %get3A_4 = arith.constant 0 : index
    %get3A_5 = arith.constant 0 : index
    %get3A_6 = vector.load %arg6[%get3A_4, %get3A_5] : memref<8x128xf32, #tpu.memory_space<vmem>>, vector<8x128xf32>
    %dot_general3A = arith.constant dense<0.000000e+00> : vector<200x8xf32>
    %dot_general3A_7 = tpu.matmul %get3A_3, %get3A_6, %dot_general3A {dimension_numbers = #tpu.dot_dimension_numbers<[1], [1], [0], [0], [0, 0, 1, 0], [], []>, transpose_lhs_hint = false} : vector<200x128xf32>, vector<8x128xf32>, vector<200x8xf32> -> vector<200x8xf32>
    %get3A_8 = arith.constant 0 : index
    %get3A_9 = arith.constant 0 : index
    %get3A_10 = vector.load %arg7[%get3A_8, %get3A_9] : memref<1x8xf32, #tpu.memory_space<vmem>>, vector<1x8xf32>
    %add3A = vector.broadcast %get3A_10 : vector<1x8xf32> to vector<200x8xf32>
    %add3A_11 = arith.addf %dot_general3A_7, %add3A : vector<200x8xf32>
    %reduce_max3A = arith.constant dense<0xFF800000> : vector<200xf32>
    %reduce_max3A_12 = vector.multi_reduction <maximumf>, %add3A_11, %reduce_max3A [1] : vector<200x8xf32> to vector<200xf32>
    %broadcast_in_dim3A = vector.shape_cast %reduce_max3A_12 : vector<200xf32> to vector<200x1xf32>
    %sub3A = vector.broadcast %broadcast_in_dim3A : vector<200x1xf32> to vector<200x8xf32>
    %sub3A_13 = arith.subf %add3A_11, %sub3A : vector<200x8xf32>
    %exp3A = math.exp %sub3A_13 : vector<200x8xf32>
    %reduce_sum3A = arith.constant dense<0.000000e+00> : vector<200xf32>
    %reduce_sum3A_14 = vector.multi_reduction <add>, %exp3A, %reduce_sum3A [1] : vector<200x8xf32> to vector<200xf32>
    %broadcast_in_dim3A_15 = vector.shape_cast %reduce_sum3A_14 : vector<200xf32> to vector<200x1xf32>
    %div3A = vector.broadcast %broadcast_in_dim3A_15 : vector<200x1xf32> to vector<200x8xf32>
    %div3A_16 = arith.divf %exp3A, %div3A : vector<200x8xf32>
    %broadcast_in_dim3A_17 = arith.constant 0.000000e+00 : f32
    %broadcast_in_dim3A_18 = vector.broadcast %broadcast_in_dim3A_17 : f32 to vector<200x128xf32>
    %get3A_19 = arith.constant 0 : index
    %get3A_20 = arith.constant 0 : index
    %get3A_21 = arith.constant 0 : index
    %get3A_22 = arith.constant 0 : index
    %get3A_23 = vector.load %arg2[%get3A_19, %get3A_20, %get3A_21, %get3A_22] : memref<3x1x1x200xi32, #tpu.memory_space<vmem>>, vector<1x1x1x200xi32>
    %get3A_24 = vector.shape_cast %get3A_23 : vector<1x1x1x200xi32> to vector<200xi32>
    %broadcast_in_dim3A_25 = vector.shape_cast %get3A_24 : vector<200xi32> to vector<200x1xi32>
    %iota3A = tpu.iota {dimensions = array<i32: 1>} : vector<200x4096xi32>
    %eq3A_26 = vector.broadcast %broadcast_in_dim3A_25 : vector<200x1xi32> to vector<200x4096xi32>
    %eq3A_27 = arith.cmpi eq, %eq3A_26, %iota3A : vector<200x4096xi32>
    %convert_element_type3A_28 = arith.extui %eq3A_27 : vector<200x4096xi1> to vector<200x4096xi32>
    %convert_element_type3A_29 = arith.sitofp %convert_element_type3A_28 : vector<200x4096xi32> to vector<200x4096xf32>
    %convert_element_type3A_30 = arith.truncf %convert_element_type3A_29 : vector<200x4096xf32> to vector<200x4096xbf16>
    %slice3A = vector.extract_strided_slice %div3A_16 {offsets = [0, 0], sizes = [200, 1], strides = [1, 1]} : vector<200x8xf32> to vector<200x1xf32>
    %get3A_31 = arith.constant 0 : index
    %get3A_32 = arith.constant 0 : index
    %get3A_33 = vector.load %arg3[%get3A_31, %get3A_32] : memref<4096x128xf32, #tpu.memory_space<vmem>>, vector<4096x128xf32>
    %convert_element_type3A_34 = arith.truncf %get3A_33 : vector<4096x128xf32> to vector<4096x128xbf16>
    %dot_general3A_35 = arith.constant dense<0.000000e+00> : vector<200x128xf32>
    %dot_general3A_36 = tpu.matmul %convert_element_type3A_30, %convert_element_type3A_34, %dot_general3A_35 {dimension_numbers = #tpu.dot_dimension_numbers<[1], [0], [0], [1], [0, 0, 1, 1], [], []>, transpose_lhs_hint = false} : vector<200x4096xbf16>, vector<4096x128xbf16>, vector<200x128xf32> -> vector<200x128xf32>
    %mul3A = vector.broadcast %slice3A : vector<200x1xf32> to vector<200x128xf32>
    %mul3A_37 = arith.mulf %mul3A, %dot_general3A_36 : vector<200x128xf32>
    %add3A_38 = arith.addf %broadcast_in_dim3A_18, %mul3A_37 : vector<200x128xf32>
    %get3A_39 = arith.constant 1 : index
    %get3A_40 = arith.constant 0 : index
    %get3A_41 = arith.constant 0 : index
    %get3A_42 = arith.constant 0 : index
    %get3A_43 = vector.load %arg2[%get3A_39, %get3A_40, %get3A_41, %get3A_42] : memref<3x1x1x200xi32, #tpu.memory_space<vmem>>, vector<1x1x1x200xi32>
    %get3A_44 = vector.shape_cast %get3A_43 : vector<1x1x1x200xi32> to vector<200xi32>
    %broadcast_in_dim3A_45 = vector.shape_cast %get3A_44 : vector<200xi32> to vector<200x1xi32>
    %iota3A_46 = tpu.iota {dimensions = array<i32: 1>} : vector<200x4096xi32>
    %eq3A_47 = vector.broadcast %broadcast_in_dim3A_45 : vector<200x1xi32> to vector<200x4096xi32>
    %eq3A_48 = arith.cmpi eq, %eq3A_47, %iota3A_46 : vector<200x4096xi32>
    %convert_element_type3A_49 = arith.extui %eq3A_48 : vector<200x4096xi1> to vector<200x4096xi32>
    %convert_element_type3A_50 = arith.sitofp %convert_element_type3A_49 : vector<200x4096xi32> to vector<200x4096xf32>
    %convert_element_type3A_51 = arith.truncf %convert_element_type3A_50 : vector<200x4096xf32> to vector<200x4096xbf16>
    %slice3A_52 = vector.extract_strided_slice %div3A_16 {offsets = [0, 1], sizes = [200, 1], strides = [1, 1]} : vector<200x8xf32> to vector<200x1xf32>
    %get3A_53 = arith.constant 0 : index
    %get3A_54 = arith.constant 0 : index
    %get3A_55 = vector.load %arg4[%get3A_53, %get3A_54] : memref<4096x128xf32, #tpu.memory_space<vmem>>, vector<4096x128xf32>
    %convert_element_type3A_56 = arith.truncf %get3A_55 : vector<4096x128xf32> to vector<4096x128xbf16>
    %dot_general3A_57 = arith.constant dense<0.000000e+00> : vector<200x128xf32>
    %dot_general3A_58 = tpu.matmul %convert_element_type3A_51, %convert_element_type3A_56, %dot_general3A_57 {dimension_numbers = #tpu.dot_dimension_numbers<[1], [0], [0], [1], [0, 0, 1, 1], [], []>, transpose_lhs_hint = false} : vector<200x4096xbf16>, vector<4096x128xbf16>, vector<200x128xf32> -> vector<200x128xf32>
    %mul3A_59 = vector.broadcast %slice3A_52 : vector<200x1xf32> to vector<200x128xf32>
    %mul3A_60 = arith.mulf %mul3A_59, %dot_general3A_58 : vector<200x128xf32>
    %add3A_61 = arith.addf %add3A_38, %mul3A_60 : vector<200x128xf32>
    %get3A_62 = arith.constant 2 : index
    %get3A_63 = arith.constant 0 : index
    %get3A_64 = arith.constant 0 : index
    %get3A_65 = arith.constant 0 : index
    %get3A_66 = vector.load %arg2[%get3A_62, %get3A_63, %get3A_64, %get3A_65] : memref<3x1x1x200xi32, #tpu.memory_space<vmem>>, vector<1x1x1x200xi32>
    %get3A_67 = vector.shape_cast %get3A_66 : vector<1x1x1x200xi32> to vector<200xi32>
    %broadcast_in_dim3A_68 = vector.shape_cast %get3A_67 : vector<200xi32> to vector<200x1xi32>
    %iota3A_69 = tpu.iota {dimensions = array<i32: 1>} : vector<200x4096xi32>
    %eq3A_70 = vector.broadcast %broadcast_in_dim3A_68 : vector<200x1xi32> to vector<200x4096xi32>
    %eq3A_71 = arith.cmpi eq, %eq3A_70, %iota3A_69 : vector<200x4096xi32>
    %convert_element_type3A_72 = arith.extui %eq3A_71 : vector<200x4096xi1> to vector<200x4096xi32>
    %convert_element_type3A_73 = arith.sitofp %convert_element_type3A_72 : vector<200x4096xi32> to vector<200x4096xf32>
    %convert_element_type3A_74 = arith.truncf %convert_element_type3A_73 : vector<200x4096xf32> to vector<200x4096xbf16>
    %slice3A_75 = vector.extract_strided_slice %div3A_16 {offsets = [0, 2], sizes = [200, 1], strides = [1, 1]} : vector<200x8xf32> to vector<200x1xf32>
    %get3A_76 = arith.constant 0 : index
    %get3A_77 = arith.constant 0 : index
    %get3A_78 = vector.load %arg5[%get3A_76, %get3A_77] : memref<4096x128xf32, #tpu.memory_space<vmem>>, vector<4096x128xf32>
    %convert_element_type3A_79 = arith.truncf %get3A_78 : vector<4096x128xf32> to vector<4096x128xbf16>
    %dot_general3A_80 = arith.constant dense<0.000000e+00> : vector<200x128xf32>
    %dot_general3A_81 = tpu.matmul %convert_element_type3A_74, %convert_element_type3A_79, %dot_general3A_80 {dimension_numbers = #tpu.dot_dimension_numbers<[1], [0], [0], [1], [0, 0, 1, 1], [], []>, transpose_lhs_hint = false} : vector<200x4096xbf16>, vector<4096x128xbf16>, vector<200x128xf32> -> vector<200x128xf32>
    %mul3A_82 = vector.broadcast %slice3A_75 : vector<200x1xf32> to vector<200x128xf32>
    %mul3A_83 = arith.mulf %mul3A_82, %dot_general3A_81 : vector<200x128xf32>
    %add3A_84 = arith.addf %add3A_61, %mul3A_83 : vector<200x128xf32>
    %get3A_85 = arith.constant 0 : index
    %get3A_86 = arith.constant 0 : index
    %get3A_87 = vector.load %arg8[%get3A_85, %get3A_86] : memref<128x128xf32, #tpu.memory_space<vmem>>, vector<128x128xf32>
    %dot_general3A_88 = arith.constant dense<0.000000e+00> : vector<200x128xf32>
    %dot_general3A_89 = tpu.matmul %get3A_3, %get3A_87, %dot_general3A_88 {dimension_numbers = #tpu.dot_dimension_numbers<[1], [1], [0], [0], [0, 0, 1, 0], [], []>, transpose_lhs_hint = false} : vector<200x128xf32>, vector<128x128xf32>, vector<200x128xf32> -> vector<200x128xf32>
    %get3A_90 = arith.constant 0 : index
    %get3A_91 = arith.constant 0 : index
    %get3A_92 = vector.load %arg9[%get3A_90, %get3A_91] : memref<1x128xf32, #tpu.memory_space<vmem>>, vector<1x128xf32>
    %mul3A_93 = vector.broadcast %get3A_92 : vector<1x128xf32> to vector<200x128xf32>
    %mul3A_94 = arith.mulf %dot_general3A_89, %mul3A_93 : vector<200x128xf32>
    %get3A_95 = arith.constant 0 : index
    %get3A_96 = arith.constant 0 : index
    %get3A_97 = vector.load %arg10[%get3A_95, %get3A_96] : memref<1x128xf32, #tpu.memory_space<vmem>>, vector<1x128xf32>
    %add3A_98 = vector.broadcast %get3A_97 : vector<1x128xf32> to vector<200x128xf32>
    %add3A_99 = arith.addf %mul3A_94, %add3A_98 : vector<200x128xf32>
    %ge3A = arith.constant 0.000000e+00 : f32
    %ge3A_100 = vector.broadcast %ge3A : f32 to vector<200x128xf32>
    %ge3A_101 = arith.cmpf oge, %add3A_99, %ge3A_100 : vector<200x128xf32>
    %mul3A_102 = arith.constant 0.00999999977 : f32
    %mul3A_103 = vector.broadcast %mul3A_102 : f32 to vector<200x128xf32>
    %mul3A_104 = arith.mulf %mul3A_103, %add3A_99 : vector<200x128xf32>
    %select_n3A = arith.select %ge3A_101, %add3A_99, %mul3A_104 : vector<200x128xi1>, vector<200x128xf32>
    %get3A_105 = arith.constant 0 : index
    %get3A_106 = arith.constant 0 : index
    %get3A_107 = vector.load %arg11[%get3A_105, %get3A_106] : memref<128x128xf32, #tpu.memory_space<vmem>>, vector<128x128xf32>
    %dot_general3A_108 = arith.constant dense<0.000000e+00> : vector<200x128xf32>
    %dot_general3A_109 = tpu.matmul %select_n3A, %get3A_107, %dot_general3A_108 {dimension_numbers = #tpu.dot_dimension_numbers<[1], [1], [0], [0], [0, 0, 1, 0], [], []>, transpose_lhs_hint = false} : vector<200x128xf32>, vector<128x128xf32>, vector<200x128xf32> -> vector<200x128xf32>
    %get3A_110 = arith.constant 0 : index
    %get3A_111 = arith.constant 0 : index
    %get3A_112 = vector.load %arg12[%get3A_110, %get3A_111] : memref<128x128xf32, #tpu.memory_space<vmem>>, vector<128x128xf32>
    %dot_general3A_113 = arith.constant dense<0.000000e+00> : vector<200x128xf32>
    %dot_general3A_114 = tpu.matmul %add3A_84, %get3A_112, %dot_general3A_113 {dimension_numbers = #tpu.dot_dimension_numbers<[1], [1], [0], [0], [0, 0, 1, 0], [], []>, transpose_lhs_hint = false} : vector<200x128xf32>, vector<128x128xf32>, vector<200x128xf32> -> vector<200x128xf32>
    %add3A_115 = arith.addf %dot_general3A_109, %dot_general3A_114 : vector<200x128xf32>
    %swap3A = arith.constant 0 : index
    %swap3A_116 = arith.constant 0 : index
    %swap3A_117 = vector.load %arg13[%swap3A, %swap3A_116] : memref<200x128xf32, #tpu.memory_space<vmem>>, vector<200x128xf32>
    tpu.vector_store %arg13[%swap3A, %swap3A_116], %add3A_115 {strides = array<i32>} : memref<200x128xf32, #tpu.memory_space<vmem>>, vector<200x128xf32>,
    %get3A_118 = arith.constant 0 : index
    %get3A_119 = arith.constant 0 : index
    %get3A_120 = vector.load %arg14[%get3A_118, %get3A_119] : memref<1x128xf32, #tpu.memory_space<vmem>>, vector<1x128xf32>
    %reduce_sum3A_121 = arith.constant dense<0.000000e+00> : vector<128xf32>
    %reduce_sum3A_122 = vector.multi_reduction <add>, %add3A_115, %reduce_sum3A_121 [0] : vector<200x128xf32> to vector<128xf32>
    %broadcast_in_dim3A_123 = vector.shape_cast %reduce_sum3A_122 : vector<128xf32> to vector<1x128xf32>
    %add3A_124 = arith.addf %get3A_120, %broadcast_in_dim3A_123 : vector<1x128xf32>
    %swap3A_125 = arith.constant 0 : index
    %swap3A_126 = arith.constant 0 : index
    %swap3A_127 = vector.load %arg14[%swap3A_125, %swap3A_126] : memref<1x128xf32, #tpu.memory_space<vmem>>, vector<1x128xf32>
    tpu.vector_store %arg14[%swap3A_125, %swap3A_126], %add3A_124 {strides = array<i32>} : memref<1x128xf32, #tpu.memory_space<vmem>>, vector<1x128xf32>,
    %get3A_128 = arith.constant 0 : index
    %get3A_129 = arith.constant 0 : index
    %get3A_130 = vector.load %arg15[%get3A_128, %get3A_129] : memref<1x128xf32, #tpu.memory_space<vmem>>, vector<1x128xf32>
    %mul3A_131 = arith.mulf %add3A_115, %add3A_115 : vector<200x128xf32>
    %reduce_sum3A_132 = arith.constant dense<0.000000e+00> : vector<128xf32>
    %reduce_sum3A_133 = vector.multi_reduction <add>, %mul3A_131, %reduce_sum3A_132 [0] : vector<200x128xf32> to vector<128xf32>
    %broadcast_in_dim3A_134 = vector.shape_cast %reduce_sum3A_133 : vector<128xf32> to vector<1x128xf32>
    %add3A_135 = arith.addf %get3A_130, %broadcast_in_dim3A_134 : vector<1x128xf32>
    %swap3A_136 = arith.constant 0 : index
    %swap3A_137 = arith.constant 0 : index
    %swap3A_138 = vector.load %arg15[%swap3A_136, %swap3A_137] : memref<1x128xf32, #tpu.memory_space<vmem>>, vector<1x128xf32>
    tpu.vector_store %arg15[%swap3A_136, %swap3A_137], %add3A_135 {strides = array<i32>} : memref<1x128xf32, #tpu.memory_space<vmem>>, vector<1x128xf32>,
    return
  }
  func.func @transform_0(%arg0: i32) -> (i32, i32) {
    %c0_i32 = arith.constant 0 : i32
    %c0_i32_0 = arith.constant 0 : i32
    return %arg0, %c0_i32 : i32, i32
  }
  func.func @transform_1(%arg0: i32) -> (i32, i32, i32, i32) {
    %c0_i32 = arith.constant 0 : i32
    %c0_i32_0 = arith.constant 0 : i32
    %c0_i32_1 = arith.constant 0 : i32
    %c0_i32_2 = arith.constant 0 : i32
    return %c0_i32, %arg0, %c0_i32_0, %c0_i32_1 : i32, i32, i32, i32
  }
  func.func @transform_2(%arg0: i32) -> (i32, i32) {
    %c0_i32 = arith.constant 0 : i32
    %c0_i32_0 = arith.constant 0 : i32
    %c0_i32_1 = arith.constant 0 : i32
    return %c0_i32, %c0_i32_0 : i32, i32
  }
  func.func @transform_3(%arg0: i32) -> (i32, i32) {
    %c0_i32 = arith.constant 0 : i32
    %c0_i32_0 = arith.constant 0 : i32
    %c0_i32_1 = arith.constant 0 : i32
    return %c0_i32, %c0_i32_0 : i32, i32
  }
  func.func @transform_4(%arg0: i32) -> (i32, i32) {
    %c0_i32 = arith.constant 0 : i32
    %c0_i32_0 = arith.constant 0 : i32
    %c0_i32_1 = arith.constant 0 : i32
    return %c0_i32, %c0_i32_0 : i32, i32
  }
  func.func @transform_5(%arg0: i32) -> (i32, i32) {
    %c0_i32 = arith.constant 0 : i32
    %c0_i32_0 = arith.constant 0 : i32
    %c0_i32_1 = arith.constant 0 : i32
    return %c0_i32, %c0_i32_0 : i32, i32
  }
  func.func @transform_6(%arg0: i32) -> (i32, i32) {
    %c0_i32 = arith.constant 0 : i32
    %c0_i32_0 = arith.constant 0 : i32
    %c0_i32_1 = arith.constant 0 : i32
    return %c0_i32, %c0_i32_0 : i32, i32
  }
  func.func @transform_7(%arg0: i32) -> (i32, i32) {
    %c0_i32 = arith.constant 0 : i32
    %c0_i32_0 = arith.constant 0 : i32
    %c0_i32_1 = arith.constant 0 : i32
    return %c0_i32, %c0_i32_0 : i32, i32
  }
  func.func @transform_8(%arg0: i32) -> (i32, i32) {
    %c0_i32 = arith.constant 0 : i32
    %c0_i32_0 = arith.constant 0 : i32
    %c0_i32_1 = arith.constant 0 : i32
    return %c0_i32, %c0_i32_0 : i32, i32
  }
  func.func @transform_9(%arg0: i32) -> (i32, i32) {
    %c0_i32 = arith.constant 0 : i32
    %c0_i32_0 = arith.constant 0 : i32
    %c0_i32_1 = arith.constant 0 : i32
    return %c0_i32, %c0_i32_0 : i32, i32
  }
  func.func @transform_10(%arg0: i32) -> (i32, i32) {
    %c0_i32 = arith.constant 0 : i32
    %c0_i32_0 = arith.constant 0 : i32
    %c0_i32_1 = arith.constant 0 : i32
    return %c0_i32, %c0_i32_0 : i32, i32
  }
  func.func @transform_11(%arg0: i32) -> (i32, i32) {
    %c0_i32 = arith.constant 0 : i32
    %c0_i32_0 = arith.constant 0 : i32
    %c0_i32_1 = arith.constant 0 : i32
    return %c0_i32, %c0_i32_0 : i32, i32
  }
  func.func @transform_12(%arg0: i32) -> (i32, i32) {
    %c0_i32 = arith.constant 0 : i32
    %c0_i32_0 = arith.constant 0 : i32
    return %arg0, %c0_i32 : i32, i32
  }
  func.func @transform_13(%arg0: i32) -> (i32, i32) {
    %c0_i32 = arith.constant 0 : i32
    %c0_i32_0 = arith.constant 0 : i32
    %c0_i32_1 = arith.constant 0 : i32
    return %c0_i32, %c0_i32_0 : i32, i32
  }
  func.func @transform_14(%arg0: i32) -> (i32, i32) {
    %c0_i32 = arith.constant 0 : i32
    %c0_i32_0 = arith.constant 0 : i32
    %c0_i32_1 = arith.constant 0 : i32
    return %c0_i32, %c0_i32_0 : i32, i32
  }
}

module attributes {stable_mosaic.version = 14 : i64} {
  func.func @_fuse_apply_k(%arg0: i32, %arg1: memref<400x128xf32, #tpu.memory_space<vmem>>, %arg2: memref<400x128xf32, #tpu.memory_space<vmem>>, %arg3: memref<1x128xf32, #tpu.memory_space<vmem>>, %arg4: memref<1x128xf32, #tpu.memory_space<vmem>>, %arg5: memref<400x128xf32, #tpu.memory_space<vmem>>, %arg6: memref<400x128xbf16, #tpu.memory_space<vmem>>) attributes {dimension_semantics = [#tpu.dimension_semantics<arbitrary>], iteration_bounds = array<i64: 250>, scalar_prefetch = 0 : i64, scratch_operands = 0 : i64, tpu.core_type = #tpu.core_type<tc>, window_params = [{transform_indices = @transform_0, window_bounds = array<i64: 400, 128>}, {transform_indices = @transform_1, window_bounds = array<i64: 400, 128>}, {pipeline_mode = #tpu.pipeline_mode<synchronous>, transform_indices = @transform_2, window_bounds = array<i64: 1, 128>}, {pipeline_mode = #tpu.pipeline_mode<synchronous>, transform_indices = @transform_3, window_bounds = array<i64: 1, 128>}, {transform_indices = @transform_4, window_bounds = array<i64: 400, 128>}, {transform_indices = @transform_5, window_bounds = array<i64: 400, 128>}]} {
    %get3A = arith.constant 0 : index
    %get3A_0 = arith.constant 0 : index
    %get3A_1 = vector.load %arg1[%get3A, %get3A_0] : memref<400x128xf32, #tpu.memory_space<vmem>>, vector<400x128xf32>
    %get3A_2 = arith.constant 0 : index
    %get3A_3 = arith.constant 0 : index
    %get3A_4 = vector.load %arg3[%get3A_2, %get3A_3] : memref<1x128xf32, #tpu.memory_space<vmem>>, vector<1x128xf32>
    %mul3A = vector.broadcast %get3A_4 : vector<1x128xf32> to vector<400x128xf32>
    %mul3A_5 = arith.mulf %get3A_1, %mul3A : vector<400x128xf32>
    %get3A_6 = arith.constant 0 : index
    %get3A_7 = arith.constant 0 : index
    %get3A_8 = vector.load %arg4[%get3A_6, %get3A_7] : memref<1x128xf32, #tpu.memory_space<vmem>>, vector<1x128xf32>
    %add3A = vector.broadcast %get3A_8 : vector<1x128xf32> to vector<400x128xf32>
    %add3A_9 = arith.addf %mul3A_5, %add3A : vector<400x128xf32>
    %ge3A = arith.constant 0.000000e+00 : f32
    %ge3A_10 = vector.broadcast %ge3A : f32 to vector<400x128xf32>
    %ge3A_11 = arith.cmpf oge, %add3A_9, %ge3A_10 : vector<400x128xf32>
    %mul3A_12 = arith.constant 0.00999999977 : f32
    %mul3A_13 = vector.broadcast %mul3A_12 : f32 to vector<400x128xf32>
    %mul3A_14 = arith.mulf %mul3A_13, %add3A_9 : vector<400x128xf32>
    %select_n3A = arith.select %ge3A_11, %add3A_9, %mul3A_14 : vector<400x128xi1>, vector<400x128xf32>
    %get3A_15 = arith.constant 0 : index
    %get3A_16 = arith.constant 0 : index
    %get3A_17 = vector.load %arg2[%get3A_15, %get3A_16] : memref<400x128xf32, #tpu.memory_space<vmem>>, vector<400x128xf32>
    %add3A_18 = arith.addf %select_n3A, %get3A_17 : vector<400x128xf32>
    %swap3A = arith.constant 0 : index
    %swap3A_19 = arith.constant 0 : index
    %swap3A_20 = vector.load %arg5[%swap3A, %swap3A_19] : memref<400x128xf32, #tpu.memory_space<vmem>>, vector<400x128xf32>
    tpu.vector_store %arg5[%swap3A, %swap3A_19], %add3A_18 {strides = array<i32>} : memref<400x128xf32, #tpu.memory_space<vmem>>, vector<400x128xf32>,
    %convert_element_type3A = arith.truncf %add3A_18 : vector<400x128xf32> to vector<400x128xbf16>
    %swap3A_21 = arith.constant 0 : index
    %swap3A_22 = arith.constant 0 : index
    %swap3A_23 = vector.load %arg6[%swap3A_21, %swap3A_22] : memref<400x128xbf16, #tpu.memory_space<vmem>>, vector<400x128xbf16>
    tpu.vector_store %arg6[%swap3A_21, %swap3A_22], %convert_element_type3A {strides = array<i32>} : memref<400x128xbf16, #tpu.memory_space<vmem>>, vector<400x128xbf16>,
    return
  }
  func.func @transform_0(%arg0: i32) -> (i32, i32) {
    %c0_i32 = arith.constant 0 : i32
    %c0_i32_0 = arith.constant 0 : i32
    return %arg0, %c0_i32 : i32, i32
  }
  func.func @transform_1(%arg0: i32) -> (i32, i32) {
    %c0_i32 = arith.constant 0 : i32
    %c0_i32_0 = arith.constant 0 : i32
    return %arg0, %c0_i32 : i32, i32
  }
  func.func @transform_2(%arg0: i32) -> (i32, i32) {
    %c0_i32 = arith.constant 0 : i32
    %c0_i32_0 = arith.constant 0 : i32
    %c0_i32_1 = arith.constant 0 : i32
    return %c0_i32, %c0_i32_0 : i32, i32
  }
  func.func @transform_3(%arg0: i32) -> (i32, i32) {
    %c0_i32 = arith.constant 0 : i32
    %c0_i32_0 = arith.constant 0 : i32
    %c0_i32_1 = arith.constant 0 : i32
    return %c0_i32, %c0_i32_0 : i32, i32
  }
  func.func @transform_4(%arg0: i32) -> (i32, i32) {
    %c0_i32 = arith.constant 0 : i32
    %c0_i32_0 = arith.constant 0 : i32
    return %arg0, %c0_i32 : i32, i32
  }
  func.func @transform_5(%arg0: i32) -> (i32, i32) {
    %c0_i32 = arith.constant 0 : i32
    %c0_i32_0 = arith.constant 0 : i32
    return %arg0, %c0_i32 : i32, i32
  }
}

module attributes {stable_mosaic.version = 14 : i64} {
  func.func @_conv_k(%arg0: i32, %arg1: memref<28xi32, #tpu.memory_space<smem>>, %arg2: memref<512x128xbf16, #tpu.memory_space<vmem>>, %arg3: memref<27x128x128xf32, #tpu.memory_space<vmem>>, %arg4: memref<512x128xbf16, #tpu.memory_space<vmem>>) attributes {dimension_semantics = [#tpu.dimension_semantics<arbitrary>], iteration_bounds = array<i64: 2070>, scalar_prefetch = 0 : i64, scratch_operands = 0 : i64, tpu.core_type = #tpu.core_type<tc>, window_params = [{transform_indices = @transform_0, window_bounds = array<i64: 28>}, {transform_indices = @transform_1, window_bounds = array<i64: 512, 128>}, {pipeline_mode = #tpu.pipeline_mode<synchronous>, transform_indices = @transform_2, window_bounds = array<i64: 27, 128, 128>}, {transform_indices = @transform_3, window_bounds = array<i64: 512, 128>}]} {
    %mul3A = arith.constant 512 : i32
    %mul3A_0 = arith.muli %arg0, %mul3A : i32
    %add3A = arith.constant 512 : i32
    %add3A_1 = arith.addi %mul3A_0, %add3A : i32
    %sub3A = arith.constant 1 : i32
    %sub3A_2 = arith.subi %add3A_1, %sub3A : i32
    %get3A = arith.constant 1 : index
    %get3A_3 = memref.load %arg1[%get3A] : memref<28xi32, #tpu.memory_space<smem>>
    %le3A = arith.cmpi sle, %get3A_3, %mul3A_0 : i32
    %convert_element_type3A = arith.extui %le3A : i1 to i32
    %add3A_4 = arith.constant 0 : i32
    %add3A_5 = arith.addi %add3A_4, %convert_element_type3A : i32
    %get3A_6 = arith.constant 1 : index
    %get3A_7 = memref.load %arg1[%get3A_6] : memref<28xi32, #tpu.memory_space<smem>>
    %le3A_8 = arith.cmpi sle, %get3A_7, %sub3A_2 : i32
    %convert_element_type3A_9 = arith.extui %le3A_8 : i1 to i32
    %add3A_10 = arith.constant 0 : i32
    %add3A_11 = arith.addi %add3A_10, %convert_element_type3A_9 : i32
    %get3A_12 = arith.constant 2 : index
    %get3A_13 = memref.load %arg1[%get3A_12] : memref<28xi32, #tpu.memory_space<smem>>
    %le3A_14 = arith.cmpi sle, %get3A_13, %mul3A_0 : i32
    %convert_element_type3A_15 = arith.extui %le3A_14 : i1 to i32
    %add3A_16 = arith.addi %add3A_5, %convert_element_type3A_15 : i32
    %get3A_17 = arith.constant 2 : index
    %get3A_18 = memref.load %arg1[%get3A_17] : memref<28xi32, #tpu.memory_space<smem>>
    %le3A_19 = arith.cmpi sle, %get3A_18, %sub3A_2 : i32
    %convert_element_type3A_20 = arith.extui %le3A_19 : i1 to i32
    %add3A_21 = arith.addi %add3A_11, %convert_element_type3A_20 : i32
    %get3A_22 = arith.constant 3 : index
    %get3A_23 = memref.load %arg1[%get3A_22] : memref<28xi32, #tpu.memory_space<smem>>
    %le3A_24 = arith.cmpi sle, %get3A_23, %mul3A_0 : i32
    %convert_element_type3A_25 = arith.extui %le3A_24 : i1 to i32
    %add3A_26 = arith.addi %add3A_16, %convert_element_type3A_25 : i32
    %get3A_27 = arith.constant 3 : index
    %get3A_28 = memref.load %arg1[%get3A_27] : memref<28xi32, #tpu.memory_space<smem>>
    %le3A_29 = arith.cmpi sle, %get3A_28, %sub3A_2 : i32
    %convert_element_type3A_30 = arith.extui %le3A_29 : i1 to i32
    %add3A_31 = arith.addi %add3A_21, %convert_element_type3A_30 : i32
    %get3A_32 = arith.constant 4 : index
    %get3A_33 = memref.load %arg1[%get3A_32] : memref<28xi32, #tpu.memory_space<smem>>
    %le3A_34 = arith.cmpi sle, %get3A_33, %mul3A_0 : i32
    %convert_element_type3A_35 = arith.extui %le3A_34 : i1 to i32
    %add3A_36 = arith.addi %add3A_26, %convert_element_type3A_35 : i32
    %get3A_37 = arith.constant 4 : index
    %get3A_38 = memref.load %arg1[%get3A_37] : memref<28xi32, #tpu.memory_space<smem>>
    %le3A_39 = arith.cmpi sle, %get3A_38, %sub3A_2 : i32
    %convert_element_type3A_40 = arith.extui %le3A_39 : i1 to i32
    %add3A_41 = arith.addi %add3A_31, %convert_element_type3A_40 : i32
    %get3A_42 = arith.constant 5 : index
    %get3A_43 = memref.load %arg1[%get3A_42] : memref<28xi32, #tpu.memory_space<smem>>
    %le3A_44 = arith.cmpi sle, %get3A_43, %mul3A_0 : i32
    %convert_element_type3A_45 = arith.extui %le3A_44 : i1 to i32
    %add3A_46 = arith.addi %add3A_36, %convert_element_type3A_45 : i32
    %get3A_47 = arith.constant 5 : index
    %get3A_48 = memref.load %arg1[%get3A_47] : memref<28xi32, #tpu.memory_space<smem>>
    %le3A_49 = arith.cmpi sle, %get3A_48, %sub3A_2 : i32
    %convert_element_type3A_50 = arith.extui %le3A_49 : i1 to i32
    %add3A_51 = arith.addi %add3A_41, %convert_element_type3A_50 : i32
    %get3A_52 = arith.constant 6 : index
    %get3A_53 = memref.load %arg1[%get3A_52] : memref<28xi32, #tpu.memory_space<smem>>
    %le3A_54 = arith.cmpi sle, %get3A_53, %mul3A_0 : i32
    %convert_element_type3A_55 = arith.extui %le3A_54 : i1 to i32
    %add3A_56 = arith.addi %add3A_46, %convert_element_type3A_55 : i32
    %get3A_57 = arith.constant 6 : index
    %get3A_58 = memref.load %arg1[%get3A_57] : memref<28xi32, #tpu.memory_space<smem>>
    %le3A_59 = arith.cmpi sle, %get3A_58, %sub3A_2 : i32
    %convert_element_type3A_60 = arith.extui %le3A_59 : i1 to i32
    %add3A_61 = arith.addi %add3A_51, %convert_element_type3A_60 : i32
    %get3A_62 = arith.constant 7 : index
    %get3A_63 = memref.load %arg1[%get3A_62] : memref<28xi32, #tpu.memory_space<smem>>
    %le3A_64 = arith.cmpi sle, %get3A_63, %mul3A_0 : i32
    %convert_element_type3A_65 = arith.extui %le3A_64 : i1 to i32
    %add3A_66 = arith.addi %add3A_56, %convert_element_type3A_65 : i32
    %get3A_67 = arith.constant 7 : index
    %get3A_68 = memref.load %arg1[%get3A_67] : memref<28xi32, #tpu.memory_space<smem>>
    %le3A_69 = arith.cmpi sle, %get3A_68, %sub3A_2 : i32
    %convert_element_type3A_70 = arith.extui %le3A_69 : i1 to i32
    %add3A_71 = arith.addi %add3A_61, %convert_element_type3A_70 : i32
    %get3A_72 = arith.constant 8 : index
    %get3A_73 = memref.load %arg1[%get3A_72] : memref<28xi32, #tpu.memory_space<smem>>
    %le3A_74 = arith.cmpi sle, %get3A_73, %mul3A_0 : i32
    %convert_element_type3A_75 = arith.extui %le3A_74 : i1 to i32
    %add3A_76 = arith.addi %add3A_66, %convert_element_type3A_75 : i32
    %get3A_77 = arith.constant 8 : index
    %get3A_78 = memref.load %arg1[%get3A_77] : memref<28xi32, #tpu.memory_space<smem>>
    %le3A_79 = arith.cmpi sle, %get3A_78, %sub3A_2 : i32
    %convert_element_type3A_80 = arith.extui %le3A_79 : i1 to i32
    %add3A_81 = arith.addi %add3A_71, %convert_element_type3A_80 : i32
    %get3A_82 = arith.constant 9 : index
    %get3A_83 = memref.load %arg1[%get3A_82] : memref<28xi32, #tpu.memory_space<smem>>
    %le3A_84 = arith.cmpi sle, %get3A_83, %mul3A_0 : i32
    %convert_element_type3A_85 = arith.extui %le3A_84 : i1 to i32
    %add3A_86 = arith.addi %add3A_76, %convert_element_type3A_85 : i32
    %get3A_87 = arith.constant 9 : index
    %get3A_88 = memref.load %arg1[%get3A_87] : memref<28xi32, #tpu.memory_space<smem>>
    %le3A_89 = arith.cmpi sle, %get3A_88, %sub3A_2 : i32
    %convert_element_type3A_90 = arith.extui %le3A_89 : i1 to i32
    %add3A_91 = arith.addi %add3A_81, %convert_element_type3A_90 : i32
    %get3A_92 = arith.constant 10 : index
    %get3A_93 = memref.load %arg1[%get3A_92] : memref<28xi32, #tpu.memory_space<smem>>
    %le3A_94 = arith.cmpi sle, %get3A_93, %mul3A_0 : i32
    %convert_element_type3A_95 = arith.extui %le3A_94 : i1 to i32
    %add3A_96 = arith.addi %add3A_86, %convert_element_type3A_95 : i32
    %get3A_97 = arith.constant 10 : index
    %get3A_98 = memref.load %arg1[%get3A_97] : memref<28xi32, #tpu.memory_space<smem>>
    %le3A_99 = arith.cmpi sle, %get3A_98, %sub3A_2 : i32
    %convert_element_type3A_100 = arith.extui %le3A_99 : i1 to i32
    %add3A_101 = arith.addi %add3A_91, %convert_element_type3A_100 : i32
    %get3A_102 = arith.constant 11 : index
    %get3A_103 = memref.load %arg1[%get3A_102] : memref<28xi32, #tpu.memory_space<smem>>
    %le3A_104 = arith.cmpi sle, %get3A_103, %mul3A_0 : i32
    %convert_element_type3A_105 = arith.extui %le3A_104 : i1 to i32
    %add3A_106 = arith.addi %add3A_96, %convert_element_type3A_105 : i32
    %get3A_107 = arith.constant 11 : index
    %get3A_108 = memref.load %arg1[%get3A_107] : memref<28xi32, #tpu.memory_space<smem>>
    %le3A_109 = arith.cmpi sle, %get3A_108, %sub3A_2 : i32
    %convert_element_type3A_110 = arith.extui %le3A_109 : i1 to i32
    %add3A_111 = arith.addi %add3A_101, %convert_element_type3A_110 : i32
    %get3A_112 = arith.constant 12 : index
    %get3A_113 = memref.load %arg1[%get3A_112] : memref<28xi32, #tpu.memory_space<smem>>
    %le3A_114 = arith.cmpi sle, %get3A_113, %mul3A_0 : i32
    %convert_element_type3A_115 = arith.extui %le3A_114 : i1 to i32
    %add3A_116 = arith.addi %add3A_106, %convert_element_type3A_115 : i32
    %get3A_117 = arith.constant 12 : index
    %get3A_118 = memref.load %arg1[%get3A_117] : memref<28xi32, #tpu.memory_space<smem>>
    %le3A_119 = arith.cmpi sle, %get3A_118, %sub3A_2 : i32
    %convert_element_type3A_120 = arith.extui %le3A_119 : i1 to i32
    %add3A_121 = arith.addi %add3A_111, %convert_element_type3A_120 : i32
    %get3A_122 = arith.constant 13 : index
    %get3A_123 = memref.load %arg1[%get3A_122] : memref<28xi32, #tpu.memory_space<smem>>
    %le3A_124 = arith.cmpi sle, %get3A_123, %mul3A_0 : i32
    %convert_element_type3A_125 = arith.extui %le3A_124 : i1 to i32
    %add3A_126 = arith.addi %add3A_116, %convert_element_type3A_125 : i32
    %get3A_127 = arith.constant 13 : index
    %get3A_128 = memref.load %arg1[%get3A_127] : memref<28xi32, #tpu.memory_space<smem>>
    %le3A_129 = arith.cmpi sle, %get3A_128, %sub3A_2 : i32
    %convert_element_type3A_130 = arith.extui %le3A_129 : i1 to i32
    %add3A_131 = arith.addi %add3A_121, %convert_element_type3A_130 : i32
    %get3A_132 = arith.constant 14 : index
    %get3A_133 = memref.load %arg1[%get3A_132] : memref<28xi32, #tpu.memory_space<smem>>
    %le3A_134 = arith.cmpi sle, %get3A_133, %mul3A_0 : i32
    %convert_element_type3A_135 = arith.extui %le3A_134 : i1 to i32
    %add3A_136 = arith.addi %add3A_126, %convert_element_type3A_135 : i32
    %get3A_137 = arith.constant 14 : index
    %get3A_138 = memref.load %arg1[%get3A_137] : memref<28xi32, #tpu.memory_space<smem>>
    %le3A_139 = arith.cmpi sle, %get3A_138, %sub3A_2 : i32
    %convert_element_type3A_140 = arith.extui %le3A_139 : i1 to i32
    %add3A_141 = arith.addi %add3A_131, %convert_element_type3A_140 : i32
    %get3A_142 = arith.constant 15 : index
    %get3A_143 = memref.load %arg1[%get3A_142] : memref<28xi32, #tpu.memory_space<smem>>
    %le3A_144 = arith.cmpi sle, %get3A_143, %mul3A_0 : i32
    %convert_element_type3A_145 = arith.extui %le3A_144 : i1 to i32
    %add3A_146 = arith.addi %add3A_136, %convert_element_type3A_145 : i32
    %get3A_147 = arith.constant 15 : index
    %get3A_148 = memref.load %arg1[%get3A_147] : memref<28xi32, #tpu.memory_space<smem>>
    %le3A_149 = arith.cmpi sle, %get3A_148, %sub3A_2 : i32
    %convert_element_type3A_150 = arith.extui %le3A_149 : i1 to i32
    %add3A_151 = arith.addi %add3A_141, %convert_element_type3A_150 : i32
    %get3A_152 = arith.constant 16 : index
    %get3A_153 = memref.load %arg1[%get3A_152] : memref<28xi32, #tpu.memory_space<smem>>
    %le3A_154 = arith.cmpi sle, %get3A_153, %mul3A_0 : i32
    %convert_element_type3A_155 = arith.extui %le3A_154 : i1 to i32
    %add3A_156 = arith.addi %add3A_146, %convert_element_type3A_155 : i32
    %get3A_157 = arith.constant 16 : index
    %get3A_158 = memref.load %arg1[%get3A_157] : memref<28xi32, #tpu.memory_space<smem>>
    %le3A_159 = arith.cmpi sle, %get3A_158, %sub3A_2 : i32
    %convert_element_type3A_160 = arith.extui %le3A_159 : i1 to i32
    %add3A_161 = arith.addi %add3A_151, %convert_element_type3A_160 : i32
    %get3A_162 = arith.constant 17 : index
    %get3A_163 = memref.load %arg1[%get3A_162] : memref<28xi32, #tpu.memory_space<smem>>
    %le3A_164 = arith.cmpi sle, %get3A_163, %mul3A_0 : i32
    %convert_element_type3A_165 = arith.extui %le3A_164 : i1 to i32
    %add3A_166 = arith.addi %add3A_156, %convert_element_type3A_165 : i32
    %get3A_167 = arith.constant 17 : index
    %get3A_168 = memref.load %arg1[%get3A_167] : memref<28xi32, #tpu.memory_space<smem>>
    %le3A_169 = arith.cmpi sle, %get3A_168, %sub3A_2 : i32
    %convert_element_type3A_170 = arith.extui %le3A_169 : i1 to i32
    %add3A_171 = arith.addi %add3A_161, %convert_element_type3A_170 : i32
    %get3A_172 = arith.constant 18 : index
    %get3A_173 = memref.load %arg1[%get3A_172] : memref<28xi32, #tpu.memory_space<smem>>
    %le3A_174 = arith.cmpi sle, %get3A_173, %mul3A_0 : i32
    %convert_element_type3A_175 = arith.extui %le3A_174 : i1 to i32
    %add3A_176 = arith.addi %add3A_166, %convert_element_type3A_175 : i32
    %get3A_177 = arith.constant 18 : index
    %get3A_178 = memref.load %arg1[%get3A_177] : memref<28xi32, #tpu.memory_space<smem>>
    %le3A_179 = arith.cmpi sle, %get3A_178, %sub3A_2 : i32
    %convert_element_type3A_180 = arith.extui %le3A_179 : i1 to i32
    %add3A_181 = arith.addi %add3A_171, %convert_element_type3A_180 : i32
    %get3A_182 = arith.constant 19 : index
    %get3A_183 = memref.load %arg1[%get3A_182] : memref<28xi32, #tpu.memory_space<smem>>
    %le3A_184 = arith.cmpi sle, %get3A_183, %mul3A_0 : i32
    %convert_element_type3A_185 = arith.extui %le3A_184 : i1 to i32
    %add3A_186 = arith.addi %add3A_176, %convert_element_type3A_185 : i32
    %get3A_187 = arith.constant 19 : index
    %get3A_188 = memref.load %arg1[%get3A_187] : memref<28xi32, #tpu.memory_space<smem>>
    %le3A_189 = arith.cmpi sle, %get3A_188, %sub3A_2 : i32
    %convert_element_type3A_190 = arith.extui %le3A_189 : i1 to i32
    %add3A_191 = arith.addi %add3A_181, %convert_element_type3A_190 : i32
    %get3A_192 = arith.constant 20 : index
    %get3A_193 = memref.load %arg1[%get3A_192] : memref<28xi32, #tpu.memory_space<smem>>
    %le3A_194 = arith.cmpi sle, %get3A_193, %mul3A_0 : i32
    %convert_element_type3A_195 = arith.extui %le3A_194 : i1 to i32
    %add3A_196 = arith.addi %add3A_186, %convert_element_type3A_195 : i32
    %get3A_197 = arith.constant 20 : index
    %get3A_198 = memref.load %arg1[%get3A_197] : memref<28xi32, #tpu.memory_space<smem>>
    %le3A_199 = arith.cmpi sle, %get3A_198, %sub3A_2 : i32
    %convert_element_type3A_200 = arith.extui %le3A_199 : i1 to i32
    %add3A_201 = arith.addi %add3A_191, %convert_element_type3A_200 : i32
    %get3A_202 = arith.constant 21 : index
    %get3A_203 = memref.load %arg1[%get3A_202] : memref<28xi32, #tpu.memory_space<smem>>
    %le3A_204 = arith.cmpi sle, %get3A_203, %mul3A_0 : i32
    %convert_element_type3A_205 = arith.extui %le3A_204 : i1 to i32
    %add3A_206 = arith.addi %add3A_196, %convert_element_type3A_205 : i32
    %get3A_207 = arith.constant 21 : index
    %get3A_208 = memref.load %arg1[%get3A_207] : memref<28xi32, #tpu.memory_space<smem>>
    %le3A_209 = arith.cmpi sle, %get3A_208, %sub3A_2 : i32
    %convert_element_type3A_210 = arith.extui %le3A_209 : i1 to i32
    %add3A_211 = arith.addi %add3A_201, %convert_element_type3A_210 : i32
    %get3A_212 = arith.constant 22 : index
    %get3A_213 = memref.load %arg1[%get3A_212] : memref<28xi32, #tpu.memory_space<smem>>
    %le3A_214 = arith.cmpi sle, %get3A_213, %mul3A_0 : i32
    %convert_element_type3A_215 = arith.extui %le3A_214 : i1 to i32
    %add3A_216 = arith.addi %add3A_206, %convert_element_type3A_215 : i32
    %get3A_217 = arith.constant 22 : index
    %get3A_218 = memref.load %arg1[%get3A_217] : memref<28xi32, #tpu.memory_space<smem>>
    %le3A_219 = arith.cmpi sle, %get3A_218, %sub3A_2 : i32
    %convert_element_type3A_220 = arith.extui %le3A_219 : i1 to i32
    %add3A_221 = arith.addi %add3A_211, %convert_element_type3A_220 : i32
    %get3A_222 = arith.constant 23 : index
    %get3A_223 = memref.load %arg1[%get3A_222] : memref<28xi32, #tpu.memory_space<smem>>
    %le3A_224 = arith.cmpi sle, %get3A_223, %mul3A_0 : i32
    %convert_element_type3A_225 = arith.extui %le3A_224 : i1 to i32
    %add3A_226 = arith.addi %add3A_216, %convert_element_type3A_225 : i32
    %get3A_227 = arith.constant 23 : index
    %get3A_228 = memref.load %arg1[%get3A_227] : memref<28xi32, #tpu.memory_space<smem>>
    %le3A_229 = arith.cmpi sle, %get3A_228, %sub3A_2 : i32
    %convert_element_type3A_230 = arith.extui %le3A_229 : i1 to i32
    %add3A_231 = arith.addi %add3A_221, %convert_element_type3A_230 : i32
    %get3A_232 = arith.constant 24 : index
    %get3A_233 = memref.load %arg1[%get3A_232] : memref<28xi32, #tpu.memory_space<smem>>
    %le3A_234 = arith.cmpi sle, %get3A_233, %mul3A_0 : i32
    %convert_element_type3A_235 = arith.extui %le3A_234 : i1 to i32
    %add3A_236 = arith.addi %add3A_226, %convert_element_type3A_235 : i32
    %get3A_237 = arith.constant 24 : index
    %get3A_238 = memref.load %arg1[%get3A_237] : memref<28xi32, #tpu.memory_space<smem>>
    %le3A_239 = arith.cmpi sle, %get3A_238, %sub3A_2 : i32
    %convert_element_type3A_240 = arith.extui %le3A_239 : i1 to i32
    %add3A_241 = arith.addi %add3A_231, %convert_element_type3A_240 : i32
    %get3A_242 = arith.constant 25 : index
    %get3A_243 = memref.load %arg1[%get3A_242] : memref<28xi32, #tpu.memory_space<smem>>
    %le3A_244 = arith.cmpi sle, %get3A_243, %mul3A_0 : i32
    %convert_element_type3A_245 = arith.extui %le3A_244 : i1 to i32
    %add3A_246 = arith.addi %add3A_236, %convert_element_type3A_245 : i32
    %get3A_247 = arith.constant 25 : index
    %get3A_248 = memref.load %arg1[%get3A_247] : memref<28xi32, #tpu.memory_space<smem>>
    %le3A_249 = arith.cmpi sle, %get3A_248, %sub3A_2 : i32
    %convert_element_type3A_250 = arith.extui %le3A_249 : i1 to i32
    %add3A_251 = arith.addi %add3A_241, %convert_element_type3A_250 : i32
    %get3A_252 = arith.constant 26 : index
    %get3A_253 = memref.load %arg1[%get3A_252] : memref<28xi32, #tpu.memory_space<smem>>
    %le3A_254 = arith.cmpi sle, %get3A_253, %mul3A_0 : i32
    %convert_element_type3A_255 = arith.extui %le3A_254 : i1 to i32
    %add3A_256 = arith.addi %add3A_246, %convert_element_type3A_255 : i32
    %get3A_257 = arith.constant 26 : index
    %get3A_258 = memref.load %arg1[%get3A_257] : memref<28xi32, #tpu.memory_space<smem>>
    %le3A_259 = arith.cmpi sle, %get3A_258, %sub3A_2 : i32
    %convert_element_type3A_260 = arith.extui %le3A_259 : i1 to i32
    %add3A_261 = arith.addi %add3A_251, %convert_element_type3A_260 : i32
    %get3A_262 = arith.constant 0 : index
    %get3A_263 = arith.constant 0 : index
    %get3A_264 = vector.load %arg2[%get3A_262, %get3A_263] : memref<512x128xbf16, #tpu.memory_space<vmem>>, vector<512x128xbf16>
    %get3A_265 = arith.index_cast %add3A_256 : i32 to index
    %get3A_266 = arith.constant 0 : index
    %get3A_267 = arith.constant 0 : index
    %get3A_268 = vector.load %arg3[%get3A_265, %get3A_266, %get3A_267] : memref<27x128x128xf32, #tpu.memory_space<vmem>>, vector<1x128x128xf32>
    %get3A_269 = vector.shape_cast %get3A_268 : vector<1x128x128xf32> to vector<128x128xf32>
    %convert_element_type3A_270 = arith.truncf %get3A_269 : vector<128x128xf32> to vector<128x128xbf16>
    %dot_general3A = arith.constant dense<0.000000e+00> : vector<512x128xf32>
    %dot_general3A_271 = tpu.matmul %get3A_264, %convert_element_type3A_270, %dot_general3A {dimension_numbers = #tpu.dot_dimension_numbers<[1], [1], [0], [0], [0, 0, 1, 0], [], []>, transpose_lhs_hint = false} : vector<512x128xbf16>, vector<128x128xbf16>, vector<512x128xf32> -> vector<512x128xf32>
    %get3A_272 = arith.index_cast %add3A_261 : i32 to index
    %get3A_273 = arith.constant 0 : index
    %get3A_274 = arith.constant 0 : index
    %get3A_275 = vector.load %arg3[%get3A_272, %get3A_273, %get3A_274] : memref<27x128x128xf32, #tpu.memory_space<vmem>>, vector<1x128x128xf32>
    %get3A_276 = vector.shape_cast %get3A_275 : vector<1x128x128xf32> to vector<128x128xf32>
    %convert_element_type3A_277 = arith.truncf %get3A_276 : vector<128x128xf32> to vector<128x128xbf16>
    %dot_general3A_278 = arith.constant dense<0.000000e+00> : vector<512x128xf32>
    %dot_general3A_279 = tpu.matmul %get3A_264, %convert_element_type3A_277, %dot_general3A_278 {dimension_numbers = #tpu.dot_dimension_numbers<[1], [1], [0], [0], [0, 0, 1, 0], [], []>, transpose_lhs_hint = false} : vector<512x128xbf16>, vector<128x128xbf16>, vector<512x128xf32> -> vector<512x128xf32>
    %add3A_280 = arith.constant 1 : i32
    %add3A_281 = arith.addi %add3A_256, %add3A_280 : i32
    %get3A_282 = arith.index_cast %add3A_281 : i32 to index
    %get3A_283 = memref.load %arg1[%get3A_282] : memref<28xi32, #tpu.memory_space<smem>>
    %iota3A = tpu.iota {dimensions = array<i32: 0>} : vector<512x1xi32>
    %add3A_284 = vector.broadcast %mul3A_0 : i32 to vector<512x1xi32>
    %add3A_285 = arith.addi %add3A_284, %iota3A : vector<512x1xi32>
    %lt3A = vector.broadcast %get3A_283 : i32 to vector<512x1xi32>
    %lt3A_286 = arith.cmpi slt, %add3A_285, %lt3A : vector<512x1xi32>
    %broadcast_in_dim3A = vector.shape_cast %lt3A_286 : vector<512x1xi1> to vector<512x1xi1>
    %broadcast_in_dim3A_287 = vector.broadcast %broadcast_in_dim3A : vector<512x1xi1> to vector<512x128xi1>
    %select_n3A = arith.select %broadcast_in_dim3A_287, %dot_general3A_271, %dot_general3A_279 : vector<512x128xi1>, vector<512x128xf32>
    %convert_element_type3A_288 = arith.truncf %select_n3A : vector<512x128xf32> to vector<512x128xbf16>
    %swap3A = arith.constant 0 : index
    %swap3A_289 = arith.constant 0 : index
    %swap3A_290 = vector.load %arg4[%swap3A, %swap3A_289] : memref<512x128xbf16, #tpu.memory_space<vmem>>, vector<512x128xbf16>
    tpu.vector_store %arg4[%swap3A, %swap3A_289], %convert_element_type3A_288 {strides = array<i32>} : memref<512x128xbf16, #tpu.memory_space<vmem>>, vector<512x128xbf16>,
    return
  }
  func.func @transform_0(%arg0: i32) -> i32 {
    %c0_i32 = arith.constant 0 : i32
    %c0_i32_0 = arith.constant 0 : i32
    return %c0_i32 : i32
  }
  func.func @transform_1(%arg0: i32) -> (i32, i32) {
    %c0_i32 = arith.constant 0 : i32
    %c0_i32_0 = arith.constant 0 : i32
    return %arg0, %c0_i32 : i32, i32
  }
  func.func @transform_2(%arg0: i32) -> (i32, i32, i32) {
    %c0_i32 = arith.constant 0 : i32
    %c0_i32_0 = arith.constant 0 : i32
    %c0_i32_1 = arith.constant 0 : i32
    %c0_i32_2 = arith.constant 0 : i32
    return %c0_i32, %c0_i32_0, %c0_i32_1 : i32, i32, i32
  }
  func.func @transform_3(%arg0: i32) -> (i32, i32) {
    %c0_i32 = arith.constant 0 : i32
    %c0_i32_0 = arith.constant 0 : i32
    return %arg0, %c0_i32 : i32, i32
  }
}

module attributes {stable_mosaic.version = 14 : i64} {
  func.func @_stats_k(%arg0: i32, %arg1: memref<400x128xbf16, #tpu.memory_space<vmem>>, %arg2: memref<1x128xf32, #tpu.memory_space<vmem>>, %arg3: memref<1x128xf32, #tpu.memory_space<vmem>>) attributes {dimension_semantics = [#tpu.dimension_semantics<arbitrary>], iteration_bounds = array<i64: 250>, scalar_prefetch = 0 : i64, scratch_operands = 0 : i64, tpu.core_type = #tpu.core_type<tc>, window_params = [{transform_indices = @transform_0, window_bounds = array<i64: 400, 128>}, {pipeline_mode = #tpu.pipeline_mode<synchronous>, transform_indices = @transform_1, window_bounds = array<i64: 1, 128>}, {pipeline_mode = #tpu.pipeline_mode<synchronous>, transform_indices = @transform_2, window_bounds = array<i64: 1, 128>}]} {
    %eq3A = arith.constant 0 : i32
    %eq3A_0 = arith.cmpi eq, %arg0, %eq3A : i32
    %convert_element_type3A = arith.extui %eq3A_0 : i1 to i32
    %cond3A = arith.constant 0 : i32
    %cond3A_1 = arith.cmpi ne, %convert_element_type3A, %cond3A : i32
    scf.if %cond3A_1 {
      %broadcast_in_dim3A_21 = arith.constant 0.000000e+00 : f32
      %broadcast_in_dim3A_22 = vector.broadcast %broadcast_in_dim3A_21 : f32 to vector<1x128xf32>
      %swap3A_23 = arith.constant 0 : index
      %swap3A_24 = arith.constant 0 : index
      %swap3A_25 = vector.load %arg2[%swap3A_23, %swap3A_24] : memref<1x128xf32, #tpu.memory_space<vmem>>, vector<1x128xf32>
      tpu.vector_store %arg2[%swap3A_23, %swap3A_24], %broadcast_in_dim3A_22 {strides = array<i32>} : memref<1x128xf32, #tpu.memory_space<vmem>>, vector<1x128xf32>,
      %broadcast_in_dim3A_26 = arith.constant 0.000000e+00 : f32
      %broadcast_in_dim3A_27 = vector.broadcast %broadcast_in_dim3A_26 : f32 to vector<1x128xf32>
      %swap3A_28 = arith.constant 0 : index
      %swap3A_29 = arith.constant 0 : index
      %swap3A_30 = vector.load %arg3[%swap3A_28, %swap3A_29] : memref<1x128xf32, #tpu.memory_space<vmem>>, vector<1x128xf32>
      tpu.vector_store %arg3[%swap3A_28, %swap3A_29], %broadcast_in_dim3A_27 {strides = array<i32>} : memref<1x128xf32, #tpu.memory_space<vmem>>, vector<1x128xf32>,
    } else {
    }
    %get3A = arith.constant 0 : index
    %get3A_2 = arith.constant 0 : index
    %get3A_3 = vector.load %arg1[%get3A, %get3A_2] : memref<400x128xbf16, #tpu.memory_space<vmem>>, vector<400x128xbf16>
    %convert_element_type3A_4 = arith.extf %get3A_3 : vector<400x128xbf16> to vector<400x128xf32>
    %get3A_5 = arith.constant 0 : index
    %get3A_6 = arith.constant 0 : index
    %get3A_7 = vector.load %arg2[%get3A_5, %get3A_6] : memref<1x128xf32, #tpu.memory_space<vmem>>, vector<1x128xf32>
    %reduce_sum3A = arith.constant dense<0.000000e+00> : vector<128xf32>
    %reduce_sum3A_8 = vector.multi_reduction <add>, %convert_element_type3A_4, %reduce_sum3A [0] : vector<400x128xf32> to vector<128xf32>
    %broadcast_in_dim3A = vector.shape_cast %reduce_sum3A_8 : vector<128xf32> to vector<1x128xf32>
    %add3A = arith.addf %get3A_7, %broadcast_in_dim3A : vector<1x128xf32>
    %swap3A = arith.constant 0 : index
    %swap3A_9 = arith.constant 0 : index
    %swap3A_10 = vector.load %arg2[%swap3A, %swap3A_9] : memref<1x128xf32, #tpu.memory_space<vmem>>, vector<1x128xf32>
    tpu.vector_store %arg2[%swap3A, %swap3A_9], %add3A {strides = array<i32>} : memref<1x128xf32, #tpu.memory_space<vmem>>, vector<1x128xf32>,
    %get3A_11 = arith.constant 0 : index
    %get3A_12 = arith.constant 0 : index
    %get3A_13 = vector.load %arg3[%get3A_11, %get3A_12] : memref<1x128xf32, #tpu.memory_space<vmem>>, vector<1x128xf32>
    %mul3A = arith.mulf %convert_element_type3A_4, %convert_element_type3A_4 : vector<400x128xf32>
    %reduce_sum3A_14 = arith.constant dense<0.000000e+00> : vector<128xf32>
    %reduce_sum3A_15 = vector.multi_reduction <add>, %mul3A, %reduce_sum3A_14 [0] : vector<400x128xf32> to vector<128xf32>
    %broadcast_in_dim3A_16 = vector.shape_cast %reduce_sum3A_15 : vector<128xf32> to vector<1x128xf32>
    %add3A_17 = arith.addf %get3A_13, %broadcast_in_dim3A_16 : vector<1x128xf32>
    %swap3A_18 = arith.constant 0 : index
    %swap3A_19 = arith.constant 0 : index
    %swap3A_20 = vector.load %arg3[%swap3A_18, %swap3A_19] : memref<1x128xf32, #tpu.memory_space<vmem>>, vector<1x128xf32>
    tpu.vector_store %arg3[%swap3A_18, %swap3A_19], %add3A_17 {strides = array<i32>} : memref<1x128xf32, #tpu.memory_space<vmem>>, vector<1x128xf32>,
    return
  }
  func.func @transform_0(%arg0: i32) -> (i32, i32) {
    %c0_i32 = arith.constant 0 : i32
    %c0_i32_0 = arith.constant 0 : i32
    return %arg0, %c0_i32 : i32, i32
  }
  func.func @transform_1(%arg0: i32) -> (i32, i32) {
    %c0_i32 = arith.constant 0 : i32
    %c0_i32_0 = arith.constant 0 : i32
    %c0_i32_1 = arith.constant 0 : i32
    return %c0_i32, %c0_i32_0 : i32, i32
  }
  func.func @transform_2(%arg0: i32) -> (i32, i32) {
    %c0_i32 = arith.constant 0 : i32
    %c0_i32_0 = arith.constant 0 : i32
    %c0_i32_1 = arith.constant 0 : i32
    return %c0_i32, %c0_i32_0 : i32, i32
  }
}

module attributes {stable_mosaic.version = 14 : i64} {
  func.func @_aff_lrelu_k(%arg0: i32, %arg1: memref<400x128xbf16, #tpu.memory_space<vmem>>, %arg2: memref<1x128xf32, #tpu.memory_space<vmem>>, %arg3: memref<1x128xf32, #tpu.memory_space<vmem>>, %arg4: memref<400x128xbf16, #tpu.memory_space<vmem>>) attributes {dimension_semantics = [#tpu.dimension_semantics<arbitrary>], iteration_bounds = array<i64: 250>, scalar_prefetch = 0 : i64, scratch_operands = 0 : i64, tpu.core_type = #tpu.core_type<tc>, window_params = [{transform_indices = @transform_0, window_bounds = array<i64: 400, 128>}, {pipeline_mode = #tpu.pipeline_mode<synchronous>, transform_indices = @transform_1, window_bounds = array<i64: 1, 128>}, {pipeline_mode = #tpu.pipeline_mode<synchronous>, transform_indices = @transform_2, window_bounds = array<i64: 1, 128>}, {transform_indices = @transform_3, window_bounds = array<i64: 400, 128>}]} {
    %get3A = arith.constant 0 : index
    %get3A_0 = arith.constant 0 : index
    %get3A_1 = vector.load %arg1[%get3A, %get3A_0] : memref<400x128xbf16, #tpu.memory_space<vmem>>, vector<400x128xbf16>
    %convert_element_type3A = arith.extf %get3A_1 : vector<400x128xbf16> to vector<400x128xf32>
    %get3A_2 = arith.constant 0 : index
    %get3A_3 = arith.constant 0 : index
    %get3A_4 = vector.load %arg2[%get3A_2, %get3A_3] : memref<1x128xf32, #tpu.memory_space<vmem>>, vector<1x128xf32>
    %mul3A = vector.broadcast %get3A_4 : vector<1x128xf32> to vector<400x128xf32>
    %mul3A_5 = arith.mulf %convert_element_type3A, %mul3A : vector<400x128xf32>
    %get3A_6 = arith.constant 0 : index
    %get3A_7 = arith.constant 0 : index
    %get3A_8 = vector.load %arg3[%get3A_6, %get3A_7] : memref<1x128xf32, #tpu.memory_space<vmem>>, vector<1x128xf32>
    %add3A = vector.broadcast %get3A_8 : vector<1x128xf32> to vector<400x128xf32>
    %add3A_9 = arith.addf %mul3A_5, %add3A : vector<400x128xf32>
    %ge3A = arith.constant 0.000000e+00 : f32
    %ge3A_10 = vector.broadcast %ge3A : f32 to vector<400x128xf32>
    %ge3A_11 = arith.cmpf oge, %add3A_9, %ge3A_10 : vector<400x128xf32>
    %mul3A_12 = arith.constant 0.00999999977 : f32
    %mul3A_13 = vector.broadcast %mul3A_12 : f32 to vector<400x128xf32>
    %mul3A_14 = arith.mulf %mul3A_13, %add3A_9 : vector<400x128xf32>
    %select_n3A = arith.select %ge3A_11, %add3A_9, %mul3A_14 : vector<400x128xi1>, vector<400x128xf32>
    %convert_element_type3A_15 = arith.truncf %select_n3A : vector<400x128xf32> to vector<400x128xbf16>
    %swap3A = arith.constant 0 : index
    %swap3A_16 = arith.constant 0 : index
    %swap3A_17 = vector.load %arg4[%swap3A, %swap3A_16] : memref<400x128xbf16, #tpu.memory_space<vmem>>, vector<400x128xbf16>
    tpu.vector_store %arg4[%swap3A, %swap3A_16], %convert_element_type3A_15 {strides = array<i32>} : memref<400x128xbf16, #tpu.memory_space<vmem>>, vector<400x128xbf16>,
    return
  }
  func.func @transform_0(%arg0: i32) -> (i32, i32) {
    %c0_i32 = arith.constant 0 : i32
    %c0_i32_0 = arith.constant 0 : i32
    return %arg0, %c0_i32 : i32, i32
  }
  func.func @transform_1(%arg0: i32) -> (i32, i32) {
    %c0_i32 = arith.constant 0 : i32
    %c0_i32_0 = arith.constant 0 : i32
    %c0_i32_1 = arith.constant 0 : i32
    return %c0_i32, %c0_i32_0 : i32, i32
  }
  func.func @transform_2(%arg0: i32) -> (i32, i32) {
    %c0_i32 = arith.constant 0 : i32
    %c0_i32_0 = arith.constant 0 : i32
    %c0_i32_1 = arith.constant 0 : i32
    return %c0_i32, %c0_i32_0 : i32, i32
  }
  func.func @transform_3(%arg0: i32) -> (i32, i32) {
    %c0_i32 = arith.constant 0 : i32
    %c0_i32_0 = arith.constant 0 : i32
    return %arg0, %c0_i32 : i32, i32
  }
}

module attributes {stable_mosaic.version = 14 : i64} {
  func.func @_final_k(%arg0: i32, %arg1: memref<400x128xbf16, #tpu.memory_space<vmem>>, %arg2: memref<400x128xf32, #tpu.memory_space<vmem>>, %arg3: memref<1x128xf32, #tpu.memory_space<vmem>>, %arg4: memref<1x128xf32, #tpu.memory_space<vmem>>, %arg5: memref<400x128xf32, #tpu.memory_space<vmem>>) attributes {dimension_semantics = [#tpu.dimension_semantics<arbitrary>], iteration_bounds = array<i64: 250>, scalar_prefetch = 0 : i64, scratch_operands = 0 : i64, tpu.core_type = #tpu.core_type<tc>, window_params = [{transform_indices = @transform_0, window_bounds = array<i64: 400, 128>}, {transform_indices = @transform_1, window_bounds = array<i64: 400, 128>}, {pipeline_mode = #tpu.pipeline_mode<synchronous>, transform_indices = @transform_2, window_bounds = array<i64: 1, 128>}, {pipeline_mode = #tpu.pipeline_mode<synchronous>, transform_indices = @transform_3, window_bounds = array<i64: 1, 128>}, {transform_indices = @transform_4, window_bounds = array<i64: 400, 128>}]} {
    %get3A = arith.constant 0 : index
    %get3A_0 = arith.constant 0 : index
    %get3A_1 = vector.load %arg1[%get3A, %get3A_0] : memref<400x128xbf16, #tpu.memory_space<vmem>>, vector<400x128xbf16>
    %convert_element_type3A = arith.extf %get3A_1 : vector<400x128xbf16> to vector<400x128xf32>
    %get3A_2 = arith.constant 0 : index
    %get3A_3 = arith.constant 0 : index
    %get3A_4 = vector.load %arg3[%get3A_2, %get3A_3] : memref<1x128xf32, #tpu.memory_space<vmem>>, vector<1x128xf32>
    %mul3A = vector.broadcast %get3A_4 : vector<1x128xf32> to vector<400x128xf32>
    %mul3A_5 = arith.mulf %convert_element_type3A, %mul3A : vector<400x128xf32>
    %get3A_6 = arith.constant 0 : index
    %get3A_7 = arith.constant 0 : index
    %get3A_8 = vector.load %arg4[%get3A_6, %get3A_7] : memref<1x128xf32, #tpu.memory_space<vmem>>, vector<1x128xf32>
    %add3A = vector.broadcast %get3A_8 : vector<1x128xf32> to vector<400x128xf32>
    %add3A_9 = arith.addf %mul3A_5, %add3A : vector<400x128xf32>
    %get3A_10 = arith.constant 0 : index
    %get3A_11 = arith.constant 0 : index
    %get3A_12 = vector.load %arg2[%get3A_10, %get3A_11] : memref<400x128xf32, #tpu.memory_space<vmem>>, vector<400x128xf32>
    %add3A_13 = arith.addf %add3A_9, %get3A_12 : vector<400x128xf32>
    %ge3A = arith.constant 0.000000e+00 : f32
    %ge3A_14 = vector.broadcast %ge3A : f32 to vector<400x128xf32>
    %ge3A_15 = arith.cmpf oge, %add3A_13, %ge3A_14 : vector<400x128xf32>
    %mul3A_16 = arith.constant 0.00999999977 : f32
    %mul3A_17 = vector.broadcast %mul3A_16 : f32 to vector<400x128xf32>
    %mul3A_18 = arith.mulf %mul3A_17, %add3A_13 : vector<400x128xf32>
    %select_n3A = arith.select %ge3A_15, %add3A_13, %mul3A_18 : vector<400x128xi1>, vector<400x128xf32>
    %swap3A = arith.constant 0 : index
    %swap3A_19 = arith.constant 0 : index
    %swap3A_20 = vector.load %arg5[%swap3A, %swap3A_19] : memref<400x128xf32, #tpu.memory_space<vmem>>, vector<400x128xf32>
    tpu.vector_store %arg5[%swap3A, %swap3A_19], %select_n3A {strides = array<i32>} : memref<400x128xf32, #tpu.memory_space<vmem>>, vector<400x128xf32>,
    return
  }
  func.func @transform_0(%arg0: i32) -> (i32, i32) {
    %c0_i32 = arith.constant 0 : i32
    %c0_i32_0 = arith.constant 0 : i32
    return %arg0, %c0_i32 : i32, i32
  }
  func.func @transform_1(%arg0: i32) -> (i32, i32) {
    %c0_i32 = arith.constant 0 : i32
    %c0_i32_0 = arith.constant 0 : i32
    return %arg0, %c0_i32 : i32, i32
  }
  func.func @transform_2(%arg0: i32) -> (i32, i32) {
    %c0_i32 = arith.constant 0 : i32
    %c0_i32_0 = arith.constant 0 : i32
    %c0_i32_1 = arith.constant 0 : i32
    return %c0_i32, %c0_i32_0 : i32, i32
  }
  func.func @transform_3(%arg0: i32) -> (i32, i32) {
    %c0_i32 = arith.constant 0 : i32
    %c0_i32_0 = arith.constant 0 : i32
    %c0_i32_1 = arith.constant 0 : i32
    return %c0_i32, %c0_i32_0 : i32, i32
  }
  func.func @transform_4(%arg0: i32) -> (i32, i32) {
    %c0_i32 = arith.constant 0 : i32
    %c0_i32_0 = arith.constant 0 : i32
    return %arg0, %c0_i32 : i32, i32
  }
}

</mosaic_0001>

<sc_bundles>
// kernel: gather_offload_async_start.1
scs
__scs_entry_jumppad:
0x0: {  	(pc) =	sbr.rel $0x88, $3  }
0x1: {  	(tag) =	ssettag $0x0;
	lr =	simm.s32 $0x1  }
0x2: {  	[smem:$0x3F8B] =	sst lr;
	_ =	strace $0xD0000000  }
0x3: {  	_ = 	snop  }
0x4: {  	_ = 	snop  }
0x5: {  	_ = 	snop  }
0x6: {  	_ = 	snop  }
0x7: {  	_ = 	snop  }
__scs_overlays_trampoline_lowered:
0x8: {  	[smem:$0x3F9A] =	sst s0  }
0x9: {  	[smem:$0x3F9B] =	sst s1  }
0xa: {  	[smem:$0x3F9C] =	sst s2  }
0xb: {  	[smem:$0x3F9D] =	sst s3  }
0xc: {  	[smem:$0x3F9E] =	sst s4  }
0xd: {  	[smem:$0x3F9F] =	sst s5  }
0xe: {  	[smem:$0x3FA0] =	sst s6  }
0xf: {  	[smem:$0x3FA1] =	sst s7  }
0x10: {  	[smem:$0x3FA2] =	sst s8  }
0x11: {  	[smem:$0x3FA3] =	sst s9;
	s0 =	simm.s32 @!p0 $0x0  }
0x12: {  	s1 =	sld [smem:$0x3F89];
	s0 =	simm.s32 @p0 $0x1  }
0x13: {  	[smem:$0x3FA4] =	sst s0;
	s0 =	simm.s32 @!p1 $0x0  }
0x14: {  	s2 =	sld [smem:$0x3F88];
	s0 =	simm.s32 @p1 $0x1  }
0x15: {  	[smem:$0x3FA5] =	sst s0;
	s0 =	simm.s32 @!p2 $0x0  }
0x16: {  	s3 =	sld [smem:$0x3FDB];
	s0 =	simm.s32 @p2 $0x1  }
0x17: {  	s4 =	simm.s32 $0x1BF5;
	[smem:$0x3FA7] =	sst s0  }
0x18: {  	s0 =	sld [smem:$0x3F8A];
	_ =	swait.ge [sflag:s4], $0x0  }
0x19: {  	s7 =	sld [smem:$0x3F8B]  }
0x1a: {  	s8 =	sadd.s32 $0xFFFFE003, lr  }
0x1b: {  	s9 =	sadd.s32 $0xFFFFFEF7, lr;
	s5 =	simm.s32 $0xFFFFFFFF;
	p2 =	slt.u32 s8, $0xFFFFF086  }
0x1c: {  	p1 =	slt.u32 s9, $0xF7A;
	s5 =	simm.s32 @!p2 $0x0  }
0x1d: {  	s5 =	simm.s32 @p1 $0x1;
	p0 =	seq.s32 s7, s2  }
0x1e: {  	s7 =	smul.u32 @!p0 $0xF7A, s2;
	p2 =	seq.s32 @!p0 s5, $0x0  }
0x1f: {  	s9 =	smul.u32 $0xF7A, s1;
	s8 =	simm.s32 @!p0 $0x1BF5;
	p2 =	por !p2, p0  }
0x20: {  	[sflag:s8] =	ssyncset.s32 @!p0 $0xFFFFF086;
	s6 =	sadd.s32 @!p0 s3, s7;
	s7 =	simm.s32 @!p0 $0x108  }
0x21: {  	s3 =	sadd.s32 s3, s9;
	s6 =	sadd.s32 @!p0 $0x88, s6;
	s7 =	simm.s32 @p2 $0x1082  }
0x22: {  	[simem:s7], [sflag:s8] =	dma.local @!p0 [hbm:s6], $0xF7A  }
0x23: {  	s9 =	sor.u32 $0xD0000000, s2;
	s6 =	simm.s32 $0x108;
	_ =	swait.ge @!p0 [sflag:s8], $0x0  }
0x24: {  	s3 =	sadd.s32 $0x88, s3;
	s6 =	simm.s32 @!p1 $0x1082;
	[sflag:s4] =	ssyncset.s32 $0xFFFFF086  }
0x25: {  	[simem:s6], [sflag:s4] =	dma.local [hbm:s3], $0xF7A  }
0x26: {  	[smem:$0x3F8B] =	sst s1;
	(tag) =	ssettag s2;
	_ =	strace s9  }
0x27: {  	s1 =	sld [smem:$0x3F9B]  }
0x28: {  	s2 =	sld [smem:$0x3F9C]  }
0x29: {  	s4 =	sld [smem:$0x3F9E]  }
0x2a: {  	p0 =	seq.s32 s5, $0x0;
	s5 =	sld [smem:$0x3F9F]  }
0x2b: {  	s6 =	sld [smem:$0x3FA0]  }
0x2c: {  	s7 =	sld [smem:$0x3FA1]  }
0x2d: {  	s3 =	simm.s32 $0x108;
	s8 =	sld [smem:$0x3FA2]  }
0x2e: {  	s3 =	simm.s32 @!p0 $0x1082;
	s9 =	sld [smem:$0x3FA3]  }
0x2f: {  	lr =	sadd.s32 s0, s3;
	s0 =	sld [smem:$0x3F9A]  }
0x30: {  	s3 =	sld [smem:$0x3F9D]  }
0x31: {  	[smem:$0x3FA6] =	sst s10  }
0x32: {  	s10 =	sld [smem:$0x3FA4];
	_ =	sdelay $0x3  }
0x33: {  	p0 =	seq.s32 s10, $0x1;
	s10 =	sld [smem:$0x3FA6];
	_ =	sdelay $0x3  }
0x34: {  	[smem:$0x3FA6] =	sst s10  }
0x35: {  	s10 =	sld [smem:$0x3FA5];
	_ =	sdelay $0x3  }
0x36: {  	p1 =	seq.s32 s10, $0x1;
	s10 =	sld [smem:$0x3FA6];
	_ =	sdelay $0x3  }
0x37: {  	[smem:$0x3FA6] =	sst s10  }
0x38: {  	s10 =	sld [smem:$0x3FA7]  }
0x39: {  	_ = 	snop;
	(pc) =	sbr.ind lr, $3  }
0x3a: {  	_ = 	snop  }
0x3b: {  	_ = 	snop  }
0x3c: {  	p2 =	seq.s32 s10, $0x1;
	s10 =	sld [smem:$0x3FA6]  }
0x3d: {  	_ =	shalt  }
0x3e: {  	_ =	shalt  }
0x3f: {  	_ =	shalt  }
0x40: {  	_ =	shalt  }
0x41: {  	_ =	shalt  }
0x42: {  	_ =	shalt  }
0x43: {  	_ =	shalt  }
0x44: {  	_ =	shalt  }
0x45: {  	_ =	shalt  }
0x46: {  	_ =	shalt  }
0x47: {  	_ =	shalt  }
0x48: {  	_ =	shalt  }
0x49: {  	_ =	shalt  }
0x4a: {  	_ =	shalt  }
0x4b: {  	_ =	shalt  }
0x4c: {  	_ =	shalt  }
0x4d: {  	_ =	shalt  }
0x4e: {  	_ =	shalt  }
0x4f: {  	_ =	shalt  }
0x50: {  	_ =	shalt  }
0x51: {  	_ =	shalt  }
0x52: {  	_ =	shalt  }
0x53: {  	_ =	shalt  }
0x54: {  	_ =	shalt  }
0x55: {  	_ =	shalt  }
0x56: {  	_ =	shalt  }
0x57: {  	_ =	shalt  }
0x58: {  	_ =	shalt  }
0x59: {  	_ =	shalt  }
0x5a: {  	_ =	shalt  }
0x5b: {  	_ =	shalt  }
0x5c: {  	_ =	shalt  }
0x5d: {  	_ =	shalt  }
0x5e: {  	_ =	shalt  }
0x5f: {  	_ =	shalt  }
0x60: {  	_ =	shalt  }
0x61: {  	_ =	shalt  }
0x62: {  	_ =	shalt  }
0x63: {  	_ =	shalt  }
0x64: {  	_ =	shalt  }
0x65: {  	_ =	shalt  }
0x66: {  	_ =	shalt  }
0x67: {  	_ =	shalt  }
0x68: {  	_ =	shalt  }
0x69: {  	_ =	shalt  }
0x6a: {  	_ =	shalt  }
0x6b: {  	_ =	shalt  }
0x6c: {  	_ =	shalt  }
0x6d: {  	_ =	shalt  }
0x6e: {  	_ =	shalt  }
0x6f: {  	_ =	shalt  }
0x70: {  	_ =	shalt  }
0x71: {  	_ =	shalt  }
0x72: {  	_ =	shalt  }
0x73: {  	_ =	shalt  }
0x74: {  	_ =	shalt  }
0x75: {  	_ =	shalt  }
0x76: {  	_ =	shalt  }
0x77: {  	_ =	shalt  }
0x78: {  	_ =	shalt  }
0x79: {  	_ =	shalt  }
0x7a: {  	_ =	shalt  }
0x7b: {  	_ =	shalt  }
0x7c: {  	_ =	shalt  }
0x7d: {  	_ =	shalt  }
0x7e: {  	_ =	shalt  }
0x7f: {  	_ =	shalt  }
0x80: {  	_ =	shalt  }
0x81: {  	_ =	shalt  }
0x82: {  	_ =	shalt  }
0x83: {  	_ =	shalt  }
0x84: {  	_ =	shalt  }
0x85: {  	_ =	shalt  }
0x86: {  	_ =	shalt  }
0x87: {  	_ =	shalt  }
.Lfunc_end0:
.L_simem_size_0:
called_computation.3_lowered:
.L_overlay_start_0:
0x88: {  	s2 =	sld [smem:$0x3FD9]  }
0x89: {  	s3 =	sld [smem:$0x3FFE];
	_ =	sdelay $0x1  }
0x8a: {  	s1 =	srdreg.scid  }
0x8b: {  	s0 =	sand.u32 $0x1, s1  }
0x8c: {  	s16 =	sshll.u32 s0, $0xA;
	s2 =	sadd.s32 s3, s2  }
0x8d: {  	s2 =	sadd.s32 s2, s16  }
0x8e: {  	[smem:$0x3FB2] =	sst s2  }
0x8f: {  	_ = 	snop  }
0x90: {  	(tm) =	ssettm $0x1  }
0x91: {  	s17 =	sld [smem:$0x3FFB];
	_ =	sdelay $0x3  }
0x92: {  	_ =	strace s17  }
0x93: {  	s2 =	sld [smem:$0x3FFC];
	_ =	sdelay $0x3  }
0x94: {  	_ =	strace s2  }
0x95: {  	s2 =	sld [smem:$0x3FFD];
	_ =	sdelay $0x3  }
0x96: {  	_ =	strace s2  }
0x97: {  	_ =	strace $0x8FFFFFFF  }
0x98: {  	s18 =	sld [smem:$0x3FDB];
	_ =	sdelay $0x1  }
0x99: {  	s19 =	simm.s32 $_scs_section_size  }
0x9a: {  	s4 =	simm.s32 $_size__tile_overlayer_lowered;
	s5 =	simm.s32 $_tile_overlayer_lowered  }
0x9b: {  	s22 =	simm.s32 $0x1BFF;
	s21 =	sshll.u32 s5, $0x1;
	s2 =	sadd.s32 s19, s18  }
0x9c: {  	s6 =	simm.s32 $0x0;
	s20 =	sshll.u32 s4, $0x1;
	s4 =	sadd.s32 s21, s2  }
0x9d: {  	[timem:s6], [sflag:s22] =	dma.local [hbm:s4], s20  }
0x9e: {  	_ =	swait.ge [sflag:s22], s20  }
0x9f: {  	s3 =	ssub.s32 $0x0, s20;
	[sflag:s22] =	ssyncset.done $0x0  }
0xa0: {  	[sflag:s22] =	ssyncadd.s32 s3;
	_ =	sdelay $0x1  }
0xa1: {  	s23 =	simm.s32 $0x1B8B  }
0xa2: {  	_ =	swait.ge [sflag:s23], $0x1  }
0xa3: {  	[sflag:s23] =	ssyncset.done $0x0  }
0xa4: {  	s25 =	simm.s32 $0x1B8E;
	s24 =	sld [smem:$0x3FFE];
	[sflag:s23] =	ssyncadd.s32 $0xFFFFFFFF  }
0xa5: {  	s26 =	simm.s32 $execute0_lowered;
	[smem:$0x3FD2] =	sst s25  }
0xa6: {  	s4 =	sshll.u32 s26, $0x1;
	_ =	strace $0x8000004F;
	[dreg:$0x1] =	wrdreg $0xFFFFFFFF  }
0xa7: {  	s28 =	simm.s32 $_size_execute0_lowered;
	s2 =	sadd.s32 s2, s4;
	[dreg:$0x0] =	wrdreg $0x0  }
0xa8: {  	s4 =	sshll.u32 s28, $0x1;
	[dreg:$0x2] =	wrdreg s2  }
0xa9: {  	[dreg:$0x3] =	wrdreg s4  }
0xaa: {  	[dreg:$0x4] =	wrdreg $0xC0  }
0xab: {  	_ =	task [dreg:s6], $0x5FFFF  }
0xac: {  	[dreg:$0x1] =	wrdreg $0xFFFFFFFF  }
0xad: {  	[dreg:$0x0] =	wrdreg $0x60  }
0xae: {  	[dreg:$0x2] =	wrdreg s24  }
0xaf: {  	[dreg:$0x3] =	wrdreg $0x9  }
0xb0: {  	_ =	task.clear_ibuf [dreg:s6], $0x4FFFF;
	_ =	strace $0x9000004F  }
0xb1: {  	s29 =	simm.s32 $0x9;
	_ =	strace $0x80000051  }
0xb2: {  	_ =	swait.ge [sflag:s29], $0x1  }
0xb3: {  	[sflag:s29] =	ssyncadd.s32 $0xFFFFFFFF  }
0xb4: {  	_ =	strace $0x90000051  }
0xb5: {  	_ =	sfence  }
0xb6: {  	s30 =	sld [smem:$0x0];
	_ =	sdelay $0x2  }
0xb7: {  	s31 =	sshll.u32 s1, $0xD;
	s1 =	sshrl.u32 s1, $0x2  }
0xb8: {  	s3 =	sand.u32 $0x4000, s31;
	s1 =	sadd.s32 s1, s30  }
0xb9: {  	s0 =	sor.u32 s3, s0;
	s1 =	sshll.u32 s1, $0x11  }
0xba: {  	s0 =	sor.u32 s1, s0  }
0xbb: {  	s0 =	sadd.s32 $0x8F2B, s0  }
0xbc: {  	[sflag:s0] =	ssyncadd.remote.s32 $0x1  }
0xbd: {  	_ =	sfence.sel $0xFFFF  }
0xbe: {  	[dreg:$0x0] =	wrdreg $0xFFFFFFFF;
	(pc) =	sbr.abs _section_cstart, $3  }
0xbf: {  	[dreg:$0x1] =	wrdreg $0xFFFFFFFF  }
0xc0: {  	_ =	task.clear_ibuf [dreg:s6], $0x2FFFF;
	_ =	strace $0x9FFFFFFF  }
0xc1: {  	(tm) =	ssettm $0x7FFFFFFF  }
tec
execute0_lowered:
.L_overlay_start_1:
0x0: {  	(tag) =	ssettag $0x1  }
0x1: {  	s0 =	srdreg.scid  }
0x2: {  	s1 =	sshll.u32 s0, $0x4  }
0x3: {  	s0 =	stileid.u32;
	s1 =	sand.u32 $0x10, s1  }
0x4: {  	s6 =	rddreg [dreg:$0x0];
	s7 =	simm.s32 $0x1;
	s1 =	sor.u32 s0, s1  }
0x5: {  	s8 =	simm.s32 $0x2;
	s10 =	simm.s32 $0x3;
	s2 =	smul.u32 $0x81, s1  }
0x6: {  	s17 =	simm.s32 $0x0;
	s11 =	simm.s32 $0xFFFF0000;
	s3 =	smin.u32 s1, $0xC  }
0x7: {  	p0 =	slt.u32 s1, $0xC;
	s2 =	sadd.s32 s3, s2;
	s3 =	simm.s32 $0x8200  }
0x8: {  	s12 =	simm.s32 $0xFFFFFFFF;
	s2 =	sshll.u32 s2, $0x8;
	s3 =	simm.s32 @!p0 $0x8100  }
0x9: {  	s13 =	simm.s32 $0x0;
	s14 =	simm.s32 $0x0;
	s3 =	sadd.s32 s3, s2  }
0xa: {  	s16 =	simm.s32 $0x0;
	s1 =	rddreg [dreg:$0x1];
	s3 =	smin.u32 s3, $0x102C00  }
.Ltmp0:
0xb: {  	_ =	strace $0x80000050;
	s9 =	ssub.s32 s3, s2;
	(pc) =	sbr.rel .LBB2_1-.Ltmp0, $4  }
0xc: {  	vm0 =	vmmov $0xff;
	s4 =	sadd.s32 $0xAD8200, s6;
	[sflag:s7] =	ssyncpa.u1 $0x0;
	p0 =	sgt.s32 s9, $0x0  }
0xd: {  	vm1 =	vcmask $0x3F20;
	v0 =	vimm.s32 $0x4;
	v1 =	vimm.s32 $0x0;
	s5 =	sadd.s32 $0x57C00, s6;
	[sflag:s8] =	ssyncpa.u1 $0x0;
	s9 =	simm.s32 @!p0 $0x0  }
0xe: {  	v2 =	vimm.s32 $0x1;
	v3 =	vimm.s32 $0x2;
	v4 =	vimm.s32 $0x3;
	s6 =	sadd.s32 $0x2C2200, s6;
	[sflag:s10] =	ssyncpa.u1 $0x0;
	s9 =	sshrl.u32 s9, $0x8  }
0xf: {  	v5 =	vimm.s32 $0x5;
	v6 =	vimm.s32 $0x6;
	v7 =	vimm.s32 $0x7;
	s15 =	smov.u32 s2;
	p0 =	por $0x0, $0x0;
	s10 =	sadd.s32 $0x2, s9  }
.LBB2_11:
0x10: {  	p1 =	slt.u32 s16, $0x3  }
0x11: {  	s17 =	simm.s32 @!p1 $0x3  }
0x12: {  	_ =	swait.ge @!p1 [sflag:s17], $0x4000  }
0x13: {  	[sflag:s17] =	ssyncset.done @!p1 $0x0  }
0x14: {  	[sflag:s17] =	ssyncadd.s32 @!p1 $0xFFFFC000;
	p1 =	sne.s32 s16, s10  }
.Ltmp1:
0x15: {  	s18 =	sadd.s32 $0x100, s15;
	(pc) =	sbr.rel @!p1 .LBB2_12-.Ltmp1, $4  }
0x16: {  	s19 =	smov.u32 s2;
	s31 =	sadd.s32 $0x1, s16;
	s11 =	sadd.s32 $0x10000, s11  }
0x17: {  	s13 =	sadd.s32 $0x100, s13;
	s12 =	sadd.s32 $0x1, s12;
	p2 =	slt.s32 s18, s3  }
0x18: {  	p0 =	por !p0, !p0;
	s19 =	smov.u32 @p2 s18;
	s17 =	smov.u32 s14  }
0x19: {  	s14 =	smov.u32 s15;
	s15 =	smov.u32 s19;
	s16 =	smov.u32 s31  }
.LBB2_1:
0x1a: {  	p1 =	sge.u32 s16, s9  }
0x1b: {  	s18 =	smulhi.u32 @!p1 $0xAAAAAAAB, s16;
	_ =	sdelay $0x1  }
0x1c: {  	s18 =	sshrl.u32 @!p1 s18, $0x1  }
0x1d: {  	s18 =	smul.u32 @!p1 $0x3, s18;
	_ =	sdelay $0x1  }
0x1e: {  	s31 =	sadd.s32 $0xFFFFFFFF, s16;
	s19 =	sshrl.u32 @!p1 s15, $0x3;
	s18 =	ssub.s32 @!p1 s16, s18  }
0x1f: {  	s20 =	sand.u32 @!p1 $0x7, s15;
	s19 =	sadd.s32 @!p1 s5, s19;
	s18 =	sshll.u32 @!p1 s18, $0x8  }
0x20: {  	[tilespmem:s18], [sflag:$0x1] =	stream.linear.gather @!p1 [hbm4b:s19+s20], $0x100, $0x38;
	[tilespmem:$0x18300] =	vst v63  }
0x21: {  	p1 =	sge.u32 s31, s9  }
.Ltmp2:
0x22: {  	_ = 	snop;
	(pc) =	sbr.rel @p1 .LBB2_5-.Ltmp2, $1  }
0x23: {  	_ =	sdelay $0x3  }
0x24: {  	s18 =	smulhi.u32 $0xAAAAAAAB, s12;
	_ =	sdelay $0x1  }
0x25: {  	s18 =	sshrl.u32 s18, $0x1  }
0x26: {  	s18 =	smul.u32 $0xFFFFF400, s18;
	_ =	sdelay $0x1  }
0x27: {  	_ =	swait.ge [sflag:s7], $0x100;
	s18 =	sshra.s32 s18, $0x2  }
0x28: {  	[sflag:s7] =	ssyncset.done $0x0;
	s18 =	sadd.s32 s18, s13  }
0x29: {  	[sflag:s7] =	ssyncadd.s32 $0xFFFFFF00;
	s19 =	sadd.s32 $0xFFFFFF00, s18  }
0x2a: {  	v8 =	vld.msk [tilespmem:s19+$0x0 ss:$0x1], $0xffff;
	_ =	sdelay $0x4  }
0x2b: {  	vm2 =	vgt.s32 v8, $0x0  }
0x2c: {  	v8 =	vnsel vm2, $0x0, v8  }
0x2d: {  	v9 =	vmin.u32 v8, $0x102BFF  }
0x2e: {  	v8 =	vmov s18;
	v10 =	vshll.u32 v9, $0x3  }
0x2f: {  	v10 =	vand.u32 $0xFFFFF0, v10  }
0x30: {  	s30 =	sshrl.u32 s11, $0x1  }
0x31: {  	s19 =	sand.u32 $0x8000, s30  }
0x32: {  	s20 =	simm.s32 $0xFFFFFF00;
	s19 =	sor.u32 $0x700, s19;
	v9 =	vand.u32 $0x1, v9  }
0x33: {  	s21 =	sadd.s32 $0xFFFFFC00, s19;
	[tilespmem:v8+s20+$0x0 ss:$0x1] =	vst.idx.msk $0xffff, v9  }
0x34: {  	[tilespmem:s21], [sflag:$0x2] =	stream.indirect_vreg.gather [hbm:s4], $0x80, v10, vm0, $0x38;
	[tilespmem:$0x18300] =	vst v63  }
0x35: {  	s31 =	sadd.s32 $0xFFFFFF10, s18  }
0x36: {  	[tilespmem:s19], [sflag:$0x2] =	stream.indirect_vreg.gather [hbm:s4], $0x80, v10, vm1, $0x38;
	[tilespmem:$0x18300] =	vst v63  }
0x37: {  	s20 =	simm.s32 $0xFFFFFF10;
	s21 =	simm.s32 $0xFFFFFC80;
	v9 =	vld.msk [tilespmem:s31+$0x0 ss:$0x1], $0xffff  }
.LBB2_3:
0x38: {  	p1 =	sne.s32 s21, $0xFFFFFFC0;
	_ =	sdelay $0x4  }
0x39: {  	vm2 =	vgt.s32 v9, $0x0  }
0x3a: {  	v9 =	vnsel vm2, $0x0, v9  }
0x3b: {  	v9 =	vmin.u32 v9, $0x102BFF  }
0x3c: {  	v10 =	vshll.u32 v9, $0x3  }
0x3d: {  	v10 =	vand.u32 $0xFFFFF0, v10;
	_ =	sdelay $0x2  }
0x3e: {  	s19 =	sadd.s32 $0x800, s19  }
.Ltmp3:
0x3f: {  	s22 =	sshra.s32 s21, $0x2;
	s23 =	sadd.s32 $0xFFFFFC00, s19;
	v9 =	vand.u32 $0x1, v9;
	(pc) =	sbr.rel @p1 .LBB2_3-.Ltmp3, $4  }
0x40: {  	[tilespmem:v8+s20+$0x0 ss:$0x1] =	vst.idx.msk $0xffff, v9;
	[tilespmem:s23], [sflag:$0x2] =	stream.indirect_vreg.gather [hbm:s4], $0x80, v10, vm0, $0x38  }
0x41: {  	s23 =	sadd.s32 s22, s18;
	s20 =	smov.u32 s22  }
0x42: {  	[tilespmem:s19], [sflag:$0x2] =	stream.indirect_vreg.gather [hbm:s4], $0x80, v10, vm1, $0x38;
	[tilespmem:$0x18300] =	vst v63  }
0x43: {  	s21 =	sadd.s32 $0x40, s21;
	v9 =	vld.msk [tilespmem:s23+$0x0 ss:$0x1], $0xffff  }
0x44: {  	_ =	sdelay $0x3  }
0x45: {  	vm2 =	vgt.s32 v9, $0x0  }
0x46: {  	v9 =	vnsel vm2, $0x0, v9  }
0x47: {  	v9 =	vmin.u32 v9, $0x102BFF  }
0x48: {  	v10 =	vshll.u32 v9, $0x3  }
0x49: {  	v10 =	vand.u32 $0xFFFFF0, v10;
	_ =	sdelay $0x2  }
0x4a: {  	s18 =	sadd.s32 $0x800, s19;
	v9 =	vand.u32 $0x1, v9  }
0x4b: {  	s19 =	sadd.s32 $0xFFFFFC00, s18;
	[tilespmem:v8+s20+$0x0 ss:$0x1] =	vst.idx.msk $0xffff, v9  }
0x4c: {  	[tilespmem:s19], [sflag:$0x2] =	stream.indirect_vreg.gather [hbm:s4], $0x80, v10, vm0, $0x38;
	[tilespmem:$0x18300] =	vst v63  }
0x4d: {  	_ = 	snop  }
0x4e: {  	[tilespmem:s18], [sflag:$0x2] =	stream.indirect_vreg.gather [hbm:s4], $0x80, v10, vm1, $0x38;
	[tilespmem:$0x18300] =	vst v63  }
.LBB2_5:
0x4f: {  	p1 =	slt.u32 s16, $0x2  }
0x50: {  	p2 =	sge.u32 @!p1 s16, s10  }
0x51: {  	p1 =	por p1, p2  }
.Ltmp4:
0x52: {  	_ = 	snop;
	(pc) =	sbr.rel @p1 .LBB2_11-.Ltmp4, $1  }
0x53: {  	_ =	sdelay $0x3  }
0x54: {  	s19 =	sadd.s32 $0xFFFFFFFE, s16  }
0x55: {  	s18 =	smulhi.u32 $0xAAAAAAAB, s19  }
0x56: {  	s20 =	simm.s32 $0x1;
	s30 =	sand.u32 $0x1, s16  }
0x57: {  	_ =	swait.ge [sflag:s8], $0x8000;
	s20 =	simm.s32 @!p0 $0x0;
	s18 =	sshrl.u32 s18, $0x1  }
0x58: {  	s31 =	sshll.u32 s30, $0xF;
	[sflag:s8] =	ssyncset.done $0x0;
	s21 =	smul.u32 $0x3, s18  }
0x59: {  	s29 =	sshll.u32 s20, $0xE;
	s20 =	sshll.u32 s30, $0xE;
	[sflag:s8] =	ssyncadd.s32 $0xFFFF8000  }
0x5a: {  	s22 =	sor.u32 $0x10300, s20;
	s19 =	ssub.s32 s19, s21;
	s21 =	sor.u32 $0x300, s31  }
0x5b: {  	s20 =	simm.s32 $0x0;
	s18 =	sor.u32 $0x10300, s29;
	v9 =	vmov s22;
	s19 =	sshll.u32 s19, $0x8;
	v8 =	vmov s21  }
.LBB2_7:
0x5c: {  	s21 =	sshll.u32 s20, $0x3  }
0x5d: {  	s21 =	sand.u32 $0x3FFFFFF8, s21  }
0x5e: {  	s21 =	sadd.s32 s21, s19  }
0x5f: {  	v10 =	vld.msk [tilespmem:s21+$0x0 ss:$0x1], $0xff  }
0x60: {  	s26 =	sshll.u32 s20, $0xA  }
0x61: {  	s23 =	sand.u32 $0x3FFFFC00, s26  }
0x62: {  	v11 =	vld.idx.msk [tilespmem:v8+s23+$0x0 ss:$0x1], $0xffff  }
0x63: {  	v12 =	vld.idx.msk [tilespmem:v8+s23+$0x80 ss:$0x1], $0xffff  }
0x64: {  	v10 =	vshll.u32 v10, $0x4  }
0x65: {  	v13 =	vperm.xlane v10, v2  }
0x66: {  	v15 =	vperm.xlane v10, v1  }
0x67: {  	v20 =	vsub.s32 $0x10, v13  }
0x68: {  	v11 =	vshrl.u32 v11, v15;
	v12 =	vshll.u32 v12, v20  }
0x69: {  	s28 =	sshll.u32 s20, $0x9;
	v14 =	vld.idx.msk [tilespmem:v8+s23+$0x10 ss:$0x1], $0xffff;
	v11 =	vand.u32 $0xFFFF, v11;
	v12 =	vand.u32 $0xFFFF0000, v12  }
0x6a: {  	v17 =	vld.idx.msk [tilespmem:v8+s23+$0x90 ss:$0x1], $0xffff;
	s21 =	sand.u32 $0x3FFFFE00, s28;
	v11 =	vor.u32 v11, v12  }
0x6b: {  	v63 =	vld.idx.msk [tilespmem:v8+s23+$0x20 ss:$0x1], $0xffff;
	[tilespmem:v9+s21+$0x0 ss:$0x1] =	vst.idx.msk $0xffff, v11  }
0x6c: {  	v59 =	vld.idx.msk [tilespmem:v8+s23+$0x100 ss:$0x1], $0xffff  }
0x6d: {  	v60 =	vld.idx.msk [tilespmem:v8+s23+$0x180 ss:$0x1], $0xffff  }
0x6e: {  	v25 =	vld.idx.msk [tilespmem:v8+s23+$0xA0 ss:$0x1], $0xffff  }
0x6f: {  	v23 =	vld.idx.msk [tilespmem:v8+s23+$0x30 ss:$0x1], $0xffff;
	v16 =	vperm.xlane v10, v4  }
0x70: {  	v33 =	vld.idx.msk [tilespmem:v8+s23+$0x40 ss:$0x1], $0xffff;
	v11 =	vperm.xlane v10, v3  }
0x71: {  	v38 =	vld.idx.msk [tilespmem:v8+s23+$0x50 ss:$0x1], $0xffff;
	v19 =	vsub.s32 $0x10, v16  }
0x72: {  	v53 =	vld.idx.msk [tilespmem:v8+s23+$0x60 ss:$0x1], $0xffff;
	v61 =	vshrl.u32 v14, v15;
	v12 =	vshrl.u32 v59, v11;
	v13 =	vshll.u32 v60, v19  }
0x73: {  	v54 =	vld.idx.msk [tilespmem:v8+s23+$0xE0 ss:$0x1], $0xffff;
	v62 =	vshll.u32 v17, v20;
	v12 =	vand.u32 $0xFFFF, v12;
	v13 =	vand.u32 $0xFFFF0000, v13  }
0x74: {  	v56 =	vld.idx.msk [tilespmem:v8+s23+$0x70 ss:$0x1], $0xffff;
	v18 =	vand.u32 $0xFFFF, v61;
	v24 =	vand.u32 $0xFFFF0000, v62;
	v12 =	vor.u32 v12, v13  }
0x75: {  	[tilespmem:v9+s21+$0x80 ss:$0x1] =	vst.idx.msk $0xffff, v12;
	v12 =	vor.u32 v18, v24;
	v24 =	vld.idx.msk [tilespmem:v8+s23+$0xB0 ss:$0x1], $0xffff  }
0x76: {  	v21 =	vld.idx.msk [tilespmem:v8+s23+$0x200 ss:$0x1], $0xffff  }
0x77: {  	v16 =	vshrl.u32 v63, v15;
	v14 =	vshll.u32 v25, v20;
	v26 =	vld.idx.msk [tilespmem:v8+s23+$0x280 ss:$0x1], $0xffff  }
0x78: {  	v57 =	vld.idx.msk [tilespmem:v8+s23+$0xF0 ss:$0x1], $0xffff;
	v16 =	vand.u32 $0xFFFF, v16;
	v14 =	vand.u32 $0xFFFF0000, v14;
	[tilespmem:v9+s21+$0x10 ss:$0x1] =	vst.idx.msk $0xffff, v12  }
0x79: {  	v14 =	vor.u32 v16, v14;
	v18 =	vperm.xlane v10, v5;
	v12 =	vld.idx.msk [tilespmem:v8+s23+$0x110 ss:$0x1], $0xffff  }
0x7a: {  	v36 =	vshrl.u32 v23, v15;
	v17 =	vperm.xlane v10, v0;
	[tilespmem:v9+s21+$0x20 ss:$0x1] =	vst.idx.msk $0xffff, v14;
	v22 =	vld.idx.msk [tilespmem:v8+s23+$0x190 ss:$0x1], $0xffff  }
0x7b: {  	v46 =	vshrl.u32 v38, v15;
	v39 =	vand.u32 $0xFFFF, v36;
	v29 =	vld.idx.msk [tilespmem:v8+s23+$0x120 ss:$0x1], $0xffff;
	v18 =	vsub.s32 $0x10, v18  }
0x7c: {  	s22 =	sor.u32 $0x1, s20;
	v31 =	vld.idx.msk [tilespmem:v8+s23+$0x1A0 ss:$0x1], $0xffff;
	v37 =	vshll.u32 v24, v20;
	v21 =	vshrl.u32 v21, v17;
	v13 =	vshll.u32 v26, v18  }
0x7d: {  	s29 =	sshll.u32 s22, $0xA;
	v25 =	vld.idx.msk [tilespmem:v8+s23+$0xC0 ss:$0x1], $0xffff;
	v23 =	vand.u32 $0xFFFF0000, v37;
	v27 =	vand.u32 $0xFFFF, v21;
	v13 =	vand.u32 $0xFFFF0000, v13  }
0x7e: {  	s25 =	sand.u32 $0x3FFFFC00, s29;
	v12 =	vshrl.u32 v12, v11;
	v23 =	vor.u32 v39, v23;
	v13 =	vor.u32 v27, v13;
	v27 =	vld.idx.msk [tilespmem:v8+s23+$0xD0 ss:$0x1], $0xffff  }
0x7f: {  	v28 =	vshll.u32 v22, v19;
	[tilespmem:v9+s21+$0x30 ss:$0x1] =	vst.idx.msk $0xffff, v23;
	v23 =	vand.u32 $0xFFFF, v46;
	v46 =	vld.idx.msk [tilespmem:v8+s25+$0x10 ss:$0x1], $0xffff  }
0x80: {  	v16 =	vshrl.u32 v29, v11;
	v30 =	vand.u32 $0xFFFF, v12;
	v14 =	vand.u32 $0xFFFF0000, v28;
	v28 =	vld.idx.msk [tilespmem:v8+s23+$0x130 ss:$0x1], $0xffff  }
0x81: {  	v21 =	vshll.u32 v31, v19;
	[tilespmem:v9+s21+$0x100 ss:$0x1] =	vst.idx.msk $0xffff, v13;
	v14 =	vor.u32 v30, v14;
	v43 =	vld.idx.msk [tilespmem:v8+s23+$0x1B0 ss:$0x1], $0xffff  }
0x82: {  	v16 =	vand.u32 $0xFFFF, v16;
	v21 =	vand.u32 $0xFFFF0000, v21;
	v12 =	vld.idx.msk [tilespmem:v8+s23+$0x300 ss:$0x1], $0xffff;
	[tilespmem:v9+s21+$0x90 ss:$0x1] =	vst.idx.msk $0xffff, v14  }
0x83: {  	v16 =	vor.u32 v16, v21;
	v14 =	vld.idx.msk [tilespmem:v8+s23+$0x210 ss:$0x1], $0xffff  }
0x84: {  	v25 =	vshll.u32 v25, v20;
	v21 =	vshrl.u32 v33, v15;
	[tilespmem:v9+s21+$0xA0 ss:$0x1] =	vst.idx.msk $0xffff, v16;
	v32 =	vld.idx.msk [tilespmem:v8+s23+$0x290 ss:$0x1], $0xffff  }
0x85: {  	v40 =	vand.u32 $0xFFFF0000, v25;
	v21 =	vand.u32 $0xFFFF, v21;
	v35 =	vld.idx.msk [tilespmem:v8+s23+$0x220 ss:$0x1], $0xffff  }
0x86: {  	v26 =	vld.idx.msk [tilespmem:v8+s23+$0x2A0 ss:$0x1], $0xffff;
	v21 =	vor.u32 v21, v40  }
0x87: {  	s24 =	sshll.u32 s22, $0x3;
	v13 =	vld.idx.msk [tilespmem:v8+s23+$0x380 ss:$0x1], $0xffff;
	[tilespmem:v9+s21+$0x40 ss:$0x1] =	vst.idx.msk $0xffff, v21;
	v47 =	vshll.u32 v27, v20  }
0x88: {  	s24 =	sand.u32 $0x3FFFFFF8, s24;
	v45 =	vld.idx.msk [tilespmem:v8+s23+$0x140 ss:$0x1], $0xffff;
	v24 =	vand.u32 $0xFFFF0000, v47  }
0x89: {  	s24 =	sadd.s32 s24, s19;
	v48 =	vld.idx.msk [tilespmem:v8+s23+$0x1C0 ss:$0x1], $0xffff;
	v50 =	vshll.u32 v43, v19;
	v23 =	vor.u32 v23, v24  }
0x8a: {  	v49 =	vshrl.u32 v28, v11;
	v43 =	vld.msk [tilespmem:s24+$0x0 ss:$0x1], $0xff;
	v24 =	vand.u32 $0xFFFF0000, v50;
	v14 =	vshrl.u32 v14, v17;
	[tilespmem:v9+s21+$0x50 ss:$0x1] =	vst.idx.msk $0xffff, v23  }
0x8b: {  	v34 =	vshll.u32 v32, v18;
	v22 =	vshrl.u32 v35, v17;
	v41 =	vshll.u32 v26, v18;
	v51 =	vld.idx.msk [tilespmem:v8+s23+$0x150 ss:$0x1], $0xffff  }
0x8c: {  	v23 =	vand.u32 $0xFFFF, v49;
	v22 =	vand.u32 $0xFFFF, v22;
	v42 =	vand.u32 $0xFFFF0000, v41;
	v52 =	vld.idx.msk [tilespmem:v8+s23+$0x1D0 ss:$0x1], $0xffff  }
0x8d: {  	v23 =	vor.u32 v23, v24;
	v44 =	vor.u32 v22, v42;
	v22 =	vshrl.u32 v45, v11;
	v45 =	vld.idx.msk [tilespmem:v8+s25+$0x80 ss:$0x1], $0xffff  }
0x8e: {  	v14 =	vand.u32 $0xFFFF, v14;
	v16 =	vand.u32 $0xFFFF0000, v34;
	v21 =	vshll.u32 v48, v19;
	[tilespmem:v9+s21+$0xB0 ss:$0x1] =	vst.idx.msk $0xffff, v23;
	v48 =	vld.idx.msk [tilespmem:v8+s25+$0x90 ss:$0x1], $0xffff  }
0x8f: {  	v14 =	vor.u32 v14, v16;
	v29 =	vld.idx.msk [tilespmem:v8+s23+$0x230 ss:$0x1], $0xffff  }
0x90: {  	[tilespmem:v9+s21+$0x110 ss:$0x1] =	vst.idx.msk $0xffff, v14;
	v55 =	vld.idx.msk [tilespmem:v8+s23+$0x2B0 ss:$0x1], $0xffff  }
0x91: {  	[tilespmem:v9+s21+$0x120 ss:$0x1] =	vst.idx.msk $0xffff, v44;
	v44 =	vld.idx.msk [tilespmem:v8+s25+$0x0 ss:$0x1], $0xffff  }
0x92: {  	v16 =	vld.idx.msk [tilespmem:v8+s23+$0x310 ss:$0x1], $0xffff  }
0x93: {  	v22 =	vand.u32 $0xFFFF, v22;
	v21 =	vand.u32 $0xFFFF0000, v21;
	v14 =	vld.idx.msk [tilespmem:v8+s23+$0x390 ss:$0x1], $0xffff  }
0x94: {  	v24 =	vshrl.u32 v53, v15;
	v23 =	vshll.u32 v54, v20;
	v27 =	vld.idx.msk [tilespmem:v8+s23+$0x320 ss:$0x1], $0xffff;
	v21 =	vor.u32 v22, v21  }
0x95: {  	v24 =	vand.u32 $0xFFFF, v24;
	v23 =	vand.u32 $0xFFFF0000, v23;
	v26 =	vld.idx.msk [tilespmem:v8+s23+$0x3A0 ss:$0x1], $0xffff;
	[tilespmem:v9+s21+$0xC0 ss:$0x1] =	vst.idx.msk $0xffff, v21  }
0x96: {  	v15 =	vshrl.u32 v56, v15;
	v20 =	vshll.u32 v57, v20;
	v23 =	vor.u32 v24, v23;
	v21 =	vld.idx.msk [tilespmem:v8+s23+$0x240 ss:$0x1], $0xffff  }
0x97: {  	v15 =	vand.u32 $0xFFFF, v15;
	v20 =	vand.u32 $0xFFFF0000, v20;
	[tilespmem:v9+s21+$0x60 ss:$0x1] =	vst.idx.msk $0xffff, v23;
	v30 =	vld.idx.msk [tilespmem:v8+s23+$0x2C0 ss:$0x1], $0xffff  }
0x98: {  	v15 =	vor.u32 v15, v20;
	v61 =	vld.idx.msk [tilespmem:v8+s23+$0x160 ss:$0x1], $0xffff  }
0x99: {  	[tilespmem:v9+s21+$0x70 ss:$0x1] =	vst.idx.msk $0xffff, v15;
	v25 =	vshrl.u32 v51, v11;
	v28 =	vshll.u32 v52, v19;
	v63 =	vld.idx.msk [tilespmem:v8+s23+$0x1E0 ss:$0x1], $0xffff  }
0x9a: {  	v39 =	vld.idx.msk [tilespmem:v8+s23+$0x170 ss:$0x1], $0xffff;
	v25 =	vand.u32 $0xFFFF, v25;
	v28 =	vand.u32 $0xFFFF0000, v28  }
0x9b: {  	v42 =	vld.idx.msk [tilespmem:v8+s23+$0x1F0 ss:$0x1], $0xffff;
	v25 =	vor.u32 v25, v28;
	v29 =	vshrl.u32 v29, v17;
	v22 =	vshll.u32 v55, v18  }
0x9c: {  	v51 =	vld.idx.msk [tilespmem:v8+s25+$0x20 ss:$0x1], $0xffff;
	[tilespmem:v9+s21+$0xD0 ss:$0x1] =	vst.idx.msk $0xffff, v25;
	v58 =	vand.u32 $0xFFFF, v29;
	v22 =	vand.u32 $0xFFFF0000, v22  }
0x9d: {  	v31 =	vld.idx.msk [tilespmem:v8+s23+$0x250 ss:$0x1], $0xffff;
	v22 =	vor.u32 v58, v22;
	v21 =	vshrl.u32 v21, v17;
	v60 =	vshll.u32 v30, v18  }
0x9e: {  	v59 =	vld.idx.msk [tilespmem:v8+s23+$0x2D0 ss:$0x1], $0xffff;
	[tilespmem:v9+s21+$0x130 ss:$0x1] =	vst.idx.msk $0xffff, v22;
	v21 =	vand.u32 $0xFFFF, v21;
	v62 =	vand.u32 $0xFFFF0000, v60  }
0x9f: {  	v37 =	vshrl.u32 v61, v11;
	v38 =	vshll.u32 v63, v19;
	v33 =	vld.idx.msk [tilespmem:v8+s23+$0x330 ss:$0x1], $0xffff;
	v21 =	vor.u32 v21, v62  }
0xa0: {  	v32 =	vld.idx.msk [tilespmem:v8+s23+$0x3B0 ss:$0x1], $0xffff;
	v40 =	vand.u32 $0xFFFF, v37;
	v41 =	vand.u32 $0xFFFF0000, v38;
	[tilespmem:v9+s21+$0x140 ss:$0x1] =	vst.idx.msk $0xffff, v21  }
0xa1: {  	v11 =	vshrl.u32 v39, v11;
	v19 =	vshll.u32 v42, v19;
	v20 =	vor.u32 v40, v41;
	v30 =	vld.idx.msk [tilespmem:v8+s23+$0x340 ss:$0x1], $0xffff  }
0xa2: {  	v23 =	vand.u32 $0xFFFF, v11;
	v19 =	vand.u32 $0xFFFF0000, v19;
	v11 =	vshll.u32 v43, $0x4;
	[tilespmem:v9+s21+$0xE0 ss:$0x1] =	vst.idx.msk $0xffff, v20;
	v28 =	vld.idx.msk [tilespmem:v8+s23+$0x3C0 ss:$0x1], $0xffff  }
0xa3: {  	v19 =	vor.u32 v23, v19;
	v47 =	vperm.xlane v11, v2;
	v39 =	vperm.xlane v11, v1;
	v20 =	vld.idx.msk [tilespmem:v8+s23+$0x260 ss:$0x1], $0xffff  }
0xa4: {  	[tilespmem:v9+s21+$0xF0 ss:$0x1] =	vst.idx.msk $0xffff, v19;
	v25 =	vshrl.u32 v31, v17;
	v35 =	vshll.u32 v59, v18;
	v49 =	vld.idx.msk [tilespmem:v8+s23+$0x2E0 ss:$0x1], $0xffff  }
0xa5: {  	v19 =	vld.idx.msk [tilespmem:v8+s23+$0x270 ss:$0x1], $0xffff;
	v40 =	vsub.s32 $0x10, v47;
	v34 =	vand.u32 $0xFFFF, v25;
	v36 =	vand.u32 $0xFFFF0000, v35  }
0xa6: {  	v50 =	vshrl.u32 v44, v39;
	v54 =	vld.idx.msk [tilespmem:v8+s23+$0x2F0 ss:$0x1], $0xffff;
	v22 =	vshll.u32 v45, v40;
	v15 =	vor.u32 v34, v36  }
0xa7: {  	s22 =	sshll.u32 s22, $0x9;
	v23 =	vand.u32 $0xFFFF, v50;
	v22 =	vand.u32 $0xFFFF0000, v22;
	v34 =	vld.idx.msk [tilespmem:v8+s25+$0xA0 ss:$0x1], $0xffff;
	[tilespmem:v9+s21+$0x150 ss:$0x1] =	vst.idx.msk $0xffff, v15  }
0xa8: {  	s22 =	sand.u32 $0x3FFFFE00, s22;
	v21 =	vshrl.u32 v46, v39;
	v52 =	vshll.u32 v48, v40;
	v22 =	vor.u32 v23, v22;
	v15 =	vld.idx.msk [tilespmem:v8+s23+$0x350 ss:$0x1], $0xffff  }
0xa9: {  	v21 =	vand.u32 $0xFFFF, v21;
	v55 =	vand.u32 $0xFFFF0000, v52;
	v25 =	vld.idx.msk [tilespmem:v8+s23+$0x3D0 ss:$0x1], $0xffff;
	[tilespmem:v9+s22+$0x0 ss:$0x1] =	vst.idx.msk $0xffff, v22  }
0xaa: {  	v21 =	vor.u32 v21, v55;
	v57 =	vld.idx.msk [tilespmem:v8+s25+$0x100 ss:$0x1], $0xffff  }
0xab: {  	[tilespmem:v9+s22+$0x10 ss:$0x1] =	vst.idx.msk $0xffff, v21;
	v58 =	vld.idx.msk [tilespmem:v8+s25+$0x180 ss:$0x1], $0xffff  }
0xac: {  	v35 =	vld.idx.msk [tilespmem:v8+s25+$0x110 ss:$0x1], $0xffff  }
0xad: {  	v62 =	vperm.xlane v11, v4;
	v20 =	vshrl.u32 v20, v17;
	v53 =	vshll.u32 v49, v18;
	v63 =	vld.idx.msk [tilespmem:v8+s25+$0x190 ss:$0x1], $0xffff  }
0xae: {  	v18 =	vshll.u32 v54, v18;
	v54 =	vld.idx.msk [tilespmem:v8+s25+$0xB0 ss:$0x1], $0xffff;
	v20 =	vand.u32 $0xFFFF, v20;
	v56 =	vand.u32 $0xFFFF0000, v53  }
0xaf: {  	v60 =	vshrl.u32 v51, v39;
	v59 =	vshrl.u32 v19, v17;
	v53 =	vld.idx.msk [tilespmem:v8+s25+$0x30 ss:$0x1], $0xffff;
	v20 =	vor.u32 v20, v56  }
0xb0: {  	v21 =	vand.u32 $0xFFFF, v59;
	v18 =	vand.u32 $0xFFFF0000, v18;
	v61 =	vshll.u32 v34, v40;
	v56 =	vld.idx.msk [tilespmem:v8+s25+$0x40 ss:$0x1], $0xffff;
	[tilespmem:v9+s21+$0x160 ss:$0x1] =	vst.idx.msk $0xffff, v20  }
0xb1: {  	v34 =	vand.u32 $0xFFFF, v60;
	v18 =	vor.u32 v21, v18;
	v19 =	vand.u32 $0xFFFF0000, v61;
	v17 =	vld.idx.msk [tilespmem:v8+s23+$0x360 ss:$0x1], $0xffff  }
0xb2: {  	v37 =	vperm.xlane v11, v3;
	[tilespmem:v9+s21+$0x170 ss:$0x1] =	vst.idx.msk $0xffff, v18;
	v23 =	vor.u32 v34, v19;
	v19 =	vld.idx.msk [tilespmem:v8+s23+$0x3E0 ss:$0x1], $0xffff  }
0xb3: {  	v38 =	vsub.s32 $0x10, v62;
	v24 =	vld.idx.msk [tilespmem:v8+s23+$0x3F0 ss:$0x1], $0xffff  }
0xb4: {  	[tilespmem:v9+s22+$0x20 ss:$0x1] =	vst.idx.msk $0xffff, v23;
	v36 =	vshrl.u32 v57, v37;
	v41 =	vshll.u32 v58, v38;
	v23 =	vld.idx.msk [tilespmem:v8+s23+$0x370 ss:$0x1], $0xffff  }
0xb5: {  	v42 =	vld.idx.msk [tilespmem:v8+s25+$0x120 ss:$0x1], $0xffff;
	v43 =	vand.u32 $0xFFFF, v36;
	v44 =	vand.u32 $0xFFFF0000, v41  }
0xb6: {  	v46 =	vshrl.u32 v35, v37;
	v47 =	vshll.u32 v63, v38;
	v45 =	vld.idx.msk [tilespmem:v8+s25+$0x1A0 ss:$0x1], $0xffff;
	v18 =	vor.u32 v43, v44  }
0xb7: {  	v48 =	vand.u32 $0xFFFF, v46;
	v49 =	vand.u32 $0xFFFF0000, v47;
	v43 =	vld.idx.msk [tilespmem:v8+s25+$0xC0 ss:$0x1], $0xffff;
	[tilespmem:v9+s22+$0x80 ss:$0x1] =	vst.idx.msk $0xffff, v18  }
0xb8: {  	v18 =	vor.u32 v48, v49;
	v50 =	vld.idx.msk [tilespmem:v8+s25+$0x200 ss:$0x1], $0xffff  }
0xb9: {  	v52 =	vperm.xlane v11, v5;
	v51 =	vld.idx.msk [tilespmem:v8+s25+$0x280 ss:$0x1], $0xffff;
	[tilespmem:v9+s22+$0x90 ss:$0x1] =	vst.idx.msk $0xffff, v18  }
0xba: {  	v34 =	vperm.xlane v11, v0;
	v18 =	vld.idx.msk [tilespmem:v8+s25+$0x210 ss:$0x1], $0xffff  }
0xbb: {  	v35 =	vsub.s32 $0x10, v52;
	v63 =	vperm.xlane v10, v7;
	v10 =	vperm.xlane v10, v6;
	v36 =	vld.idx.msk [tilespmem:v8+s25+$0x290 ss:$0x1], $0xffff  }
0xbc: {  	v58 =	vshrl.u32 v53, v39;
	v47 =	vld.idx.msk [tilespmem:v8+s25+$0x70 ss:$0x1], $0xffff;
	v22 =	vshrl.u32 v42, v37;
	v21 =	vshll.u32 v45, v38  }
0xbd: {  	v59 =	vand.u32 $0xFFFF, v58;
	v58 =	vld.idx.msk [tilespmem:v8+s25+$0x60 ss:$0x1], $0xffff;
	v22 =	vand.u32 $0xFFFF, v22;
	v21 =	vand.u32 $0xFFFF0000, v21  }
0xbe: {  	v45 =	vld.idx.msk [tilespmem:v8+s25+$0xD0 ss:$0x1], $0xffff;
	v21 =	vor.u32 v22, v21;
	v29 =	vshrl.u32 v50, v34;
	v20 =	vshll.u32 v51, v35  }
0xbf: {  	[tilespmem:v9+s22+$0xA0 ss:$0x1] =	vst.idx.msk $0xffff, v21;
	v50 =	vshrl.u32 v56, v39;
	v51 =	vshll.u32 v43, v40;
	v29 =	vand.u32 $0xFFFF, v29  }
0xc0: {  	v41 =	vld.idx.msk [tilespmem:v8+s25+$0x220 ss:$0x1], $0xffff;
	v20 =	vand.u32 $0xFFFF0000, v20;
	v18 =	vshrl.u32 v18, v34;
	v55 =	vshll.u32 v36, v35  }
0xc1: {  	v42 =	vld.idx.msk [tilespmem:v8+s25+$0x2A0 ss:$0x1], $0xffff;
	v20 =	vor.u32 v29, v20;
	v18 =	vand.u32 $0xFFFF, v18;
	v57 =	vand.u32 $0xFFFF0000, v55  }
0xc2: {  	v53 =	vand.u32 $0xFFFF, v50;
	v44 =	vand.u32 $0xFFFF0000, v51;
	[tilespmem:v9+s22+$0x100 ss:$0x1] =	vst.idx.msk $0xffff, v20;
	v18 =	vor.u32 v18, v57;
	v57 =	vld.idx.msk [tilespmem:v8+s25+$0x50 ss:$0x1], $0xffff  }
0xc3: {  	s30 =	sor.u32 $0x2, s20;
	v12 =	vshrl.u32 v12, v10;
	v21 =	vshll.u32 v54, v40;
	v54 =	vor.u32 v53, v44;
	v31 =	vld.idx.msk [tilespmem:v8+s25+$0x300 ss:$0x1], $0xffff  }
0xc4: {  	s31 =	sshll.u32 s30, $0x3;
	v27 =	vshrl.u32 v27, v10;
	v36 =	vsub.s32 $0x10, v63;
	[tilespmem:v9+s22+$0x40 ss:$0x1] =	vst.idx.msk $0xffff, v54;
	v29 =	vld.idx.msk [tilespmem:v8+s25+$0x380 ss:$0x1], $0xffff  }
0xc5: {  	s24 =	sand.u32 $0x3FFFFFF8, s31;
	v60 =	vand.u32 $0xFFFF0000, v21;
	v13 =	vshll.u32 v13, v36;
	v55 =	vshrl.u32 v16, v10;
	v56 =	vld.idx.msk [tilespmem:v8+s25+$0x1C0 ss:$0x1], $0xffff  }
0xc6: {  	s24 =	sadd.s32 s24, s19;
	v12 =	vand.u32 $0xFFFF, v12;
	v13 =	vand.u32 $0xFFFF0000, v13;
	[tilespmem:v9+s22+$0x110 ss:$0x1] =	vst.idx.msk $0xffff, v18;
	v18 =	vor.u32 v59, v60;
	v60 =	vld.idx.msk [tilespmem:v8+s25+$0xE0 ss:$0x1], $0xffff  }
0xc7: {  	v33 =	vshrl.u32 v33, v10;
	v12 =	vor.u32 v12, v13;
	v13 =	vand.u32 $0xFFFF, v55;
	v55 =	vld.msk [tilespmem:s24+$0x0 ss:$0x1], $0xff  }
0xc8: {  	v30 =	vshrl.u32 v30, v10;
	v15 =	vshrl.u32 v15, v10;
	v22 =	vld.idx.msk [tilespmem:v8+s25+$0x310 ss:$0x1], $0xffff;
	[tilespmem:v9+s22+$0x30 ss:$0x1] =	vst.idx.msk $0xffff, v18  }
0xc9: {  	v33 =	vand.u32 $0xFFFF, v33;
	v30 =	vand.u32 $0xFFFF, v30;
	v17 =	vshrl.u32 v17, v10;
	v49 =	vld.idx.msk [tilespmem:v8+s25+$0x130 ss:$0x1], $0xffff  }
0xca: {  	v14 =	vshll.u32 v14, v36;
	v26 =	vshll.u32 v26, v36;
	v45 =	vshll.u32 v45, v40;
	v52 =	vld.idx.msk [tilespmem:v8+s25+$0x1B0 ss:$0x1], $0xffff  }
0xcb: {  	s26 =	sshll.u32 s30, $0xA;
	v14 =	vand.u32 $0xFFFF0000, v14;
	v20 =	vld.idx.msk [tilespmem:v8+s25+$0x390 ss:$0x1], $0xffff;
	v61 =	vshrl.u32 v41, v34;
	v62 =	vshll.u32 v42, v35  }
0xcc: {  	s24 =	sand.u32 $0x3FFFFC00, s26;
	v46 =	vor.u32 v13, v14;
	v42 =	vld.idx.msk [tilespmem:v8+s25+$0x140 ss:$0x1], $0xffff;
	v21 =	vand.u32 $0xFFFF, v61;
	v41 =	vand.u32 $0xFFFF0000, v62  }
0xcd: {  	[tilespmem:v9+s21+$0x190 ss:$0x1] =	vst.idx.msk $0xffff, v46;
	v46 =	vld.idx.msk [tilespmem:v8+s24+$0xD0 ss:$0x1], $0xffff;
	v48 =	vor.u32 v21, v41;
	v44 =	vshrl.u32 v57, v39  }
0xce: {  	v32 =	vshll.u32 v32, v36;
	v45 =	vand.u32 $0xFFFF0000, v45;
	[tilespmem:v9+s22+$0x120 ss:$0x1] =	vst.idx.msk $0xffff, v48;
	v44 =	vand.u32 $0xFFFF, v44;
	v48 =	vld.idx.msk [tilespmem:v8+s25+$0xF0 ss:$0x1], $0xffff  }
0xcf: {  	v21 =	vld.idx.msk [tilespmem:v8+s25+$0x320 ss:$0x1], $0xffff;
	v13 =	vor.u32 v44, v45;
	v41 =	vshrl.u32 v49, v37;
	v43 =	vshll.u32 v52, v38  }
0xd0: {  	v26 =	vand.u32 $0xFFFF0000, v26;
	v18 =	vld.idx.msk [tilespmem:v8+s25+$0x3A0 ss:$0x1], $0xffff;
	[tilespmem:v9+s22+$0x50 ss:$0x1] =	vst.idx.msk $0xffff, v13;
	v41 =	vand.u32 $0xFFFF, v41;
	v43 =	vand.u32 $0xFFFF0000, v43  }
0xd1: {  	v16 =	vshll.u32 v56, v38;
	v62 =	vshrl.u32 v42, v37;
	v51 =	vld.idx.msk [tilespmem:v8+s25+$0x150 ss:$0x1], $0xffff;
	v41 =	vor.u32 v41, v43  }
0xd2: {  	v59 =	vand.u32 $0xFFFF, v27;
	v16 =	vand.u32 $0xFFFF0000, v16;
	v52 =	vld.idx.msk [tilespmem:v8+s25+$0x1D0 ss:$0x1], $0xffff;
	[tilespmem:v9+s22+$0xB0 ss:$0x1] =	vst.idx.msk $0xffff, v41;
	v41 =	vand.u32 $0xFFFF, v62  }
0xd3: {  	v14 =	vshll.u32 v60, v40;
	v43 =	vshrl.u32 v58, v39;
	v61 =	vld.idx.msk [tilespmem:v8+s25+$0x230 ss:$0x1], $0xffff;
	v16 =	vor.u32 v41, v16  }
0xd4: {  	v14 =	vand.u32 $0xFFFF0000, v14;
	v39 =	vshrl.u32 v47, v39;
	v43 =	vand.u32 $0xFFFF, v43;
	v63 =	vld.idx.msk [tilespmem:v8+s25+$0x2B0 ss:$0x1], $0xffff;
	[tilespmem:v9+s22+$0xC0 ss:$0x1] =	vst.idx.msk $0xffff, v16  }
0xd5: {  	v41 =	vor.u32 v59, v26;
	v14 =	vor.u32 v43, v14;
	v26 =	vshll.u32 v48, v40;
	v49 =	vld.idx.msk [tilespmem:v8+s25+$0x240 ss:$0x1], $0xffff  }
0xd6: {  	v28 =	vshll.u32 v28, v36;
	v39 =	vand.u32 $0xFFFF, v39;
	[tilespmem:v9+s22+$0x60 ss:$0x1] =	vst.idx.msk $0xffff, v14;
	v40 =	vand.u32 $0xFFFF0000, v26;
	v50 =	vld.idx.msk [tilespmem:v8+s25+$0x2C0 ss:$0x1], $0xffff  }
0xd7: {  	v25 =	vshll.u32 v25, v36;
	v19 =	vshll.u32 v19, v36;
	v53 =	vld.idx.msk [tilespmem:v8+s25+$0x160 ss:$0x1], $0xffff;
	v40 =	vor.u32 v39, v40  }
0xd8: {  	v10 =	vshrl.u32 v23, v10;
	v32 =	vand.u32 $0xFFFF0000, v32;
	v28 =	vand.u32 $0xFFFF0000, v28;
	v54 =	vld.idx.msk [tilespmem:v8+s25+$0x1E0 ss:$0x1], $0xffff;
	[tilespmem:v9+s22+$0x70 ss:$0x1] =	vst.idx.msk $0xffff, v40  }
0xd9: {  	v57 =	vshrl.u32 v51, v37;
	v58 =	vld.idx.msk [tilespmem:v8+s25+$0x1F0 ss:$0x1], $0xffff;
	v27 =	vshrl.u32 v61, v34;
	v42 =	vshll.u32 v63, v35  }
0xda: {  	v14 =	vshll.u32 v52, v38;
	v40 =	vld.idx.msk [tilespmem:v8+s25+$0x170 ss:$0x1], $0xffff;
	v27 =	vand.u32 $0xFFFF, v27;
	v42 =	vand.u32 $0xFFFF0000, v42  }
0xdb: {  	v59 =	vld.idx.msk [tilespmem:v8+s24+$0x0 ss:$0x1], $0xffff;
	v14 =	vand.u32 $0xFFFF0000, v14;
	v27 =	vor.u32 v27, v42;
	v16 =	vshrl.u32 v49, v34  }
0xdc: {  	v63 =	vld.idx.msk [tilespmem:v8+s24+$0x80 ss:$0x1], $0xffff;
	v13 =	vshll.u32 v50, v35;
	v42 =	vshrl.u32 v53, v37;
	[tilespmem:v9+s22+$0x130 ss:$0x1] =	vst.idx.msk $0xffff, v27  }
0xdd: {  	v56 =	vand.u32 $0xFFFF, v16;
	v16 =	vand.u32 $0xFFFF, v57;
	v27 =	vshll.u32 v54, v38;
	v26 =	vld.idx.msk [tilespmem:v8+s25+$0x330 ss:$0x1], $0xffff  }
0xde: {  	v60 =	vor.u32 v16, v14;
	v62 =	vand.u32 $0xFFFF0000, v27;
	v27 =	vld.idx.msk [tilespmem:v8+s25+$0x3B0 ss:$0x1], $0xffff;
	v53 =	vshll.u32 v58, v38  }
0xdf: {  	v13 =	vand.u32 $0xFFFF0000, v13;
	v52 =	vshrl.u32 v40, v37;
	[tilespmem:v9+s22+$0xD0 ss:$0x1] =	vst.idx.msk $0xffff, v60;
	v37 =	vand.u32 $0xFFFF0000, v53;
	v53 =	vld.idx.msk [tilespmem:v8+s24+$0x10 ss:$0x1], $0xffff  }
0xe0: {  	v39 =	vor.u32 v33, v32;
	v61 =	vand.u32 $0xFFFF, v42;
	v48 =	vor.u32 v56, v13;
	v49 =	vld.idx.msk [tilespmem:v8+s25+$0x250 ss:$0x1], $0xffff  }
0xe1: {  	v16 =	vshll.u32 v55, $0x4;
	v47 =	vor.u32 v61, v62;
	[tilespmem:v9+s22+$0x140 ss:$0x1] =	vst.idx.msk $0xffff, v48;
	v33 =	vand.u32 $0xFFFF, v52;
	v51 =	vld.idx.msk [tilespmem:v8+s25+$0x2D0 ss:$0x1], $0xffff  }
0xe2: {  	v50 =	vperm.xlane v16, v2;
	[tilespmem:v9+s22+$0xE0 ss:$0x1] =	vst.idx.msk $0xffff, v47;
	v37 =	vor.u32 v33, v37;
	v33 =	vld.idx.msk [tilespmem:v8+s25+$0x340 ss:$0x1], $0xffff  }
0xe3: {  	v25 =	vand.u32 $0xFFFF0000, v25;
	v19 =	vand.u32 $0xFFFF0000, v19;
	v13 =	vperm.xlane v16, v1;
	v54 =	vld.idx.msk [tilespmem:v8+s25+$0x260 ss:$0x1], $0xffff  }
0xe4: {  	v10 =	vand.u32 $0xFFFF, v10;
	v61 =	vand.u32 $0xFFFF, v15;
	v14 =	vsub.s32 $0x10, v50;
	v55 =	vld.idx.msk [tilespmem:v8+s25+$0x2E0 ss:$0x1], $0xffff;
	[tilespmem:v9+s22+$0xF0 ss:$0x1] =	vst.idx.msk $0xffff, v37  }
0xe5: {  	v40 =	vor.u32 v61, v25;
	v56 =	vshrl.u32 v59, v13;
	v42 =	vshll.u32 v63, v14;
	v59 =	vld.idx.msk [tilespmem:v8+s25+$0x270 ss:$0x1], $0xffff  }
0xe6: {  	s23 =	sshll.u32 s30, $0x9;
	v57 =	vand.u32 $0xFFFF, v56;
	v63 =	vld.idx.msk [tilespmem:v8+s25+$0x2F0 ss:$0x1], $0xffff;
	v58 =	vand.u32 $0xFFFF0000, v42;
	v42 =	vor.u32 v30, v28  }
0xe7: {  	s23 =	sand.u32 $0x3FFFFE00, s23;
	v56 =	vld.idx.msk [tilespmem:v8+s24+$0x90 ss:$0x1], $0xffff;
	v60 =	vor.u32 v57, v58;
	[tilespmem:v9+s21+$0x1C0 ss:$0x1] =	vst.idx.msk $0xffff, v42;
	v42 =	vshll.u32 v46, v14  }
0xe8: {  	v62 =	vshrl.u32 v49, v34;
	[tilespmem:v9+s23+$0x0 ss:$0x1] =	vst.idx.msk $0xffff, v60;
	v48 =	vshll.u32 v51, v35;
	v42 =	vand.u32 $0xFFFF0000, v42  }
0xe9: {  	[tilespmem:v9+s21+$0x180 ss:$0x1] =	vst.idx.msk $0xffff, v12;
	v15 =	vand.u32 $0xFFFF, v62;
	v49 =	vld.idx.msk [tilespmem:v8+s24+$0x100 ss:$0x1], $0xffff;
	v30 =	vand.u32 $0xFFFF0000, v48;
	v50 =	vshrl.u32 v54, v34  }
0xea: {  	v12 =	vshll.u32 v55, v35;
	v51 =	vld.idx.msk [tilespmem:v8+s24+$0x180 ss:$0x1], $0xffff;
	v55 =	vperm.xlane v16, v4;
	v48 =	vand.u32 $0xFFFF, v17  }
0xeb: {  	v37 =	vld.idx.msk [tilespmem:v8+s25+$0x3C0 ss:$0x1], $0xffff;
	v17 =	vperm.xlane v11, v6;
	v15 =	vor.u32 v15, v30;
	v52 =	vand.u32 $0xFFFF, v50  }
0xec: {  	v12 =	vand.u32 $0xFFFF0000, v12;
	v28 =	vshrl.u32 v59, v34;
	v32 =	vshll.u32 v63, v35;
	[tilespmem:v9+s22+$0x150 ss:$0x1] =	vst.idx.msk $0xffff, v15  }
0xed: {  	v54 =	vor.u32 v52, v12;
	v12 =	vperm.xlane v16, v3;
	v15 =	vsub.s32 $0x10, v55;
	v55 =	vld.idx.msk [tilespmem:v8+s24+$0xA0 ss:$0x1], $0xffff  }
0xee: {  	v59 =	vshrl.u32 v53, v13;
	v60 =	vshll.u32 v56, v14;
	v28 =	vand.u32 $0xFFFF, v28;
	v34 =	vld.idx.msk [tilespmem:v8+s25+$0x350 ss:$0x1], $0xffff  }
0xef: {  	v35 =	vand.u32 $0xFFFF0000, v32;
	v32 =	vld.idx.msk [tilespmem:v8+s25+$0x3D0 ss:$0x1], $0xffff;
	v58 =	vshrl.u32 v49, v12;
	v38 =	vshll.u32 v51, v15  }
0xf0: {  	[tilespmem:v9+s22+$0x160 ss:$0x1] =	vst.idx.msk $0xffff, v54;
	v57 =	vor.u32 v28, v35;
	v54 =	vld.idx.msk [tilespmem:v8+s24+$0x20 ss:$0x1], $0xffff;
	v35 =	vand.u32 $0xFFFF, v58;
	v38 =	vand.u32 $0xFFFF0000, v38  }
0xf1: {  	v61 =	vand.u32 $0xFFFF, v59;
	v62 =	vand.u32 $0xFFFF0000, v60;
	v58 =	vld.idx.msk [tilespmem:v8+s24+$0x30 ss:$0x1], $0xffff;
	v35 =	vor.u32 v35, v38  }
0xf2: {  	v50 =	vshll.u32 v24, v36;
	[tilespmem:v9+s23+$0x80 ss:$0x1] =	vst.idx.msk $0xffff, v35;
	v35 =	vor.u32 v61, v62;
	v61 =	vld.idx.msk [tilespmem:v8+s24+$0xB0 ss:$0x1], $0xffff  }
0xf3: {  	v11 =	vperm.xlane v11, v7;
	v19 =	vor.u32 v48, v19;
	v23 =	vand.u32 $0xFFFF0000, v50;
	v62 =	vld.idx.msk [tilespmem:v8+s24+$0x40 ss:$0x1], $0xffff  }
0xf4: {  	v52 =	vperm.xlane v16, v5;
	v31 =	vshrl.u32 v31, v17;
	v22 =	vshrl.u32 v22, v17;
	v63 =	vld.idx.msk [tilespmem:v8+s24+$0x200 ss:$0x1], $0xffff  }
0xf5: {  	v21 =	vshrl.u32 v21, v17;
	v26 =	vshrl.u32 v26, v17;
	v49 =	vld.idx.msk [tilespmem:v8+s24+$0x280 ss:$0x1], $0xffff;
	[tilespmem:v9+s23+$0x10 ss:$0x1] =	vst.idx.msk $0xffff, v35  }
0xf6: {  	[tilespmem:v9+s21+$0x1A0 ss:$0x1] =	vst.idx.msk $0xffff, v41;
	v31 =	vand.u32 $0xFFFF, v31;
	v22 =	vand.u32 $0xFFFF, v22;
	v38 =	vor.u32 v10, v23;
	v51 =	vld.idx.msk [tilespmem:v8+s24+$0x110 ss:$0x1], $0xffff  }
0xf7: {  	[tilespmem:v9+s22+$0x170 ss:$0x1] =	vst.idx.msk $0xffff, v57;
	v10 =	vperm.xlane v16, v0;
	v23 =	vsub.s32 $0x10, v11;
	v11 =	vsub.s32 $0x10, v52;
	v53 =	vld.idx.msk [tilespmem:v8+s24+$0x190 ss:$0x1], $0xffff  }
0xf8: {  	v28 =	vld.idx.msk [tilespmem:v8+s25+$0x360 ss:$0x1], $0xffff;
	v29 =	vshll.u32 v29, v23;
	v50 =	vshrl.u32 v54, v13;
	v44 =	vshrl.u32 v58, v13  }
0xf9: {  	v30 =	vld.idx.msk [tilespmem:v8+s25+$0x3E0 ss:$0x1], $0xffff;
	v44 =	vand.u32 $0xFFFF, v44;
	v43 =	vshll.u32 v61, v14;
	v41 =	vshrl.u32 v62, v13  }
0xfa: {  	v25 =	vld.idx.msk [tilespmem:v8+s25+$0x370 ss:$0x1], $0xffff;
	v56 =	vshrl.u32 v63, v10;
	v57 =	vshll.u32 v49, v11;
	v63 =	vand.u32 $0xFFFF0000, v29  }
0xfb: {  	[tilespmem:v9+s21+$0x1B0 ss:$0x1] =	vst.idx.msk $0xffff, v39;
	v62 =	vld.idx.msk [tilespmem:v8+s24+$0x50 ss:$0x1], $0xffff;
	v43 =	vand.u32 $0xFFFF0000, v43;
	v59 =	vand.u32 $0xFFFF, v56;
	v60 =	vand.u32 $0xFFFF0000, v57  }
0xfc: {  	v49 =	vld.idx.msk [tilespmem:v8+s24+$0xC0 ss:$0x1], $0xffff;
	v24 =	vshrl.u32 v51, v12;
	v36 =	vshll.u32 v53, v15;
	v43 =	vor.u32 v44, v43  }
0xfd: {  	v29 =	vld.idx.msk [tilespmem:v8+s25+$0x3F0 ss:$0x1], $0xffff;
	v39 =	vor.u32 v59, v60;
	v24 =	vand.u32 $0xFFFF, v24;
	v48 =	vand.u32 $0xFFFF0000, v36;
	[tilespmem:v9+s23+$0x30 ss:$0x1] =	vst.idx.msk $0xffff, v43  }
0xfe: {  	v35 =	vshll.u32 v55, v14;
	[tilespmem:v9+s23+$0x100 ss:$0x1] =	vst.idx.msk $0xffff, v39;
	v24 =	vor.u32 v24, v48;
	v55 =	vld.idx.msk [tilespmem:v8+s24+$0x130 ss:$0x1], $0xffff  }
0xff: {  	v21 =	vand.u32 $0xFFFF, v21;
	v35 =	vand.u32 $0xFFFF0000, v35;
	v39 =	vand.u32 $0xFFFF, v50;
	v56 =	vld.idx.msk [tilespmem:v8+s24+$0x1B0 ss:$0x1], $0xffff;
	[tilespmem:v9+s23+$0x90 ss:$0x1] =	vst.idx.msk $0xffff, v24  }
0x100: {  	v20 =	vshll.u32 v20, v23;
	v18 =	vshll.u32 v18, v23;
	v35 =	vor.u32 v39, v35;
	v51 =	vld.idx.msk [tilespmem:v8+s24+$0x210 ss:$0x1], $0xffff  }
0x101: {  	v27 =	vshll.u32 v27, v23;
	v20 =	vand.u32 $0xFFFF0000, v20;
	v18 =	vand.u32 $0xFFFF0000, v18;
	[tilespmem:v9+s23+$0x20 ss:$0x1] =	vst.idx.msk $0xffff, v35;
	v52 =	vld.idx.msk [tilespmem:v8+s24+$0x290 ss:$0x1], $0xffff  }
0x102: {  	v20 =	vor.u32 v22, v20;
	v18 =	vor.u32 v21, v18;
	v36 =	vshll.u32 v49, v14;
	v53 =	vld.idx.msk [tilespmem:v8+s24+$0x120 ss:$0x1], $0xffff  }
0x103: {  	v41 =	vand.u32 $0xFFFF, v41;
	v31 =	vor.u32 v31, v63;
	v54 =	vld.idx.msk [tilespmem:v8+s24+$0x1A0 ss:$0x1], $0xffff;
	v36 =	vand.u32 $0xFFFF0000, v36  }
0x104: {  	v44 =	vld.idx.msk [tilespmem:v8+s24+$0xE0 ss:$0x1], $0xffff;
	v36 =	vor.u32 v41, v36;
	v41 =	vshrl.u32 v55, v12;
	v22 =	vshll.u32 v56, v15  }
0x105: {  	v24 =	vld.idx.msk [tilespmem:v8+s24+$0x300 ss:$0x1], $0xffff;
	[tilespmem:v9+s23+$0x40 ss:$0x1] =	vst.idx.msk $0xffff, v36;
	v47 =	vand.u32 $0xFFFF, v41;
	v22 =	vand.u32 $0xFFFF0000, v22;
	v57 =	vshrl.u32 v51, v10  }
0x106: {  	v58 =	vld.idx.msk [tilespmem:v8+s24+$0x140 ss:$0x1], $0xffff;
	v35 =	vshll.u32 v52, v11;
	v21 =	vor.u32 v47, v22;
	v51 =	vshrl.u32 v62, v13  }
0x107: {  	v59 =	vld.idx.msk [tilespmem:v8+s24+$0x1C0 ss:$0x1], $0xffff;
	v36 =	vand.u32 $0xFFFF, v57;
	v35 =	vand.u32 $0xFFFF0000, v35;
	v60 =	vshrl.u32 v53, v12  }
0x108: {  	v61 =	vshll.u32 v54, v15;
	[tilespmem:v9+s23+$0xB0 ss:$0x1] =	vst.idx.msk $0xffff, v21;
	v35 =	vor.u32 v36, v35;
	v36 =	vld.idx.msk [tilespmem:v8+s24+$0x380 ss:$0x1], $0xffff  }
0x109: {  	v41 =	vand.u32 $0xFFFF, v51;
	v53 =	vand.u32 $0xFFFF, v26;
	v54 =	vand.u32 $0xFFFF0000, v27;
	v50 =	vld.idx.msk [tilespmem:v8+s24+$0x230 ss:$0x1], $0xffff  }
0x10a: {  	[tilespmem:v9+s21+$0x1D0 ss:$0x1] =	vst.idx.msk $0xffff, v40;
	v63 =	vand.u32 $0xFFFF, v60;
	v45 =	vand.u32 $0xFFFF0000, v61;
	v52 =	vld.idx.msk [tilespmem:v8+s24+$0x2B0 ss:$0x1], $0xffff;
	v55 =	vor.u32 v41, v42  }
0x10b: {  	v42 =	vor.u32 v53, v54;
	v53 =	vshll.u32 v44, v14;
	v44 =	vld.idx.msk [tilespmem:v8+s24+$0x70 ss:$0x1], $0xffff;
	[tilespmem:v9+s23+$0x110 ss:$0x1] =	vst.idx.msk $0xffff, v35  }
0x10c: {  	v34 =	vshrl.u32 v34, v17;
	v35 =	vor.u32 v63, v45;
	[tilespmem:v9+s23+$0x50 ss:$0x1] =	vst.idx.msk $0xffff, v55;
	v63 =	vld.idx.msk [tilespmem:v8+s24+$0x60 ss:$0x1], $0xffff  }
0x10d: {  	v28 =	vshrl.u32 v28, v17;
	v30 =	vshll.u32 v30, v23;
	[tilespmem:v9+s23+$0xA0 ss:$0x1] =	vst.idx.msk $0xffff, v35;
	v27 =	vld.idx.msk [tilespmem:v8+s24+$0x150 ss:$0x1], $0xffff  }
0x10e: {  	[tilespmem:v9+s21+$0x1E0 ss:$0x1] =	vst.idx.msk $0xffff, v19;
	v32 =	vshll.u32 v32, v23;
	v28 =	vand.u32 $0xFFFF, v28;
	v30 =	vand.u32 $0xFFFF0000, v30;
	v48 =	vld.idx.msk [tilespmem:v8+s24+$0x220 ss:$0x1], $0xffff  }
0x10f: {  	v28 =	vor.u32 v28, v30;
	v39 =	vshrl.u32 v58, v12;
	v40 =	vshll.u32 v59, v15;
	v49 =	vld.idx.msk [tilespmem:v8+s24+$0x2A0 ss:$0x1], $0xffff  }
0x110: {  	[tilespmem:v9+s21+$0x1F0 ss:$0x1] =	vst.idx.msk $0xffff, v38;
	v57 =	vshrl.u32 v33, v17;
	v35 =	vld.idx.msk [tilespmem:v8+s24+$0x310 ss:$0x1], $0xffff;
	v39 =	vand.u32 $0xFFFF, v39;
	v40 =	vand.u32 $0xFFFF0000, v40  }
0x111: {  	s28 =	sor.u32 $0x3, s20;
	v17 =	vshrl.u32 v25, v17;
	v59 =	vshll.u32 v37, v23;
	v60 =	vld.idx.msk [tilespmem:v8+s24+$0x1D0 ss:$0x1], $0xffff;
	v39 =	vor.u32 v39, v40  }
0x112: {  	s29 =	sshll.u32 s28, $0x3;
	v37 =	vand.u32 $0xFFFF0000, v53;
	[tilespmem:v9+s23+$0xC0 ss:$0x1] =	vst.idx.msk $0xffff, v39;
	v61 =	vshrl.u32 v50, v10;
	v62 =	vshll.u32 v52, v11  }
0x113: {  	s21 =	sand.u32 $0x3FFFFFF8, s29;
	v56 =	vld.idx.msk [tilespmem:v8+s24+$0x240 ss:$0x1], $0xffff;
	v43 =	vand.u32 $0xFFFF0000, v62;
	v52 =	vshrl.u32 v63, v13;
	v22 =	vshrl.u32 v48, v10  }
0x114: {  	s30 =	sshll.u32 s28, $0xA;
	s21 =	sadd.s32 s21, s19;
	v58 =	vld.idx.msk [tilespmem:v8+s24+$0x2C0 ss:$0x1], $0xffff;
	v21 =	vshll.u32 v49, v11;
	v48 =	vshrl.u32 v27, v12;
	v27 =	vand.u32 $0xFFFF, v52  }
0x115: {  	[tilespmem:v9+s22+$0x1A0 ss:$0x1] =	vst.idx.msk $0xffff, v18;
	v62 =	vld.msk [tilespmem:s21+$0x0 ss:$0x1], $0xff;
	s21 =	sand.u32 $0x3FFFFC00, s30;
	v22 =	vand.u32 $0xFFFF, v22;
	v21 =	vand.u32 $0xFFFF0000, v21;
	v27 =	vor.u32 v27, v37  }
0x116: {  	v40 =	vand.u32 $0xFFFF, v61;
	v50 =	vand.u32 $0xFFFF, v48;
	v48 =	vld.idx.msk [tilespmem:v8+s21+$0x80 ss:$0x1], $0xffff;
	v21 =	vor.u32 v22, v21;
	[tilespmem:v9+s23+$0x60 ss:$0x1] =	vst.idx.msk $0xffff, v27  }
0x117: {  	v32 =	vand.u32 $0xFFFF0000, v32;
	v19 =	vand.u32 $0xFFFF, v57;
	[tilespmem:v9+s23+$0x120 ss:$0x1] =	vst.idx.msk $0xffff, v21;
	v21 =	vor.u32 v40, v43;
	v40 =	vld.idx.msk [tilespmem:v8+s24+$0x390 ss:$0x1], $0xffff  }
0x118: {  	[tilespmem:v9+s22+$0x180 ss:$0x1] =	vst.idx.msk $0xffff, v31;
	v54 =	vand.u32 $0xFFFF, v34;
	v33 =	vand.u32 $0xFFFF0000, v59;
	v59 =	vperm.xlane v16, v7;
	v57 =	vld.idx.msk [tilespmem:v8+s24+$0x160 ss:$0x1], $0xffff  }
0x119: {  	v31 =	vor.u32 v54, v32;
	[tilespmem:v9+s22+$0x1B0 ss:$0x1] =	vst.idx.msk $0xffff, v42;
	v49 =	vshll.u32 v60, v15;
	v60 =	vld.idx.msk [tilespmem:v8+s24+$0x1E0 ss:$0x1], $0xffff  }
0x11a: {  	v33 =	vor.u32 v19, v33;
	v18 =	vsub.s32 $0x10, v59;
	v26 =	vshll.u32 v58, v11;
	v41 =	vld.idx.msk [tilespmem:v8+s24+$0x320 ss:$0x1], $0xffff  }
0x11b: {  	v34 =	vshrl.u32 v44, v13;
	v45 =	vshrl.u32 v56, v10;
	v47 =	vand.u32 $0xFFFF0000, v26;
	v26 =	vld.idx.msk [tilespmem:v8+s24+$0x3A0 ss:$0x1], $0xffff  }
0x11c: {  	v61 =	vand.u32 $0xFFFF, v17;
	v17 =	vperm.xlane v16, v6;
	[tilespmem:v9+s23+$0x130 ss:$0x1] =	vst.idx.msk $0xffff, v21;
	v46 =	vand.u32 $0xFFFF, v45;
	v45 =	vld.idx.msk [tilespmem:v8+s24+$0xF0 ss:$0x1], $0xffff  }
0x11d: {  	v42 =	vshll.u32 v36, v18;
	v51 =	vand.u32 $0xFFFF0000, v49;
	v19 =	vor.u32 v46, v47;
	v22 =	vld.idx.msk [tilespmem:v8+s24+$0x330 ss:$0x1], $0xffff  }
0x11e: {  	v34 =	vand.u32 $0xFFFF, v34;
	v21 =	vld.idx.msk [tilespmem:v8+s24+$0x3B0 ss:$0x1], $0xffff;
	[tilespmem:v9+s23+$0x140 ss:$0x1] =	vst.idx.msk $0xffff, v19;
	v19 =	vor.u32 v50, v51  }
0x11f: {  	v63 =	vshrl.u32 v24, v17;
	v35 =	vshrl.u32 v35, v17;
	v46 =	vld.idx.msk [tilespmem:v8+s21+$0x0 ss:$0x1], $0xffff;
	[tilespmem:v9+s23+$0xD0 ss:$0x1] =	vst.idx.msk $0xffff, v19  }
0x120: {  	v52 =	vand.u32 $0xFFFF0000, v42;
	v55 =	vld.idx.msk [tilespmem:v8+s24+$0x250 ss:$0x1], $0xffff;
	v32 =	vshrl.u32 v57, v12;
	v25 =	vshll.u32 v60, v15  }
0x121: {  	[tilespmem:v9+s22+$0x190 ss:$0x1] =	vst.idx.msk $0xffff, v20;
	v58 =	vshll.u32 v29, v23;
	v56 =	vld.idx.msk [tilespmem:v8+s24+$0x2D0 ss:$0x1], $0xffff;
	v47 =	vand.u32 $0xFFFF, v32;
	v25 =	vand.u32 $0xFFFF0000, v25  }
0x122: {  	[tilespmem:v9+s22+$0x1E0 ss:$0x1] =	vst.idx.msk $0xffff, v28;
	v16 =	vshll.u32 v62, $0x4;
	v29 =	vand.u32 $0xFFFF0000, v58;
	v51 =	vld.idx.msk [tilespmem:v8+s21+$0x10 ss:$0x1], $0xffff;
	v50 =	vor.u32 v47, v25  }
0x123: {  	v54 =	vperm.xlane v16, v2;
	v19 =	vld.idx.msk [tilespmem:v8+s24+$0x340 ss:$0x1], $0xffff;
	v14 =	vshll.u32 v45, v14;
	[tilespmem:v9+s23+$0xE0 ss:$0x1] =	vst.idx.msk $0xffff, v50  }
0x124: {  	v13 =	vperm.xlane v16, v1;
	v29 =	vor.u32 v61, v29;
	v36 =	vand.u32 $0xFFFF0000, v14;
	v58 =	vld.idx.msk [tilespmem:v8+s24+$0x2E0 ss:$0x1], $0xffff  }
0x125: {  	v60 =	vshll.u32 v40, v18;
	v57 =	vor.u32 v34, v36;
	v43 =	vshrl.u32 v55, v10;
	v55 =	vld.idx.msk [tilespmem:v8+s21+$0x90 ss:$0x1], $0xffff  }
0x126: {  	v49 =	vand.u32 $0xFFFF, v63;
	v14 =	vsub.s32 $0x10, v54;
	[tilespmem:v9+s23+$0x70 ss:$0x1] =	vst.idx.msk $0xffff, v57;
	v27 =	vshll.u32 v56, v11;
	v56 =	vld.idx.msk [tilespmem:v8+s24+$0x260 ss:$0x1], $0xffff  }
0x127: {  	v59 =	vshrl.u32 v46, v13;
	v46 =	vperm.xlane v16, v4;
	v32 =	vshll.u32 v48, v14;
	v61 =	vld.idx.msk [tilespmem:v8+s24+$0x170 ss:$0x1], $0xffff  }
0x128: {  	s25 =	sshll.u32 s28, $0x9;
	[tilespmem:v9+s22+$0x1D0 ss:$0x1] =	vst.idx.msk $0xffff, v31;
	v36 =	vand.u32 $0xFFFF, v59;
	v25 =	vshrl.u32 v51, v13;
	v32 =	vand.u32 $0xFFFF0000, v32;
	v62 =	vld.idx.msk [tilespmem:v8+s24+$0x1F0 ss:$0x1], $0xffff  }
0x129: {  	s25 =	sand.u32 $0x3FFFFE00, s25;
	[tilespmem:v9+s22+$0x1C0 ss:$0x1] =	vst.idx.msk $0xffff, v33;
	v20 =	vld.idx.msk [tilespmem:v8+s24+$0x3C0 ss:$0x1], $0xffff;
	v32 =	vor.u32 v36, v32;
	v30 =	vand.u32 $0xFFFF, v43;
	v27 =	vand.u32 $0xFFFF0000, v27  }
0x12a: {  	v53 =	vand.u32 $0xFFFF, v35;
	v48 =	vld.idx.msk [tilespmem:v8+s21+$0x20 ss:$0x1], $0xffff;
	v25 =	vand.u32 $0xFFFF, v25;
	[tilespmem:v9+s25+$0x0 ss:$0x1] =	vst.idx.msk $0xffff, v32;
	v27 =	vor.u32 v30, v27  }
0x12b: {  	v63 =	vld.idx.msk [tilespmem:v8+s21+$0x100 ss:$0x1], $0xffff;
	[tilespmem:v9+s23+$0x150 ss:$0x1] =	vst.idx.msk $0xffff, v27;
	v27 =	vor.u32 v49, v52;
	v34 =	vshll.u32 v58, v11  }
0x12c: {  	v40 =	vld.idx.msk [tilespmem:v8+s21+$0x180 ss:$0x1], $0xffff;
	v35 =	vshll.u32 v55, v14;
	v31 =	vshrl.u32 v56, v10;
	v44 =	vand.u32 $0xFFFF0000, v34  }
0x12d: {  	v51 =	vld.idx.msk [tilespmem:v8+s21+$0xA0 ss:$0x1], $0xffff;
	v36 =	vshrl.u32 v61, v12;
	v15 =	vshll.u32 v62, v15;
	v35 =	vand.u32 $0xFFFF0000, v35  }
0x12e: {  	v23 =	vld.idx.msk [tilespmem:v8+s24+$0x350 ss:$0x1], $0xffff;
	v12 =	vperm.xlane v16, v3;
	v43 =	vand.u32 $0xFFFF, v31;
	v25 =	vor.u32 v25, v35  }
0x12f: {  	v24 =	vld.idx.msk [tilespmem:v8+s24+$0x3D0 ss:$0x1], $0xffff;
	v49 =	vand.u32 $0xFFFF, v36;
	v50 =	vand.u32 $0xFFFF0000, v15;
	v28 =	vor.u32 v43, v44;
	[tilespmem:v9+s25+$0x10 ss:$0x1] =	vst.idx.msk $0xffff, v25  }
0x130: {  	v15 =	vsub.s32 $0x10, v46;
	[tilespmem:v9+s23+$0x160 ss:$0x1] =	vst.idx.msk $0xffff, v28;
	v28 =	vor.u32 v49, v50;
	v50 =	vld.idx.msk [tilespmem:v8+s21+$0xB0 ss:$0x1], $0xffff  }
0x131: {  	v37 =	vand.u32 $0xFFFF0000, v60;
	v33 =	vshrl.u32 v63, v12;
	v35 =	vshll.u32 v40, v15;
	v45 =	vld.idx.msk [tilespmem:v8+s21+$0x110 ss:$0x1], $0xffff  }
0x132: {  	v30 =	vor.u32 v53, v37;
	v52 =	vand.u32 $0xFFFF, v33;
	v53 =	vand.u32 $0xFFFF0000, v35;
	v47 =	vld.idx.msk [tilespmem:v8+s21+$0x190 ss:$0x1], $0xffff;
	[tilespmem:v9+s23+$0xF0 ss:$0x1] =	vst.idx.msk $0xffff, v28  }
0x133: {  	v28 =	vor.u32 v52, v53;
	v57 =	vld.idx.msk [tilespmem:v8+s24+$0x2F0 ss:$0x1], $0xffff  }
0x134: {  	v38 =	vld.idx.msk [tilespmem:v8+s24+$0x360 ss:$0x1], $0xffff;
	[tilespmem:v9+s25+$0x80 ss:$0x1] =	vst.idx.msk $0xffff, v28  }
0x135: {  	v42 =	vshrl.u32 v41, v17;
	v26 =	vshll.u32 v26, v18;
	v32 =	vshrl.u32 v48, v13;
	v61 =	vld.idx.msk [tilespmem:v8+s21+$0x280 ss:$0x1], $0xffff  }
0x136: {  	v22 =	vshrl.u32 v22, v17;
	v62 =	vand.u32 $0xFFFF, v32;
	v31 =	vshll.u32 v51, v14;
	v54 =	vld.idx.msk [tilespmem:v8+s24+$0x270 ss:$0x1], $0xffff  }
0x137: {  	v40 =	vperm.xlane v16, v5;
	v36 =	vld.idx.msk [tilespmem:v8+s24+$0x3E0 ss:$0x1], $0xffff;
	v55 =	vshrl.u32 v45, v12;
	v56 =	vshll.u32 v47, v15  }
0x138: {  	v60 =	vld.idx.msk [tilespmem:v8+s21+$0x200 ss:$0x1], $0xffff;
	v58 =	vand.u32 $0xFFFF, v55;
	v59 =	vand.u32 $0xFFFF0000, v56;
	v11 =	vshll.u32 v57, v11  }
0x139: {  	v47 =	vld.idx.msk [tilespmem:v8+s21+$0x30 ss:$0x1], $0xffff;
	v28 =	vor.u32 v58, v59;
	v44 =	vand.u32 $0xFFFF0000, v11;
	v11 =	vsub.s32 $0x10, v40  }
0x13a: {  	v31 =	vand.u32 $0xFFFF0000, v31;
	v25 =	vand.u32 $0xFFFF, v42;
	[tilespmem:v9+s25+$0x90 ss:$0x1] =	vst.idx.msk $0xffff, v28;
	v33 =	vshll.u32 v61, v11;
	v61 =	vld.idx.msk [tilespmem:v8+s21+$0x40 ss:$0x1], $0xffff  }
0x13b: {  	v42 =	vshrl.u32 v54, v10;
	v10 =	vperm.xlane v16, v0;
	v28 =	vor.u32 v62, v31;
	v63 =	vld.idx.msk [tilespmem:v8+s21+$0x210 ss:$0x1], $0xffff  }
0x13c: {  	v21 =	vshll.u32 v21, v18;
	v22 =	vand.u32 $0xFFFF, v22;
	v41 =	vld.idx.msk [tilespmem:v8+s21+$0x290 ss:$0x1], $0xffff;
	[tilespmem:v9+s25+$0x20 ss:$0x1] =	vst.idx.msk $0xffff, v28  }
0x13d: {  	v21 =	vand.u32 $0xFFFF0000, v21;
	v46 =	vshrl.u32 v60, v10;
	v28 =	vand.u32 $0xFFFF, v42;
	v43 =	vld.idx.msk [tilespmem:v8+s21+$0x120 ss:$0x1], $0xffff  }
0x13e: {  	v48 =	vand.u32 $0xFFFF, v46;
	v49 =	vand.u32 $0xFFFF0000, v33;
	v45 =	vld.idx.msk [tilespmem:v8+s21+$0x1A0 ss:$0x1], $0xffff;
	v28 =	vor.u32 v28, v44  }
0x13f: {  	v20 =	vshll.u32 v20, v18;
	[tilespmem:v9+s23+$0x170 ss:$0x1] =	vst.idx.msk $0xffff, v28;
	v28 =	vor.u32 v48, v49;
	v48 =	vld.idx.msk [tilespmem:v8+s21+$0xD0 ss:$0x1], $0xffff  }
0x140: {  	[tilespmem:v9+s22+$0x1F0 ss:$0x1] =	vst.idx.msk $0xffff, v29;
	v26 =	vand.u32 $0xFFFF0000, v26;
	v21 =	vor.u32 v22, v21;
	v20 =	vand.u32 $0xFFFF0000, v20;
	v49 =	vld.idx.msk [tilespmem:v8+s21+$0x60 ss:$0x1], $0xffff  }
0x141: {  	[tilespmem:v9+s23+$0x1B0 ss:$0x1] =	vst.idx.msk $0xffff, v21;
	v33 =	vshll.u32 v50, v14;
	v34 =	vshrl.u32 v47, v13;
	v51 =	vld.idx.msk [tilespmem:v8+s24+$0x370 ss:$0x1], $0xffff  }
0x142: {  	[tilespmem:v9+s23+$0x190 ss:$0x1] =	vst.idx.msk $0xffff, v30;
	v25 =	vor.u32 v25, v26;
	v60 =	vand.u32 $0xFFFF0000, v33;
	v59 =	vand.u32 $0xFFFF, v34;
	v53 =	vld.idx.msk [tilespmem:v8+s24+$0x3F0 ss:$0x1], $0xffff  }
0x143: {  	v23 =	vshrl.u32 v23, v17;
	[tilespmem:v9+s25+$0x100 ss:$0x1] =	vst.idx.msk $0xffff, v28;
	v62 =	vor.u32 v59, v60;
	v59 =	vld.idx.msk [tilespmem:v8+s21+$0x70 ss:$0x1], $0xffff  }
0x144: {  	v56 =	vshrl.u32 v19, v17;
	v40 =	vand.u32 $0xFFFF, v23;
	v44 =	vshll.u32 v36, v18;
	v29 =	vld.idx.msk [tilespmem:v8+s21+$0x300 ss:$0x1], $0xffff  }
0x145: {  	[tilespmem:v9+s23+$0x180 ss:$0x1] =	vst.idx.msk $0xffff, v27;
	v47 =	vand.u32 $0xFFFF0000, v44;
	v28 =	vand.u32 $0xFFFF, v56;
	v33 =	vshrl.u32 v61, v13;
	v61 =	vld.idx.msk [tilespmem:v8+s21+$0xF0 ss:$0x1], $0xffff  }
0x146: {  	[tilespmem:v9+s25+$0x30 ss:$0x1] =	vst.idx.msk $0xffff, v62;
	v20 =	vor.u32 v28, v20;
	v26 =	vshrl.u32 v63, v10;
	v63 =	vld.idx.msk [tilespmem:v8+s21+$0xC0 ss:$0x1], $0xffff  }
0x147: {  	v52 =	vshll.u32 v41, v11;
	v41 =	vshll.u32 v24, v18;
	v42 =	vld.idx.msk [tilespmem:v8+s21+$0x130 ss:$0x1], $0xffff;
	v50 =	vand.u32 $0xFFFF, v33  }
0x148: {  	[tilespmem:v9+s23+$0x1A0 ss:$0x1] =	vst.idx.msk $0xffff, v25;
	v54 =	vand.u32 $0xFFFF, v26;
	v55 =	vand.u32 $0xFFFF0000, v52;
	v58 =	vshrl.u32 v43, v12;
	v26 =	vld.idx.msk [tilespmem:v8+s21+$0x380 ss:$0x1], $0xffff  }
0x149: {  	v31 =	vshll.u32 v45, v15;
	v23 =	vand.u32 $0xFFFF0000, v41;
	v43 =	vshrl.u32 v38, v17;
	v45 =	vld.idx.msk [tilespmem:v8+s21+$0x50 ss:$0x1], $0xffff  }
0x14a: {  	v57 =	vor.u32 v54, v55;
	v22 =	vand.u32 $0xFFFF, v58;
	v17 =	vshrl.u32 v51, v17;
	v51 =	vld.idx.msk [tilespmem:v8+s21+$0xE0 ss:$0x1], $0xffff  }
0x14b: {  	v31 =	vand.u32 $0xFFFF0000, v31;
	v46 =	vand.u32 $0xFFFF, v43;
	[tilespmem:v9+s25+$0x110 ss:$0x1] =	vst.idx.msk $0xffff, v57;
	v18 =	vshll.u32 v53, v18;
	v53 =	vld.idx.msk [tilespmem:v8+s21+$0x1B0 ss:$0x1], $0xffff  }
0x14c: {  	v30 =	vshll.u32 v48, v14;
	v60 =	vshrl.u32 v49, v13;
	v22 =	vor.u32 v22, v31;
	v19 =	vld.idx.msk [tilespmem:v8+s21+$0x310 ss:$0x1], $0xffff  }
0x14d: {  	[tilespmem:v9+s25+$0xA0 ss:$0x1] =	vst.idx.msk $0xffff, v22;
	v22 =	vor.u32 v40, v23;
	v17 =	vand.u32 $0xFFFF, v17;
	v27 =	vshll.u32 v63, v14  }
0x14e: {  	[tilespmem:v9+s23+$0x1C0 ss:$0x1] =	vst.idx.msk $0xffff, v20;
	v18 =	vand.u32 $0xFFFF0000, v18;
	v23 =	vor.u32 v46, v47;
	v41 =	vld.idx.msk [tilespmem:v8+s21+$0x390 ss:$0x1], $0xffff;
	v27 =	vand.u32 $0xFFFF0000, v27  }
0x14f: {  	v39 =	vld.idx.msk [tilespmem:v8+s21+$0x220 ss:$0x1], $0xffff;
	[tilespmem:v9+s23+$0x1D0 ss:$0x1] =	vst.idx.msk $0xffff, v22;
	v55 =	vshrl.u32 v45, v13;
	v52 =	vor.u32 v50, v27  }
0x150: {  	v58 =	vand.u32 $0xFFFF0000, v30;
	v18 =	vor.u32 v17, v18;
	v54 =	vld.idx.msk [tilespmem:v8+s21+$0x2A0 ss:$0x1], $0xffff;
	v57 =	vand.u32 $0xFFFF, v55;
	[tilespmem:v9+s25+$0x40 ss:$0x1] =	vst.idx.msk $0xffff, v52  }
0x151: {  	[tilespmem:v9+s23+$0x1E0 ss:$0x1] =	vst.idx.msk $0xffff, v23;
	v24 =	vor.u32 v57, v58;
	v32 =	vshll.u32 v51, v14;
	v21 =	vld.idx.msk [tilespmem:v8+s21+$0x140 ss:$0x1], $0xffff  }
0x152: {  	v28 =	vand.u32 $0xFFFF, v60;
	v56 =	vshrl.u32 v42, v12;
	[tilespmem:v9+s25+$0x50 ss:$0x1] =	vst.idx.msk $0xffff, v24;
	v62 =	vld.idx.msk [tilespmem:v8+s21+$0x1C0 ss:$0x1], $0xffff;
	v32 =	vand.u32 $0xFFFF0000, v32  }
0x153: {  	[tilespmem:v9+s23+$0x1F0 ss:$0x1] =	vst.idx.msk $0xffff, v18;
	v25 =	vshll.u32 v53, v15;
	v34 =	vor.u32 v28, v32;
	v35 =	vld.idx.msk [tilespmem:v8+s21+$0x150 ss:$0x1], $0xffff  }
0x154: {  	v20 =	vand.u32 $0xFFFF, v56;
	v13 =	vshrl.u32 v59, v13;
	v63 =	vand.u32 $0xFFFF0000, v25;
	v36 =	vld.idx.msk [tilespmem:v8+s21+$0x1D0 ss:$0x1], $0xffff;
	[tilespmem:v9+s25+$0x60 ss:$0x1] =	vst.idx.msk $0xffff, v34  }
0x155: {  	v14 =	vshll.u32 v61, v14;
	v20 =	vor.u32 v20, v63;
	v38 =	vshrl.u32 v39, v10;
	v39 =	vld.idx.msk [tilespmem:v8+s21+$0x160 ss:$0x1], $0xffff  }
0x156: {  	v13 =	vand.u32 $0xFFFF, v13;
	v14 =	vand.u32 $0xFFFF0000, v14;
	[tilespmem:v9+s25+$0xB0 ss:$0x1] =	vst.idx.msk $0xffff, v20;
	v40 =	vld.idx.msk [tilespmem:v8+s21+$0x1E0 ss:$0x1], $0xffff  }
0x157: {  	v13 =	vor.u32 v13, v14;
	v42 =	vld.idx.msk [tilespmem:v8+s21+$0x230 ss:$0x1], $0xffff;
	v21 =	vshrl.u32 v21, v12;
	v24 =	vshll.u32 v62, v15  }
0x158: {  	v17 =	vperm.xlane v16, v6;
	[tilespmem:v9+s25+$0x70 ss:$0x1] =	vst.idx.msk $0xffff, v13;
	v44 =	vld.idx.msk [tilespmem:v8+s21+$0x2B0 ss:$0x1], $0xffff;
	v21 =	vand.u32 $0xFFFF, v21;
	v43 =	vand.u32 $0xFFFF0000, v24  }
0x159: {  	v48 =	vld.idx.msk [tilespmem:v8+s21+$0x170 ss:$0x1], $0xffff;
	v45 =	vshrl.u32 v35, v12;
	v47 =	vshll.u32 v36, v15;
	v21 =	vor.u32 v21, v43  }
0x15a: {  	v16 =	vperm.xlane v16, v7;
	v51 =	vld.idx.msk [tilespmem:v8+s21+$0x1F0 ss:$0x1], $0xffff;
	v46 =	vand.u32 $0xFFFF, v45;
	[tilespmem:v9+s25+$0xC0 ss:$0x1] =	vst.idx.msk $0xffff, v21;
	v21 =	vand.u32 $0xFFFF0000, v47  }
0x15b: {  	v49 =	vshrl.u32 v39, v12;
	v50 =	vshll.u32 v40, v15;
	v13 =	vor.u32 v46, v21;
	v52 =	vld.idx.msk [tilespmem:v8+s21+$0x240 ss:$0x1], $0xffff  }
0x15c: {  	v27 =	vshll.u32 v54, v11;
	v53 =	vand.u32 $0xFFFF, v49;
	v54 =	vand.u32 $0xFFFF0000, v50;
	v56 =	vld.idx.msk [tilespmem:v8+s21+$0x2C0 ss:$0x1], $0xffff;
	[tilespmem:v9+s25+$0xD0 ss:$0x1] =	vst.idx.msk $0xffff, v13  }
0x15d: {  	v37 =	vshrl.u32 v29, v17;
	v16 =	vsub.s32 $0x10, v16;
	v21 =	vor.u32 v53, v54;
	v57 =	vld.idx.msk [tilespmem:v8+s21+$0x250 ss:$0x1], $0xffff  }
0x15e: {  	v26 =	vshll.u32 v26, v16;
	v55 =	vand.u32 $0xFFFF, v38;
	v27 =	vand.u32 $0xFFFF0000, v27;
	[tilespmem:v9+s25+$0xE0 ss:$0x1] =	vst.idx.msk $0xffff, v21;
	v58 =	vld.idx.msk [tilespmem:v8+s21+$0x2D0 ss:$0x1], $0xffff  }
0x15f: {  	v12 =	vshrl.u32 v48, v12;
	v15 =	vshll.u32 v51, v15;
	v13 =	vor.u32 v55, v27;
	v59 =	vld.idx.msk [tilespmem:v8+s21+$0x260 ss:$0x1], $0xffff  }
0x160: {  	v25 =	vand.u32 $0xFFFF, v37;
	v12 =	vand.u32 $0xFFFF, v12;
	v15 =	vand.u32 $0xFFFF0000, v15;
	[tilespmem:v9+s25+$0x120 ss:$0x1] =	vst.idx.msk $0xffff, v13;
	v61 =	vld.idx.msk [tilespmem:v8+s21+$0x2E0 ss:$0x1], $0xffff  }
0x161: {  	v14 =	vshrl.u32 v42, v10;
	v23 =	vshll.u32 v44, v11;
	v12 =	vor.u32 v12, v15;
	v62 =	vld.idx.msk [tilespmem:v8+s21+$0x320 ss:$0x1], $0xffff  }
0x162: {  	v26 =	vand.u32 $0xFFFF0000, v26;
	v14 =	vand.u32 $0xFFFF, v14;
	v60 =	vand.u32 $0xFFFF0000, v23;
	[tilespmem:v9+s25+$0xF0 ss:$0x1] =	vst.idx.msk $0xffff, v12;
	v63 =	vld.idx.msk [tilespmem:v8+s21+$0x3A0 ss:$0x1], $0xffff  }
0x163: {  	v13 =	vor.u32 v14, v60;
	v31 =	vld.idx.msk [tilespmem:v8+s21+$0x270 ss:$0x1], $0xffff;
	v18 =	vshrl.u32 v52, v10;
	v24 =	vshll.u32 v56, v11  }
0x164: {  	v19 =	vshrl.u32 v19, v17;
	[tilespmem:v9+s25+$0x130 ss:$0x1] =	vst.idx.msk $0xffff, v13;
	v34 =	vld.idx.msk [tilespmem:v8+s21+$0x2F0 ss:$0x1], $0xffff;
	v28 =	vand.u32 $0xFFFF, v18;
	v29 =	vand.u32 $0xFFFF0000, v24  }
0x165: {  	v35 =	vld.idx.msk [tilespmem:v8+s21+$0x330 ss:$0x1], $0xffff;
	v30 =	vshrl.u32 v57, v10;
	v12 =	vor.u32 v28, v29;
	v33 =	vshll.u32 v58, v11  }
0x166: {  	v19 =	vand.u32 $0xFFFF, v19;
	v37 =	vld.idx.msk [tilespmem:v8+s21+$0x3B0 ss:$0x1], $0xffff;
	v32 =	vand.u32 $0xFFFF, v30;
	v18 =	vand.u32 $0xFFFF0000, v33;
	[tilespmem:v9+s25+$0x140 ss:$0x1] =	vst.idx.msk $0xffff, v12  }
0x167: {  	v27 =	vshrl.u32 v59, v10;
	v23 =	vshll.u32 v61, v11;
	v36 =	vor.u32 v32, v18;
	v40 =	vld.idx.msk [tilespmem:v8+s21+$0x340 ss:$0x1], $0xffff  }
0x168: {  	v20 =	vshll.u32 v41, v16;
	v38 =	vand.u32 $0xFFFF, v27;
	v23 =	vand.u32 $0xFFFF0000, v23;
	v41 =	vld.idx.msk [tilespmem:v8+s21+$0x3C0 ss:$0x1], $0xffff;
	[tilespmem:v9+s25+$0x150 ss:$0x1] =	vst.idx.msk $0xffff, v36  }
0x169: {  	v10 =	vshrl.u32 v31, v10;
	v11 =	vshll.u32 v34, v11;
	v39 =	vor.u32 v38, v23;
	v42 =	vld.idx.msk [tilespmem:v8+s21+$0x350 ss:$0x1], $0xffff  }
0x16a: {  	v20 =	vand.u32 $0xFFFF0000, v20;
	v10 =	vand.u32 $0xFFFF, v10;
	v11 =	vand.u32 $0xFFFF0000, v11;
	v43 =	vld.idx.msk [tilespmem:v8+s21+$0x3D0 ss:$0x1], $0xffff;
	[tilespmem:v9+s25+$0x160 ss:$0x1] =	vst.idx.msk $0xffff, v39  }
0x16b: {  	v25 =	vor.u32 v25, v26;
	v19 =	vor.u32 v19, v20;
	v10 =	vor.u32 v10, v11;
	v46 =	vld.idx.msk [tilespmem:v8+s21+$0x360 ss:$0x1], $0xffff  }
0x16c: {  	v44 =	vshrl.u32 v62, v17;
	v45 =	vshll.u32 v63, v16;
	[tilespmem:v9+s25+$0x170 ss:$0x1] =	vst.idx.msk $0xffff, v10;
	v49 =	vld.idx.msk [tilespmem:v8+s21+$0x3E0 ss:$0x1], $0xffff  }
0x16d: {  	[tilespmem:v9+s25+$0x180 ss:$0x1] =	vst.idx.msk $0xffff, v25;
	v47 =	vand.u32 $0xFFFF0000, v45;
	v50 =	vshll.u32 v37, v16;
	v11 =	vand.u32 $0xFFFF, v44;
	v51 =	vld.idx.msk [tilespmem:v8+s21+$0x370 ss:$0x1], $0xffff  }
0x16e: {  	v48 =	vshrl.u32 v35, v17;
	v12 =	vand.u32 $0xFFFF0000, v50;
	v10 =	vor.u32 v11, v47;
	v54 =	vld.idx.msk [tilespmem:v8+s21+$0x3F0 ss:$0x1], $0xffff  }
0x16f: {  	[tilespmem:v9+s25+$0x190 ss:$0x1] =	vst.idx.msk $0xffff, v19;
	v11 =	vand.u32 $0xFFFF, v48;
	v52 =	vshrl.u32 v40, v17;
	v53 =	vshll.u32 v41, v16  }
0x170: {  	v11 =	vor.u32 v11, v12;
	[tilespmem:v9+s25+$0x1A0 ss:$0x1] =	vst.idx.msk $0xffff, v10;
	v55 =	vand.u32 $0xFFFF, v52;
	v56 =	vand.u32 $0xFFFF0000, v53  }
0x171: {  	v12 =	vor.u32 v55, v56;
	v57 =	vshrl.u32 v42, v17;
	v58 =	vshll.u32 v43, v16  }
0x172: {  	p1 =	slt.u32 s20, $0x1C;
	[tilespmem:v9+s25+$0x1B0 ss:$0x1] =	vst.idx.msk $0xffff, v11;
	v10 =	vand.u32 $0xFFFF, v57;
	v59 =	vand.u32 $0xFFFF0000, v58;
	v15 =	vshrl.u32 v46, v17  }
.Ltmp5:
0x173: {  	v60 =	vshll.u32 v49, v16;
	v13 =	vshrl.u32 v51, v17;
	v62 =	vshll.u32 v54, v16;
	(pc) =	sbr.rel @p1 .LBB2_7-.Ltmp5, $4  }
0x174: {  	[tilespmem:v9+s25+$0x1C0 ss:$0x1] =	vst.idx.msk $0xffff, v12;
	v10 =	vor.u32 v10, v59;
	v11 =	vand.u32 $0xFFFF, v15;
	v61 =	vand.u32 $0xFFFF0000, v60  }
0x175: {  	v63 =	vand.u32 $0xFFFF0000, v62;
	[tilespmem:v9+s25+$0x1D0 ss:$0x1] =	vst.idx.msk $0xffff, v10;
	v10 =	vor.u32 v11, v61;
	v11 =	vand.u32 $0xFFFF, v13  }
0x176: {  	s31 =	sadd.s32 $0x4, s20;
	[tilespmem:v9+s25+$0x1E0 ss:$0x1] =	vst.idx.msk $0xffff, v10;
	v10 =	vor.u32 v11, v63  }
0x177: {  	s20 =	smov.u32 s31;
	[tilespmem:v9+s25+$0x1F0 ss:$0x1] =	vst.idx.msk $0xffff, v10  }
0x178: {  	s17 =	sshll.u32 s17, $0x3  }
0x179: {  	s17 =	sadd.s32 s17, s6  }
0x17a: {  	s19 =	simm.s32 $0x40;
	s20 =	sadd.s32 $0x200, s18;
	s21 =	sadd.s32 $0x0, s17  }
.LBB2_9:
0x17b: {  	[hbm:s21] =	stream.linear.scatter [tilespmem:s18], [sflag:$0x3], $0x200, $0x38;
	[tilespmem:$0x18300] =	vst v63  }
0x17c: {  	s21 =	smov.u32 s19;
	s18 =	smov.u32 s20;
	p1 =	sne.s32 s19, $0x7C0  }
.Ltmp6:
0x17d: {  	s19 =	sadd.s32 $0x40, s19;
	(pc) =	sbr.rel @p1 .LBB2_9-.Ltmp6, $2  }
0x17e: {  	_ =	sdelay $0x2  }
0x17f: {  	s20 =	sadd.s32 $0x200, s20;
	s21 =	sadd.s32 s21, s17  }
.Ltmp7:
0x180: {  	(pc) =	sbr.rel .LBB2_11-.Ltmp7, $2  }
0x181: {  	_ =	sdelay $0x2  }
0x182: {  	[hbm:s21] =	stream.linear.scatter [tilespmem:s18], [sflag:$0x3], $0x200, $0x38;
	[tilespmem:$0x18300] =	vst v63  }
.LBB2_12:
0x183: {  	_ =	sfence.sel $0x180000  }
0x184: {  	s2 =	simm.s32 $0x1;
	[bflag:$0x0] =	sbarrier.arrive $0xFFFF  }
0x185: {  	s30 =	simm.s32 $0x2;
	[sflag:s2] =	ssyncpa.u1 $0x1  }
0x186: {  	s31 =	simm.s32 $0x3;
	[sflag:s30] =	ssyncpa.u1 $0x1  }
0x187: {  	[sflag:s31] =	ssyncpa.u1 $0x1  }
0x188: {  	p0 =	sne.s32 s0, $0x0;
	_ =	strace $0x90000050  }
0x189: {  	s0 =	sadd.s32 @!p0 $0x100000, s1;
	[bflag:$0x2] =	sbarrier.arrive $0xFFFF  }
0x18a: {  	[sflag:s0] =	ssyncadd.tile.s32 @!p0 $0x1;
	_ =	shalt  }
.Lfunc_end2:
_tile_overlayer_lowered:
.L_overlay_start_2:
0x18b: {  	(tag) =	ssettag $0x2  }
0x18c: {  	s0 =	rddreg [dreg:$0x0];
	s2 =	stileid.u32  }
0x18d: {  	s1 =	rddreg [dreg:$0x1];
	p0 =	sne.s32 s2, $0x0  }
0x18e: {  	s3 =	rddreg [dreg:$0x2];
	[bflag:$0x3] =	sbarrier.arrive $0xFFFF;
	s2 =	simm.s32 @!p0 $0x1C01  }
0x18f: {  	[timem:s3], [sflag:s2] =	dma.local @!p0 [hbm:s0], s1  }
0x190: {  	s0 =	simm.s32 @!p0 $0x1  }
0x191: {  	_ =	swait.ge @!p0 [sflag:s0], s1  }
0x192: {  	s1 =	ssub.s32 @!p0 $0x0, s1;
	[sflag:s0] =	ssyncset.done @!p0 $0x0  }
0x193: {  	[sflag:s0] =	ssyncadd.s32 @!p0 s1  }
0x194: {  	[bflag:$0x3] =	sbarrier.arrive $0xFFFF  }
0x195: {  	_ =	shalt  }

// kernel: gather_offload_async_start
scs
__scs_entry_jumppad:
0x0: {  	(pc) =	sbr.rel $0x88, $3  }
0x1: {  	(tag) =	ssettag $0x0;
	lr =	simm.s32 $0x1  }
0x2: {  	[smem:$0x3F8B] =	sst lr;
	_ =	strace $0xD0000000  }
0x3: {  	_ = 	snop  }
0x4: {  	_ = 	snop  }
0x5: {  	_ = 	snop  }
0x6: {  	_ = 	snop  }
0x7: {  	_ = 	snop  }
__scs_overlays_trampoline_lowered:
0x8: {  	[smem:$0x3F9A] =	sst s0  }
0x9: {  	[smem:$0x3F9B] =	sst s1  }
0xa: {  	[smem:$0x3F9C] =	sst s2  }
0xb: {  	[smem:$0x3F9D] =	sst s3  }
0xc: {  	[smem:$0x3F9E] =	sst s4  }
0xd: {  	[smem:$0x3F9F] =	sst s5  }
0xe: {  	[smem:$0x3FA0] =	sst s6  }
0xf: {  	[smem:$0x3FA1] =	sst s7  }
0x10: {  	[smem:$0x3FA2] =	sst s8  }
0x11: {  	[smem:$0x3FA3] =	sst s9;
	s0 =	simm.s32 @!p0 $0x0  }
0x12: {  	s1 =	sld [smem:$0x3F89];
	s0 =	simm.s32 @p0 $0x1  }
0x13: {  	[smem:$0x3FA4] =	sst s0;
	s0 =	simm.s32 @!p1 $0x0  }
0x14: {  	s2 =	sld [smem:$0x3F88];
	s0 =	simm.s32 @p1 $0x1  }
0x15: {  	[smem:$0x3FA5] =	sst s0;
	s0 =	simm.s32 @!p2 $0x0  }
0x16: {  	s3 =	sld [smem:$0x3FDB];
	s0 =	simm.s32 @p2 $0x1  }
0x17: {  	s4 =	simm.s32 $0x1BF5;
	[smem:$0x3FA7] =	sst s0  }
0x18: {  	s0 =	sld [smem:$0x3F8A];
	_ =	swait.ge [sflag:s4], $0x0  }
0x19: {  	s7 =	sld [smem:$0x3F8B]  }
0x1a: {  	s8 =	sadd.s32 $0xFFFFE003, lr  }
0x1b: {  	s9 =	sadd.s32 $0xFFFFFEF7, lr;
	s5 =	simm.s32 $0xFFFFFFFF;
	p2 =	slt.u32 s8, $0xFFFFF086  }
0x1c: {  	p1 =	slt.u32 s9, $0xF7A;
	s5 =	simm.s32 @!p2 $0x0  }
0x1d: {  	s5 =	simm.s32 @p1 $0x1;
	p0 =	seq.s32 s7, s2  }
0x1e: {  	s7 =	smul.u32 @!p0 $0xF7A, s2;
	p2 =	seq.s32 @!p0 s5, $0x0  }
0x1f: {  	s9 =	smul.u32 $0xF7A, s1;
	s8 =	simm.s32 @!p0 $0x1BF5;
	p2 =	por !p2, p0  }
0x20: {  	[sflag:s8] =	ssyncset.s32 @!p0 $0xFFFFF086;
	s6 =	sadd.s32 @!p0 s3, s7;
	s7 =	simm.s32 @!p0 $0x108  }
0x21: {  	s3 =	sadd.s32 s3, s9;
	s6 =	sadd.s32 @!p0 $0x88, s6;
	s7 =	simm.s32 @p2 $0x1082  }
0x22: {  	[simem:s7], [sflag:s8] =	dma.local @!p0 [hbm:s6], $0xF7A  }
0x23: {  	s9 =	sor.u32 $0xD0000000, s2;
	s6 =	simm.s32 $0x108;
	_ =	swait.ge @!p0 [sflag:s8], $0x0  }
0x24: {  	s3 =	sadd.s32 $0x88, s3;
	s6 =	simm.s32 @!p1 $0x1082;
	[sflag:s4] =	ssyncset.s32 $0xFFFFF086  }
0x25: {  	[simem:s6], [sflag:s4] =	dma.local [hbm:s3], $0xF7A  }
0x26: {  	[smem:$0x3F8B] =	sst s1;
	(tag) =	ssettag s2;
	_ =	strace s9  }
0x27: {  	s1 =	sld [smem:$0x3F9B]  }
0x28: {  	s2 =	sld [smem:$0x3F9C]  }
0x29: {  	s4 =	sld [smem:$0x3F9E]  }
0x2a: {  	p0 =	seq.s32 s5, $0x0;
	s5 =	sld [smem:$0x3F9F]  }
0x2b: {  	s6 =	sld [smem:$0x3FA0]  }
0x2c: {  	s7 =	sld [smem:$0x3FA1]  }
0x2d: {  	s3 =	simm.s32 $0x108;
	s8 =	sld [smem:$0x3FA2]  }
0x2e: {  	s3 =	simm.s32 @!p0 $0x1082;
	s9 =	sld [smem:$0x3FA3]  }
0x2f: {  	lr =	sadd.s32 s0, s3;
	s0 =	sld [smem:$0x3F9A]  }
0x30: {  	s3 =	sld [smem:$0x3F9D]  }
0x31: {  	[smem:$0x3FA6] =	sst s10  }
0x32: {  	s10 =	sld [smem:$0x3FA4];
	_ =	sdelay $0x3  }
0x33: {  	p0 =	seq.s32 s10, $0x1;
	s10 =	sld [smem:$0x3FA6];
	_ =	sdelay $0x3  }
0x34: {  	[smem:$0x3FA6] =	sst s10  }
0x35: {  	s10 =	sld [smem:$0x3FA5];
	_ =	sdelay $0x3  }
0x36: {  	p1 =	seq.s32 s10, $0x1;
	s10 =	sld [smem:$0x3FA6];
	_ =	sdelay $0x3  }
0x37: {  	[smem:$0x3FA6] =	sst s10  }
0x38: {  	s10 =	sld [smem:$0x3FA7]  }
0x39: {  	_ = 	snop;
	(pc) =	sbr.ind lr, $3  }
0x3a: {  	_ = 	snop  }
0x3b: {  	_ = 	snop  }
0x3c: {  	p2 =	seq.s32 s10, $0x1;
	s10 =	sld [smem:$0x3FA6]  }
0x3d: {  	_ =	shalt  }
0x3e: {  	_ =	shalt  }
0x3f: {  	_ =	shalt  }
0x40: {  	_ =	shalt  }
0x41: {  	_ =	shalt  }
0x42: {  	_ =	shalt  }
0x43: {  	_ =	shalt  }
0x44: {  	_ =	shalt  }
0x45: {  	_ =	shalt  }
0x46: {  	_ =	shalt  }
0x47: {  	_ =	shalt  }
0x48: {  	_ =	shalt  }
0x49: {  	_ =	shalt  }
0x4a: {  	_ =	shalt  }
0x4b: {  	_ =	shalt  }
0x4c: {  	_ =	shalt  }
0x4d: {  	_ =	shalt  }
0x4e: {  	_ =	shalt  }
0x4f: {  	_ =	shalt  }
0x50: {  	_ =	shalt  }
0x51: {  	_ =	shalt  }
0x52: {  	_ =	shalt  }
0x53: {  	_ =	shalt  }
0x54: {  	_ =	shalt  }
0x55: {  	_ =	shalt  }
0x56: {  	_ =	shalt  }
0x57: {  	_ =	shalt  }
0x58: {  	_ =	shalt  }
0x59: {  	_ =	shalt  }
0x5a: {  	_ =	shalt  }
0x5b: {  	_ =	shalt  }
0x5c: {  	_ =	shalt  }
0x5d: {  	_ =	shalt  }
0x5e: {  	_ =	shalt  }
0x5f: {  	_ =	shalt  }
0x60: {  	_ =	shalt  }
0x61: {  	_ =	shalt  }
0x62: {  	_ =	shalt  }
0x63: {  	_ =	shalt  }
0x64: {  	_ =	shalt  }
0x65: {  	_ =	shalt  }
0x66: {  	_ =	shalt  }
0x67: {  	_ =	shalt  }
0x68: {  	_ =	shalt  }
0x69: {  	_ =	shalt  }
0x6a: {  	_ =	shalt  }
0x6b: {  	_ =	shalt  }
0x6c: {  	_ =	shalt  }
0x6d: {  	_ =	shalt  }
0x6e: {  	_ =	shalt  }
0x6f: {  	_ =	shalt  }
0x70: {  	_ =	shalt  }
0x71: {  	_ =	shalt  }
0x72: {  	_ =	shalt  }
0x73: {  	_ =	shalt  }
0x74: {  	_ =	shalt  }
0x75: {  	_ =	shalt  }
0x76: {  	_ =	shalt  }
0x77: {  	_ =	shalt  }
0x78: {  	_ =	shalt  }
0x79: {  	_ =	shalt  }
0x7a: {  	_ =	shalt  }
0x7b: {  	_ =	shalt  }
0x7c: {  	_ =	shalt  }
0x7d: {  	_ =	shalt  }
0x7e: {  	_ =	shalt  }
0x7f: {  	_ =	shalt  }
0x80: {  	_ =	shalt  }
0x81: {  	_ =	shalt  }
0x82: {  	_ =	shalt  }
0x83: {  	_ =	shalt  }
0x84: {  	_ =	shalt  }
0x85: {  	_ =	shalt  }
0x86: {  	_ =	shalt  }
0x87: {  	_ =	shalt  }
.Lfunc_end0:
.L_simem_size_0:
called_computation.2_lowered:
.L_overlay_start_0:
0x88: {  	s2 =	sld [smem:$0x3FD9]  }
0x89: {  	s3 =	sld [smem:$0x3FFE];
	_ =	sdelay $0x1  }
0x8a: {  	s1 =	srdreg.scid  }
0x8b: {  	s0 =	sand.u32 $0x1, s1  }
0x8c: {  	s16 =	sshll.u32 s0, $0xA;
	s2 =	sadd.s32 s3, s2  }
0x8d: {  	s2 =	sadd.s32 s2, s16  }
0x8e: {  	[smem:$0x3FB2] =	sst s2  }
0x8f: {  	_ = 	snop  }
0x90: {  	(tm) =	ssettm $0x1  }
0x91: {  	s17 =	sld [smem:$0x3FFB];
	_ =	sdelay $0x3  }
0x92: {  	_ =	strace s17  }
0x93: {  	s2 =	sld [smem:$0x3FFC];
	_ =	sdelay $0x3  }
0x94: {  	_ =	strace s2  }
0x95: {  	s2 =	sld [smem:$0x3FFD];
	_ =	sdelay $0x3  }
0x96: {  	_ =	strace s2  }
0x97: {  	_ =	strace $0x8FFFFFFF  }
0x98: {  	s18 =	sld [smem:$0x3FDB];
	_ =	sdelay $0x1  }
0x99: {  	s19 =	simm.s32 $_scs_section_size  }
0x9a: {  	s4 =	simm.s32 $_size__tile_overlayer_lowered;
	s5 =	simm.s32 $_tile_overlayer_lowered  }
0x9b: {  	s22 =	simm.s32 $0x1BFF;
	s21 =	sshll.u32 s5, $0x1;
	s2 =	sadd.s32 s19, s18  }
0x9c: {  	s6 =	simm.s32 $0x0;
	s20 =	sshll.u32 s4, $0x1;
	s4 =	sadd.s32 s21, s2  }
0x9d: {  	[timem:s6], [sflag:s22] =	dma.local [hbm:s4], s20  }
0x9e: {  	_ =	swait.ge [sflag:s22], s20  }
0x9f: {  	s3 =	ssub.s32 $0x0, s20;
	[sflag:s22] =	ssyncset.done $0x0  }
0xa0: {  	[sflag:s22] =	ssyncadd.s32 s3;
	_ =	sdelay $0x1  }
0xa1: {  	s23 =	simm.s32 $0x1B8B  }
0xa2: {  	_ =	swait.ge [sflag:s23], $0x1  }
0xa3: {  	[sflag:s23] =	ssyncset.done $0x0  }
0xa4: {  	s25 =	simm.s32 $0x1B8E;
	s24 =	sld [smem:$0x3FFE];
	[sflag:s23] =	ssyncadd.s32 $0xFFFFFFFF  }
0xa5: {  	s26 =	simm.s32 $execute0_lowered;
	[smem:$0x3FD2] =	sst s25  }
0xa6: {  	s4 =	sshll.u32 s26, $0x1;
	_ =	strace $0x80000046;
	[dreg:$0x1] =	wrdreg $0xFFFFFFFF  }
0xa7: {  	s28 =	simm.s32 $_size_execute0_lowered;
	s2 =	sadd.s32 s2, s4;
	[dreg:$0x0] =	wrdreg $0x0  }
0xa8: {  	s4 =	sshll.u32 s28, $0x1;
	[dreg:$0x2] =	wrdreg s2  }
0xa9: {  	[dreg:$0x3] =	wrdreg s4  }
0xaa: {  	[dreg:$0x4] =	wrdreg $0xC0  }
0xab: {  	_ =	task [dreg:s6], $0x5FFFF  }
0xac: {  	[dreg:$0x1] =	wrdreg $0xFFFFFFFF  }
0xad: {  	[dreg:$0x0] =	wrdreg $0x60  }
0xae: {  	[dreg:$0x2] =	wrdreg s24  }
0xaf: {  	[dreg:$0x3] =	wrdreg $0x9  }
0xb0: {  	_ =	task.clear_ibuf [dreg:s6], $0x4FFFF;
	_ =	strace $0x90000046  }
0xb1: {  	s29 =	simm.s32 $0x9;
	_ =	strace $0x80000048  }
0xb2: {  	_ =	swait.ge [sflag:s29], $0x1  }
0xb3: {  	[sflag:s29] =	ssyncadd.s32 $0xFFFFFFFF  }
0xb4: {  	_ =	strace $0x90000048  }
0xb5: {  	_ =	sfence  }
0xb6: {  	s30 =	sld [smem:$0x0];
	_ =	sdelay $0x2  }
0xb7: {  	s31 =	sshll.u32 s1, $0xD;
	s1 =	sshrl.u32 s1, $0x2  }
0xb8: {  	s3 =	sand.u32 $0x4000, s31;
	s1 =	sadd.s32 s1, s30  }
0xb9: {  	s0 =	sor.u32 s3, s0;
	s1 =	sshll.u32 s1, $0x11  }
0xba: {  	s0 =	sor.u32 s1, s0  }
0xbb: {  	s0 =	sadd.s32 $0x8F2B, s0  }
0xbc: {  	[sflag:s0] =	ssyncadd.remote.s32 $0x1  }
0xbd: {  	_ =	sfence.sel $0xFFFF  }
0xbe: {  	[dreg:$0x0] =	wrdreg $0xFFFFFFFF;
	(pc) =	sbr.abs _section_cstart, $3  }
0xbf: {  	[dreg:$0x1] =	wrdreg $0xFFFFFFFF  }
0xc0: {  	_ =	task.clear_ibuf [dreg:s6], $0x2FFFF;
	_ =	strace $0x9FFFFFFF  }
0xc1: {  	(tm) =	ssettm $0x7FFFFFFF  }
tec
execute0_lowered:
.L_overlay_start_1:
0x0: {  	(tag) =	ssettag $0x1  }
0x1: {  	s0 =	srdreg.scid  }
0x2: {  	s1 =	sshll.u32 s0, $0x4  }
0x3: {  	s0 =	stileid.u32;
	s1 =	sand.u32 $0x10, s1  }
0x4: {  	s6 =	rddreg [dreg:$0x0];
	s7 =	simm.s32 $0x1;
	s1 =	sor.u32 s0, s1  }
0x5: {  	s8 =	simm.s32 $0x2;
	s10 =	simm.s32 $0x3;
	s2 =	smul.u32 $0x81, s1  }
0x6: {  	s17 =	simm.s32 $0x0;
	s11 =	simm.s32 $0xFFFF0000;
	s3 =	smin.u32 s1, $0xC  }
0x7: {  	p0 =	slt.u32 s1, $0xC;
	s2 =	sadd.s32 s3, s2;
	s3 =	simm.s32 $0x8200  }
0x8: {  	s12 =	simm.s32 $0xFFFFFFFF;
	s2 =	sshll.u32 s2, $0x8;
	s3 =	simm.s32 @!p0 $0x8100  }
0x9: {  	s13 =	simm.s32 $0x0;
	s14 =	simm.s32 $0x0;
	s3 =	sadd.s32 s3, s2  }
0xa: {  	s16 =	simm.s32 $0x0;
	s1 =	rddreg [dreg:$0x1];
	s3 =	smin.u32 s3, $0x102C00  }
.Ltmp0:
0xb: {  	_ =	strace $0x80000047;
	s9 =	ssub.s32 s3, s2;
	(pc) =	sbr.rel .LBB2_1-.Ltmp0, $4  }
0xc: {  	vm0 =	vmmov $0xff;
	s4 =	sadd.s32 $0xAD8200, s6;
	[sflag:s7] =	ssyncpa.u1 $0x0;
	p0 =	sgt.s32 s9, $0x0  }
0xd: {  	vm1 =	vcmask $0x3F20;
	v0 =	vimm.s32 $0x4;
	v1 =	vimm.s32 $0x0;
	s5 =	sadd.s32 $0x57C00, s6;
	[sflag:s8] =	ssyncpa.u1 $0x0;
	s9 =	simm.s32 @!p0 $0x0  }
0xe: {  	v2 =	vimm.s32 $0x1;
	v3 =	vimm.s32 $0x2;
	v4 =	vimm.s32 $0x3;
	s6 =	sadd.s32 $0x2C2200, s6;
	[sflag:s10] =	ssyncpa.u1 $0x0;
	s9 =	sshrl.u32 s9, $0x8  }
0xf: {  	v5 =	vimm.s32 $0x5;
	v6 =	vimm.s32 $0x6;
	v7 =	vimm.s32 $0x7;
	s15 =	smov.u32 s2;
	p0 =	por $0x0, $0x0;
	s10 =	sadd.s32 $0x2, s9  }
.LBB2_11:
0x10: {  	p1 =	slt.u32 s16, $0x3  }
0x11: {  	s17 =	simm.s32 @!p1 $0x3  }
0x12: {  	_ =	swait.ge @!p1 [sflag:s17], $0x4000  }
0x13: {  	[sflag:s17] =	ssyncset.done @!p1 $0x0  }
0x14: {  	[sflag:s17] =	ssyncadd.s32 @!p1 $0xFFFFC000;
	p1 =	sne.s32 s16, s10  }
.Ltmp1:
0x15: {  	s18 =	sadd.s32 $0x100, s15;
	(pc) =	sbr.rel @!p1 .LBB2_12-.Ltmp1, $4  }
0x16: {  	s19 =	smov.u32 s2;
	s31 =	sadd.s32 $0x1, s16;
	s11 =	sadd.s32 $0x10000, s11  }
0x17: {  	s13 =	sadd.s32 $0x100, s13;
	s12 =	sadd.s32 $0x1, s12;
	p2 =	slt.s32 s18, s3  }
0x18: {  	p0 =	por !p0, !p0;
	s19 =	smov.u32 @p2 s18;
	s17 =	smov.u32 s14  }
0x19: {  	s14 =	smov.u32 s15;
	s15 =	smov.u32 s19;
	s16 =	smov.u32 s31  }
.LBB2_1:
0x1a: {  	p1 =	sge.u32 s16, s9  }
0x1b: {  	s18 =	smulhi.u32 @!p1 $0xAAAAAAAB, s16;
	_ =	sdelay $0x1  }
0x1c: {  	s18 =	sshrl.u32 @!p1 s18, $0x1  }
0x1d: {  	s18 =	smul.u32 @!p1 $0x3, s18;
	_ =	sdelay $0x1  }
0x1e: {  	s31 =	sadd.s32 $0xFFFFFFFF, s16;
	s19 =	sshrl.u32 @!p1 s15, $0x3;
	s18 =	ssub.s32 @!p1 s16, s18  }
0x1f: {  	s20 =	sand.u32 @!p1 $0x7, s15;
	s19 =	sadd.s32 @!p1 s5, s19;
	s18 =	sshll.u32 @!p1 s18, $0x8  }
0x20: {  	[tilespmem:s18], [sflag:$0x1] =	stream.linear.gather @!p1 [hbm4b:s19+s20], $0x100, $0x38;
	[tilespmem:$0x18300] =	vst v63  }
0x21: {  	p1 =	sge.u32 s31, s9  }
.Ltmp2:
0x22: {  	_ = 	snop;
	(pc) =	sbr.rel @p1 .LBB2_5-.Ltmp2, $1  }
0x23: {  	_ =	sdelay $0x3  }
0x24: {  	s18 =	smulhi.u32 $0xAAAAAAAB, s12;
	_ =	sdelay $0x1  }
0x25: {  	s18 =	sshrl.u32 s18, $0x1  }
0x26: {  	s18 =	smul.u32 $0xFFFFF400, s18;
	_ =	sdelay $0x1  }
0x27: {  	_ =	swait.ge [sflag:s7], $0x100;
	s18 =	sshra.s32 s18, $0x2  }
0x28: {  	[sflag:s7] =	ssyncset.done $0x0;
	s18 =	sadd.s32 s18, s13  }
0x29: {  	[sflag:s7] =	ssyncadd.s32 $0xFFFFFF00;
	s19 =	sadd.s32 $0xFFFFFF00, s18  }
0x2a: {  	v8 =	vld.msk [tilespmem:s19+$0x0 ss:$0x1], $0xffff;
	_ =	sdelay $0x4  }
0x2b: {  	vm2 =	vgt.s32 v8, $0x0  }
0x2c: {  	v8 =	vnsel vm2, $0x0, v8  }
0x2d: {  	v9 =	vmin.u32 v8, $0x102BFF  }
0x2e: {  	v8 =	vmov s18;
	v10 =	vshll.u32 v9, $0x3  }
0x2f: {  	v10 =	vand.u32 $0xFFFFF0, v10  }
0x30: {  	s30 =	sshrl.u32 s11, $0x1  }
0x31: {  	s19 =	sand.u32 $0x8000, s30  }
0x32: {  	s20 =	simm.s32 $0xFFFFFF00;
	s19 =	sor.u32 $0x700, s19;
	v9 =	vand.u32 $0x1, v9  }
0x33: {  	s21 =	sadd.s32 $0xFFFFFC00, s19;
	[tilespmem:v8+s20+$0x0 ss:$0x1] =	vst.idx.msk $0xffff, v9  }
0x34: {  	[tilespmem:s21], [sflag:$0x2] =	stream.indirect_vreg.gather [hbm:s4], $0x80, v10, vm0, $0x38;
	[tilespmem:$0x18300] =	vst v63  }
0x35: {  	s31 =	sadd.s32 $0xFFFFFF10, s18  }
0x36: {  	[tilespmem:s19], [sflag:$0x2] =	stream.indirect_vreg.gather [hbm:s4], $0x80, v10, vm1, $0x38;
	[tilespmem:$0x18300] =	vst v63  }
0x37: {  	s20 =	simm.s32 $0xFFFFFF10;
	s21 =	simm.s32 $0xFFFFFC80;
	v9 =	vld.msk [tilespmem:s31+$0x0 ss:$0x1], $0xffff  }
.LBB2_3:
0x38: {  	p1 =	sne.s32 s21, $0xFFFFFFC0;
	_ =	sdelay $0x4  }
0x39: {  	vm2 =	vgt.s32 v9, $0x0  }
0x3a: {  	v9 =	vnsel vm2, $0x0, v9  }
0x3b: {  	v9 =	vmin.u32 v9, $0x102BFF  }
0x3c: {  	v10 =	vshll.u32 v9, $0x3  }
0x3d: {  	v10 =	vand.u32 $0xFFFFF0, v10;
	_ =	sdelay $0x2  }
0x3e: {  	s19 =	sadd.s32 $0x800, s19  }
.Ltmp3:
0x3f: {  	s22 =	sshra.s32 s21, $0x2;
	s23 =	sadd.s32 $0xFFFFFC00, s19;
	v9 =	vand.u32 $0x1, v9;
	(pc) =	sbr.rel @p1 .LBB2_3-.Ltmp3, $4  }
0x40: {  	[tilespmem:v8+s20+$0x0 ss:$0x1] =	vst.idx.msk $0xffff, v9;
	[tilespmem:s23], [sflag:$0x2] =	stream.indirect_vreg.gather [hbm:s4], $0x80, v10, vm0, $0x38  }
0x41: {  	s23 =	sadd.s32 s22, s18;
	s20 =	smov.u32 s22  }
0x42: {  	[tilespmem:s19], [sflag:$0x2] =	stream.indirect_vreg.gather [hbm:s4], $0x80, v10, vm1, $0x38;
	[tilespmem:$0x18300] =	vst v63  }
0x43: {  	s21 =	sadd.s32 $0x40, s21;
	v9 =	vld.msk [tilespmem:s23+$0x0 ss:$0x1], $0xffff  }
0x44: {  	_ =	sdelay $0x3  }
0x45: {  	vm2 =	vgt.s32 v9, $0x0  }
0x46: {  	v9 =	vnsel vm2, $0x0, v9  }
0x47: {  	v9 =	vmin.u32 v9, $0x102BFF  }
0x48: {  	v10 =	vshll.u32 v9, $0x3  }
0x49: {  	v10 =	vand.u32 $0xFFFFF0, v10;
	_ =	sdelay $0x2  }
0x4a: {  	s18 =	sadd.s32 $0x800, s19;
	v9 =	vand.u32 $0x1, v9  }
0x4b: {  	s19 =	sadd.s32 $0xFFFFFC00, s18;
	[tilespmem:v8+s20+$0x0 ss:$0x1] =	vst.idx.msk $0xffff, v9  }
0x4c: {  	[tilespmem:s19], [sflag:$0x2] =	stream.indirect_vreg.gather [hbm:s4], $0x80, v10, vm0, $0x38;
	[tilespmem:$0x18300] =	vst v63  }
0x4d: {  	_ = 	snop  }
0x4e: {  	[tilespmem:s18], [sflag:$0x2] =	stream.indirect_vreg.gather [hbm:s4], $0x80, v10, vm1, $0x38;
	[tilespmem:$0x18300] =	vst v63  }
.LBB2_5:
0x4f: {  	p1 =	slt.u32 s16, $0x2  }
0x50: {  	p2 =	sge.u32 @!p1 s16, s10  }
0x51: {  	p1 =	por p1, p2  }
.Ltmp4:
0x52: {  	_ = 	snop;
	(pc) =	sbr.rel @p1 .LBB2_11-.Ltmp4, $1  }
0x53: {  	_ =	sdelay $0x3  }
0x54: {  	s19 =	sadd.s32 $0xFFFFFFFE, s16  }
0x55: {  	s18 =	smulhi.u32 $0xAAAAAAAB, s19  }
0x56: {  	s20 =	simm.s32 $0x1;
	s30 =	sand.u32 $0x1, s16  }
0x57: {  	_ =	swait.ge [sflag:s8], $0x8000;
	s20 =	simm.s32 @!p0 $0x0;
	s18 =	sshrl.u32 s18, $0x1  }
0x58: {  	s31 =	sshll.u32 s30, $0xF;
	[sflag:s8] =	ssyncset.done $0x0;
	s21 =	smul.u32 $0x3, s18  }
0x59: {  	s29 =	sshll.u32 s20, $0xE;
	s20 =	sshll.u32 s30, $0xE;
	[sflag:s8] =	ssyncadd.s32 $0xFFFF8000  }
0x5a: {  	s22 =	sor.u32 $0x10300, s20;
	s19 =	ssub.s32 s19, s21;
	s21 =	sor.u32 $0x300, s31  }
0x5b: {  	s20 =	simm.s32 $0x0;
	s18 =	sor.u32 $0x10300, s29;
	v9 =	vmov s22;
	s19 =	sshll.u32 s19, $0x8;
	v8 =	vmov s21  }
.LBB2_7:
0x5c: {  	s21 =	sshll.u32 s20, $0x3  }
0x5d: {  	s21 =	sand.u32 $0x3FFFFFF8, s21  }
0x5e: {  	s21 =	sadd.s32 s21, s19  }
0x5f: {  	v10 =	vld.msk [tilespmem:s21+$0x0 ss:$0x1], $0xff  }
0x60: {  	s26 =	sshll.u32 s20, $0xA  }
0x61: {  	s23 =	sand.u32 $0x3FFFFC00, s26  }
0x62: {  	v11 =	vld.idx.msk [tilespmem:v8+s23+$0x0 ss:$0x1], $0xffff  }
0x63: {  	v12 =	vld.idx.msk [tilespmem:v8+s23+$0x80 ss:$0x1], $0xffff  }
0x64: {  	v10 =	vshll.u32 v10, $0x4  }
0x65: {  	v13 =	vperm.xlane v10, v2  }
0x66: {  	v15 =	vperm.xlane v10, v1  }
0x67: {  	v20 =	vsub.s32 $0x10, v13  }
0x68: {  	v11 =	vshrl.u32 v11, v15;
	v12 =	vshll.u32 v12, v20  }
0x69: {  	s28 =	sshll.u32 s20, $0x9;
	v14 =	vld.idx.msk [tilespmem:v8+s23+$0x10 ss:$0x1], $0xffff;
	v11 =	vand.u32 $0xFFFF, v11;
	v12 =	vand.u32 $0xFFFF0000, v12  }
0x6a: {  	v17 =	vld.idx.msk [tilespmem:v8+s23+$0x90 ss:$0x1], $0xffff;
	s21 =	sand.u32 $0x3FFFFE00, s28;
	v11 =	vor.u32 v11, v12  }
0x6b: {  	v63 =	vld.idx.msk [tilespmem:v8+s23+$0x20 ss:$0x1], $0xffff;
	[tilespmem:v9+s21+$0x0 ss:$0x1] =	vst.idx.msk $0xffff, v11  }
0x6c: {  	v59 =	vld.idx.msk [tilespmem:v8+s23+$0x100 ss:$0x1], $0xffff  }
0x6d: {  	v60 =	vld.idx.msk [tilespmem:v8+s23+$0x180 ss:$0x1], $0xffff  }
0x6e: {  	v25 =	vld.idx.msk [tilespmem:v8+s23+$0xA0 ss:$0x1], $0xffff  }
0x6f: {  	v23 =	vld.idx.msk [tilespmem:v8+s23+$0x30 ss:$0x1], $0xffff;
	v16 =	vperm.xlane v10, v4  }
0x70: {  	v33 =	vld.idx.msk [tilespmem:v8+s23+$0x40 ss:$0x1], $0xffff;
	v11 =	vperm.xlane v10, v3  }
0x71: {  	v38 =	vld.idx.msk [tilespmem:v8+s23+$0x50 ss:$0x1], $0xffff;
	v19 =	vsub.s32 $0x10, v16  }
0x72: {  	v53 =	vld.idx.msk [tilespmem:v8+s23+$0x60 ss:$0x1], $0xffff;
	v61 =	vshrl.u32 v14, v15;
	v12 =	vshrl.u32 v59, v11;
	v13 =	vshll.u32 v60, v19  }
0x73: {  	v54 =	vld.idx.msk [tilespmem:v8+s23+$0xE0 ss:$0x1], $0xffff;
	v62 =	vshll.u32 v17, v20;
	v12 =	vand.u32 $0xFFFF, v12;
	v13 =	vand.u32 $0xFFFF0000, v13  }
0x74: {  	v56 =	vld.idx.msk [tilespmem:v8+s23+$0x70 ss:$0x1], $0xffff;
	v18 =	vand.u32 $0xFFFF, v61;
	v24 =	vand.u32 $0xFFFF0000, v62;
	v12 =	vor.u32 v12, v13  }
0x75: {  	[tilespmem:v9+s21+$0x80 ss:$0x1] =	vst.idx.msk $0xffff, v12;
	v12 =	vor.u32 v18, v24;
	v24 =	vld.idx.msk [tilespmem:v8+s23+$0xB0 ss:$0x1], $0xffff  }
0x76: {  	v21 =	vld.idx.msk [tilespmem:v8+s23+$0x200 ss:$0x1], $0xffff  }
0x77: {  	v16 =	vshrl.u32 v63, v15;
	v14 =	vshll.u32 v25, v20;
	v26 =	vld.idx.msk [tilespmem:v8+s23+$0x280 ss:$0x1], $0xffff  }
0x78: {  	v57 =	vld.idx.msk [tilespmem:v8+s23+$0xF0 ss:$0x1], $0xffff;
	v16 =	vand.u32 $0xFFFF, v16;
	v14 =	vand.u32 $0xFFFF0000, v14;
	[tilespmem:v9+s21+$0x10 ss:$0x1] =	vst.idx.msk $0xffff, v12  }
0x79: {  	v14 =	vor.u32 v16, v14;
	v18 =	vperm.xlane v10, v5;
	v12 =	vld.idx.msk [tilespmem:v8+s23+$0x110 ss:$0x1], $0xffff  }
0x7a: {  	v36 =	vshrl.u32 v23, v15;
	v17 =	vperm.xlane v10, v0;
	[tilespmem:v9+s21+$0x20 ss:$0x1] =	vst.idx.msk $0xffff, v14;
	v22 =	vld.idx.msk [tilespmem:v8+s23+$0x190 ss:$0x1], $0xffff  }
0x7b: {  	v46 =	vshrl.u32 v38, v15;
	v39 =	vand.u32 $0xFFFF, v36;
	v29 =	vld.idx.msk [tilespmem:v8+s23+$0x120 ss:$0x1], $0xffff;
	v18 =	vsub.s32 $0x10, v18  }
0x7c: {  	s22 =	sor.u32 $0x1, s20;
	v31 =	vld.idx.msk [tilespmem:v8+s23+$0x1A0 ss:$0x1], $0xffff;
	v37 =	vshll.u32 v24, v20;
	v21 =	vshrl.u32 v21, v17;
	v13 =	vshll.u32 v26, v18  }
0x7d: {  	s29 =	sshll.u32 s22, $0xA;
	v25 =	vld.idx.msk [tilespmem:v8+s23+$0xC0 ss:$0x1], $0xffff;
	v23 =	vand.u32 $0xFFFF0000, v37;
	v27 =	vand.u32 $0xFFFF, v21;
	v13 =	vand.u32 $0xFFFF0000, v13  }
0x7e: {  	s25 =	sand.u32 $0x3FFFFC00, s29;
	v12 =	vshrl.u32 v12, v11;
	v23 =	vor.u32 v39, v23;
	v13 =	vor.u32 v27, v13;
	v27 =	vld.idx.msk [tilespmem:v8+s23+$0xD0 ss:$0x1], $0xffff  }
0x7f: {  	v28 =	vshll.u32 v22, v19;
	[tilespmem:v9+s21+$0x30 ss:$0x1] =	vst.idx.msk $0xffff, v23;
	v23 =	vand.u32 $0xFFFF, v46;
	v46 =	vld.idx.msk [tilespmem:v8+s25+$0x10 ss:$0x1], $0xffff  }
0x80: {  	v16 =	vshrl.u32 v29, v11;
	v30 =	vand.u32 $0xFFFF, v12;
	v14 =	vand.u32 $0xFFFF0000, v28;
	v28 =	vld.idx.msk [tilespmem:v8+s23+$0x130 ss:$0x1], $0xffff  }
0x81: {  	v21 =	vshll.u32 v31, v19;
	[tilespmem:v9+s21+$0x100 ss:$0x1] =	vst.idx.msk $0xffff, v13;
	v14 =	vor.u32 v30, v14;
	v43 =	vld.idx.msk [tilespmem:v8+s23+$0x1B0 ss:$0x1], $0xffff  }
0x82: {  	v16 =	vand.u32 $0xFFFF, v16;
	v21 =	vand.u32 $0xFFFF0000, v21;
	v12 =	vld.idx.msk [tilespmem:v8+s23+$0x300 ss:$0x1], $0xffff;
	[tilespmem:v9+s21+$0x90 ss:$0x1] =	vst.idx.msk $0xffff, v14  }
0x83: {  	v16 =	vor.u32 v16, v21;
	v14 =	vld.idx.msk [tilespmem:v8+s23+$0x210 ss:$0x1], $0xffff  }
0x84: {  	v25 =	vshll.u32 v25, v20;
	v21 =	vshrl.u32 v33, v15;
	[tilespmem:v9+s21+$0xA0 ss:$0x1] =	vst.idx.msk $0xffff, v16;
	v32 =	vld.idx.msk [tilespmem:v8+s23+$0x290 ss:$0x1], $0xffff  }
0x85: {  	v40 =	vand.u32 $0xFFFF0000, v25;
	v21 =	vand.u32 $0xFFFF, v21;
	v35 =	vld.idx.msk [tilespmem:v8+s23+$0x220 ss:$0x1], $0xffff  }
0x86: {  	v26 =	vld.idx.msk [tilespmem:v8+s23+$0x2A0 ss:$0x1], $0xffff;
	v21 =	vor.u32 v21, v40  }
0x87: {  	s24 =	sshll.u32 s22, $0x3;
	v13 =	vld.idx.msk [tilespmem:v8+s23+$0x380 ss:$0x1], $0xffff;
	[tilespmem:v9+s21+$0x40 ss:$0x1] =	vst.idx.msk $0xffff, v21;
	v47 =	vshll.u32 v27, v20  }
0x88: {  	s24 =	sand.u32 $0x3FFFFFF8, s24;
	v45 =	vld.idx.msk [tilespmem:v8+s23+$0x140 ss:$0x1], $0xffff;
	v24 =	vand.u32 $0xFFFF0000, v47  }
0x89: {  	s24 =	sadd.s32 s24, s19;
	v48 =	vld.idx.msk [tilespmem:v8+s23+$0x1C0 ss:$0x1], $0xffff;
	v50 =	vshll.u32 v43, v19;
	v23 =	vor.u32 v23, v24  }
0x8a: {  	v49 =	vshrl.u32 v28, v11;
	v43 =	vld.msk [tilespmem:s24+$0x0 ss:$0x1], $0xff;
	v24 =	vand.u32 $0xFFFF0000, v50;
	v14 =	vshrl.u32 v14, v17;
	[tilespmem:v9+s21+$0x50 ss:$0x1] =	vst.idx.msk $0xffff, v23  }
0x8b: {  	v34 =	vshll.u32 v32, v18;
	v22 =	vshrl.u32 v35, v17;
	v41 =	vshll.u32 v26, v18;
	v51 =	vld.idx.msk [tilespmem:v8+s23+$0x150 ss:$0x1], $0xffff  }
0x8c: {  	v23 =	vand.u32 $0xFFFF, v49;
	v22 =	vand.u32 $0xFFFF, v22;
	v42 =	vand.u32 $0xFFFF0000, v41;
	v52 =	vld.idx.msk [tilespmem:v8+s23+$0x1D0 ss:$0x1], $0xffff  }
0x8d: {  	v23 =	vor.u32 v23, v24;
	v44 =	vor.u32 v22, v42;
	v22 =	vshrl.u32 v45, v11;
	v45 =	vld.idx.msk [tilespmem:v8+s25+$0x80 ss:$0x1], $0xffff  }
0x8e: {  	v14 =	vand.u32 $0xFFFF, v14;
	v16 =	vand.u32 $0xFFFF0000, v34;
	v21 =	vshll.u32 v48, v19;
	[tilespmem:v9+s21+$0xB0 ss:$0x1] =	vst.idx.msk $0xffff, v23;
	v48 =	vld.idx.msk [tilespmem:v8+s25+$0x90 ss:$0x1], $0xffff  }
0x8f: {  	v14 =	vor.u32 v14, v16;
	v29 =	vld.idx.msk [tilespmem:v8+s23+$0x230 ss:$0x1], $0xffff  }
0x90: {  	[tilespmem:v9+s21+$0x110 ss:$0x1] =	vst.idx.msk $0xffff, v14;
	v55 =	vld.idx.msk [tilespmem:v8+s23+$0x2B0 ss:$0x1], $0xffff  }
0x91: {  	[tilespmem:v9+s21+$0x120 ss:$0x1] =	vst.idx.msk $0xffff, v44;
	v44 =	vld.idx.msk [tilespmem:v8+s25+$0x0 ss:$0x1], $0xffff  }
0x92: {  	v16 =	vld.idx.msk [tilespmem:v8+s23+$0x310 ss:$0x1], $0xffff  }
0x93: {  	v22 =	vand.u32 $0xFFFF, v22;
	v21 =	vand.u32 $0xFFFF0000, v21;
	v14 =	vld.idx.msk [tilespmem:v8+s23+$0x390 ss:$0x1], $0xffff  }
0x94: {  	v24 =	vshrl.u32 v53, v15;
	v23 =	vshll.u32 v54, v20;
	v27 =	vld.idx.msk [tilespmem:v8+s23+$0x320 ss:$0x1], $0xffff;
	v21 =	vor.u32 v22, v21  }
0x95: {  	v24 =	vand.u32 $0xFFFF, v24;
	v23 =	vand.u32 $0xFFFF0000, v23;
	v26 =	vld.idx.msk [tilespmem:v8+s23+$0x3A0 ss:$0x1], $0xffff;
	[tilespmem:v9+s21+$0xC0 ss:$0x1] =	vst.idx.msk $0xffff, v21  }
0x96: {  	v15 =	vshrl.u32 v56, v15;
	v20 =	vshll.u32 v57, v20;
	v23 =	vor.u32 v24, v23;
	v21 =	vld.idx.msk [tilespmem:v8+s23+$0x240 ss:$0x1], $0xffff  }
0x97: {  	v15 =	vand.u32 $0xFFFF, v15;
	v20 =	vand.u32 $0xFFFF0000, v20;
	[tilespmem:v9+s21+$0x60 ss:$0x1] =	vst.idx.msk $0xffff, v23;
	v30 =	vld.idx.msk [tilespmem:v8+s23+$0x2C0 ss:$0x1], $0xffff  }
0x98: {  	v15 =	vor.u32 v15, v20;
	v61 =	vld.idx.msk [tilespmem:v8+s23+$0x160 ss:$0x1], $0xffff  }
0x99: {  	[tilespmem:v9+s21+$0x70 ss:$0x1] =	vst.idx.msk $0xffff, v15;
	v25 =	vshrl.u32 v51, v11;
	v28 =	vshll.u32 v52, v19;
	v63 =	vld.idx.msk [tilespmem:v8+s23+$0x1E0 ss:$0x1], $0xffff  }
0x9a: {  	v39 =	vld.idx.msk [tilespmem:v8+s23+$0x170 ss:$0x1], $0xffff;
	v25 =	vand.u32 $0xFFFF, v25;
	v28 =	vand.u32 $0xFFFF0000, v28  }
0x9b: {  	v42 =	vld.idx.msk [tilespmem:v8+s23+$0x1F0 ss:$0x1], $0xffff;
	v25 =	vor.u32 v25, v28;
	v29 =	vshrl.u32 v29, v17;
	v22 =	vshll.u32 v55, v18  }
0x9c: {  	v51 =	vld.idx.msk [tilespmem:v8+s25+$0x20 ss:$0x1], $0xffff;
	[tilespmem:v9+s21+$0xD0 ss:$0x1] =	vst.idx.msk $0xffff, v25;
	v58 =	vand.u32 $0xFFFF, v29;
	v22 =	vand.u32 $0xFFFF0000, v22  }
0x9d: {  	v31 =	vld.idx.msk [tilespmem:v8+s23+$0x250 ss:$0x1], $0xffff;
	v22 =	vor.u32 v58, v22;
	v21 =	vshrl.u32 v21, v17;
	v60 =	vshll.u32 v30, v18  }
0x9e: {  	v59 =	vld.idx.msk [tilespmem:v8+s23+$0x2D0 ss:$0x1], $0xffff;
	[tilespmem:v9+s21+$0x130 ss:$0x1] =	vst.idx.msk $0xffff, v22;
	v21 =	vand.u32 $0xFFFF, v21;
	v62 =	vand.u32 $0xFFFF0000, v60  }
0x9f: {  	v37 =	vshrl.u32 v61, v11;
	v38 =	vshll.u32 v63, v19;
	v33 =	vld.idx.msk [tilespmem:v8+s23+$0x330 ss:$0x1], $0xffff;
	v21 =	vor.u32 v21, v62  }
0xa0: {  	v32 =	vld.idx.msk [tilespmem:v8+s23+$0x3B0 ss:$0x1], $0xffff;
	v40 =	vand.u32 $0xFFFF, v37;
	v41 =	vand.u32 $0xFFFF0000, v38;
	[tilespmem:v9+s21+$0x140 ss:$0x1] =	vst.idx.msk $0xffff, v21  }
0xa1: {  	v11 =	vshrl.u32 v39, v11;
	v19 =	vshll.u32 v42, v19;
	v20 =	vor.u32 v40, v41;
	v30 =	vld.idx.msk [tilespmem:v8+s23+$0x340 ss:$0x1], $0xffff  }
0xa2: {  	v23 =	vand.u32 $0xFFFF, v11;
	v19 =	vand.u32 $0xFFFF0000, v19;
	v11 =	vshll.u32 v43, $0x4;
	[tilespmem:v9+s21+$0xE0 ss:$0x1] =	vst.idx.msk $0xffff, v20;
	v28 =	vld.idx.msk [tilespmem:v8+s23+$0x3C0 ss:$0x1], $0xffff  }
0xa3: {  	v19 =	vor.u32 v23, v19;
	v47 =	vperm.xlane v11, v2;
	v39 =	vperm.xlane v11, v1;
	v20 =	vld.idx.msk [tilespmem:v8+s23+$0x260 ss:$0x1], $0xffff  }
0xa4: {  	[tilespmem:v9+s21+$0xF0 ss:$0x1] =	vst.idx.msk $0xffff, v19;
	v25 =	vshrl.u32 v31, v17;
	v35 =	vshll.u32 v59, v18;
	v49 =	vld.idx.msk [tilespmem:v8+s23+$0x2E0 ss:$0x1], $0xffff  }
0xa5: {  	v19 =	vld.idx.msk [tilespmem:v8+s23+$0x270 ss:$0x1], $0xffff;
	v40 =	vsub.s32 $0x10, v47;
	v34 =	vand.u32 $0xFFFF, v25;
	v36 =	vand.u32 $0xFFFF0000, v35  }
0xa6: {  	v50 =	vshrl.u32 v44, v39;
	v54 =	vld.idx.msk [tilespmem:v8+s23+$0x2F0 ss:$0x1], $0xffff;
	v22 =	vshll.u32 v45, v40;
	v15 =	vor.u32 v34, v36  }
0xa7: {  	s22 =	sshll.u32 s22, $0x9;
	v23 =	vand.u32 $0xFFFF, v50;
	v22 =	vand.u32 $0xFFFF0000, v22;
	v34 =	vld.idx.msk [tilespmem:v8+s25+$0xA0 ss:$0x1], $0xffff;
	[tilespmem:v9+s21+$0x150 ss:$0x1] =	vst.idx.msk $0xffff, v15  }
0xa8: {  	s22 =	sand.u32 $0x3FFFFE00, s22;
	v21 =	vshrl.u32 v46, v39;
	v52 =	vshll.u32 v48, v40;
	v22 =	vor.u32 v23, v22;
	v15 =	vld.idx.msk [tilespmem:v8+s23+$0x350 ss:$0x1], $0xffff  }
0xa9: {  	v21 =	vand.u32 $0xFFFF, v21;
	v55 =	vand.u32 $0xFFFF0000, v52;
	v25 =	vld.idx.msk [tilespmem:v8+s23+$0x3D0 ss:$0x1], $0xffff;
	[tilespmem:v9+s22+$0x0 ss:$0x1] =	vst.idx.msk $0xffff, v22  }
0xaa: {  	v21 =	vor.u32 v21, v55;
	v57 =	vld.idx.msk [tilespmem:v8+s25+$0x100 ss:$0x1], $0xffff  }
0xab: {  	[tilespmem:v9+s22+$0x10 ss:$0x1] =	vst.idx.msk $0xffff, v21;
	v58 =	vld.idx.msk [tilespmem:v8+s25+$0x180 ss:$0x1], $0xffff  }
0xac: {  	v35 =	vld.idx.msk [tilespmem:v8+s25+$0x110 ss:$0x1], $0xffff  }
0xad: {  	v62 =	vperm.xlane v11, v4;
	v20 =	vshrl.u32 v20, v17;
	v53 =	vshll.u32 v49, v18;
	v63 =	vld.idx.msk [tilespmem:v8+s25+$0x190 ss:$0x1], $0xffff  }
0xae: {  	v18 =	vshll.u32 v54, v18;
	v54 =	vld.idx.msk [tilespmem:v8+s25+$0xB0 ss:$0x1], $0xffff;
	v20 =	vand.u32 $0xFFFF, v20;
	v56 =	vand.u32 $0xFFFF0000, v53  }
0xaf: {  	v60 =	vshrl.u32 v51, v39;
	v59 =	vshrl.u32 v19, v17;
	v53 =	vld.idx.msk [tilespmem:v8+s25+$0x30 ss:$0x1], $0xffff;
	v20 =	vor.u32 v20, v56  }
0xb0: {  	v21 =	vand.u32 $0xFFFF, v59;
	v18 =	vand.u32 $0xFFFF0000, v18;
	v61 =	vshll.u32 v34, v40;
	v56 =	vld.idx.msk [tilespmem:v8+s25+$0x40 ss:$0x1], $0xffff;
	[tilespmem:v9+s21+$0x160 ss:$0x1] =	vst.idx.msk $0xffff, v20  }
0xb1: {  	v34 =	vand.u32 $0xFFFF, v60;
	v18 =	vor.u32 v21, v18;
	v19 =	vand.u32 $0xFFFF0000, v61;
	v17 =	vld.idx.msk [tilespmem:v8+s23+$0x360 ss:$0x1], $0xffff  }
0xb2: {  	v37 =	vperm.xlane v11, v3;
	[tilespmem:v9+s21+$0x170 ss:$0x1] =	vst.idx.msk $0xffff, v18;
	v23 =	vor.u32 v34, v19;
	v19 =	vld.idx.msk [tilespmem:v8+s23+$0x3E0 ss:$0x1], $0xffff  }
0xb3: {  	v38 =	vsub.s32 $0x10, v62;
	v24 =	vld.idx.msk [tilespmem:v8+s23+$0x3F0 ss:$0x1], $0xffff  }
0xb4: {  	[tilespmem:v9+s22+$0x20 ss:$0x1] =	vst.idx.msk $0xffff, v23;
	v36 =	vshrl.u32 v57, v37;
	v41 =	vshll.u32 v58, v38;
	v23 =	vld.idx.msk [tilespmem:v8+s23+$0x370 ss:$0x1], $0xffff  }
0xb5: {  	v42 =	vld.idx.msk [tilespmem:v8+s25+$0x120 ss:$0x1], $0xffff;
	v43 =	vand.u32 $0xFFFF, v36;
	v44 =	vand.u32 $0xFFFF0000, v41  }
0xb6: {  	v46 =	vshrl.u32 v35, v37;
	v47 =	vshll.u32 v63, v38;
	v45 =	vld.idx.msk [tilespmem:v8+s25+$0x1A0 ss:$0x1], $0xffff;
	v18 =	vor.u32 v43, v44  }
0xb7: {  	v48 =	vand.u32 $0xFFFF, v46;
	v49 =	vand.u32 $0xFFFF0000, v47;
	v43 =	vld.idx.msk [tilespmem:v8+s25+$0xC0 ss:$0x1], $0xffff;
	[tilespmem:v9+s22+$0x80 ss:$0x1] =	vst.idx.msk $0xffff, v18  }
0xb8: {  	v18 =	vor.u32 v48, v49;
	v50 =	vld.idx.msk [tilespmem:v8+s25+$0x200 ss:$0x1], $0xffff  }
0xb9: {  	v52 =	vperm.xlane v11, v5;
	v51 =	vld.idx.msk [tilespmem:v8+s25+$0x280 ss:$0x1], $0xffff;
	[tilespmem:v9+s22+$0x90 ss:$0x1] =	vst.idx.msk $0xffff, v18  }
0xba: {  	v34 =	vperm.xlane v11, v0;
	v18 =	vld.idx.msk [tilespmem:v8+s25+$0x210 ss:$0x1], $0xffff  }
0xbb: {  	v35 =	vsub.s32 $0x10, v52;
	v63 =	vperm.xlane v10, v7;
	v10 =	vperm.xlane v10, v6;
	v36 =	vld.idx.msk [tilespmem:v8+s25+$0x290 ss:$0x1], $0xffff  }
0xbc: {  	v58 =	vshrl.u32 v53, v39;
	v47 =	vld.idx.msk [tilespmem:v8+s25+$0x70 ss:$0x1], $0xffff;
	v22 =	vshrl.u32 v42, v37;
	v21 =	vshll.u32 v45, v38  }
0xbd: {  	v59 =	vand.u32 $0xFFFF, v58;
	v58 =	vld.idx.msk [tilespmem:v8+s25+$0x60 ss:$0x1], $0xffff;
	v22 =	vand.u32 $0xFFFF, v22;
	v21 =	vand.u32 $0xFFFF0000, v21  }
0xbe: {  	v45 =	vld.idx.msk [tilespmem:v8+s25+$0xD0 ss:$0x1], $0xffff;
	v21 =	vor.u32 v22, v21;
	v29 =	vshrl.u32 v50, v34;
	v20 =	vshll.u32 v51, v35  }
0xbf: {  	[tilespmem:v9+s22+$0xA0 ss:$0x1] =	vst.idx.msk $0xffff, v21;
	v50 =	vshrl.u32 v56, v39;
	v51 =	vshll.u32 v43, v40;
	v29 =	vand.u32 $0xFFFF, v29  }
0xc0: {  	v41 =	vld.idx.msk [tilespmem:v8+s25+$0x220 ss:$0x1], $0xffff;
	v20 =	vand.u32 $0xFFFF0000, v20;
	v18 =	vshrl.u32 v18, v34;
	v55 =	vshll.u32 v36, v35  }
0xc1: {  	v42 =	vld.idx.msk [tilespmem:v8+s25+$0x2A0 ss:$0x1], $0xffff;
	v20 =	vor.u32 v29, v20;
	v18 =	vand.u32 $0xFFFF, v18;
	v57 =	vand.u32 $0xFFFF0000, v55  }
0xc2: {  	v53 =	vand.u32 $0xFFFF, v50;
	v44 =	vand.u32 $0xFFFF0000, v51;
	[tilespmem:v9+s22+$0x100 ss:$0x1] =	vst.idx.msk $0xffff, v20;
	v18 =	vor.u32 v18, v57;
	v57 =	vld.idx.msk [tilespmem:v8+s25+$0x50 ss:$0x1], $0xffff  }
0xc3: {  	s30 =	sor.u32 $0x2, s20;
	v12 =	vshrl.u32 v12, v10;
	v21 =	vshll.u32 v54, v40;
	v54 =	vor.u32 v53, v44;
	v31 =	vld.idx.msk [tilespmem:v8+s25+$0x300 ss:$0x1], $0xffff  }
0xc4: {  	s31 =	sshll.u32 s30, $0x3;
	v27 =	vshrl.u32 v27, v10;
	v36 =	vsub.s32 $0x10, v63;
	[tilespmem:v9+s22+$0x40 ss:$0x1] =	vst.idx.msk $0xffff, v54;
	v29 =	vld.idx.msk [tilespmem:v8+s25+$0x380 ss:$0x1], $0xffff  }
0xc5: {  	s24 =	sand.u32 $0x3FFFFFF8, s31;
	v60 =	vand.u32 $0xFFFF0000, v21;
	v13 =	vshll.u32 v13, v36;
	v55 =	vshrl.u32 v16, v10;
	v56 =	vld.idx.msk [tilespmem:v8+s25+$0x1C0 ss:$0x1], $0xffff  }
0xc6: {  	s24 =	sadd.s32 s24, s19;
	v12 =	vand.u32 $0xFFFF, v12;
	v13 =	vand.u32 $0xFFFF0000, v13;
	[tilespmem:v9+s22+$0x110 ss:$0x1] =	vst.idx.msk $0xffff, v18;
	v18 =	vor.u32 v59, v60;
	v60 =	vld.idx.msk [tilespmem:v8+s25+$0xE0 ss:$0x1], $0xffff  }
0xc7: {  	v33 =	vshrl.u32 v33, v10;
	v12 =	vor.u32 v12, v13;
	v13 =	vand.u32 $0xFFFF, v55;
	v55 =	vld.msk [tilespmem:s24+$0x0 ss:$0x1], $0xff  }
0xc8: {  	v30 =	vshrl.u32 v30, v10;
	v15 =	vshrl.u32 v15, v10;
	v22 =	vld.idx.msk [tilespmem:v8+s25+$0x310 ss:$0x1], $0xffff;
	[tilespmem:v9+s22+$0x30 ss:$0x1] =	vst.idx.msk $0xffff, v18  }
0xc9: {  	v33 =	vand.u32 $0xFFFF, v33;
	v30 =	vand.u32 $0xFFFF, v30;
	v17 =	vshrl.u32 v17, v10;
	v49 =	vld.idx.msk [tilespmem:v8+s25+$0x130 ss:$0x1], $0xffff  }
0xca: {  	v14 =	vshll.u32 v14, v36;
	v26 =	vshll.u32 v26, v36;
	v45 =	vshll.u32 v45, v40;
	v52 =	vld.idx.msk [tilespmem:v8+s25+$0x1B0 ss:$0x1], $0xffff  }
0xcb: {  	s26 =	sshll.u32 s30, $0xA;
	v14 =	vand.u32 $0xFFFF0000, v14;
	v20 =	vld.idx.msk [tilespmem:v8+s25+$0x390 ss:$0x1], $0xffff;
	v61 =	vshrl.u32 v41, v34;
	v62 =	vshll.u32 v42, v35  }
0xcc: {  	s24 =	sand.u32 $0x3FFFFC00, s26;
	v46 =	vor.u32 v13, v14;
	v42 =	vld.idx.msk [tilespmem:v8+s25+$0x140 ss:$0x1], $0xffff;
	v21 =	vand.u32 $0xFFFF, v61;
	v41 =	vand.u32 $0xFFFF0000, v62  }
0xcd: {  	[tilespmem:v9+s21+$0x190 ss:$0x1] =	vst.idx.msk $0xffff, v46;
	v46 =	vld.idx.msk [tilespmem:v8+s24+$0xD0 ss:$0x1], $0xffff;
	v48 =	vor.u32 v21, v41;
	v44 =	vshrl.u32 v57, v39  }
0xce: {  	v32 =	vshll.u32 v32, v36;
	v45 =	vand.u32 $0xFFFF0000, v45;
	[tilespmem:v9+s22+$0x120 ss:$0x1] =	vst.idx.msk $0xffff, v48;
	v44 =	vand.u32 $0xFFFF, v44;
	v48 =	vld.idx.msk [tilespmem:v8+s25+$0xF0 ss:$0x1], $0xffff  }
0xcf: {  	v21 =	vld.idx.msk [tilespmem:v8+s25+$0x320 ss:$0x1], $0xffff;
	v13 =	vor.u32 v44, v45;
	v41 =	vshrl.u32 v49, v37;
	v43 =	vshll.u32 v52, v38  }
0xd0: {  	v26 =	vand.u32 $0xFFFF0000, v26;
	v18 =	vld.idx.msk [tilespmem:v8+s25+$0x3A0 ss:$0x1], $0xffff;
	[tilespmem:v9+s22+$0x50 ss:$0x1] =	vst.idx.msk $0xffff, v13;
	v41 =	vand.u32 $0xFFFF, v41;
	v43 =	vand.u32 $0xFFFF0000, v43  }
0xd1: {  	v16 =	vshll.u32 v56, v38;
	v62 =	vshrl.u32 v42, v37;
	v51 =	vld.idx.msk [tilespmem:v8+s25+$0x150 ss:$0x1], $0xffff;
	v41 =	vor.u32 v41, v43  }
0xd2: {  	v59 =	vand.u32 $0xFFFF, v27;
	v16 =	vand.u32 $0xFFFF0000, v16;
	v52 =	vld.idx.msk [tilespmem:v8+s25+$0x1D0 ss:$0x1], $0xffff;
	[tilespmem:v9+s22+$0xB0 ss:$0x1] =	vst.idx.msk $0xffff, v41;
	v41 =	vand.u32 $0xFFFF, v62  }
0xd3: {  	v14 =	vshll.u32 v60, v40;
	v43 =	vshrl.u32 v58, v39;
	v61 =	vld.idx.msk [tilespmem:v8+s25+$0x230 ss:$0x1], $0xffff;
	v16 =	vor.u32 v41, v16  }
0xd4: {  	v14 =	vand.u32 $0xFFFF0000, v14;
	v39 =	vshrl.u32 v47, v39;
	v43 =	vand.u32 $0xFFFF, v43;
	v63 =	vld.idx.msk [tilespmem:v8+s25+$0x2B0 ss:$0x1], $0xffff;
	[tilespmem:v9+s22+$0xC0 ss:$0x1] =	vst.idx.msk $0xffff, v16  }
0xd5: {  	v41 =	vor.u32 v59, v26;
	v14 =	vor.u32 v43, v14;
	v26 =	vshll.u32 v48, v40;
	v49 =	vld.idx.msk [tilespmem:v8+s25+$0x240 ss:$0x1], $0xffff  }
0xd6: {  	v28 =	vshll.u32 v28, v36;
	v39 =	vand.u32 $0xFFFF, v39;
	[tilespmem:v9+s22+$0x60 ss:$0x1] =	vst.idx.msk $0xffff, v14;
	v40 =	vand.u32 $0xFFFF0000, v26;
	v50 =	vld.idx.msk [tilespmem:v8+s25+$0x2C0 ss:$0x1], $0xffff  }
0xd7: {  	v25 =	vshll.u32 v25, v36;
	v19 =	vshll.u32 v19, v36;
	v53 =	vld.idx.msk [tilespmem:v8+s25+$0x160 ss:$0x1], $0xffff;
	v40 =	vor.u32 v39, v40  }
0xd8: {  	v10 =	vshrl.u32 v23, v10;
	v32 =	vand.u32 $0xFFFF0000, v32;
	v28 =	vand.u32 $0xFFFF0000, v28;
	v54 =	vld.idx.msk [tilespmem:v8+s25+$0x1E0 ss:$0x1], $0xffff;
	[tilespmem:v9+s22+$0x70 ss:$0x1] =	vst.idx.msk $0xffff, v40  }
0xd9: {  	v57 =	vshrl.u32 v51, v37;
	v58 =	vld.idx.msk [tilespmem:v8+s25+$0x1F0 ss:$0x1], $0xffff;
	v27 =	vshrl.u32 v61, v34;
	v42 =	vshll.u32 v63, v35  }
0xda: {  	v14 =	vshll.u32 v52, v38;
	v40 =	vld.idx.msk [tilespmem:v8+s25+$0x170 ss:$0x1], $0xffff;
	v27 =	vand.u32 $0xFFFF, v27;
	v42 =	vand.u32 $0xFFFF0000, v42  }
0xdb: {  	v59 =	vld.idx.msk [tilespmem:v8+s24+$0x0 ss:$0x1], $0xffff;
	v14 =	vand.u32 $0xFFFF0000, v14;
	v27 =	vor.u32 v27, v42;
	v16 =	vshrl.u32 v49, v34  }
0xdc: {  	v63 =	vld.idx.msk [tilespmem:v8+s24+$0x80 ss:$0x1], $0xffff;
	v13 =	vshll.u32 v50, v35;
	v42 =	vshrl.u32 v53, v37;
	[tilespmem:v9+s22+$0x130 ss:$0x1] =	vst.idx.msk $0xffff, v27  }
0xdd: {  	v56 =	vand.u32 $0xFFFF, v16;
	v16 =	vand.u32 $0xFFFF, v57;
	v27 =	vshll.u32 v54, v38;
	v26 =	vld.idx.msk [tilespmem:v8+s25+$0x330 ss:$0x1], $0xffff  }
0xde: {  	v60 =	vor.u32 v16, v14;
	v62 =	vand.u32 $0xFFFF0000, v27;
	v27 =	vld.idx.msk [tilespmem:v8+s25+$0x3B0 ss:$0x1], $0xffff;
	v53 =	vshll.u32 v58, v38  }
0xdf: {  	v13 =	vand.u32 $0xFFFF0000, v13;
	v52 =	vshrl.u32 v40, v37;
	[tilespmem:v9+s22+$0xD0 ss:$0x1] =	vst.idx.msk $0xffff, v60;
	v37 =	vand.u32 $0xFFFF0000, v53;
	v53 =	vld.idx.msk [tilespmem:v8+s24+$0x10 ss:$0x1], $0xffff  }
0xe0: {  	v39 =	vor.u32 v33, v32;
	v61 =	vand.u32 $0xFFFF, v42;
	v48 =	vor.u32 v56, v13;
	v49 =	vld.idx.msk [tilespmem:v8+s25+$0x250 ss:$0x1], $0xffff  }
0xe1: {  	v16 =	vshll.u32 v55, $0x4;
	v47 =	vor.u32 v61, v62;
	[tilespmem:v9+s22+$0x140 ss:$0x1] =	vst.idx.msk $0xffff, v48;
	v33 =	vand.u32 $0xFFFF, v52;
	v51 =	vld.idx.msk [tilespmem:v8+s25+$0x2D0 ss:$0x1], $0xffff  }
0xe2: {  	v50 =	vperm.xlane v16, v2;
	[tilespmem:v9+s22+$0xE0 ss:$0x1] =	vst.idx.msk $0xffff, v47;
	v37 =	vor.u32 v33, v37;
	v33 =	vld.idx.msk [tilespmem:v8+s25+$0x340 ss:$0x1], $0xffff  }
0xe3: {  	v25 =	vand.u32 $0xFFFF0000, v25;
	v19 =	vand.u32 $0xFFFF0000, v19;
	v13 =	vperm.xlane v16, v1;
	v54 =	vld.idx.msk [tilespmem:v8+s25+$0x260 ss:$0x1], $0xffff  }
0xe4: {  	v10 =	vand.u32 $0xFFFF, v10;
	v61 =	vand.u32 $0xFFFF, v15;
	v14 =	vsub.s32 $0x10, v50;
	v55 =	vld.idx.msk [tilespmem:v8+s25+$0x2E0 ss:$0x1], $0xffff;
	[tilespmem:v9+s22+$0xF0 ss:$0x1] =	vst.idx.msk $0xffff, v37  }
0xe5: {  	v40 =	vor.u32 v61, v25;
	v56 =	vshrl.u32 v59, v13;
	v42 =	vshll.u32 v63, v14;
	v59 =	vld.idx.msk [tilespmem:v8+s25+$0x270 ss:$0x1], $0xffff  }
0xe6: {  	s23 =	sshll.u32 s30, $0x9;
	v57 =	vand.u32 $0xFFFF, v56;
	v63 =	vld.idx.msk [tilespmem:v8+s25+$0x2F0 ss:$0x1], $0xffff;
	v58 =	vand.u32 $0xFFFF0000, v42;
	v42 =	vor.u32 v30, v28  }
0xe7: {  	s23 =	sand.u32 $0x3FFFFE00, s23;
	v56 =	vld.idx.msk [tilespmem:v8+s24+$0x90 ss:$0x1], $0xffff;
	v60 =	vor.u32 v57, v58;
	[tilespmem:v9+s21+$0x1C0 ss:$0x1] =	vst.idx.msk $0xffff, v42;
	v42 =	vshll.u32 v46, v14  }
0xe8: {  	v62 =	vshrl.u32 v49, v34;
	[tilespmem:v9+s23+$0x0 ss:$0x1] =	vst.idx.msk $0xffff, v60;
	v48 =	vshll.u32 v51, v35;
	v42 =	vand.u32 $0xFFFF0000, v42  }
0xe9: {  	[tilespmem:v9+s21+$0x180 ss:$0x1] =	vst.idx.msk $0xffff, v12;
	v15 =	vand.u32 $0xFFFF, v62;
	v49 =	vld.idx.msk [tilespmem:v8+s24+$0x100 ss:$0x1], $0xffff;
	v30 =	vand.u32 $0xFFFF0000, v48;
	v50 =	vshrl.u32 v54, v34  }
0xea: {  	v12 =	vshll.u32 v55, v35;
	v51 =	vld.idx.msk [tilespmem:v8+s24+$0x180 ss:$0x1], $0xffff;
	v55 =	vperm.xlane v16, v4;
	v48 =	vand.u32 $0xFFFF, v17  }
0xeb: {  	v37 =	vld.idx.msk [tilespmem:v8+s25+$0x3C0 ss:$0x1], $0xffff;
	v17 =	vperm.xlane v11, v6;
	v15 =	vor.u32 v15, v30;
	v52 =	vand.u32 $0xFFFF, v50  }
0xec: {  	v12 =	vand.u32 $0xFFFF0000, v12;
	v28 =	vshrl.u32 v59, v34;
	v32 =	vshll.u32 v63, v35;
	[tilespmem:v9+s22+$0x150 ss:$0x1] =	vst.idx.msk $0xffff, v15  }
0xed: {  	v54 =	vor.u32 v52, v12;
	v12 =	vperm.xlane v16, v3;
	v15 =	vsub.s32 $0x10, v55;
	v55 =	vld.idx.msk [tilespmem:v8+s24+$0xA0 ss:$0x1], $0xffff  }
0xee: {  	v59 =	vshrl.u32 v53, v13;
	v60 =	vshll.u32 v56, v14;
	v28 =	vand.u32 $0xFFFF, v28;
	v34 =	vld.idx.msk [tilespmem:v8+s25+$0x350 ss:$0x1], $0xffff  }
0xef: {  	v35 =	vand.u32 $0xFFFF0000, v32;
	v32 =	vld.idx.msk [tilespmem:v8+s25+$0x3D0 ss:$0x1], $0xffff;
	v58 =	vshrl.u32 v49, v12;
	v38 =	vshll.u32 v51, v15  }
0xf0: {  	[tilespmem:v9+s22+$0x160 ss:$0x1] =	vst.idx.msk $0xffff, v54;
	v57 =	vor.u32 v28, v35;
	v54 =	vld.idx.msk [tilespmem:v8+s24+$0x20 ss:$0x1], $0xffff;
	v35 =	vand.u32 $0xFFFF, v58;
	v38 =	vand.u32 $0xFFFF0000, v38  }
0xf1: {  	v61 =	vand.u32 $0xFFFF, v59;
	v62 =	vand.u32 $0xFFFF0000, v60;
	v58 =	vld.idx.msk [tilespmem:v8+s24+$0x30 ss:$0x1], $0xffff;
	v35 =	vor.u32 v35, v38  }
0xf2: {  	v50 =	vshll.u32 v24, v36;
	[tilespmem:v9+s23+$0x80 ss:$0x1] =	vst.idx.msk $0xffff, v35;
	v35 =	vor.u32 v61, v62;
	v61 =	vld.idx.msk [tilespmem:v8+s24+$0xB0 ss:$0x1], $0xffff  }
0xf3: {  	v11 =	vperm.xlane v11, v7;
	v19 =	vor.u32 v48, v19;
	v23 =	vand.u32 $0xFFFF0000, v50;
	v62 =	vld.idx.msk [tilespmem:v8+s24+$0x40 ss:$0x1], $0xffff  }
0xf4: {  	v52 =	vperm.xlane v16, v5;
	v31 =	vshrl.u32 v31, v17;
	v22 =	vshrl.u32 v22, v17;
	v63 =	vld.idx.msk [tilespmem:v8+s24+$0x200 ss:$0x1], $0xffff  }
0xf5: {  	v21 =	vshrl.u32 v21, v17;
	v26 =	vshrl.u32 v26, v17;
	v49 =	vld.idx.msk [tilespmem:v8+s24+$0x280 ss:$0x1], $0xffff;
	[tilespmem:v9+s23+$0x10 ss:$0x1] =	vst.idx.msk $0xffff, v35  }
0xf6: {  	[tilespmem:v9+s21+$0x1A0 ss:$0x1] =	vst.idx.msk $0xffff, v41;
	v31 =	vand.u32 $0xFFFF, v31;
	v22 =	vand.u32 $0xFFFF, v22;
	v38 =	vor.u32 v10, v23;
	v51 =	vld.idx.msk [tilespmem:v8+s24+$0x110 ss:$0x1], $0xffff  }
0xf7: {  	[tilespmem:v9+s22+$0x170 ss:$0x1] =	vst.idx.msk $0xffff, v57;
	v10 =	vperm.xlane v16, v0;
	v23 =	vsub.s32 $0x10, v11;
	v11 =	vsub.s32 $0x10, v52;
	v53 =	vld.idx.msk [tilespmem:v8+s24+$0x190 ss:$0x1], $0xffff  }
0xf8: {  	v28 =	vld.idx.msk [tilespmem:v8+s25+$0x360 ss:$0x1], $0xffff;
	v29 =	vshll.u32 v29, v23;
	v50 =	vshrl.u32 v54, v13;
	v44 =	vshrl.u32 v58, v13  }
0xf9: {  	v30 =	vld.idx.msk [tilespmem:v8+s25+$0x3E0 ss:$0x1], $0xffff;
	v44 =	vand.u32 $0xFFFF, v44;
	v43 =	vshll.u32 v61, v14;
	v41 =	vshrl.u32 v62, v13  }
0xfa: {  	v25 =	vld.idx.msk [tilespmem:v8+s25+$0x370 ss:$0x1], $0xffff;
	v56 =	vshrl.u32 v63, v10;
	v57 =	vshll.u32 v49, v11;
	v63 =	vand.u32 $0xFFFF0000, v29  }
0xfb: {  	[tilespmem:v9+s21+$0x1B0 ss:$0x1] =	vst.idx.msk $0xffff, v39;
	v62 =	vld.idx.msk [tilespmem:v8+s24+$0x50 ss:$0x1], $0xffff;
	v43 =	vand.u32 $0xFFFF0000, v43;
	v59 =	vand.u32 $0xFFFF, v56;
	v60 =	vand.u32 $0xFFFF0000, v57  }
0xfc: {  	v49 =	vld.idx.msk [tilespmem:v8+s24+$0xC0 ss:$0x1], $0xffff;
	v24 =	vshrl.u32 v51, v12;
	v36 =	vshll.u32 v53, v15;
	v43 =	vor.u32 v44, v43  }
0xfd: {  	v29 =	vld.idx.msk [tilespmem:v8+s25+$0x3F0 ss:$0x1], $0xffff;
	v39 =	vor.u32 v59, v60;
	v24 =	vand.u32 $0xFFFF, v24;
	v48 =	vand.u32 $0xFFFF0000, v36;
	[tilespmem:v9+s23+$0x30 ss:$0x1] =	vst.idx.msk $0xffff, v43  }
0xfe: {  	v35 =	vshll.u32 v55, v14;
	[tilespmem:v9+s23+$0x100 ss:$0x1] =	vst.idx.msk $0xffff, v39;
	v24 =	vor.u32 v24, v48;
	v55 =	vld.idx.msk [tilespmem:v8+s24+$0x130 ss:$0x1], $0xffff  }
0xff: {  	v21 =	vand.u32 $0xFFFF, v21;
	v35 =	vand.u32 $0xFFFF0000, v35;
	v39 =	vand.u32 $0xFFFF, v50;
	v56 =	vld.idx.msk [tilespmem:v8+s24+$0x1B0 ss:$0x1], $0xffff;
	[tilespmem:v9+s23+$0x90 ss:$0x1] =	vst.idx.msk $0xffff, v24  }
0x100: {  	v20 =	vshll.u32 v20, v23;
	v18 =	vshll.u32 v18, v23;
	v35 =	vor.u32 v39, v35;
	v51 =	vld.idx.msk [tilespmem:v8+s24+$0x210 ss:$0x1], $0xffff  }
0x101: {  	v27 =	vshll.u32 v27, v23;
	v20 =	vand.u32 $0xFFFF0000, v20;
	v18 =	vand.u32 $0xFFFF0000, v18;
	[tilespmem:v9+s23+$0x20 ss:$0x1] =	vst.idx.msk $0xffff, v35;
	v52 =	vld.idx.msk [tilespmem:v8+s24+$0x290 ss:$0x1], $0xffff  }
0x102: {  	v20 =	vor.u32 v22, v20;
	v18 =	vor.u32 v21, v18;
	v36 =	vshll.u32 v49, v14;
	v53 =	vld.idx.msk [tilespmem:v8+s24+$0x120 ss:$0x1], $0xffff  }
0x103: {  	v41 =	vand.u32 $0xFFFF, v41;
	v31 =	vor.u32 v31, v63;
	v54 =	vld.idx.msk [tilespmem:v8+s24+$0x1A0 ss:$0x1], $0xffff;
	v36 =	vand.u32 $0xFFFF0000, v36  }
0x104: {  	v44 =	vld.idx.msk [tilespmem:v8+s24+$0xE0 ss:$0x1], $0xffff;
	v36 =	vor.u32 v41, v36;
	v41 =	vshrl.u32 v55, v12;
	v22 =	vshll.u32 v56, v15  }
0x105: {  	v24 =	vld.idx.msk [tilespmem:v8+s24+$0x300 ss:$0x1], $0xffff;
	[tilespmem:v9+s23+$0x40 ss:$0x1] =	vst.idx.msk $0xffff, v36;
	v47 =	vand.u32 $0xFFFF, v41;
	v22 =	vand.u32 $0xFFFF0000, v22;
	v57 =	vshrl.u32 v51, v10  }
0x106: {  	v58 =	vld.idx.msk [tilespmem:v8+s24+$0x140 ss:$0x1], $0xffff;
	v35 =	vshll.u32 v52, v11;
	v21 =	vor.u32 v47, v22;
	v51 =	vshrl.u32 v62, v13  }
0x107: {  	v59 =	vld.idx.msk [tilespmem:v8+s24+$0x1C0 ss:$0x1], $0xffff;
	v36 =	vand.u32 $0xFFFF, v57;
	v35 =	vand.u32 $0xFFFF0000, v35;
	v60 =	vshrl.u32 v53, v12  }
0x108: {  	v61 =	vshll.u32 v54, v15;
	[tilespmem:v9+s23+$0xB0 ss:$0x1] =	vst.idx.msk $0xffff, v21;
	v35 =	vor.u32 v36, v35;
	v36 =	vld.idx.msk [tilespmem:v8+s24+$0x380 ss:$0x1], $0xffff  }
0x109: {  	v41 =	vand.u32 $0xFFFF, v51;
	v53 =	vand.u32 $0xFFFF, v26;
	v54 =	vand.u32 $0xFFFF0000, v27;
	v50 =	vld.idx.msk [tilespmem:v8+s24+$0x230 ss:$0x1], $0xffff  }
0x10a: {  	[tilespmem:v9+s21+$0x1D0 ss:$0x1] =	vst.idx.msk $0xffff, v40;
	v63 =	vand.u32 $0xFFFF, v60;
	v45 =	vand.u32 $0xFFFF0000, v61;
	v52 =	vld.idx.msk [tilespmem:v8+s24+$0x2B0 ss:$0x1], $0xffff;
	v55 =	vor.u32 v41, v42  }
0x10b: {  	v42 =	vor.u32 v53, v54;
	v53 =	vshll.u32 v44, v14;
	v44 =	vld.idx.msk [tilespmem:v8+s24+$0x70 ss:$0x1], $0xffff;
	[tilespmem:v9+s23+$0x110 ss:$0x1] =	vst.idx.msk $0xffff, v35  }
0x10c: {  	v34 =	vshrl.u32 v34, v17;
	v35 =	vor.u32 v63, v45;
	[tilespmem:v9+s23+$0x50 ss:$0x1] =	vst.idx.msk $0xffff, v55;
	v63 =	vld.idx.msk [tilespmem:v8+s24+$0x60 ss:$0x1], $0xffff  }
0x10d: {  	v28 =	vshrl.u32 v28, v17;
	v30 =	vshll.u32 v30, v23;
	[tilespmem:v9+s23+$0xA0 ss:$0x1] =	vst.idx.msk $0xffff, v35;
	v27 =	vld.idx.msk [tilespmem:v8+s24+$0x150 ss:$0x1], $0xffff  }
0x10e: {  	[tilespmem:v9+s21+$0x1E0 ss:$0x1] =	vst.idx.msk $0xffff, v19;
	v32 =	vshll.u32 v32, v23;
	v28 =	vand.u32 $0xFFFF, v28;
	v30 =	vand.u32 $0xFFFF0000, v30;
	v48 =	vld.idx.msk [tilespmem:v8+s24+$0x220 ss:$0x1], $0xffff  }
0x10f: {  	v28 =	vor.u32 v28, v30;
	v39 =	vshrl.u32 v58, v12;
	v40 =	vshll.u32 v59, v15;
	v49 =	vld.idx.msk [tilespmem:v8+s24+$0x2A0 ss:$0x1], $0xffff  }
0x110: {  	[tilespmem:v9+s21+$0x1F0 ss:$0x1] =	vst.idx.msk $0xffff, v38;
	v57 =	vshrl.u32 v33, v17;
	v35 =	vld.idx.msk [tilespmem:v8+s24+$0x310 ss:$0x1], $0xffff;
	v39 =	vand.u32 $0xFFFF, v39;
	v40 =	vand.u32 $0xFFFF0000, v40  }
0x111: {  	s28 =	sor.u32 $0x3, s20;
	v17 =	vshrl.u32 v25, v17;
	v59 =	vshll.u32 v37, v23;
	v60 =	vld.idx.msk [tilespmem:v8+s24+$0x1D0 ss:$0x1], $0xffff;
	v39 =	vor.u32 v39, v40  }
0x112: {  	s29 =	sshll.u32 s28, $0x3;
	v37 =	vand.u32 $0xFFFF0000, v53;
	[tilespmem:v9+s23+$0xC0 ss:$0x1] =	vst.idx.msk $0xffff, v39;
	v61 =	vshrl.u32 v50, v10;
	v62 =	vshll.u32 v52, v11  }
0x113: {  	s21 =	sand.u32 $0x3FFFFFF8, s29;
	v56 =	vld.idx.msk [tilespmem:v8+s24+$0x240 ss:$0x1], $0xffff;
	v43 =	vand.u32 $0xFFFF0000, v62;
	v52 =	vshrl.u32 v63, v13;
	v22 =	vshrl.u32 v48, v10  }
0x114: {  	s30 =	sshll.u32 s28, $0xA;
	s21 =	sadd.s32 s21, s19;
	v58 =	vld.idx.msk [tilespmem:v8+s24+$0x2C0 ss:$0x1], $0xffff;
	v21 =	vshll.u32 v49, v11;
	v48 =	vshrl.u32 v27, v12;
	v27 =	vand.u32 $0xFFFF, v52  }
0x115: {  	[tilespmem:v9+s22+$0x1A0 ss:$0x1] =	vst.idx.msk $0xffff, v18;
	v62 =	vld.msk [tilespmem:s21+$0x0 ss:$0x1], $0xff;
	s21 =	sand.u32 $0x3FFFFC00, s30;
	v22 =	vand.u32 $0xFFFF, v22;
	v21 =	vand.u32 $0xFFFF0000, v21;
	v27 =	vor.u32 v27, v37  }
0x116: {  	v40 =	vand.u32 $0xFFFF, v61;
	v50 =	vand.u32 $0xFFFF, v48;
	v48 =	vld.idx.msk [tilespmem:v8+s21+$0x80 ss:$0x1], $0xffff;
	v21 =	vor.u32 v22, v21;
	[tilespmem:v9+s23+$0x60 ss:$0x1] =	vst.idx.msk $0xffff, v27  }
0x117: {  	v32 =	vand.u32 $0xFFFF0000, v32;
	v19 =	vand.u32 $0xFFFF, v57;
	[tilespmem:v9+s23+$0x120 ss:$0x1] =	vst.idx.msk $0xffff, v21;
	v21 =	vor.u32 v40, v43;
	v40 =	vld.idx.msk [tilespmem:v8+s24+$0x390 ss:$0x1], $0xffff  }
0x118: {  	[tilespmem:v9+s22+$0x180 ss:$0x1] =	vst.idx.msk $0xffff, v31;
	v54 =	vand.u32 $0xFFFF, v34;
	v33 =	vand.u32 $0xFFFF0000, v59;
	v59 =	vperm.xlane v16, v7;
	v57 =	vld.idx.msk [tilespmem:v8+s24+$0x160 ss:$0x1], $0xffff  }
0x119: {  	v31 =	vor.u32 v54, v32;
	[tilespmem:v9+s22+$0x1B0 ss:$0x1] =	vst.idx.msk $0xffff, v42;
	v49 =	vshll.u32 v60, v15;
	v60 =	vld.idx.msk [tilespmem:v8+s24+$0x1E0 ss:$0x1], $0xffff  }
0x11a: {  	v33 =	vor.u32 v19, v33;
	v18 =	vsub.s32 $0x10, v59;
	v26 =	vshll.u32 v58, v11;
	v41 =	vld.idx.msk [tilespmem:v8+s24+$0x320 ss:$0x1], $0xffff  }
0x11b: {  	v34 =	vshrl.u32 v44, v13;
	v45 =	vshrl.u32 v56, v10;
	v47 =	vand.u32 $0xFFFF0000, v26;
	v26 =	vld.idx.msk [tilespmem:v8+s24+$0x3A0 ss:$0x1], $0xffff  }
0x11c: {  	v61 =	vand.u32 $0xFFFF, v17;
	v17 =	vperm.xlane v16, v6;
	[tilespmem:v9+s23+$0x130 ss:$0x1] =	vst.idx.msk $0xffff, v21;
	v46 =	vand.u32 $0xFFFF, v45;
	v45 =	vld.idx.msk [tilespmem:v8+s24+$0xF0 ss:$0x1], $0xffff  }
0x11d: {  	v42 =	vshll.u32 v36, v18;
	v51 =	vand.u32 $0xFFFF0000, v49;
	v19 =	vor.u32 v46, v47;
	v22 =	vld.idx.msk [tilespmem:v8+s24+$0x330 ss:$0x1], $0xffff  }
0x11e: {  	v34 =	vand.u32 $0xFFFF, v34;
	v21 =	vld.idx.msk [tilespmem:v8+s24+$0x3B0 ss:$0x1], $0xffff;
	[tilespmem:v9+s23+$0x140 ss:$0x1] =	vst.idx.msk $0xffff, v19;
	v19 =	vor.u32 v50, v51  }
0x11f: {  	v63 =	vshrl.u32 v24, v17;
	v35 =	vshrl.u32 v35, v17;
	v46 =	vld.idx.msk [tilespmem:v8+s21+$0x0 ss:$0x1], $0xffff;
	[tilespmem:v9+s23+$0xD0 ss:$0x1] =	vst.idx.msk $0xffff, v19  }
0x120: {  	v52 =	vand.u32 $0xFFFF0000, v42;
	v55 =	vld.idx.msk [tilespmem:v8+s24+$0x250 ss:$0x1], $0xffff;
	v32 =	vshrl.u32 v57, v12;
	v25 =	vshll.u32 v60, v15  }
0x121: {  	[tilespmem:v9+s22+$0x190 ss:$0x1] =	vst.idx.msk $0xffff, v20;
	v58 =	vshll.u32 v29, v23;
	v56 =	vld.idx.msk [tilespmem:v8+s24+$0x2D0 ss:$0x1], $0xffff;
	v47 =	vand.u32 $0xFFFF, v32;
	v25 =	vand.u32 $0xFFFF0000, v25  }
0x122: {  	[tilespmem:v9+s22+$0x1E0 ss:$0x1] =	vst.idx.msk $0xffff, v28;
	v16 =	vshll.u32 v62, $0x4;
	v29 =	vand.u32 $0xFFFF0000, v58;
	v51 =	vld.idx.msk [tilespmem:v8+s21+$0x10 ss:$0x1], $0xffff;
	v50 =	vor.u32 v47, v25  }
0x123: {  	v54 =	vperm.xlane v16, v2;
	v19 =	vld.idx.msk [tilespmem:v8+s24+$0x340 ss:$0x1], $0xffff;
	v14 =	vshll.u32 v45, v14;
	[tilespmem:v9+s23+$0xE0 ss:$0x1] =	vst.idx.msk $0xffff, v50  }
0x124: {  	v13 =	vperm.xlane v16, v1;
	v29 =	vor.u32 v61, v29;
	v36 =	vand.u32 $0xFFFF0000, v14;
	v58 =	vld.idx.msk [tilespmem:v8+s24+$0x2E0 ss:$0x1], $0xffff  }
0x125: {  	v60 =	vshll.u32 v40, v18;
	v57 =	vor.u32 v34, v36;
	v43 =	vshrl.u32 v55, v10;
	v55 =	vld.idx.msk [tilespmem:v8+s21+$0x90 ss:$0x1], $0xffff  }
0x126: {  	v49 =	vand.u32 $0xFFFF, v63;
	v14 =	vsub.s32 $0x10, v54;
	[tilespmem:v9+s23+$0x70 ss:$0x1] =	vst.idx.msk $0xffff, v57;
	v27 =	vshll.u32 v56, v11;
	v56 =	vld.idx.msk [tilespmem:v8+s24+$0x260 ss:$0x1], $0xffff  }
0x127: {  	v59 =	vshrl.u32 v46, v13;
	v46 =	vperm.xlane v16, v4;
	v32 =	vshll.u32 v48, v14;
	v61 =	vld.idx.msk [tilespmem:v8+s24+$0x170 ss:$0x1], $0xffff  }
0x128: {  	s25 =	sshll.u32 s28, $0x9;
	[tilespmem:v9+s22+$0x1D0 ss:$0x1] =	vst.idx.msk $0xffff, v31;
	v36 =	vand.u32 $0xFFFF, v59;
	v25 =	vshrl.u32 v51, v13;
	v32 =	vand.u32 $0xFFFF0000, v32;
	v62 =	vld.idx.msk [tilespmem:v8+s24+$0x1F0 ss:$0x1], $0xffff  }
0x129: {  	s25 =	sand.u32 $0x3FFFFE00, s25;
	[tilespmem:v9+s22+$0x1C0 ss:$0x1] =	vst.idx.msk $0xffff, v33;
	v20 =	vld.idx.msk [tilespmem:v8+s24+$0x3C0 ss:$0x1], $0xffff;
	v32 =	vor.u32 v36, v32;
	v30 =	vand.u32 $0xFFFF, v43;
	v27 =	vand.u32 $0xFFFF0000, v27  }
0x12a: {  	v53 =	vand.u32 $0xFFFF, v35;
	v48 =	vld.idx.msk [tilespmem:v8+s21+$0x20 ss:$0x1], $0xffff;
	v25 =	vand.u32 $0xFFFF, v25;
	[tilespmem:v9+s25+$0x0 ss:$0x1] =	vst.idx.msk $0xffff, v32;
	v27 =	vor.u32 v30, v27  }
0x12b: {  	v63 =	vld.idx.msk [tilespmem:v8+s21+$0x100 ss:$0x1], $0xffff;
	[tilespmem:v9+s23+$0x150 ss:$0x1] =	vst.idx.msk $0xffff, v27;
	v27 =	vor.u32 v49, v52;
	v34 =	vshll.u32 v58, v11  }
0x12c: {  	v40 =	vld.idx.msk [tilespmem:v8+s21+$0x180 ss:$0x1], $0xffff;
	v35 =	vshll.u32 v55, v14;
	v31 =	vshrl.u32 v56, v10;
	v44 =	vand.u32 $0xFFFF0000, v34  }
0x12d: {  	v51 =	vld.idx.msk [tilespmem:v8+s21+$0xA0 ss:$0x1], $0xffff;
	v36 =	vshrl.u32 v61, v12;
	v15 =	vshll.u32 v62, v15;
	v35 =	vand.u32 $0xFFFF0000, v35  }
0x12e: {  	v23 =	vld.idx.msk [tilespmem:v8+s24+$0x350 ss:$0x1], $0xffff;
	v12 =	vperm.xlane v16, v3;
	v43 =	vand.u32 $0xFFFF, v31;
	v25 =	vor.u32 v25, v35  }
0x12f: {  	v24 =	vld.idx.msk [tilespmem:v8+s24+$0x3D0 ss:$0x1], $0xffff;
	v49 =	vand.u32 $0xFFFF, v36;
	v50 =	vand.u32 $0xFFFF0000, v15;
	v28 =	vor.u32 v43, v44;
	[tilespmem:v9+s25+$0x10 ss:$0x1] =	vst.idx.msk $0xffff, v25  }
0x130: {  	v15 =	vsub.s32 $0x10, v46;
	[tilespmem:v9+s23+$0x160 ss:$0x1] =	vst.idx.msk $0xffff, v28;
	v28 =	vor.u32 v49, v50;
	v50 =	vld.idx.msk [tilespmem:v8+s21+$0xB0 ss:$0x1], $0xffff  }
0x131: {  	v37 =	vand.u32 $0xFFFF0000, v60;
	v33 =	vshrl.u32 v63, v12;
	v35 =	vshll.u32 v40, v15;
	v45 =	vld.idx.msk [tilespmem:v8+s21+$0x110 ss:$0x1], $0xffff  }
0x132: {  	v30 =	vor.u32 v53, v37;
	v52 =	vand.u32 $0xFFFF, v33;
	v53 =	vand.u32 $0xFFFF0000, v35;
	v47 =	vld.idx.msk [tilespmem:v8+s21+$0x190 ss:$0x1], $0xffff;
	[tilespmem:v9+s23+$0xF0 ss:$0x1] =	vst.idx.msk $0xffff, v28  }
0x133: {  	v28 =	vor.u32 v52, v53;
	v57 =	vld.idx.msk [tilespmem:v8+s24+$0x2F0 ss:$0x1], $0xffff  }
0x134: {  	v38 =	vld.idx.msk [tilespmem:v8+s24+$0x360 ss:$0x1], $0xffff;
	[tilespmem:v9+s25+$0x80 ss:$0x1] =	vst.idx.msk $0xffff, v28  }
0x135: {  	v42 =	vshrl.u32 v41, v17;
	v26 =	vshll.u32 v26, v18;
	v32 =	vshrl.u32 v48, v13;
	v61 =	vld.idx.msk [tilespmem:v8+s21+$0x280 ss:$0x1], $0xffff  }
0x136: {  	v22 =	vshrl.u32 v22, v17;
	v62 =	vand.u32 $0xFFFF, v32;
	v31 =	vshll.u32 v51, v14;
	v54 =	vld.idx.msk [tilespmem:v8+s24+$0x270 ss:$0x1], $0xffff  }
0x137: {  	v40 =	vperm.xlane v16, v5;
	v36 =	vld.idx.msk [tilespmem:v8+s24+$0x3E0 ss:$0x1], $0xffff;
	v55 =	vshrl.u32 v45, v12;
	v56 =	vshll.u32 v47, v15  }
0x138: {  	v60 =	vld.idx.msk [tilespmem:v8+s21+$0x200 ss:$0x1], $0xffff;
	v58 =	vand.u32 $0xFFFF, v55;
	v59 =	vand.u32 $0xFFFF0000, v56;
	v11 =	vshll.u32 v57, v11  }
0x139: {  	v47 =	vld.idx.msk [tilespmem:v8+s21+$0x30 ss:$0x1], $0xffff;
	v28 =	vor.u32 v58, v59;
	v44 =	vand.u32 $0xFFFF0000, v11;
	v11 =	vsub.s32 $0x10, v40  }
0x13a: {  	v31 =	vand.u32 $0xFFFF0000, v31;
	v25 =	vand.u32 $0xFFFF, v42;
	[tilespmem:v9+s25+$0x90 ss:$0x1] =	vst.idx.msk $0xffff, v28;
	v33 =	vshll.u32 v61, v11;
	v61 =	vld.idx.msk [tilespmem:v8+s21+$0x40 ss:$0x1], $0xffff  }
0x13b: {  	v42 =	vshrl.u32 v54, v10;
	v10 =	vperm.xlane v16, v0;
	v28 =	vor.u32 v62, v31;
	v63 =	vld.idx.msk [tilespmem:v8+s21+$0x210 ss:$0x1], $0xffff  }
0x13c: {  	v21 =	vshll.u32 v21, v18;
	v22 =	vand.u32 $0xFFFF, v22;
	v41 =	vld.idx.msk [tilespmem:v8+s21+$0x290 ss:$0x1], $0xffff;
	[tilespmem:v9+s25+$0x20 ss:$0x1] =	vst.idx.msk $0xffff, v28  }
0x13d: {  	v21 =	vand.u32 $0xFFFF0000, v21;
	v46 =	vshrl.u32 v60, v10;
	v28 =	vand.u32 $0xFFFF, v42;
	v43 =	vld.idx.msk [tilespmem:v8+s21+$0x120 ss:$0x1], $0xffff  }
0x13e: {  	v48 =	vand.u32 $0xFFFF, v46;
	v49 =	vand.u32 $0xFFFF0000, v33;
	v45 =	vld.idx.msk [tilespmem:v8+s21+$0x1A0 ss:$0x1], $0xffff;
	v28 =	vor.u32 v28, v44  }
0x13f: {  	v20 =	vshll.u32 v20, v18;
	[tilespmem:v9+s23+$0x170 ss:$0x1] =	vst.idx.msk $0xffff, v28;
	v28 =	vor.u32 v48, v49;
	v48 =	vld.idx.msk [tilespmem:v8+s21+$0xD0 ss:$0x1], $0xffff  }
0x140: {  	[tilespmem:v9+s22+$0x1F0 ss:$0x1] =	vst.idx.msk $0xffff, v29;
	v26 =	vand.u32 $0xFFFF0000, v26;
	v21 =	vor.u32 v22, v21;
	v20 =	vand.u32 $0xFFFF0000, v20;
	v49 =	vld.idx.msk [tilespmem:v8+s21+$0x60 ss:$0x1], $0xffff  }
0x141: {  	[tilespmem:v9+s23+$0x1B0 ss:$0x1] =	vst.idx.msk $0xffff, v21;
	v33 =	vshll.u32 v50, v14;
	v34 =	vshrl.u32 v47, v13;
	v51 =	vld.idx.msk [tilespmem:v8+s24+$0x370 ss:$0x1], $0xffff  }
0x142: {  	[tilespmem:v9+s23+$0x190 ss:$0x1] =	vst.idx.msk $0xffff, v30;
	v25 =	vor.u32 v25, v26;
	v60 =	vand.u32 $0xFFFF0000, v33;
	v59 =	vand.u32 $0xFFFF, v34;
	v53 =	vld.idx.msk [tilespmem:v8+s24+$0x3F0 ss:$0x1], $0xffff  }
0x143: {  	v23 =	vshrl.u32 v23, v17;
	[tilespmem:v9+s25+$0x100 ss:$0x1] =	vst.idx.msk $0xffff, v28;
	v62 =	vor.u32 v59, v60;
	v59 =	vld.idx.msk [tilespmem:v8+s21+$0x70 ss:$0x1], $0xffff  }
0x144: {  	v56 =	vshrl.u32 v19, v17;
	v40 =	vand.u32 $0xFFFF, v23;
	v44 =	vshll.u32 v36, v18;
	v29 =	vld.idx.msk [tilespmem:v8+s21+$0x300 ss:$0x1], $0xffff  }
0x145: {  	[tilespmem:v9+s23+$0x180 ss:$0x1] =	vst.idx.msk $0xffff, v27;
	v47 =	vand.u32 $0xFFFF0000, v44;
	v28 =	vand.u32 $0xFFFF, v56;
	v33 =	vshrl.u32 v61, v13;
	v61 =	vld.idx.msk [tilespmem:v8+s21+$0xF0 ss:$0x1], $0xffff  }
0x146: {  	[tilespmem:v9+s25+$0x30 ss:$0x1] =	vst.idx.msk $0xffff, v62;
	v20 =	vor.u32 v28, v20;
	v26 =	vshrl.u32 v63, v10;
	v63 =	vld.idx.msk [tilespmem:v8+s21+$0xC0 ss:$0x1], $0xffff  }
0x147: {  	v52 =	vshll.u32 v41, v11;
	v41 =	vshll.u32 v24, v18;
	v42 =	vld.idx.msk [tilespmem:v8+s21+$0x130 ss:$0x1], $0xffff;
	v50 =	vand.u32 $0xFFFF, v33  }
0x148: {  	[tilespmem:v9+s23+$0x1A0 ss:$0x1] =	vst.idx.msk $0xffff, v25;
	v54 =	vand.u32 $0xFFFF, v26;
	v55 =	vand.u32 $0xFFFF0000, v52;
	v58 =	vshrl.u32 v43, v12;
	v26 =	vld.idx.msk [tilespmem:v8+s21+$0x380 ss:$0x1], $0xffff  }
0x149: {  	v31 =	vshll.u32 v45, v15;
	v23 =	vand.u32 $0xFFFF0000, v41;
	v43 =	vshrl.u32 v38, v17;
	v45 =	vld.idx.msk [tilespmem:v8+s21+$0x50 ss:$0x1], $0xffff  }
0x14a: {  	v57 =	vor.u32 v54, v55;
	v22 =	vand.u32 $0xFFFF, v58;
	v17 =	vshrl.u32 v51, v17;
	v51 =	vld.idx.msk [tilespmem:v8+s21+$0xE0 ss:$0x1], $0xffff  }
0x14b: {  	v31 =	vand.u32 $0xFFFF0000, v31;
	v46 =	vand.u32 $0xFFFF, v43;
	[tilespmem:v9+s25+$0x110 ss:$0x1] =	vst.idx.msk $0xffff, v57;
	v18 =	vshll.u32 v53, v18;
	v53 =	vld.idx.msk [tilespmem:v8+s21+$0x1B0 ss:$0x1], $0xffff  }
0x14c: {  	v30 =	vshll.u32 v48, v14;
	v60 =	vshrl.u32 v49, v13;
	v22 =	vor.u32 v22, v31;
	v19 =	vld.idx.msk [tilespmem:v8+s21+$0x310 ss:$0x1], $0xffff  }
0x14d: {  	[tilespmem:v9+s25+$0xA0 ss:$0x1] =	vst.idx.msk $0xffff, v22;
	v22 =	vor.u32 v40, v23;
	v17 =	vand.u32 $0xFFFF, v17;
	v27 =	vshll.u32 v63, v14  }
0x14e: {  	[tilespmem:v9+s23+$0x1C0 ss:$0x1] =	vst.idx.msk $0xffff, v20;
	v18 =	vand.u32 $0xFFFF0000, v18;
	v23 =	vor.u32 v46, v47;
	v41 =	vld.idx.msk [tilespmem:v8+s21+$0x390 ss:$0x1], $0xffff;
	v27 =	vand.u32 $0xFFFF0000, v27  }
0x14f: {  	v39 =	vld.idx.msk [tilespmem:v8+s21+$0x220 ss:$0x1], $0xffff;
	[tilespmem:v9+s23+$0x1D0 ss:$0x1] =	vst.idx.msk $0xffff, v22;
	v55 =	vshrl.u32 v45, v13;
	v52 =	vor.u32 v50, v27  }
0x150: {  	v58 =	vand.u32 $0xFFFF0000, v30;
	v18 =	vor.u32 v17, v18;
	v54 =	vld.idx.msk [tilespmem:v8+s21+$0x2A0 ss:$0x1], $0xffff;
	v57 =	vand.u32 $0xFFFF, v55;
	[tilespmem:v9+s25+$0x40 ss:$0x1] =	vst.idx.msk $0xffff, v52  }
0x151: {  	[tilespmem:v9+s23+$0x1E0 ss:$0x1] =	vst.idx.msk $0xffff, v23;
	v24 =	vor.u32 v57, v58;
	v32 =	vshll.u32 v51, v14;
	v21 =	vld.idx.msk [tilespmem:v8+s21+$0x140 ss:$0x1], $0xffff  }
0x152: {  	v28 =	vand.u32 $0xFFFF, v60;
	v56 =	vshrl.u32 v42, v12;
	[tilespmem:v9+s25+$0x50 ss:$0x1] =	vst.idx.msk $0xffff, v24;
	v62 =	vld.idx.msk [tilespmem:v8+s21+$0x1C0 ss:$0x1], $0xffff;
	v32 =	vand.u32 $0xFFFF0000, v32  }
0x153: {  	[tilespmem:v9+s23+$0x1F0 ss:$0x1] =	vst.idx.msk $0xffff, v18;
	v25 =	vshll.u32 v53, v15;
	v34 =	vor.u32 v28, v32;
	v35 =	vld.idx.msk [tilespmem:v8+s21+$0x150 ss:$0x1], $0xffff  }
0x154: {  	v20 =	vand.u32 $0xFFFF, v56;
	v13 =	vshrl.u32 v59, v13;
	v63 =	vand.u32 $0xFFFF0000, v25;
	v36 =	vld.idx.msk [tilespmem:v8+s21+$0x1D0 ss:$0x1], $0xffff;
	[tilespmem:v9+s25+$0x60 ss:$0x1] =	vst.idx.msk $0xffff, v34  }
0x155: {  	v14 =	vshll.u32 v61, v14;
	v20 =	vor.u32 v20, v63;
	v38 =	vshrl.u32 v39, v10;
	v39 =	vld.idx.msk [tilespmem:v8+s21+$0x160 ss:$0x1], $0xffff  }
0x156: {  	v13 =	vand.u32 $0xFFFF, v13;
	v14 =	vand.u32 $0xFFFF0000, v14;
	[tilespmem:v9+s25+$0xB0 ss:$0x1] =	vst.idx.msk $0xffff, v20;
	v40 =	vld.idx.msk [tilespmem:v8+s21+$0x1E0 ss:$0x1], $0xffff  }
0x157: {  	v13 =	vor.u32 v13, v14;
	v42 =	vld.idx.msk [tilespmem:v8+s21+$0x230 ss:$0x1], $0xffff;
	v21 =	vshrl.u32 v21, v12;
	v24 =	vshll.u32 v62, v15  }
0x158: {  	v17 =	vperm.xlane v16, v6;
	[tilespmem:v9+s25+$0x70 ss:$0x1] =	vst.idx.msk $0xffff, v13;
	v44 =	vld.idx.msk [tilespmem:v8+s21+$0x2B0 ss:$0x1], $0xffff;
	v21 =	vand.u32 $0xFFFF, v21;
	v43 =	vand.u32 $0xFFFF0000, v24  }
0x159: {  	v48 =	vld.idx.msk [tilespmem:v8+s21+$0x170 ss:$0x1], $0xffff;
	v45 =	vshrl.u32 v35, v12;
	v47 =	vshll.u32 v36, v15;
	v21 =	vor.u32 v21, v43  }
0x15a: {  	v16 =	vperm.xlane v16, v7;
	v51 =	vld.idx.msk [tilespmem:v8+s21+$0x1F0 ss:$0x1], $0xffff;
	v46 =	vand.u32 $0xFFFF, v45;
	[tilespmem:v9+s25+$0xC0 ss:$0x1] =	vst.idx.msk $0xffff, v21;
	v21 =	vand.u32 $0xFFFF0000, v47  }
0x15b: {  	v49 =	vshrl.u32 v39, v12;
	v50 =	vshll.u32 v40, v15;
	v13 =	vor.u32 v46, v21;
	v52 =	vld.idx.msk [tilespmem:v8+s21+$0x240 ss:$0x1], $0xffff  }
0x15c: {  	v27 =	vshll.u32 v54, v11;
	v53 =	vand.u32 $0xFFFF, v49;
	v54 =	vand.u32 $0xFFFF0000, v50;
	v56 =	vld.idx.msk [tilespmem:v8+s21+$0x2C0 ss:$0x1], $0xffff;
	[tilespmem:v9+s25+$0xD0 ss:$0x1] =	vst.idx.msk $0xffff, v13  }
0x15d: {  	v37 =	vshrl.u32 v29, v17;
	v16 =	vsub.s32 $0x10, v16;
	v21 =	vor.u32 v53, v54;
	v57 =	vld.idx.msk [tilespmem:v8+s21+$0x250 ss:$0x1], $0xffff  }
0x15e: {  	v26 =	vshll.u32 v26, v16;
	v55 =	vand.u32 $0xFFFF, v38;
	v27 =	vand.u32 $0xFFFF0000, v27;
	[tilespmem:v9+s25+$0xE0 ss:$0x1] =	vst.idx.msk $0xffff, v21;
	v58 =	vld.idx.msk [tilespmem:v8+s21+$0x2D0 ss:$0x1], $0xffff  }
0x15f: {  	v12 =	vshrl.u32 v48, v12;
	v15 =	vshll.u32 v51, v15;
	v13 =	vor.u32 v55, v27;
	v59 =	vld.idx.msk [tilespmem:v8+s21+$0x260 ss:$0x1], $0xffff  }
0x160: {  	v25 =	vand.u32 $0xFFFF, v37;
	v12 =	vand.u32 $0xFFFF, v12;
	v15 =	vand.u32 $0xFFFF0000, v15;
	[tilespmem:v9+s25+$0x120 ss:$0x1] =	vst.idx.msk $0xffff, v13;
	v61 =	vld.idx.msk [tilespmem:v8+s21+$0x2E0 ss:$0x1], $0xffff  }
0x161: {  	v14 =	vshrl.u32 v42, v10;
	v23 =	vshll.u32 v44, v11;
	v12 =	vor.u32 v12, v15;
	v62 =	vld.idx.msk [tilespmem:v8+s21+$0x320 ss:$0x1], $0xffff  }
0x162: {  	v26 =	vand.u32 $0xFFFF0000, v26;
	v14 =	vand.u32 $0xFFFF, v14;
	v60 =	vand.u32 $0xFFFF0000, v23;
	[tilespmem:v9+s25+$0xF0 ss:$0x1] =	vst.idx.msk $0xffff, v12;
	v63 =	vld.idx.msk [tilespmem:v8+s21+$0x3A0 ss:$0x1], $0xffff  }
0x163: {  	v13 =	vor.u32 v14, v60;
	v31 =	vld.idx.msk [tilespmem:v8+s21+$0x270 ss:$0x1], $0xffff;
	v18 =	vshrl.u32 v52, v10;
	v24 =	vshll.u32 v56, v11  }
0x164: {  	v19 =	vshrl.u32 v19, v17;
	[tilespmem:v9+s25+$0x130 ss:$0x1] =	vst.idx.msk $0xffff, v13;
	v34 =	vld.idx.msk [tilespmem:v8+s21+$0x2F0 ss:$0x1], $0xffff;
	v28 =	vand.u32 $0xFFFF, v18;
	v29 =	vand.u32 $0xFFFF0000, v24  }
0x165: {  	v35 =	vld.idx.msk [tilespmem:v8+s21+$0x330 ss:$0x1], $0xffff;
	v30 =	vshrl.u32 v57, v10;
	v12 =	vor.u32 v28, v29;
	v33 =	vshll.u32 v58, v11  }
0x166: {  	v19 =	vand.u32 $0xFFFF, v19;
	v37 =	vld.idx.msk [tilespmem:v8+s21+$0x3B0 ss:$0x1], $0xffff;
	v32 =	vand.u32 $0xFFFF, v30;
	v18 =	vand.u32 $0xFFFF0000, v33;
	[tilespmem:v9+s25+$0x140 ss:$0x1] =	vst.idx.msk $0xffff, v12  }
0x167: {  	v27 =	vshrl.u32 v59, v10;
	v23 =	vshll.u32 v61, v11;
	v36 =	vor.u32 v32, v18;
	v40 =	vld.idx.msk [tilespmem:v8+s21+$0x340 ss:$0x1], $0xffff  }
0x168: {  	v20 =	vshll.u32 v41, v16;
	v38 =	vand.u32 $0xFFFF, v27;
	v23 =	vand.u32 $0xFFFF0000, v23;
	v41 =	vld.idx.msk [tilespmem:v8+s21+$0x3C0 ss:$0x1], $0xffff;
	[tilespmem:v9+s25+$0x150 ss:$0x1] =	vst.idx.msk $0xffff, v36  }
0x169: {  	v10 =	vshrl.u32 v31, v10;
	v11 =	vshll.u32 v34, v11;
	v39 =	vor.u32 v38, v23;
	v42 =	vld.idx.msk [tilespmem:v8+s21+$0x350 ss:$0x1], $0xffff  }
0x16a: {  	v20 =	vand.u32 $0xFFFF0000, v20;
	v10 =	vand.u32 $0xFFFF, v10;
	v11 =	vand.u32 $0xFFFF0000, v11;
	v43 =	vld.idx.msk [tilespmem:v8+s21+$0x3D0 ss:$0x1], $0xffff;
	[tilespmem:v9+s25+$0x160 ss:$0x1] =	vst.idx.msk $0xffff, v39  }
0x16b: {  	v25 =	vor.u32 v25, v26;
	v19 =	vor.u32 v19, v20;
	v10 =	vor.u32 v10, v11;
	v46 =	vld.idx.msk [tilespmem:v8+s21+$0x360 ss:$0x1], $0xffff  }
0x16c: {  	v44 =	vshrl.u32 v62, v17;
	v45 =	vshll.u32 v63, v16;
	[tilespmem:v9+s25+$0x170 ss:$0x1] =	vst.idx.msk $0xffff, v10;
	v49 =	vld.idx.msk [tilespmem:v8+s21+$0x3E0 ss:$0x1], $0xffff  }
0x16d: {  	[tilespmem:v9+s25+$0x180 ss:$0x1] =	vst.idx.msk $0xffff, v25;
	v47 =	vand.u32 $0xFFFF0000, v45;
	v50 =	vshll.u32 v37, v16;
	v11 =	vand.u32 $0xFFFF, v44;
	v51 =	vld.idx.msk [tilespmem:v8+s21+$0x370 ss:$0x1], $0xffff  }
0x16e: {  	v48 =	vshrl.u32 v35, v17;
	v12 =	vand.u32 $0xFFFF0000, v50;
	v10 =	vor.u32 v11, v47;
	v54 =	vld.idx.msk [tilespmem:v8+s21+$0x3F0 ss:$0x1], $0xffff  }
0x16f: {  	[tilespmem:v9+s25+$0x190 ss:$0x1] =	vst.idx.msk $0xffff, v19;
	v11 =	vand.u32 $0xFFFF, v48;
	v52 =	vshrl.u32 v40, v17;
	v53 =	vshll.u32 v41, v16  }
0x170: {  	v11 =	vor.u32 v11, v12;
	[tilespmem:v9+s25+$0x1A0 ss:$0x1] =	vst.idx.msk $0xffff, v10;
	v55 =	vand.u32 $0xFFFF, v52;
	v56 =	vand.u32 $0xFFFF0000, v53  }
0x171: {  	v12 =	vor.u32 v55, v56;
	v57 =	vshrl.u32 v42, v17;
	v58 =	vshll.u32 v43, v16  }
0x172: {  	p1 =	slt.u32 s20, $0x1C;
	[tilespmem:v9+s25+$0x1B0 ss:$0x1] =	vst.idx.msk $0xffff, v11;
	v10 =	vand.u32 $0xFFFF, v57;
	v59 =	vand.u32 $0xFFFF0000, v58;
	v15 =	vshrl.u32 v46, v17  }
.Ltmp5:
0x173: {  	v60 =	vshll.u32 v49, v16;
	v13 =	vshrl.u32 v51, v17;
	v62 =	vshll.u32 v54, v16;
	(pc) =	sbr.rel @p1 .LBB2_7-.Ltmp5, $4  }
0x174: {  	[tilespmem:v9+s25+$0x1C0 ss:$0x1] =	vst.idx.msk $0xffff, v12;
	v10 =	vor.u32 v10, v59;
	v11 =	vand.u32 $0xFFFF, v15;
	v61 =	vand.u32 $0xFFFF0000, v60  }
0x175: {  	v63 =	vand.u32 $0xFFFF0000, v62;
	[tilespmem:v9+s25+$0x1D0 ss:$0x1] =	vst.idx.msk $0xffff, v10;
	v10 =	vor.u32 v11, v61;
	v11 =	vand.u32 $0xFFFF, v13  }
0x176: {  	s31 =	sadd.s32 $0x4, s20;
	[tilespmem:v9+s25+$0x1E0 ss:$0x1] =	vst.idx.msk $0xffff, v10;
	v10 =	vor.u32 v11, v63  }
0x177: {  	s20 =	smov.u32 s31;
	[tilespmem:v9+s25+$0x1F0 ss:$0x1] =	vst.idx.msk $0xffff, v10  }
0x178: {  	s17 =	sshll.u32 s17, $0x3  }
0x179: {  	s17 =	sadd.s32 s17, s6  }
0x17a: {  	s19 =	simm.s32 $0x40;
	s20 =	sadd.s32 $0x200, s18;
	s21 =	sadd.s32 $0x0, s17  }
.LBB2_9:
0x17b: {  	[hbm:s21] =	stream.linear.scatter [tilespmem:s18], [sflag:$0x3], $0x200, $0x38;
	[tilespmem:$0x18300] =	vst v63  }
0x17c: {  	s21 =	smov.u32 s19;
	s18 =	smov.u32 s20;
	p1 =	sne.s32 s19, $0x7C0  }
.Ltmp6:
0x17d: {  	s19 =	sadd.s32 $0x40, s19;
	(pc) =	sbr.rel @p1 .LBB2_9-.Ltmp6, $2  }
0x17e: {  	_ =	sdelay $0x2  }
0x17f: {  	s20 =	sadd.s32 $0x200, s20;
	s21 =	sadd.s32 s21, s17  }
.Ltmp7:
0x180: {  	(pc) =	sbr.rel .LBB2_11-.Ltmp7, $2  }
0x181: {  	_ =	sdelay $0x2  }
0x182: {  	[hbm:s21] =	stream.linear.scatter [tilespmem:s18], [sflag:$0x3], $0x200, $0x38;
	[tilespmem:$0x18300] =	vst v63  }
.LBB2_12:
0x183: {  	_ =	sfence.sel $0x180000  }
0x184: {  	s2 =	simm.s32 $0x1;
	[bflag:$0x0] =	sbarrier.arrive $0xFFFF  }
0x185: {  	s30 =	simm.s32 $0x2;
	[sflag:s2] =	ssyncpa.u1 $0x1  }
0x186: {  	s31 =	simm.s32 $0x3;
	[sflag:s30] =	ssyncpa.u1 $0x1  }
0x187: {  	[sflag:s31] =	ssyncpa.u1 $0x1  }
0x188: {  	p0 =	sne.s32 s0, $0x0;
	_ =	strace $0x90000047  }
0x189: {  	s0 =	sadd.s32 @!p0 $0x100000, s1;
	[bflag:$0x2] =	sbarrier.arrive $0xFFFF  }
0x18a: {  	[sflag:s0] =	ssyncadd.tile.s32 @!p0 $0x1;
	_ =	shalt  }
.Lfunc_end2:
_tile_overlayer_lowered:
.L_overlay_start_2:
0x18b: {  	(tag) =	ssettag $0x2  }
0x18c: {  	s0 =	rddreg [dreg:$0x0];
	s2 =	stileid.u32  }
0x18d: {  	s1 =	rddreg [dreg:$0x1];
	p0 =	sne.s32 s2, $0x0  }
0x18e: {  	s3 =	rddreg [dreg:$0x2];
	[bflag:$0x3] =	sbarrier.arrive $0xFFFF;
	s2 =	simm.s32 @!p0 $0x1C01  }
0x18f: {  	[timem:s3], [sflag:s2] =	dma.local @!p0 [hbm:s0], s1  }
0x190: {  	s0 =	simm.s32 @!p0 $0x1  }
0x191: {  	_ =	swait.ge @!p0 [sflag:s0], s1  }
0x192: {  	s1 =	ssub.s32 @!p0 $0x0, s1;
	[sflag:s0] =	ssyncset.done @!p0 $0x0  }
0x193: {  	[sflag:s0] =	ssyncadd.s32 @!p0 s1  }
0x194: {  	[bflag:$0x3] =	sbarrier.arrive $0xFFFF  }
0x195: {  	_ =	shalt  }

// kernel: scatter_offload_async_start.1
scs
__scs_entry_jumppad:
0x0: {  	(pc) =	sbr.rel $0x88, $3  }
0x1: {  	(tag) =	ssettag $0x0;
	lr =	simm.s32 $0x1  }
0x2: {  	[smem:$0x3F8B] =	sst lr;
	_ =	strace $0xD0000000  }
0x3: {  	_ = 	snop  }
0x4: {  	_ = 	snop  }
0x5: {  	_ = 	snop  }
0x6: {  	_ = 	snop  }
0x7: {  	_ = 	snop  }
__scs_overlays_trampoline_lowered:
0x8: {  	[smem:$0x3F9A] =	sst s0  }
0x9: {  	[smem:$0x3F9B] =	sst s1  }
0xa: {  	[smem:$0x3F9C] =	sst s2  }
0xb: {  	[smem:$0x3F9D] =	sst s3  }
0xc: {  	[smem:$0x3F9E] =	sst s4  }
0xd: {  	[smem:$0x3F9F] =	sst s5  }
0xe: {  	[smem:$0x3FA0] =	sst s6  }
0xf: {  	[smem:$0x3FA1] =	sst s7  }
0x10: {  	[smem:$0x3FA2] =	sst s8  }
0x11: {  	[smem:$0x3FA3] =	sst s9;
	s0 =	simm.s32 @!p0 $0x0  }
0x12: {  	s1 =	sld [smem:$0x3F89];
	s0 =	simm.s32 @p0 $0x1  }
0x13: {  	[smem:$0x3FA4] =	sst s0;
	s0 =	simm.s32 @!p1 $0x0  }
0x14: {  	s2 =	sld [smem:$0x3F88];
	s0 =	simm.s32 @p1 $0x1  }
0x15: {  	[smem:$0x3FA5] =	sst s0;
	s0 =	simm.s32 @!p2 $0x0  }
0x16: {  	s3 =	sld [smem:$0x3FDB];
	s0 =	simm.s32 @p2 $0x1  }
0x17: {  	s4 =	simm.s32 $0x1BF5;
	[smem:$0x3FA7] =	sst s0  }
0x18: {  	s0 =	sld [smem:$0x3F8A];
	_ =	swait.ge [sflag:s4], $0x0  }
0x19: {  	s7 =	sld [smem:$0x3F8B]  }
0x1a: {  	s8 =	sadd.s32 $0xFFFFE003, lr  }
0x1b: {  	s9 =	sadd.s32 $0xFFFFFEF7, lr;
	s5 =	simm.s32 $0xFFFFFFFF;
	p2 =	slt.u32 s8, $0xFFFFF086  }
0x1c: {  	p1 =	slt.u32 s9, $0xF7A;
	s5 =	simm.s32 @!p2 $0x0  }
0x1d: {  	s5 =	simm.s32 @p1 $0x1;
	p0 =	seq.s32 s7, s2  }
0x1e: {  	s7 =	smul.u32 @!p0 $0xF7A, s2;
	p2 =	seq.s32 @!p0 s5, $0x0  }
0x1f: {  	s9 =	smul.u32 $0xF7A, s1;
	s8 =	simm.s32 @!p0 $0x1BF5;
	p2 =	por !p2, p0  }
0x20: {  	[sflag:s8] =	ssyncset.s32 @!p0 $0xFFFFF086;
	s6 =	sadd.s32 @!p0 s3, s7;
	s7 =	simm.s32 @!p0 $0x108  }
0x21: {  	s3 =	sadd.s32 s3, s9;
	s6 =	sadd.s32 @!p0 $0x88, s6;
	s7 =	simm.s32 @p2 $0x1082  }
0x22: {  	[simem:s7], [sflag:s8] =	dma.local @!p0 [hbm:s6], $0xF7A  }
0x23: {  	s9 =	sor.u32 $0xD0000000, s2;
	s6 =	simm.s32 $0x108;
	_ =	swait.ge @!p0 [sflag:s8], $0x0  }
0x24: {  	s3 =	sadd.s32 $0x88, s3;
	s6 =	simm.s32 @!p1 $0x1082;
	[sflag:s4] =	ssyncset.s32 $0xFFFFF086  }
0x25: {  	[simem:s6], [sflag:s4] =	dma.local [hbm:s3], $0xF7A  }
0x26: {  	[smem:$0x3F8B] =	sst s1;
	(tag) =	ssettag s2;
	_ =	strace s9  }
0x27: {  	s1 =	sld [smem:$0x3F9B]  }
0x28: {  	s2 =	sld [smem:$0x3F9C]  }
0x29: {  	s4 =	sld [smem:$0x3F9E]  }
0x2a: {  	p0 =	seq.s32 s5, $0x0;
	s5 =	sld [smem:$0x3F9F]  }
0x2b: {  	s6 =	sld [smem:$0x3FA0]  }
0x2c: {  	s7 =	sld [smem:$0x3FA1]  }
0x2d: {  	s3 =	simm.s32 $0x108;
	s8 =	sld [smem:$0x3FA2]  }
0x2e: {  	s3 =	simm.s32 @!p0 $0x1082;
	s9 =	sld [smem:$0x3FA3]  }
0x2f: {  	lr =	sadd.s32 s0, s3;
	s0 =	sld [smem:$0x3F9A]  }
0x30: {  	s3 =	sld [smem:$0x3F9D]  }
0x31: {  	[smem:$0x3FA6] =	sst s10  }
0x32: {  	s10 =	sld [smem:$0x3FA4];
	_ =	sdelay $0x3  }
0x33: {  	p0 =	seq.s32 s10, $0x1;
	s10 =	sld [smem:$0x3FA6];
	_ =	sdelay $0x3  }
0x34: {  	[smem:$0x3FA6] =	sst s10  }
0x35: {  	s10 =	sld [smem:$0x3FA5];
	_ =	sdelay $0x3  }
0x36: {  	p1 =	seq.s32 s10, $0x1;
	s10 =	sld [smem:$0x3FA6];
	_ =	sdelay $0x3  }
0x37: {  	[smem:$0x3FA6] =	sst s10  }
0x38: {  	s10 =	sld [smem:$0x3FA7]  }
0x39: {  	_ = 	snop;
	(pc) =	sbr.ind lr, $3  }
0x3a: {  	_ = 	snop  }
0x3b: {  	_ = 	snop  }
0x3c: {  	p2 =	seq.s32 s10, $0x1;
	s10 =	sld [smem:$0x3FA6]  }
0x3d: {  	_ =	shalt  }
0x3e: {  	_ =	shalt  }
0x3f: {  	_ =	shalt  }
0x40: {  	_ =	shalt  }
0x41: {  	_ =	shalt  }
0x42: {  	_ =	shalt  }
0x43: {  	_ =	shalt  }
0x44: {  	_ =	shalt  }
0x45: {  	_ =	shalt  }
0x46: {  	_ =	shalt  }
0x47: {  	_ =	shalt  }
0x48: {  	_ =	shalt  }
0x49: {  	_ =	shalt  }
0x4a: {  	_ =	shalt  }
0x4b: {  	_ =	shalt  }
0x4c: {  	_ =	shalt  }
0x4d: {  	_ =	shalt  }
0x4e: {  	_ =	shalt  }
0x4f: {  	_ =	shalt  }
0x50: {  	_ =	shalt  }
0x51: {  	_ =	shalt  }
0x52: {  	_ =	shalt  }
0x53: {  	_ =	shalt  }
0x54: {  	_ =	shalt  }
0x55: {  	_ =	shalt  }
0x56: {  	_ =	shalt  }
0x57: {  	_ =	shalt  }
0x58: {  	_ =	shalt  }
0x59: {  	_ =	shalt  }
0x5a: {  	_ =	shalt  }
0x5b: {  	_ =	shalt  }
0x5c: {  	_ =	shalt  }
0x5d: {  	_ =	shalt  }
0x5e: {  	_ =	shalt  }
0x5f: {  	_ =	shalt  }
0x60: {  	_ =	shalt  }
0x61: {  	_ =	shalt  }
0x62: {  	_ =	shalt  }
0x63: {  	_ =	shalt  }
0x64: {  	_ =	shalt  }
0x65: {  	_ =	shalt  }
0x66: {  	_ =	shalt  }
0x67: {  	_ =	shalt  }
0x68: {  	_ =	shalt  }
0x69: {  	_ =	shalt  }
0x6a: {  	_ =	shalt  }
0x6b: {  	_ =	shalt  }
0x6c: {  	_ =	shalt  }
0x6d: {  	_ =	shalt  }
0x6e: {  	_ =	shalt  }
0x6f: {  	_ =	shalt  }
0x70: {  	_ =	shalt  }
0x71: {  	_ =	shalt  }
0x72: {  	_ =	shalt  }
0x73: {  	_ =	shalt  }
0x74: {  	_ =	shalt  }
0x75: {  	_ =	shalt  }
0x76: {  	_ =	shalt  }
0x77: {  	_ =	shalt  }
0x78: {  	_ =	shalt  }
0x79: {  	_ =	shalt  }
0x7a: {  	_ =	shalt  }
0x7b: {  	_ =	shalt  }
0x7c: {  	_ =	shalt  }
0x7d: {  	_ =	shalt  }
0x7e: {  	_ =	shalt  }
0x7f: {  	_ =	shalt  }
0x80: {  	_ =	shalt  }
0x81: {  	_ =	shalt  }
0x82: {  	_ =	shalt  }
0x83: {  	_ =	shalt  }
0x84: {  	_ =	shalt  }
0x85: {  	_ =	shalt  }
0x86: {  	_ =	shalt  }
0x87: {  	_ =	shalt  }
.Lfunc_end0:
.L_simem_size_0:
called_computation.1_lowered:
.L_overlay_start_0:
0x88: {  	s2 =	sld [smem:$0x3FD9]  }
0x89: {  	s3 =	sld [smem:$0x3FFE];
	_ =	sdelay $0x1  }
0x8a: {  	s1 =	srdreg.scid  }
0x8b: {  	s0 =	sand.u32 $0x1, s1  }
0x8c: {  	s15 =	sshll.u32 s0, $0xA;
	s2 =	sadd.s32 s3, s2  }
0x8d: {  	s2 =	sadd.s32 s2, s15  }
0x8e: {  	[smem:$0x3FB2] =	sst s2  }
0x8f: {  	_ = 	snop  }
0x90: {  	(tm) =	ssettm $0x1  }
0x91: {  	s16 =	sld [smem:$0x3FFB];
	_ =	sdelay $0x3  }
0x92: {  	_ =	strace s16  }
0x93: {  	s2 =	sld [smem:$0x3FFC];
	_ =	sdelay $0x3  }
0x94: {  	_ =	strace s2  }
0x95: {  	s2 =	sld [smem:$0x3FFD];
	_ =	sdelay $0x3  }
0x96: {  	_ =	strace s2  }
0x97: {  	_ =	strace $0x8FFFFFFF  }
0x98: {  	s17 =	sld [smem:$0x3FDB];
	_ =	sdelay $0x1  }
0x99: {  	s18 =	simm.s32 $_scs_section_size  }
0x9a: {  	s4 =	simm.s32 $_size__tile_overlayer_lowered;
	s5 =	simm.s32 $_tile_overlayer_lowered  }
0x9b: {  	s21 =	simm.s32 $0x1BFF;
	s20 =	sshll.u32 s5, $0x1;
	s2 =	sadd.s32 s18, s17  }
0x9c: {  	s6 =	simm.s32 $0x0;
	s19 =	sshll.u32 s4, $0x1;
	s4 =	sadd.s32 s20, s2  }
0x9d: {  	[timem:s6], [sflag:s21] =	dma.local [hbm:s4], s19  }
0x9e: {  	_ =	swait.ge [sflag:s21], s19  }
0x9f: {  	s3 =	ssub.s32 $0x0, s19;
	[sflag:s21] =	ssyncset.done $0x0  }
0xa0: {  	[sflag:s21] =	ssyncadd.s32 s3;
	_ =	sdelay $0x1  }
0xa1: {  	s22 =	simm.s32 $0x1B8B  }
0xa2: {  	_ =	swait.ge [sflag:s22], $0x1  }
0xa3: {  	[sflag:s22] =	ssyncset.done $0x0  }
0xa4: {  	s23 =	sld [smem:$0x3FFE];
	[sflag:s22] =	ssyncadd.s32 $0xFFFFFFFF  }
0xa5: {  	s25 =	simm.s32 $0x1B8E;
	s24 =	sld [smem:$0x0]  }
0xa6: {  	s26 =	simm.s32 $execute0_lowered;
	[smem:$0x3FD2] =	sst s25  }
0xa7: {  	s5 =	sshll.u32 s26, $0x1;
	_ =	strace $0x80000052;
	[dreg:$0x1] =	wrdreg $0xFFFFFFFF  }
0xa8: {  	s28 =	simm.s32 $_size_execute0_lowered;
	s2 =	sadd.s32 s2, s5;
	[dreg:$0x0] =	wrdreg $0x0  }
0xa9: {  	s5 =	sshll.u32 s28, $0x1;
	[dreg:$0x2] =	wrdreg s2  }
0xaa: {  	[dreg:$0x3] =	wrdreg s5  }
0xab: {  	[dreg:$0x4] =	wrdreg $0xC0  }
0xac: {  	_ =	task [dreg:s6], $0x5FFFF  }
0xad: {  	[dreg:$0x1] =	wrdreg $0xFFFFFFFF  }
0xae: {  	[dreg:$0x0] =	wrdreg $0x60  }
0xaf: {  	[dreg:$0x2] =	wrdreg s23  }
0xb0: {  	[dreg:$0x3] =	wrdreg s1  }
0xb1: {  	[dreg:$0x4] =	wrdreg s24  }
0xb2: {  	[dreg:$0x5] =	wrdreg $0x9  }
0xb3: {  	_ =	task.clear_ibuf [dreg:s6], $0x6FFFF;
	_ =	strace $0x90000052  }
0xb4: {  	s29 =	simm.s32 $0x9;
	_ =	strace $0x80000054  }
0xb5: {  	_ =	swait.ge [sflag:s29], $0x1  }
0xb6: {  	[sflag:s29] =	ssyncadd.s32 $0xFFFFFFFF  }
0xb7: {  	_ =	strace $0x90000054  }
0xb8: {  	_ =	sfence  }
0xb9: {  	s30 =	sld [smem:$0x0];
	_ =	sdelay $0x2  }
0xba: {  	s31 =	sshll.u32 s1, $0xD;
	s1 =	sshrl.u32 s1, $0x2  }
0xbb: {  	s3 =	sand.u32 $0x4000, s31;
	s1 =	sadd.s32 s1, s30  }
0xbc: {  	s0 =	sor.u32 s3, s0;
	s1 =	sshll.u32 s1, $0x11  }
0xbd: {  	s0 =	sor.u32 s1, s0  }
0xbe: {  	s0 =	sadd.s32 $0x8F2B, s0  }
0xbf: {  	[sflag:s0] =	ssyncadd.remote.s32 $0x1  }
0xc0: {  	_ =	sfence.sel $0xFFFF  }
0xc1: {  	[dreg:$0x0] =	wrdreg $0xFFFFFFFF;
	(pc) =	sbr.abs _section_cstart, $3  }
0xc2: {  	[dreg:$0x1] =	wrdreg $0xFFFFFFFF  }
0xc3: {  	_ =	task.clear_ibuf [dreg:s6], $0x2FFFF;
	_ =	strace $0x9FFFFFFF  }
0xc4: {  	(tm) =	ssettm $0x7FFFFFFF  }
0xc5: {  	_ =	shalt  }
tec
execute0_lowered:
.L_overlay_start_1:
0x0: {  	(tag) =	ssettag $0x1  }
0x1: {  	s2 =	rddreg [dreg:$0x0]  }
0x2: {  	s4 =	rddreg [dreg:$0x1];
	_ =	strace $0x80000053;
	s1 =	simm.s32 $0x1  }
0x3: {  	s9 =	simm.s32 $0x108;
	v0 =	vimm.s32 $0x0;
	[sflag:s1] =	ssyncpa.u1 $0x0  }
0x4: {  	[tilespmem:s9+$0x70] =	vst v0  }
0x5: {  	[tilespmem:s9+$0x60] =	vst v0  }
0x6: {  	[tilespmem:s9+$0x50] =	vst v0  }
0x7: {  	[tilespmem:s9+$0x40] =	vst v0  }
0x8: {  	[tilespmem:s9+$0x30] =	vst v0  }
0x9: {  	s1 =	sadd.s32 $0x78200, s2;
	[tilespmem:s9+$0x20] =	vst v0  }
0xa: {  	s5 =	sadd.s32 $0x37600, s2;
	s6 =	sadd.s32 $0x2C2200, s2;
	s2 =	simm.s32 $0x40;
	[tilespmem:s9+$0x10] =	vst v0  }
.LBB2_1:
0xb: {  	s2 =	sadd.s32 $0x40, s2;
	[tilespmem:s9+$0x0] =	vst v0;
	s9 =	sadd.s32 $0x80, s9  }
0xc: {  	p0 =	slt.u32 s2, $0x5040;
	[tilespmem:s9+$0x70] =	vst v0  }
0xd: {  	[tilespmem:s9+$0x60] =	vst v0  }
.Ltmp0:
0xe: {  	[tilespmem:s9+$0x50] =	vst v0;
	(pc) =	sbr.rel @p0 .LBB2_1-.Ltmp0, $4  }
0xf: {  	[tilespmem:s9+$0x40] =	vst v0  }
0x10: {  	[tilespmem:s9+$0x30] =	vst v0  }
0x11: {  	[tilespmem:s9+$0x20] =	vst v0  }
0x12: {  	[tilespmem:s9+$0x10] =	vst v0  }
0x13: {  	s2 =	srdreg.scid  }
0x14: {  	s7 =	sshll.u32 s2, $0x4  }
0x15: {  	s2 =	stileid.u32;
	s7 =	sand.u32 $0x10, s7  }
0x16: {  	s8 =	sor.u32 s2, s7  }
0x17: {  	s10 =	smul.u32 $0x67, s8  }
0x18: {  	s8 =	smin.u32 s8, $0x10  }
0x19: {  	s7 =	sshrl.u32 s7, $0x4;
	s8 =	sadd.s32 s8, s10  }
0x1a: {  	s7 =	ssub.s32 s8, s7  }
0x1b: {  	s29 =	smul.u32 $0x140, s7;
	_ =	sdelay $0x1  }
0x1c: {  	s7 =	smul.u32 $0x140, s8;
	s30 =	sadd.s32 $0x8200, s29  }
0x1d: {  	s8 =	smin.u32 s30, $0x102C00  }
0x1e: {  	s11 =	ssub.s32 s8, s7  }
0x1f: {  	p0 =	sgt.s32 s11, $0x0  }
0x20: {  	s11 =	simm.s32 @!p0 $0x0  }
0x21: {  	s31 =	smulhi.u32 $0x66666667, s11;
	_ =	sdelay $0x1  }
0x22: {  	s12 =	sshrl.u32 s31, $0x7  }
0x23: {  	[tilespmem:s9+$0x0] =	vst v0;
	s9 =	simm.s32 $0x2;
	s13 =	smul.u32 $0x140, s12  }
.Ltmp1:
0x24: {  	s17 =	simm.s32 $0x0;
	s14 =	simm.s32 $0xA;
	(pc) =	sbr.rel .LBB2_3-.Ltmp1, $4  }
0x25: {  	v0 =	vimm.s32 $0xFFFFFFFF;
	s16 =	simm.s32 $0x0;
	[sflag:s9] =	ssyncpa.u1 $0x0;
	s10 =	simm.s32 $0x9  }
0x26: {  	[tilespmem:$0x14208] =	vst v0;
	[sflag:s10] =	ssyncpa.u1 $0x0;
	p0 =	sne.s32 s11, s13;
	s13 =	simm.s32 $0x1  }
0x27: {  	s15 =	smov.u32 s7;
	s11 =	simm.s32 $0x1;
	s13 =	simm.s32 @!p0 $0x0  }
0x28: {  	v0 =	vlaneseq.u32;
	p0 =	por $0x0, $0x0;
	s12 =	sadd.s32 s13, s12;
	s13 =	sshll.u32 s2, $0x8  }
.LBB2_20:
0x29: {  	s17 =	sshrl.u32 s24, $0x2  }
.LBB2_22:
0x2a: {  	_ =	swait.ge [sflag:s14], s17;
	v1 =	vmov s20;
	vm0 =	veq.s32 v0, $0x0  }
0x2b: {  	s0 =	ssub.s32 $0x0, s17;
	vm14 =	veq.s32 v0, $0x2;
	[sflag:s14] =	ssyncset.done $0x0;
	v1 =	vsel vm0, s19, v1  }
0x2c: {  	vm15 =	veq.s32 v0, $0x3;
	[sflag:s14] =	ssyncadd.s32 s0;
	v1 =	vsel vm14, s21, v1  }
0x2d: {  	[sflag:s14] =	ssyncpa.u1 $0x1;
	v1 =	vsel vm15, s28, v1  }
0x2e: {  	[tilespmem:$0x14208] =	vst v1  }
.LBB2_23:
0x2f: {  	s0 =	sadd.s32 $0x140, s15  }
0x30: {  	s3 =	smov.u32 s7;
	p1 =	slt.s32 s0, s8  }
0x31: {  	s3 =	smov.u32 @p1 s0;
	p1 =	sne.s32 s16, s12  }
.Ltmp2:
0x32: {  	_ = 	snop;
	(pc) =	sbr.rel @!p1 .LBB2_24-.Ltmp2, $3  }
0x33: {  	_ =	sdelay $0x1  }
0x34: {  	s31 =	sadd.s32 $0x1, s16;
	s17 =	smov.u32 s15  }
0x35: {  	p0 =	por !p0, !p0;
	s16 =	smov.u32 s31;
	s15 =	smov.u32 s3  }
.LBB2_3:
0x36: {  	p1 =	sge.u32 s16, s12  }
0x37: {  	p2 =	sgt.s32 @!p1 s15, $0x102AC0  }
0x38: {  	s18 =	smov.u32 s15;
	s19 =	sshra.s32 @!p1 s15, $0x1F;
	p2 =	por !p2, p1  }
0x39: {  	s19 =	sand.u32 @!p1 s19, s15;
	s18 =	simm.s32 @p2 $0x102AC0  }
0x3a: {  	s18 =	ssub.s32 @!p1 s18, s19  }
0x3b: {  	s19 =	sxor.u32 @!p1 $0xFFFFFFFF, s16;
	s18 =	sadd.s32 @!p1 $0xFFEFD540, s18  }
0x3c: {  	s19 =	sand.u32 @!p1 $0x1, s19;
	s20 =	sshll.u32 @!p1 s18, $0x2  }
0x3d: {  	p2 =	sgt.s32 @!p1 s18, $0x13F;
	s18 =	ssub.s32 @!p1 $0x500, s20;
	s20 =	smul.u32 @!p1 $0x500, s19  }
0x3e: {  	s21 =	sshrl.u32 @!p1 s15, $0x3;
	s22 =	sand.u32 @!p1 $0x7, s15  }
0x3f: {  	p2 =	por !p2, p1;
	s18 =	sshrl.u32 @!p1 s18, $0x2;
	s20 =	sshrl.u32 @!p1 s20, $0x2  }
0x40: {  	s21 =	sadd.s32 @!p1 s5, s21;
	s18 =	simm.s32 @!p2 $0x0;
	s20 =	sadd.s32 @!p1 $0x15248, s20  }
0x41: {  	[tilespmem:s20], [sflag:$0x9] =	stream.linear.gather @!p1 [hbm4b:s21+s22], s18, $0x38;
	[tilespmem:$0x1F4C8] =	vst v63  }
0x42: {  	s18 =	ssub.s32 @!p1 $0x102C00, s15  }
0x43: {  	p2 =	sgt.s32 @!p1 s18, $0x0  }
0x44: {  	s19 =	smul.u32 @!p1 $0x14000, s19;
	p2 =	por !p2, p1  }
0x45: {  	s18 =	simm.s32 @p2 $0x0  }
0x46: {  	s19 =	sshrl.u32 @!p1 s19, $0x2;
	s20 =	sshll.u32 @!p1 s15, $0x3;
	s18 =	smin.u32 @!p1 s18, $0x140  }
0x47: {  	s19 =	sadd.s32 @!p1 $0x154C8, s19;
	s20 =	sadd.s32 @!p1 s6, s20;
	s18 =	sshll.u32 @!p1 s18, $0x6  }
0x48: {  	[tilespmem:s19], [sflag:$0x9] =	stream.linear.gather @!p1 [hbm:s20], s18, $0x38;
	[tilespmem:$0x1F4C8] =	vst v63  }
0x49: {  	p1 =	seq.s32 s16, $0x0  }
.Ltmp3:
0x4a: {  	_ = 	snop;
	(pc) =	sbr.rel @p1 .LBB2_23-.Ltmp3, $1  }
0x4b: {  	_ =	sdelay $0x3  }
0x4c: {  	p1 =	sgt.s32 s17, $0x102AC0  }
0x4d: {  	s18 =	smov.u32 s17;
	s19 =	sshra.s32 s17, $0x1F;
	s20 =	ssub.s32 $0x102C00, s17  }
0x4e: {  	s18 =	simm.s32 @!p1 $0x102AC0;
	s19 =	sand.u32 s19, s17;
	p1 =	sgt.s32 s20, $0x0  }
0x4f: {  	s18 =	ssub.s32 s18, s19;
	s20 =	simm.s32 @!p1 $0x0  }
0x50: {  	s18 =	sadd.s32 $0xFFEFD540, s18;
	s29 =	smin.u32 s20, $0x140  }
0x51: {  	s21 =	sshll.u32 s18, $0x2;
	s19 =	sshll.u32 s29, $0x6  }
0x52: {  	p1 =	sgt.s32 s18, $0x13F;
	s30 =	ssub.s32 $0x500, s21;
	_ =	swait.ge [sflag:s10], s19  }
0x53: {  	s19 =	ssub.s32 $0x0, s19;
	[sflag:s10] =	ssyncset.done $0x0;
	s18 =	sshrl.u32 s30, $0x2  }
0x54: {  	[sflag:s10] =	ssyncadd.s32 s19;
	s18 =	simm.s32 @p1 $0x0  }
0x55: {  	_ =	swait.ge [sflag:s10], s18  }
0x56: {  	s18 =	ssub.s32 $0x0, s18;
	[sflag:s10] =	ssyncset.done $0x0  }
0x57: {  	[sflag:s10] =	ssyncadd.s32 s18  }
0x58: {  	v1 =	vld [tilespmem:$0x14208];
	_ =	sdelay $0x4  }
0x59: {  	(v2sf) =	vpush v1, $0x0  }
0x5a: {  	(v2sf) =	vpush v1, $0x1  }
0x5b: {  	(v2sf) =	vpush v1, $0x2  }
0x5c: {  	(v2sf) =	vpush v1, $0x3;
	_ =	sdelay $0x3  }
0x5d: {  	s18 =	sadd.s32 $0x140, s17  }
0x5e: {  	p1 =	slt.s32 s8, s18  }
0x5f: {  	s18 =	smov.u32 @p1 s8  }
0x60: {  	s17 =	ssub.s32 s18, s17  }
0x61: {  	p1 =	slt.s32 s20, s17  }
0x62: {  	s17 =	smov.u32 @p1 s20  }
0x63: {  	s19 =	simm.s32 $0x1;
	p1 =	slt.s32 s17, $0x1  }
.Ltmp4:
0x64: {  	s19 =	simm.s32 @!p0 $0x0;
	(pc) =	sbr.rel @p1 .LBB2_8-.Ltmp4, $4  }
0x65: {  	s31 =	smul.u32 $0x500, s19;
	s24 =	spop (v2sf)  }
0x66: {  	s25 =	spop (v2sf)  }
0x67: {  	s18 =	sshrl.u32 s31, $0x2;
	s21 =	spop (v2sf)  }
0x68: {  	s23 =	simm.s32 $0x0;
	s18 =	sadd.s32 $0x15248, s18;
	s28 =	spop (v2sf)  }
0x69: {  	s19 =	smin.u32 s17, $0x10  }
0x6a: {  	v1 =	vmov s19  }
0x6b: {  	vm1 =	vgt.u32 v1, v0  }
0x6c: {  	p2 =	sgt.s32 s17, $0x10  }
.Ltmp5:
0x6d: {  	_ = 	snop;
	(pc) =	sbr.rel @!p2 .LBB2_7-.Ltmp5, $2  }
0x6e: {  	_ =	sdelay $0x2  }
0x6f: {  	s20 =	simm.s32 $0x10;
	s22 =	sadd.s32 $0xFFFFFFF0, s17;
	s19 =	smov.u32 s18;
	vm0 =	vmmov vm1;
	v1 =	vld.msk [tilespmem:s18+$0x0 ss:$0x1], vm1  }
.LBB2_6:
0x70: {  	s26 =	smin.u32 s22, $0x10;
	s20 =	sadd.s32 $0x10, s20  }
0x71: {  	v2 =	vmov s26;
	p2 =	slt.s32 s20, s17  }
0x72: {  	vm1 =	vgt.u32 v2, v0;
	_ =	sdelay $0x1  }
0x73: {  	v2 =	vshll.u32 v1, $0x7  }
.Ltmp6:
0x74: {  	v1 =	vand.u32 $0x1, v1;
	v2 =	vand.u32 $0xFFFFFF00, v2;
	(pc) =	sbr.rel @p2 .LBB2_6-.Ltmp6, $4  }
0x75: {  	v1 =	vor.u32 v1, v2  }
0x76: {  	[tilespmem:s19+$0x0] =	vst.msk vm0, v1;
	s19 =	sadd.s32 $0x10, s19;
	vm0 =	vmmov vm1  }
0x77: {  	v1 =	vld.msk [tilespmem:s19+$0x0 ss:$0x1], vm1  }
0x78: {  	s22 =	sadd.s32 $0xFFFFFFF0, s22  }
.LBB2_7:
0x79: {  	_ =	sdelay $0x3  }
0x7a: {  	v2 =	vshll.u32 v1, $0x7  }
0x7b: {  	v1 =	vand.u32 $0x1, v1;
	v2 =	vand.u32 $0xFFFFFF00, v2  }
0x7c: {  	v1 =	vor.u32 v1, v2  }
0x7d: {  	[tilespmem:s19+$0x0] =	vst.msk vm0, v1  }
.LBB2_8:
0x7e: {  	s22 =	sand.u32 $0x1, s16  }
0x7f: {  	s19 =	smul.u32 $0x140, s22  }
0x80: {  	p2 =	sne.s32 s25, $0xFFFFFFFF  }
0x81: {  	v1 =	vld.msk @!p2 [tilespmem:s19+$0x15248], $0x1;
	_ =	sdelay $0x4  }
0x82: {  	(v2sf) =	vpush @!p2 v1, $0x0;
	_ =	sdelay $0xc  }
.Ltmp7:
0x83: {  	_ = 	snop;
	(pc) =	sbr.rel @p1 .LBB2_21-.Ltmp7, $4  }
0x84: {  	_ = 	snop  }
0x85: {  	s19 =	spop @!p2 (v2sf)  }
0x86: {  	s28 =	simm.s32 @!p2 $0x1;
	s21 =	simm.s32 @!p2 $0x0;
	s20 =	smov.u32 s19  }
0x87: {  	[sflag:s14] =	ssyncpa.u1 $0x0;
	s19 =	smov.u32 @p2 s24;
	s20 =	smov.u32 @p2 s25  }
0x88: {  	v1 =	vld.msk [tilespmem:s18+$0x0], $0x1;
	_ =	sdelay $0x4  }
0x89: {  	(v2sf) =	vpush v1, $0x0;
	_ =	sdelay $0xe  }
0x8a: {  	s25 =	spop (v2sf)  }
0x8b: {  	s24 =	sxor.u32 s19, s25  }
0x8c: {  	p2 =	slt.u32 s24, $0x2;
	s24 =	sadd.s32 $0xFFFFFFFF, s17  }
0x8d: {  	p1 =	sgt.s32 @!p2 s19, $0x0;
	p3 =	sne.s32 s24, $0x0  }
.Ltmp8:
0x8e: {  	s30 =	smov.u32 s19;
	p1 =	por !p1, p2;
	(pc) =	sbr.rel @!p3 .LBB2_11-.Ltmp8, $4  }
0x8f: {  	s30 =	simm.s32 @p1 $0x0  }
0x90: {  	s26 =	simm.s32 @!p2 $0x1;
	s29 =	simm.s32 @!p2 $0xA188;
	s30 =	smin.u32 @!p2 s30, $0xC34F01  }
0x91: {  	s26 =	smov.u32 @p2 s23;
	s23 =	sshrl.u32 @!p2 s30, $0x1;
	s30 =	sshrl.u32 @!p2 s30, $0x4  }
0x92: {  	s30 =	sadd.s32 @!p2 s1, s30;
	s31 =	sand.u32 @!p2 $0x7, s23;
	s23 =	sadd.s32 $0x1, s18  }
.LBB2_10:
0x93: {  	s0 =	smov.u32 s26  }
0x94: {  	[tilespmem:s29], [sflag:$0x2] =	stream.linear.gather @!p2 [hbm4b:s30+s31], $0x80, $0x38;
	[tilespmem:$0x1F4C8] =	vst v63  }
0x95: {  	s24 =	sadd.s32 $0xFFFFFFFF, s24;
	s30 =	smov.u32 s25;
	v1 =	vld.msk [tilespmem:s23+$0x0], $0x1  }
0x96: {  	p1 =	sne.s32 s24, $0x0;
	_ =	sdelay $0x3  }
0x97: {  	(v2sf) =	vpush v1, $0x0;
	_ =	sdelay $0xe  }
0x98: {  	s25 =	spop (v2sf)  }
0x99: {  	s26 =	sxor.u32 s30, s25  }
0x9a: {  	p2 =	slt.u32 s26, $0x2  }
0x9b: {  	p3 =	sgt.s32 @!p2 s30, $0x0;
	s29 =	sshll.u32 @!p2 s0, $0x9;
	s26 =	sadd.s32 @!p2 $0x1, s0  }
.Ltmp9:
0x9c: {  	p3 =	por !p3, p2;
	s29 =	sshra.s32 @!p2 s29, $0x2;
	(pc) =	sbr.rel @p1 .LBB2_10-.Ltmp9, $4  }
0x9d: {  	s26 =	smov.u32 @p2 s0;
	s30 =	simm.s32 @p3 $0x0;
	s29 =	sadd.s32 @!p2 $0xA188, s29  }
0x9e: {  	s0 =	smin.u32 @!p2 s30, $0xC34F01  }
0x9f: {  	s31 =	sshrl.u32 @!p2 s0, $0x1;
	s0 =	sshrl.u32 @!p2 s0, $0x4  }
0xa0: {  	s23 =	sadd.s32 $0x1, s23;
	s30 =	sadd.s32 @!p2 s1, s0;
	s31 =	sand.u32 @!p2 $0x7, s31  }
.LBB2_11:
0xa1: {  	[tilespmem:s29], [sflag:$0x2] =	stream.linear.gather @!p2 [hbm4b:s30+s31], $0x80, $0x38;
	[tilespmem:$0x1F4C8] =	vst v63  }
0xa2: {  	s0 =	sshll.u32 s26, $0x7;
	s22 =	smul.u32 $0x14000, s22  }
.Ltmp10:
0xa3: {  	s0 =	sand.u32 $0x3FFFFF80, s0;
	(pc) =	sbr.rel .LBB2_12-.Ltmp10, $4  }
0xa4: {  	s23 =	simm.s32 $0x0;
	_ =	swait.ge [sflag:s9], s0  }
0xa5: {  	s0 =	ssub.s32 $0x0, s0;
	s31 =	sshrl.u32 s22, $0x2;
	[sflag:s9] =	ssyncset.done $0x0  }
0xa6: {  	s25 =	simm.s32 $0x0;
	[sflag:s9] =	ssyncadd.s32 s0;
	s0 =	sadd.s32 $0x154C8, s31  }
0xa7: {  	s24 =	simm.s32 $0x0;
	s26 =	simm.s32 $0x0;
	s22 =	sand.u32 $0xFFFFFFFE, s20;
	v1 =	vmov s0  }
.LBB2_13:
0xa8: {  	_ =	sdelay $0x2  }
0xa9: {  	s0 =	sand.u32 $0x7FFFFF80, s23  }
0xaa: {  	v2 =	vld.idx.msk [tilespmem:v1+s0+$0x0 ss:$0x1], $0xffff;
	_ =	sdelay $0x3  }
0xab: {  	s29 =	sand.u32 $0x1, s26  }
0xac: {  	s31 =	sshll.u32 s21, $0x9;
	p1 =	seq.s32 s29, $0x1;
	v3 =	vunpack.i.u.bf16.f32 v2;
	v2 =	vunpack.i.l.bf16.f32 v2  }
0xad: {  	s29 =	sshra.s32 s31, $0x2;
	v2 =	vpsel p1, v3, v2  }
0xae: {  	[tilespmem:s29+$0x108] =	vst.add.f32.msk $0xffff, v2  }
0xaf: {  	v2 =	vld.idx.msk [tilespmem:v1+s0+$0x10 ss:$0x1], $0xffff  }
0xb0: {  	s30 =	sand.u32 $0x7FFFFFC0, s23;
	v3 =	vld.idx.msk [tilespmem:v1+s0+$0x20 ss:$0x1], $0xffff  }
0xb1: {  	v4 =	vld.idx.msk [tilespmem:v1+s0+$0x30 ss:$0x1], $0xffff;
	s3 =	sor.u32 $0x40, s30  }
0xb2: {  	s31 =	sor.u32 $0x50, s30;
	v5 =	vld.idx.msk [tilespmem:v1+s3+$0x0 ss:$0x1], $0xffff  }
0xb3: {  	v6 =	vld.idx.msk [tilespmem:v1+s31+$0x0 ss:$0x1], $0xffff;
	s3 =	sor.u32 $0x60, s30  }
0xb4: {  	s31 =	sor.u32 $0x70, s30;
	v8 =	vld.idx.msk [tilespmem:v1+s3+$0x0 ss:$0x1], $0xffff;
	v7 =	vunpack.i.u.bf16.f32 v2;
	v2 =	vunpack.i.l.bf16.f32 v2  }
0xb5: {  	v9 =	vld.idx.msk [tilespmem:v1+s31+$0x0 ss:$0x1], $0xffff;
	v59 =	vunpack.i.u.bf16.f32 v3;
	v3 =	vunpack.i.l.bf16.f32 v3;
	v2 =	vpsel p1, v7, v2  }
0xb6: {  	[tilespmem:s29+$0x118] =	vst.add.f32.msk $0xffff, v2;
	v2 =	vpsel p1, v59, v3;
	v3 =	vunpack.i.u.bf16.f32 v4;
	v4 =	vunpack.i.l.bf16.f32 v4  }
0xb7: {  	v60 =	vunpack.i.l.bf16.f32 v5;
	[tilespmem:s29+$0x128] =	vst.add.f32.msk $0xffff, v2;
	v2 =	vpsel p1, v3, v4;
	v3 =	vunpack.i.u.bf16.f32 v5  }
0xb8: {  	v61 =	vunpack.i.l.bf16.f32 v6;
	[tilespmem:s29+$0x138] =	vst.add.f32.msk $0xffff, v2;
	v2 =	vpsel p1, v3, v60;
	v3 =	vunpack.i.u.bf16.f32 v6  }
0xb9: {  	v62 =	vunpack.i.l.bf16.f32 v8;
	[tilespmem:s29+$0x148] =	vst.add.f32.msk $0xffff, v2;
	v2 =	vpsel p1, v3, v61;
	v3 =	vunpack.i.u.bf16.f32 v8  }
0xba: {  	v63 =	vunpack.i.l.bf16.f32 v9;
	[tilespmem:s29+$0x158] =	vst.add.f32.msk $0xffff, v2;
	v2 =	vpsel p1, v3, v62;
	v3 =	vunpack.i.u.bf16.f32 v9  }
0xbb: {  	[tilespmem:s29+$0x168] =	vst.add.f32.msk $0xffff, v2;
	v2 =	vpsel p1, v3, v63  }
0xbc: {  	[tilespmem:s29+$0x178] =	vst.add.f32.msk $0xffff, v2  }
.LBB2_19:
0xbd: {  	s26 =	sadd.s32 $0x1, s26  }
0xbe: {  	p1 =	sne.s32 s17, s26  }
.Ltmp11:
0xbf: {  	_ = 	snop;
	(pc) =	sbr.rel @!p1 .LBB2_20-.Ltmp11, $2  }
0xc0: {  	_ =	sdelay $0x2  }
0xc1: {  	s23 =	sadd.s32 $0x40, s23;
	s18 =	sadd.s32 $0x1, s18  }
.LBB2_12:
0xc2: {  	v2 =	vld.msk [tilespmem:s18+$0x0], $0x1;
	_ =	sdelay $0x4  }
0xc3: {  	(v2sf) =	vpush v2, $0x0;
	_ =	sdelay $0xe  }
0xc4: {  	s30 =	smov.u32 s19;
	s19 =	spop (v2sf)  }
0xc5: {  	p1 =	sne.s32 s30, s19  }
.Ltmp12:
0xc6: {  	_ = 	snop;
	(pc) =	sbr.rel @!p1 .LBB2_13-.Ltmp12, $1  }
0xc7: {  	_ =	sdelay $0x3  }
0xc8: {  	s31 =	sand.u32 $0xFFFFFFFE, s30;
	s0 =	sand.u32 $0xFFFFFFFE, s19  }
0xc9: {  	p1 =	sne.s32 s31, s0  }
.Ltmp13:
0xca: {  	_ = 	snop;
	(pc) =	sbr.rel @p1 .LBB2_16-.Ltmp13, $2  }
0xcb: {  	_ =	sdelay $0x2  }
0xcc: {  	s29 =	sadd.s32 $0x1, s21  }
0xcd: {  	_ =	sdelay $0x2  }
0xce: {  	s0 =	sand.u32 $0x7FFFFF80, s23  }
0xcf: {  	s21 =	smulhi.u32 $0xCCCCCCCD, s29;
	v2 =	vld.idx.msk [tilespmem:v1+s0+$0x0 ss:$0x1], $0xffff  }
0xd0: {  	v3 =	vld.idx.msk [tilespmem:v1+s0+$0x10 ss:$0x1], $0xffff  }
0xd1: {  	s30 =	sand.u32 $0x7FFFFFC0, s23;
	v4 =	vld.idx.msk [tilespmem:v1+s0+$0x20 ss:$0x1], $0xffff;
	s21 =	sshrl.u32 s21, $0x8  }
0xd2: {  	v5 =	vld.idx.msk [tilespmem:v1+s0+$0x30 ss:$0x1], $0xffff;
	s3 =	sor.u32 $0x40, s30;
	s21 =	smul.u32 $0x140, s21  }
0xd3: {  	s31 =	sand.u32 $0x1, s26;
	v6 =	vld.idx.msk [tilespmem:v1+s3+$0x0 ss:$0x1], $0xffff;
	s3 =	sor.u32 $0x50, s30  }
0xd4: {  	p1 =	seq.s32 s31, $0x1;
	v8 =	vld.idx.msk [tilespmem:v1+s3+$0x0 ss:$0x1], $0xffff;
	s3 =	sor.u32 $0x60, s30;
	s21 =	ssub.s32 s29, s21;
	v7 =	vunpack.i.u.bf16.f32 v2;
	v2 =	vunpack.i.l.bf16.f32 v2  }
0xd5: {  	s31 =	sor.u32 $0x70, s30;
	v9 =	vld.idx.msk [tilespmem:v1+s3+$0x0 ss:$0x1], $0xffff;
	s29 =	sshll.u32 s21, $0x7;
	v57 =	vunpack.i.u.bf16.f32 v3;
	v3 =	vunpack.i.l.bf16.f32 v3;
	v2 =	vpsel p1, v7, v2  }
0xd6: {  	v58 =	vld.idx.msk [tilespmem:v1+s31+$0x0 ss:$0x1], $0xffff;
	[tilespmem:s29+$0x108] =	vst v2;
	v2 =	vpsel p1, v57, v3;
	v3 =	vunpack.i.u.bf16.f32 v4;
	v4 =	vunpack.i.l.bf16.f32 v4  }
0xd7: {  	v59 =	vunpack.i.l.bf16.f32 v5;
	[tilespmem:s29+$0x118] =	vst v2;
	v2 =	vpsel p1, v3, v4;
	v3 =	vunpack.i.u.bf16.f32 v5  }
0xd8: {  	v60 =	vunpack.i.l.bf16.f32 v6;
	[tilespmem:s29+$0x128] =	vst v2;
	v2 =	vpsel p1, v3, v59;
	v3 =	vunpack.i.u.bf16.f32 v6  }
.Ltmp14:
0xd9: {  	v61 =	vunpack.i.l.bf16.f32 v8;
	[tilespmem:s29+$0x138] =	vst v2;
	v2 =	vpsel p1, v3, v60;
	v3 =	vunpack.i.u.bf16.f32 v8;
	(pc) =	sbr.rel .LBB2_19-.Ltmp14, $4  }
0xda: {  	v62 =	vunpack.i.l.bf16.f32 v9;
	[tilespmem:s29+$0x148] =	vst v2;
	v2 =	vpsel p1, v3, v61;
	v3 =	vunpack.i.u.bf16.f32 v9  }
0xdb: {  	v63 =	vunpack.i.l.bf16.f32 v58;
	[tilespmem:s29+$0x158] =	vst v2;
	v2 =	vpsel p1, v3, v62;
	v3 =	vunpack.i.u.bf16.f32 v58  }
0xdc: {  	[tilespmem:s29+$0x168] =	vst v2;
	v2 =	vpsel p1, v3, v63  }
0xdd: {  	s28 =	sadd.s32 $0x1, s28;
	[tilespmem:s29+$0x178] =	vst v2  }
.LBB2_16:
0xde: {  	p1 =	sne.s32 s28, $0x2  }
0xdf: {  	s0 =	sand.u32 @p1 $0x1, s30;
	s28 =	sshll.u32 @p1 s21, $0x9  }
0xe0: {  	p2 =	seq.s32 @p1 s0, $0x0;
	s0 =	sshra.s32 @p1 s28, $0x2  }
0xe1: {  	v2 =	vld @p1 [tilespmem:s0+$0x108];
	p3 =	por !p2, !p1  }
0xe2: {  	v3 =	vld @!p3 [tilespmem:s0+$0x118]  }
0xe3: {  	v4 =	vld @!p3 [tilespmem:s0+$0x128]  }
0xe4: {  	v5 =	vld @!p3 [tilespmem:s0+$0x138]  }
0xe5: {  	v6 =	vimm.f32 @!p3 $0.0e+00;
	v7 =	vld @!p3 [tilespmem:s0+$0x148]  }
0xe6: {  	v9 =	vld @!p3 [tilespmem:s0+$0x158];
	v8 =	vpack.i.f32.bf16 @!p3 v6, v2  }
0xe7: {  	[tilespmem:s0+$0x108] =	vst @!p3 v8;
	v3 =	vpack.i.f32.bf16 @!p3 v6, v3;
	v8 =	vld @!p3 [tilespmem:s0+$0x168]  }
0xe8: {  	[tilespmem:s0+$0x118] =	vst @!p3 v3;
	v3 =	vpack.i.f32.bf16 @!p3 v6, v4;
	v4 =	vld @!p3 [tilespmem:s0+$0x178]  }
0xe9: {  	p2 =	por p2, !p1;
	[tilespmem:s0+$0x128] =	vst @!p3 v3;
	v3 =	vpack.i.f32.bf16 @!p3 v6, v5  }
0xea: {  	v5 =	vld @!p2 [tilespmem:s0+$0x118];
	[tilespmem:s0+$0x138] =	vst @!p3 v3;
	v3 =	vpack.i.f32.bf16 @!p3 v6, v7  }
0xeb: {  	v7 =	vld @!p2 [tilespmem:s0+$0x128];
	[tilespmem:s0+$0x148] =	vst @!p3 v3;
	v3 =	vpack.i.f32.bf16 @!p3 v6, v9  }
0xec: {  	[tilespmem:s0+$0x158] =	vst @!p3 v3;
	v3 =	vpack.i.f32.bf16 @!p3 v6, v8;
	v8 =	vld @!p2 [tilespmem:s0+$0x138]  }
0xed: {  	[tilespmem:s0+$0x168] =	vst @!p3 v3;
	v3 =	vpack.i.f32.bf16 @!p3 v6, v4;
	v4 =	vimm.f32 @!p2 $0.0e+00;
	v6 =	vld @!p2 [tilespmem:s0+$0x148]  }
0xee: {  	[tilespmem:s0+$0x178] =	vst @!p3 v3;
	v2 =	vpack.i.f32.bf16 @!p2 v2, v4;
	v3 =	vld @!p2 [tilespmem:s0+$0x158]  }
0xef: {  	s28 =	sadd.s32 @!p1 $0x13F, s21;
	[tilespmem:s0+$0x108] =	vst @!p2 v2;
	v2 =	vpack.i.f32.bf16 @!p2 v5, v4;
	v5 =	vld @!p2 [tilespmem:s0+$0x168]  }
0xf0: {  	s3 =	smulhi.u32 @!p1 $0xCCCCCCCD, s28;
	[tilespmem:s0+$0x118] =	vst @!p2 v2;
	v2 =	vpack.i.f32.bf16 @!p2 v7, v4;
	v7 =	vld @!p2 [tilespmem:s0+$0x178]  }
0xf1: {  	[tilespmem:s0+$0x128] =	vst @!p2 v2;
	v2 =	vpack.i.f32.bf16 @!p2 v8, v4  }
0xf2: {  	s3 =	sshrl.u32 @!p1 s3, $0x8;
	[tilespmem:s0+$0x138] =	vst @!p2 v2;
	v2 =	vpack.i.f32.bf16 @!p2 v6, v4  }
0xf3: {  	s3 =	smul.u32 @!p1 $0x140, s3;
	[tilespmem:s0+$0x148] =	vst @!p2 v2;
	v2 =	vpack.i.f32.bf16 @!p2 v3, v4  }
0xf4: {  	[tilespmem:s0+$0x158] =	vst @!p2 v2;
	v2 =	vpack.i.f32.bf16 @!p2 v5, v4  }
0xf5: {  	s3 =	ssub.s32 @!p1 s28, s3;
	[tilespmem:s0+$0x168] =	vst @!p2 v2;
	v2 =	vpack.i.f32.bf16 @!p2 v7, v4  }
0xf6: {  	[tilespmem:s0+$0x178] =	vst @!p2 v2;
	s0 =	sshll.u32 @!p1 s3, $0x7;
	s3 =	sshll.u32 @!p1 s21, $0x9  }
0xf7: {  	s3 =	sshra.s32 @!p1 s3, $0x2;
	v2 =	vld @!p1 [tilespmem:s0+$0x108]  }
0xf8: {  	v3 =	vld @!p1 [tilespmem:s3+$0x108];
	_ =	sdelay $0x4  }
0xf9: {  	v2 =	vpack.i.f32.bf16 @!p1 v3, v2  }
0xfa: {  	v3 =	vld @!p1 [tilespmem:s3+$0x118];
	[tilespmem:s3+$0x108] =	vst @!p1 v2  }
0xfb: {  	v2 =	vld @!p1 [tilespmem:s0+$0x118];
	_ =	sdelay $0x4  }
0xfc: {  	v2 =	vpack.i.f32.bf16 @!p1 v3, v2  }
0xfd: {  	v3 =	vld @!p1 [tilespmem:s3+$0x128];
	[tilespmem:s3+$0x118] =	vst @!p1 v2  }
0xfe: {  	v2 =	vld @!p1 [tilespmem:s0+$0x128];
	_ =	sdelay $0x4  }
0xff: {  	v2 =	vpack.i.f32.bf16 @!p1 v3, v2  }
0x100: {  	v3 =	vld @!p1 [tilespmem:s3+$0x138];
	[tilespmem:s3+$0x128] =	vst @!p1 v2  }
0x101: {  	v2 =	vld @!p1 [tilespmem:s0+$0x138];
	_ =	sdelay $0x4  }
0x102: {  	v2 =	vpack.i.f32.bf16 @!p1 v3, v2  }
0x103: {  	v3 =	vld @!p1 [tilespmem:s3+$0x148];
	[tilespmem:s3+$0x138] =	vst @!p1 v2  }
0x104: {  	v2 =	vld @!p1 [tilespmem:s0+$0x148];
	_ =	sdelay $0x4  }
0x105: {  	v2 =	vpack.i.f32.bf16 @!p1 v3, v2  }
0x106: {  	v3 =	vld @!p1 [tilespmem:s3+$0x158];
	[tilespmem:s3+$0x148] =	vst @!p1 v2  }
0x107: {  	v2 =	vld @!p1 [tilespmem:s0+$0x158];
	_ =	sdelay $0x4  }
0x108: {  	v2 =	vpack.i.f32.bf16 @!p1 v3, v2  }
0x109: {  	v3 =	vld @!p1 [tilespmem:s3+$0x168];
	[tilespmem:s3+$0x158] =	vst @!p1 v2  }
0x10a: {  	v2 =	vld @!p1 [tilespmem:s0+$0x168];
	_ =	sdelay $0x4  }
0x10b: {  	v2 =	vpack.i.f32.bf16 @!p1 v3, v2  }
0x10c: {  	v3 =	vld @!p1 [tilespmem:s3+$0x178];
	[tilespmem:s3+$0x168] =	vst @!p1 v2  }
0x10d: {  	v2 =	vld @!p1 [tilespmem:s0+$0x178]  }
0x10e: {  	p2 =	seq.s32 s31, s22  }
.Ltmp15:
0x10f: {  	_ = 	snop;
	(pc) =	sbr.rel @!p2 .LBB2_17-.Ltmp15, $3  }
0x110: {  	_ =	sdelay $0x1  }
0x111: {  	s28 =	sshll.u32 s21, $0x9;
	v2 =	vpack.i.f32.bf16 @!p1 v3, v2  }
0x112: {  	s21 =	sshra.s32 s28, $0x2;
	[tilespmem:s3+$0x178] =	vst @!p1 v2  }
.Ltmp16:
0x113: {  	s0 =	sadd.s32 $0x108, s21;
	(pc) =	sbr.rel .LBB2_18-.Ltmp16, $4  }
0x114: {  	[spmem:s13] =	stream.linear.scatter [tilespmem:s0], [sflag:$0x1], $0x80, $0x38;
	[tilespmem:$0x1F4C8] =	vst v63  }
0x115: {  	_ =	swait.ge [sflag:s11], $0x80  }
0x116: {  	[sflag:s11] =	ssyncset.done $0x0  }
0x117: {  	[sflag:s11] =	ssyncadd.s32 $0xFFFFFF80  }
.LBB2_17:
0x118: {  	s0 =	sshll.u32 s25, $0x9  }
0x119: {  	v3 =	vld [tilespmem:s21+$0x108];
	s28 =	sshra.s32 s0, $0x2  }
0x11a: {  	v2 =	vld [tilespmem:s28+$0xA188];
	_ =	sdelay $0x3  }
0x11b: {  	v5 =	vunpack.i.u.bf16.f32 v3  }
0x11c: {  	v3 =	vunpack.i.l.bf16.f32 v3;
	v4 =	vunpack.i.u.bf16.f32 v2;
	v2 =	vunpack.i.l.bf16.f32 v2  }
0x11d: {  	v4 =	vadd.f32 v5, v4;
	v2 =	vadd.f32 v3, v2;
	_ =	sdelay $0x1  }
0x11e: {  	v2 =	vpack.i.f32.bf16 v4, v2  }
0x11f: {  	v3 =	vld [tilespmem:s21+$0x118];
	[tilespmem:s21+$0x108] =	vst v2  }
0x120: {  	v2 =	vld [tilespmem:s28+$0xA198];
	_ =	sdelay $0x3  }
0x121: {  	v51 =	vunpack.i.u.bf16.f32 v3  }
0x122: {  	v3 =	vunpack.i.l.bf16.f32 v3;
	v50 =	vunpack.i.u.bf16.f32 v2;
	v2 =	vunpack.i.l.bf16.f32 v2  }
0x123: {  	v4 =	vadd.f32 v51, v50;
	v2 =	vadd.f32 v3, v2;
	_ =	sdelay $0x1  }
0x124: {  	v2 =	vpack.i.f32.bf16 v4, v2  }
0x125: {  	v3 =	vld [tilespmem:s21+$0x128];
	[tilespmem:s21+$0x118] =	vst v2  }
0x126: {  	v2 =	vld [tilespmem:s28+$0xA1A8];
	_ =	sdelay $0x3  }
0x127: {  	v53 =	vunpack.i.u.bf16.f32 v3  }
0x128: {  	v3 =	vunpack.i.l.bf16.f32 v3;
	v52 =	vunpack.i.u.bf16.f32 v2;
	v2 =	vunpack.i.l.bf16.f32 v2  }
0x129: {  	v4 =	vadd.f32 v53, v52;
	v2 =	vadd.f32 v3, v2;
	_ =	sdelay $0x1  }
0x12a: {  	v2 =	vpack.i.f32.bf16 v4, v2  }
0x12b: {  	v3 =	vld [tilespmem:s21+$0x138];
	[tilespmem:s21+$0x128] =	vst v2  }
0x12c: {  	v2 =	vld [tilespmem:s28+$0xA1B8];
	_ =	sdelay $0x3  }
0x12d: {  	v55 =	vunpack.i.u.bf16.f32 v3  }
0x12e: {  	v3 =	vunpack.i.l.bf16.f32 v3;
	v54 =	vunpack.i.u.bf16.f32 v2;
	v2 =	vunpack.i.l.bf16.f32 v2  }
0x12f: {  	v4 =	vadd.f32 v55, v54;
	v2 =	vadd.f32 v3, v2;
	_ =	sdelay $0x1  }
0x130: {  	v2 =	vpack.i.f32.bf16 v4, v2  }
0x131: {  	v3 =	vld [tilespmem:s21+$0x148];
	[tilespmem:s21+$0x138] =	vst v2  }
0x132: {  	v2 =	vld [tilespmem:s28+$0xA1C8];
	_ =	sdelay $0x3  }
0x133: {  	v57 =	vunpack.i.u.bf16.f32 v3  }
0x134: {  	v3 =	vunpack.i.l.bf16.f32 v3;
	v56 =	vunpack.i.u.bf16.f32 v2;
	v2 =	vunpack.i.l.bf16.f32 v2  }
0x135: {  	v4 =	vadd.f32 v57, v56;
	v2 =	vadd.f32 v3, v2;
	_ =	sdelay $0x1  }
0x136: {  	v2 =	vpack.i.f32.bf16 v4, v2  }
0x137: {  	v3 =	vld [tilespmem:s21+$0x158];
	[tilespmem:s21+$0x148] =	vst v2  }
0x138: {  	v2 =	vld [tilespmem:s28+$0xA1D8];
	_ =	sdelay $0x3  }
0x139: {  	v59 =	vunpack.i.u.bf16.f32 v3  }
0x13a: {  	v3 =	vunpack.i.l.bf16.f32 v3;
	v58 =	vunpack.i.u.bf16.f32 v2;
	v2 =	vunpack.i.l.bf16.f32 v2  }
0x13b: {  	v4 =	vadd.f32 v59, v58;
	v2 =	vadd.f32 v3, v2;
	_ =	sdelay $0x1  }
0x13c: {  	v2 =	vpack.i.f32.bf16 v4, v2  }
0x13d: {  	v3 =	vld [tilespmem:s21+$0x168];
	[tilespmem:s21+$0x158] =	vst v2  }
0x13e: {  	v2 =	vld [tilespmem:s28+$0xA1E8];
	_ =	sdelay $0x3  }
0x13f: {  	v61 =	vunpack.i.u.bf16.f32 v3  }
0x140: {  	v3 =	vunpack.i.l.bf16.f32 v3;
	v60 =	vunpack.i.u.bf16.f32 v2;
	v2 =	vunpack.i.l.bf16.f32 v2  }
0x141: {  	v4 =	vadd.f32 v61, v60;
	v2 =	vadd.f32 v3, v2;
	_ =	sdelay $0x1  }
0x142: {  	v2 =	vpack.i.f32.bf16 v4, v2  }
0x143: {  	v3 =	vld [tilespmem:s21+$0x178];
	[tilespmem:s21+$0x168] =	vst v2  }
0x144: {  	v2 =	vld [tilespmem:s28+$0xA1F8];
	_ =	sdelay $0x3  }
0x145: {  	v63 =	vunpack.i.u.bf16.f32 v3  }
0x146: {  	p1 =	slt.s32 s30, $0x0;
	p2 =	sgt.s32 s31, $0xC34F01;
	v3 =	vunpack.i.l.bf16.f32 v3;
	v62 =	vunpack.i.u.bf16.f32 v2;
	v2 =	vunpack.i.l.bf16.f32 v2  }
0x147: {  	p1 =	por p1, p2;
	v4 =	vadd.f32 v63, v62;
	v2 =	vadd.f32 v3, v2  }
0x148: {  	s3 =	sshrl.u32 @!p1 s30, $0x4  }
0x149: {  	s0 =	sshrl.u32 @!p1 s30, $0x1;
	s3 =	sadd.s32 @!p1 s1, s3;
	v2 =	vpack.i.f32.bf16 v4, v2  }
0x14a: {  	s0 =	sand.u32 @!p1 $0x7, s0;
	s28 =	sadd.s32 $0x108, s21;
	[tilespmem:s21+$0x178] =	vst v2;
	s21 =	simm.s32 $0x0  }
0x14b: {  	[hbm4b:s3+s0] =	stream.linear.scatter @!p1 [tilespmem:s28], [sflag:$0xA], $0x80, $0x38;
	[tilespmem:$0x1F4C8] =	vst v63  }
0x14c: {  	s21 =	simm.s32 @!p1 $0x200  }
0x14d: {  	s24 =	sadd.s32 s24, s21  }
.LBB2_18:
0x14e: {  	_ =	sdelay $0x2  }
0x14f: {  	s0 =	sand.u32 $0x7FFFFF80, s23  }
0x150: {  	s3 =	smulhi.u32 $0xCCCCCCCD, s29;
	v2 =	vld.idx.msk [tilespmem:v1+s0+$0x0 ss:$0x1], $0xffff  }
0x151: {  	v3 =	vld.idx.msk [tilespmem:v1+s0+$0x10 ss:$0x1], $0xffff  }
0x152: {  	s28 =	sand.u32 $0x7FFFFFC0, s23;
	v4 =	vld.idx.msk [tilespmem:v1+s0+$0x20 ss:$0x1], $0xffff;
	s3 =	sshrl.u32 s3, $0x8  }
0x153: {  	v5 =	vld.idx.msk [tilespmem:v1+s0+$0x30 ss:$0x1], $0xffff;
	s21 =	sor.u32 $0x40, s28;
	s3 =	smul.u32 $0x140, s3  }
0x154: {  	s30 =	sand.u32 $0x1, s26;
	s31 =	sor.u32 $0x50, s28;
	v6 =	vld.idx.msk [tilespmem:v1+s21+$0x0 ss:$0x1], $0xffff  }
0x155: {  	p1 =	seq.s32 s30, $0x1;
	s30 =	sor.u32 $0x60, s28;
	v8 =	vld.idx.msk [tilespmem:v1+s31+$0x0 ss:$0x1], $0xffff;
	s21 =	ssub.s32 s29, s3;
	v7 =	vunpack.i.u.bf16.f32 v2;
	v2 =	vunpack.i.l.bf16.f32 v2  }
0x156: {  	v9 =	vld.idx.msk [tilespmem:v1+s30+$0x0 ss:$0x1], $0xffff;
	s31 =	sor.u32 $0x70, s28;
	s3 =	sshll.u32 s21, $0x7;
	v57 =	vunpack.i.u.bf16.f32 v3;
	v3 =	vunpack.i.l.bf16.f32 v3;
	v2 =	vpsel p1, v7, v2  }
0x157: {  	v58 =	vld.idx.msk [tilespmem:v1+s31+$0x0 ss:$0x1], $0xffff;
	[tilespmem:s3+$0x108] =	vst v2;
	v2 =	vpsel p1, v57, v3;
	v3 =	vunpack.i.u.bf16.f32 v4;
	v4 =	vunpack.i.l.bf16.f32 v4  }
0x158: {  	v59 =	vunpack.i.l.bf16.f32 v5;
	[tilespmem:s3+$0x118] =	vst v2;
	v2 =	vpsel p1, v3, v4;
	v3 =	vunpack.i.u.bf16.f32 v5  }
0x159: {  	v60 =	vunpack.i.l.bf16.f32 v6;
	[tilespmem:s3+$0x128] =	vst v2;
	v2 =	vpsel p1, v3, v59;
	v3 =	vunpack.i.u.bf16.f32 v6  }
.Ltmp17:
0x15a: {  	v61 =	vunpack.i.l.bf16.f32 v8;
	[tilespmem:s3+$0x138] =	vst v2;
	v2 =	vpsel p1, v3, v60;
	v3 =	vunpack.i.u.bf16.f32 v8;
	(pc) =	sbr.rel .LBB2_19-.Ltmp17, $4  }
0x15b: {  	v62 =	vunpack.i.l.bf16.f32 v9;
	[tilespmem:s3+$0x148] =	vst v2;
	v2 =	vpsel p1, v3, v61;
	v3 =	vunpack.i.u.bf16.f32 v9  }
0x15c: {  	v63 =	vunpack.i.l.bf16.f32 v58;
	[tilespmem:s3+$0x158] =	vst v2;
	v2 =	vpsel p1, v3, v62;
	v3 =	vunpack.i.u.bf16.f32 v58  }
0x15d: {  	[tilespmem:s3+$0x168] =	vst v2;
	v2 =	vpsel p1, v3, v63  }
0x15e: {  	s25 =	sadd.s32 $0x1, s25;
	s28 =	simm.s32 $0x1;
	[tilespmem:s3+$0x178] =	vst v2  }
.LBB2_21:
.Ltmp18:
0x15f: {  	(pc) =	sbr.rel .LBB2_22-.Ltmp18, $3  }
0x160: {  	_ =	sdelay $0x1  }
0x161: {  	_ =	swait.ge [sflag:s9], $0x0  }
0x162: {  	s17 =	simm.s32 $0x0;
	[sflag:s9] =	ssyncset.done $0x0  }
.LBB2_24:
0x163: {  	_ =	sfence.sel $0x180000  }
0x164: {  	s0 =	simm.s32 $0x9;
	[bflag:$0x0] =	sbarrier.arrive $0xFFFF  }
0x165: {  	s7 =	simm.s32 $0x2;
	[sflag:s0] =	ssyncpa.u1 $0x1  }
0x166: {  	[sflag:s7] =	ssyncpa.u1 $0x1  }
0x167: {  	v0 =	vld [tilespmem:$0x14208];
	_ =	sdelay $0x4  }
0x168: {  	(v2sf) =	vpush v0, $0x0  }
0x169: {  	(v2sf) =	vpush v0, $0x1;
	_ =	sdelay $0x2  }
0x16a: {  	(v2sf) =	vpush v0, $0x2;
	_ =	sdelay $0xa  }
0x16b: {  	s9 =	spop (v2sf)  }
0x16c: {  	s30 =	spop (v2sf)  }
0x16d: {  	s0 =	sxor.u32 s30, s9  }
0x16e: {  	p0 =	sgt.u32 s0, $0x1;
	s0 =	smov.u32 s9  }
0x16f: {  	s8 =	spop (v2sf);
	s0 =	simm.s32 @!p0 $0xFFFFFFFF  }
0x170: {  	v2 =	vimm.s32 $0x1;
	v3 =	vlaneseq.u32;
	p1 =	seq.s32 s8, $0xFFFFFFFF;
	v1 =	vmov s0  }
.Ltmp19:
0x171: {  	v2 =	vperm.xlane v0, v2;
	v1 =	vperm.xlane v1, v3;
	(pc) =	sbr.rel @p1 .LBB2_26-.Ltmp19, $4  }
0x172: {  	vm0 =	vcmask $0x3F04  }
0x173: {  	s6 =	sshll.u32 s2, $0x1;
	v1 =	vsel vm0, v1, v2  }
0x174: {  	s3 =	simm.s32 $0x14208;
	s5 =	simm.s32 $0x1;
	s31 =	sor.u32 $0x1000, s6;
	[tilespmem:$0x14208] =	vst v1  }
0x175: {  	[spmem:s31] =	stream.linear.scatter [tilespmem:s3], [sflag:$0x1], $0x2, $0x38;
	[tilespmem:$0x1F4C8] =	vst v63  }
0x176: {  	(v2sf) =	vpush v0, $0x3;
	_ =	sdelay $0xe  }
0x177: {  	s0 =	spop (v2sf)  }
0x178: {  	p1 =	sne.s32 s0, $0x2  }
0x179: {  	s0 =	sand.u32 @p1 $0x1, s9;
	s7 =	sshll.u32 @p1 s8, $0x9  }
0x17a: {  	p2 =	seq.s32 @p1 s0, $0x0;
	s0 =	sshra.s32 @p1 s7, $0x2  }
0x17b: {  	v0 =	vld @p1 [tilespmem:s0+$0x108];
	p3 =	por !p2, !p1  }
0x17c: {  	v1 =	vld @!p3 [tilespmem:s0+$0x118]  }
0x17d: {  	v2 =	vld @!p3 [tilespmem:s0+$0x128]  }
0x17e: {  	v3 =	vld @!p3 [tilespmem:s0+$0x138]  }
0x17f: {  	v4 =	vimm.f32 @!p3 $0.0e+00;
	v5 =	vld @!p3 [tilespmem:s0+$0x148]  }
0x180: {  	v7 =	vld @!p3 [tilespmem:s0+$0x158];
	v6 =	vpack.i.f32.bf16 @!p3 v4, v0  }
0x181: {  	[tilespmem:s0+$0x108] =	vst @!p3 v6;
	v1 =	vpack.i.f32.bf16 @!p3 v4, v1;
	v6 =	vld @!p3 [tilespmem:s0+$0x168]  }
0x182: {  	[tilespmem:s0+$0x118] =	vst @!p3 v1;
	v1 =	vpack.i.f32.bf16 @!p3 v4, v2;
	v2 =	vld @!p3 [tilespmem:s0+$0x178]  }
0x183: {  	p2 =	por p2, !p1;
	[tilespmem:s0+$0x128] =	vst @!p3 v1;
	v1 =	vpack.i.f32.bf16 @!p3 v4, v3  }
0x184: {  	v3 =	vld @!p2 [tilespmem:s0+$0x118];
	[tilespmem:s0+$0x138] =	vst @!p3 v1;
	v1 =	vpack.i.f32.bf16 @!p3 v4, v5  }
0x185: {  	v5 =	vld @!p2 [tilespmem:s0+$0x128];
	[tilespmem:s0+$0x148] =	vst @!p3 v1;
	v1 =	vpack.i.f32.bf16 @!p3 v4, v7  }
0x186: {  	[tilespmem:s0+$0x158] =	vst @!p3 v1;
	v1 =	vpack.i.f32.bf16 @!p3 v4, v6;
	v6 =	vld @!p2 [tilespmem:s0+$0x138]  }
0x187: {  	[tilespmem:s0+$0x168] =	vst @!p3 v1;
	v1 =	vpack.i.f32.bf16 @!p3 v4, v2;
	v2 =	vimm.f32 @!p2 $0.0e+00;
	v4 =	vld @!p2 [tilespmem:s0+$0x148]  }
0x188: {  	[tilespmem:s0+$0x178] =	vst @!p3 v1;
	v0 =	vpack.i.f32.bf16 @!p2 v0, v2;
	v1 =	vld @!p2 [tilespmem:s0+$0x158]  }
0x189: {  	s3 =	sadd.s32 @!p1 $0x13F, s8;
	[tilespmem:s0+$0x108] =	vst @!p2 v0;
	v0 =	vpack.i.f32.bf16 @!p2 v3, v2;
	v3 =	vld @!p2 [tilespmem:s0+$0x168]  }
0x18a: {  	s9 =	smulhi.u32 @!p1 $0xCCCCCCCD, s3;
	[tilespmem:s0+$0x118] =	vst @!p2 v0;
	v0 =	vpack.i.f32.bf16 @!p2 v5, v2;
	v5 =	vld @!p2 [tilespmem:s0+$0x178]  }
0x18b: {  	[tilespmem:s0+$0x128] =	vst @!p2 v0;
	v0 =	vpack.i.f32.bf16 @!p2 v6, v2  }
0x18c: {  	s9 =	sshrl.u32 @!p1 s9, $0x8;
	[tilespmem:s0+$0x138] =	vst @!p2 v0;
	v0 =	vpack.i.f32.bf16 @!p2 v4, v2  }
0x18d: {  	s9 =	smul.u32 @!p1 $0x140, s9;
	[tilespmem:s0+$0x148] =	vst @!p2 v0;
	v0 =	vpack.i.f32.bf16 @!p2 v1, v2  }
0x18e: {  	[tilespmem:s0+$0x158] =	vst @!p2 v0;
	v0 =	vpack.i.f32.bf16 @!p2 v3, v2  }
0x18f: {  	s3 =	ssub.s32 @!p1 s3, s9;
	[tilespmem:s0+$0x168] =	vst @!p2 v0;
	v0 =	vpack.i.f32.bf16 @!p2 v5, v2  }
0x190: {  	[tilespmem:s0+$0x178] =	vst @!p2 v0;
	s0 =	sshll.u32 @!p1 s3, $0x7;
	s3 =	sshll.u32 @!p1 s8, $0x9  }
0x191: {  	s8 =	sshra.s32 @!p1 s3, $0x2;
	v0 =	vld @!p1 [tilespmem:s0+$0x108]  }
0x192: {  	v1 =	vld @!p1 [tilespmem:s8+$0x108];
	_ =	sdelay $0x4  }
0x193: {  	v0 =	vpack.i.f32.bf16 @!p1 v1, v0  }
0x194: {  	v1 =	vld @!p1 [tilespmem:s8+$0x118];
	[tilespmem:s8+$0x108] =	vst @!p1 v0  }
0x195: {  	v0 =	vld @!p1 [tilespmem:s0+$0x118];
	_ =	sdelay $0x4  }
0x196: {  	v0 =	vpack.i.f32.bf16 @!p1 v1, v0  }
0x197: {  	v1 =	vld @!p1 [tilespmem:s8+$0x128];
	[tilespmem:s8+$0x118] =	vst @!p1 v0  }
0x198: {  	v0 =	vld @!p1 [tilespmem:s0+$0x128];
	_ =	sdelay $0x4  }
0x199: {  	v0 =	vpack.i.f32.bf16 @!p1 v1, v0  }
0x19a: {  	v1 =	vld @!p1 [tilespmem:s8+$0x138];
	[tilespmem:s8+$0x128] =	vst @!p1 v0  }
0x19b: {  	v0 =	vld @!p1 [tilespmem:s0+$0x138];
	_ =	sdelay $0x4  }
0x19c: {  	v0 =	vpack.i.f32.bf16 @!p1 v1, v0  }
0x19d: {  	v1 =	vld @!p1 [tilespmem:s8+$0x148];
	[tilespmem:s8+$0x138] =	vst @!p1 v0  }
0x19e: {  	v0 =	vld @!p1 [tilespmem:s0+$0x148];
	_ =	sdelay $0x4  }
0x19f: {  	v0 =	vpack.i.f32.bf16 @!p1 v1, v0  }
0x1a0: {  	v1 =	vld @!p1 [tilespmem:s8+$0x158];
	[tilespmem:s8+$0x148] =	vst @!p1 v0  }
0x1a1: {  	v0 =	vld @!p1 [tilespmem:s0+$0x158];
	_ =	sdelay $0x4  }
0x1a2: {  	v0 =	vpack.i.f32.bf16 @!p1 v1, v0  }
0x1a3: {  	v1 =	vld @!p1 [tilespmem:s8+$0x168];
	[tilespmem:s8+$0x158] =	vst @!p1 v0  }
0x1a4: {  	v0 =	vld @!p1 [tilespmem:s0+$0x168];
	_ =	sdelay $0x4  }
0x1a5: {  	v0 =	vpack.i.f32.bf16 @!p1 v1, v0  }
0x1a6: {  	v1 =	vld @!p1 [tilespmem:s8+$0x178];
	[tilespmem:s8+$0x168] =	vst @!p1 v0  }
0x1a7: {  	v0 =	vld @!p1 [tilespmem:s0+$0x178];
	_ =	sdelay $0x2  }
0x1a8: {  	s0 =	simm.s32 $0x1  }
0x1a9: {  	s3 =	smov.u32 @p1 s7;
	s0 =	simm.s32 @!p0 $0x0  }
0x1aa: {  	s3 =	sshra.s32 s3, $0x2;
	s0 =	sor.u32 s0, s6;
	v0 =	vpack.i.f32.bf16 @!p1 v1, v0  }
0x1ab: {  	s7 =	simm.s32 $0x82;
	s3 =	sadd.s32 $0x108, s3;
	s0 =	sshll.u32 s0, $0x7;
	[tilespmem:s8+$0x178] =	vst @!p1 v0  }
0x1ac: {  	[spmem:s0] =	stream.linear.scatter [tilespmem:s3], [sflag:$0x1], $0x80, $0x38;
	[tilespmem:$0x1F4C8] =	vst v63  }
.LBB2_26:
0x1ad: {  	_ =	swait.ge [sflag:s5], s7  }
0x1ae: {  	s0 =	ssub.s32 $0x0, s7;
	[sflag:s5] =	ssyncset.done $0x0  }
0x1af: {  	p0 =	sne.s32 s2, $0x0;
	[sflag:s5] =	ssyncadd.s32 s0  }
.Ltmp20:
0x1b0: {  	_ =	sfence.stream.spmem;
	(pc) =	sbr.rel @p0 .LBB2_46-.Ltmp20, $4  }
0x1b1: {  	s29 =	simm.s32 $0x3;
	[bflag:$0x0] =	sbarrier.arrive $0xFFFF  }
0x1b2: {  	s30 =	simm.s32 $0x4;
	[sflag:s29] =	ssyncpa.u1 $0x1  }
0x1b3: {  	s31 =	simm.s32 $0x3C;
	[sflag:s30] =	ssyncpa.u1 $0x1  }
0x1b4: {  	s5 =	sand.u32 $0x1, s4;
	[sflag:s31] =	ssyncpa.u1 $0x1  }
0x1b5: {  	_ =	sfence.stream.spmem;
	s0 =	simm.s32 $0x5  }
0x1b6: {  	s3 =	simm.s32 $0x1000;
	s6 =	simm.s32 $0x14218;
	[sflag:s0] =	ssyncpa.u1 $0x0  }
0x1b7: {  	[tilespmem:s6], [sflag:$0x5] =	stream.linear.gather [spmem:s3], $0x20, $0x38;
	[tilespmem:$0x1F4C8] =	vst v63  }
0x1b8: {  	s26 =	simm.s32 $0x0;
	s28 =	simm.s32 $0x14238  }
0x1b9: {  	[tilespmem:s28], [sflag:$0x5] =	stream.linear.gather [spmem:s26], $0x1000, $0x38;
	[tilespmem:$0x1F4C8] =	vst v63  }
0x1ba: {  	_ =	swait.ge [sflag:s0], $0x1020  }
0x1bb: {  	[sflag:s0] =	ssyncset.done $0x0  }
0x1bc: {  	s29 =	simm.s32 $0x0;
	[sflag:s0] =	ssyncadd.s32 $0xFFFFEFE0  }
0x1bd: {  	v0 =	vld.msk [tilespmem:s29+$0x14218], $0x1;
	_ =	sdelay $0x1  }
0x1be: {  	s30 =	simm.s32 $0x1  }
0x1bf: {  	v1 =	vld.msk [tilespmem:s30+$0x14218], $0x1;
	_ =	sdelay $0x1  }
0x1c0: {  	(v2sf) =	vpush v0, $0x0;
	_ =	sdelay $0x2  }
0x1c1: {  	(v2sf) =	vpush v1, $0x0;
	_ =	sdelay $0x2  }
0x1c2: {  	s31 =	simm.s32 $0x2  }
0x1c3: {  	v0 =	vld.msk [tilespmem:s31+$0x14218], $0x1;
	_ =	sdelay $0x2  }
0x1c4: {  	s8 =	simm.s32 $0xFFFFFFFF;
	s7 =	simm.s32 $0xFFFFFFFF;
	s6 =	simm.s32 $0xC  }
.LBB2_28:
0x1c5: {  	s0 =	smov.u32 s7;
	s3 =	smov.u32 s8  }
0x1c6: {  	s7 =	sshra.s32 s6, $0x2;
	p1 =	sne.s32 s6, $0x7C;
	s6 =	sadd.s32 $0x4, s6;
	(v2sf) =	vpush v0, $0x0  }
0x1c7: {  	v0 =	vld.msk [tilespmem:s7+$0x14218], $0x1  }
.Ltmp21:
0x1c8: {  	(pc) =	sbr.rel @p1 .LBB2_28-.Ltmp21, $4  }
0x1c9: {  	s7 =	spop (v2sf)  }
0x1ca: {  	p2 =	sne.s32 s8, $0xFFFFFFFF;
	s8 =	smov.u32 s7  }
0x1cb: {  	p3 =	seq.s32 s7, $0xFFFFFFFF;
	s8 =	smov.u32 @p2 s3  }
0x1cc: {  	s7 =	smov.u32 @p3 s0;
	s8 =	smov.u32 @p3 s3  }
0x1cd: {  	(v2sf) =	vpush v0, $0x0;
	_ =	sdelay $0x8  }
0x1ce: {  	s0 =	spop (v2sf)  }
0x1cf: {  	p1 =	sne.s32 s8, $0xFFFFFFFF;
	s3 =	smov.u32 s0  }
0x1d0: {  	p2 =	seq.s32 s0, $0xFFFFFFFF;
	s3 =	smov.u32 @p1 s8  }
0x1d1: {  	s9 =	simm.s32 $0x6;
	s3 =	smov.u32 @p2 s8;
	s6 =	spop (v2sf)  }
0x1d2: {  	s10 =	simm.s32 $0x14188;
	p1 =	sne.s32 s3, $0xFFFFFFFF;
	s8 =	smov.u32 s6  }
0x1d3: {  	s11 =	simm.s32 $0x0;
	s8 =	smov.u32 @p1 s3;
	p1 =	seq.s32 s6, $0xFFFFFFFF  }
.Ltmp22:
0x1d4: {  	s8 =	smov.u32 @p1 s3;
	s3 =	spop (v2sf);
	(pc) =	sbr.rel .LBB2_30-.Ltmp22, $4  }
0x1d5: {  	s0 =	smov.u32 @p2 s7;
	p2 =	sne.s32 s8, $0xFFFFFFFF;
	s7 =	smov.u32 s3  }
0x1d6: {  	s6 =	smov.u32 @p1 s0;
	p1 =	seq.s32 s3, $0xFFFFFFFF;
	s7 =	smov.u32 @p2 s8  }
0x1d7: {  	[sflag:s9] =	ssyncpa.u1 $0x0;
	s3 =	smov.u32 @p1 s6;
	s7 =	smov.u32 @p1 s8  }
0x1d8: {  	s6 =	simm.s32 $0x0;
	s8 =	sand.u32 $0xFFFFFFFE, s3;
	s7 =	sand.u32 $0xFFFFFFFE, s7  }
.LBB2_35:
0x1d9: {  	s0 =	sshll.u32 s11, $0x7  }
0x1da: {  	s31 =	sshll.u32 s15, $0x9;
	s13 =	sand.u32 $0x3FFFFF80, s0  }
0x1db: {  	s12 =	sshra.s32 s31, $0x2;
	v0 =	vld [tilespmem:s13+$0x14238]  }
0x1dc: {  	v1 =	vld [tilespmem:s12+$0x14238];
	_ =	sdelay $0x3  }
0x1dd: {  	v2 =	vunpack.i.u.bf16.f32 v0  }
0x1de: {  	v0 =	vunpack.i.l.bf16.f32 v0;
	v3 =	vunpack.i.u.bf16.f32 v1;
	v1 =	vunpack.i.l.bf16.f32 v1  }
0x1df: {  	v2 =	vadd.f32 v3, v2;
	v0 =	vadd.f32 v1, v0;
	_ =	sdelay $0x1  }
0x1e0: {  	v0 =	vpack.i.f32.bf16 v2, v0  }
0x1e1: {  	v43 =	vld [tilespmem:s12+$0x14248];
	[tilespmem:s12+$0x14238] =	vst v0  }
0x1e2: {  	v0 =	vld [tilespmem:s13+$0x14248];
	_ =	sdelay $0x3  }
0x1e3: {  	v45 =	vunpack.i.u.bf16.f32 v43  }
0x1e4: {  	v1 =	vunpack.i.l.bf16.f32 v43;
	v44 =	vunpack.i.u.bf16.f32 v0;
	v0 =	vunpack.i.l.bf16.f32 v0  }
0x1e5: {  	v2 =	vadd.f32 v45, v44;
	v0 =	vadd.f32 v1, v0;
	_ =	sdelay $0x1  }
0x1e6: {  	v0 =	vpack.i.f32.bf16 v2, v0  }
0x1e7: {  	v46 =	vld [tilespmem:s12+$0x14258];
	[tilespmem:s12+$0x14248] =	vst v0  }
0x1e8: {  	v0 =	vld [tilespmem:s13+$0x14258];
	_ =	sdelay $0x3  }
0x1e9: {  	v48 =	vunpack.i.u.bf16.f32 v46  }
0x1ea: {  	v1 =	vunpack.i.l.bf16.f32 v46;
	v47 =	vunpack.i.u.bf16.f32 v0;
	v0 =	vunpack.i.l.bf16.f32 v0  }
0x1eb: {  	v2 =	vadd.f32 v48, v47;
	v0 =	vadd.f32 v1, v0;
	_ =	sdelay $0x1  }
0x1ec: {  	v0 =	vpack.i.f32.bf16 v2, v0  }
0x1ed: {  	v49 =	vld [tilespmem:s12+$0x14268];
	[tilespmem:s12+$0x14258] =	vst v0  }
0x1ee: {  	v0 =	vld [tilespmem:s13+$0x14268];
	_ =	sdelay $0x3  }
0x1ef: {  	v51 =	vunpack.i.u.bf16.f32 v49  }
0x1f0: {  	v1 =	vunpack.i.l.bf16.f32 v49;
	v50 =	vunpack.i.u.bf16.f32 v0;
	v0 =	vunpack.i.l.bf16.f32 v0  }
0x1f1: {  	v2 =	vadd.f32 v51, v50;
	v0 =	vadd.f32 v1, v0;
	_ =	sdelay $0x1  }
0x1f2: {  	v0 =	vpack.i.f32.bf16 v2, v0  }
0x1f3: {  	v52 =	vld [tilespmem:s12+$0x14278];
	[tilespmem:s12+$0x14268] =	vst v0  }
0x1f4: {  	v0 =	vld [tilespmem:s13+$0x14278];
	_ =	sdelay $0x3  }
0x1f5: {  	v54 =	vunpack.i.u.bf16.f32 v52  }
0x1f6: {  	v1 =	vunpack.i.l.bf16.f32 v52;
	v53 =	vunpack.i.u.bf16.f32 v0;
	v0 =	vunpack.i.l.bf16.f32 v0  }
0x1f7: {  	v2 =	vadd.f32 v54, v53;
	v0 =	vadd.f32 v1, v0;
	_ =	sdelay $0x1  }
0x1f8: {  	v0 =	vpack.i.f32.bf16 v2, v0  }
0x1f9: {  	v55 =	vld [tilespmem:s12+$0x14288];
	[tilespmem:s12+$0x14278] =	vst v0  }
0x1fa: {  	v0 =	vld [tilespmem:s13+$0x14288];
	_ =	sdelay $0x3  }
0x1fb: {  	v57 =	vunpack.i.u.bf16.f32 v55  }
0x1fc: {  	v1 =	vunpack.i.l.bf16.f32 v55;
	v56 =	vunpack.i.u.bf16.f32 v0;
	v0 =	vunpack.i.l.bf16.f32 v0  }
0x1fd: {  	v2 =	vadd.f32 v57, v56;
	v0 =	vadd.f32 v1, v0;
	_ =	sdelay $0x1  }
0x1fe: {  	v0 =	vpack.i.f32.bf16 v2, v0  }
0x1ff: {  	v58 =	vld [tilespmem:s12+$0x14298];
	[tilespmem:s12+$0x14288] =	vst v0  }
0x200: {  	v0 =	vld [tilespmem:s13+$0x14298];
	_ =	sdelay $0x3  }
0x201: {  	v60 =	vunpack.i.u.bf16.f32 v58  }
0x202: {  	v1 =	vunpack.i.l.bf16.f32 v58;
	v59 =	vunpack.i.u.bf16.f32 v0;
	v0 =	vunpack.i.l.bf16.f32 v0  }
0x203: {  	v2 =	vadd.f32 v60, v59;
	v0 =	vadd.f32 v1, v0;
	_ =	sdelay $0x1  }
0x204: {  	v0 =	vpack.i.f32.bf16 v2, v0  }
0x205: {  	v61 =	vld [tilespmem:s12+$0x142A8];
	[tilespmem:s12+$0x14298] =	vst v0  }
0x206: {  	v0 =	vld [tilespmem:s13+$0x142A8];
	_ =	sdelay $0x3  }
0x207: {  	v63 =	vunpack.i.u.bf16.f32 v61  }
0x208: {  	v1 =	vunpack.i.l.bf16.f32 v61;
	v62 =	vunpack.i.u.bf16.f32 v0;
	v0 =	vunpack.i.l.bf16.f32 v0  }
0x209: {  	v2 =	vadd.f32 v63, v62;
	v0 =	vadd.f32 v1, v0;
	_ =	sdelay $0x1  }
0x20a: {  	v0 =	vpack.i.f32.bf16 v2, v0  }
0x20b: {  	[tilespmem:s12+$0x142A8] =	vst v0  }
.LBB2_40:
0x20c: {  	s11 =	sadd.s32 $0x1, s11  }
0x20d: {  	p1 =	sne.s32 s11, $0x20  }
.Ltmp23:
0x20e: {  	_ = 	snop;
	(pc) =	sbr.rel @!p1 .LBB2_41-.Ltmp23, $1  }
0x20f: {  	_ =	sdelay $0x3  }
.LBB2_30:
0x210: {  	v0 =	vld.msk [tilespmem:s11+$0x14218], $0x1;
	_ =	sdelay $0x4  }
0x211: {  	(v2sf) =	vpush v0, $0x0;
	_ =	sdelay $0xe  }
0x212: {  	s12 =	spop (v2sf)  }
0x213: {  	p1 =	seq.s32 s12, $0xFFFFFFFF  }
.Ltmp24:
0x214: {  	_ = 	snop;
	(pc) =	sbr.rel @p1 .LBB2_40-.Ltmp24, $1  }
0x215: {  	_ =	sdelay $0x3  }
0x216: {  	p1 =	slt.s32 s6, $0x1  }
.Ltmp25:
0x217: {  	_ = 	snop;
	(pc) =	sbr.rel @p1 .LBB2_36-.Ltmp25, $2  }
0x218: {  	_ =	sdelay $0x2  }
0x219: {  	s13 =	sand.u32 $0xFFFFFFFE, s12  }
0x21a: {  	s14 =	simm.s32 $0x14218;
	p1 =	por $0x0, $0x0  }
0x21b: {  	v1 =	vld.msk @!p1 [tilespmem:s14+$0x0], $0x1;
	_ =	sdelay $0x4  }
0x21c: {  	(v2sf) =	vpush @!p1 v1, $0x0;
	_ =	sdelay $0xe  }
0x21d: {  	p3 =	sne.s32 s6, $0x1;
	s0 =	spop @!p1 (v2sf)  }
.Ltmp26:
0x21e: {  	s0 =	sand.u32 @!p1 $0xFFFFFFFE, s0;
	(pc) =	sbr.rel @!p3 .LBB2_34-.Ltmp26, $4  }
0x21f: {  	p2 =	seq.s32 @!p1 s13, s0  }
0x220: {  	s15 =	simm.s32 $0x0;
	p2 =	por !p2, p1  }
0x221: {  	s0 =	simm.s32 $0xFFFFFFFF;
	s15 =	simm.s32 @p2 $0xFFFFFFFF  }
0x222: {  	s16 =	simm.s32 $0x1;
	s15 =	smov.u32 @p1 s0  }
.LBB2_33:
0x223: {  	s0 =	smov.u32 s15;
	p1 =	sne.s32 s15, $0xFFFFFFFF  }
0x224: {  	s14 =	sadd.s32 $0x1, s14;
	s15 =	smov.u32 s16;
	s16 =	sadd.s32 $0x1, s16  }
0x225: {  	p2 =	sne.s32 s6, s16;
	v1 =	vld.msk @!p1 [tilespmem:s14+$0x0], $0x1;
	_ =	sdelay $0x4  }
0x226: {  	(v2sf) =	vpush @!p1 v1, $0x0;
	_ =	sdelay $0xe  }
0x227: {  	s3 =	spop @!p1 (v2sf)  }
.Ltmp27:
0x228: {  	s3 =	sand.u32 @!p1 $0xFFFFFFFE, s3;
	(pc) =	sbr.rel @p2 .LBB2_33-.Ltmp27, $4  }
0x229: {  	p3 =	seq.s32 @!p1 s13, s3  }
0x22a: {  	p3 =	por !p3, p1  }
0x22b: {  	s15 =	simm.s32 @p3 $0xFFFFFFFF  }
0x22c: {  	s15 =	smov.u32 @p1 s0  }
.LBB2_34:
0x22d: {  	p1 =	seq.s32 s15, $0xFFFFFFFF  }
.Ltmp28:
0x22e: {  	_ = 	snop;
	(pc) =	sbr.rel @!p1 .LBB2_35-.Ltmp28, $1  }
0x22f: {  	_ =	sdelay $0x3  }
.LBB2_36:
0x230: {  	p1 =	sgt.u32 s12, $0xC34F01  }
0x231: {  	p2 =	seq.s32 @!p1 s13, s7  }
0x232: {  	p1 =	por p1, p2  }
0x233: {  	p2 =	sne.s32 @!p1 s13, s8  }
0x234: {  	p1 =	por p1, !p2  }
.Ltmp29:
0x235: {  	_ = 	snop;
	(pc) =	sbr.rel @p1 .LBB2_37-.Ltmp29, $1  }
0x236: {  	_ =	sdelay $0x3  }
0x237: {  	s0 =	sshrl.u32 s12, $0x1;
	s3 =	sshrl.u32 s12, $0x4  }
0x238: {  	s3 =	sadd.s32 s1, s3;
	s0 =	sand.u32 $0x7, s0  }
0x239: {  	[tilespmem:s10], [sflag:$0x6] =	stream.linear.gather [hbm4b:s3+s0], $0x80, $0x38;
	[tilespmem:$0x1F4C8] =	vst v63  }
0x23a: {  	_ =	swait.ge [sflag:s9], $0x80  }
0x23b: {  	[sflag:s9] =	ssyncset.done $0x0  }
0x23c: {  	s12 =	sshll.u32 s11, $0x9;
	[sflag:s9] =	ssyncadd.s32 $0xFFFFFF80  }
0x23d: {  	s13 =	sshrl.u32 s12, $0x2;
	v1 =	vld [tilespmem:$0x14188]  }
0x23e: {  	v2 =	vld [tilespmem:s13+$0x14238]  }
0x23f: {  	v4 =	vld [tilespmem:s13+$0x14248]  }
0x240: {  	v5 =	vld [tilespmem:$0x141A8]  }
0x241: {  	v7 =	vld [tilespmem:s13+$0x14258]  }
0x242: {  	v9 =	vld [tilespmem:$0x141B8]  }
0x243: {  	v44 =	vld [tilespmem:s13+$0x14268]  }
0x244: {  	v11 =	vld [tilespmem:$0x141C8]  }
0x245: {  	v46 =	vld [tilespmem:s13+$0x14278]  }
0x246: {  	v13 =	vld [tilespmem:$0x141D8]  }
0x247: {  	v50 =	vld [tilespmem:s13+$0x14288]  }
0x248: {  	v15 =	vld [tilespmem:$0x141E8]  }
0x249: {  	v51 =	vld [tilespmem:s13+$0x14298];
	v6 =	vunpack.i.u.bf16.f32 v1;
	v1 =	vunpack.i.l.bf16.f32 v1;
	v8 =	vunpack.i.u.bf16.f32 v2  }
0x24a: {  	v52 =	vld [tilespmem:$0x141F8];
	v2 =	vunpack.i.l.bf16.f32 v2;
	v10 =	vunpack.i.u.bf16.f32 v4;
	v4 =	vunpack.i.l.bf16.f32 v4  }
0x24b: {  	v56 =	vld [tilespmem:s13+$0x142A8];
	v45 =	vunpack.i.u.bf16.f32 v5;
	v5 =	vunpack.i.l.bf16.f32 v5;
	v12 =	vunpack.i.u.bf16.f32 v7  }
0x24c: {  	v3 =	vld [tilespmem:$0x14198];
	v7 =	vunpack.i.l.bf16.f32 v7;
	v47 =	vunpack.i.u.bf16.f32 v9;
	v9 =	vunpack.i.l.bf16.f32 v9  }
0x24d: {  	v48 =	vunpack.i.u.bf16.f32 v44;
	v49 =	vunpack.i.u.bf16.f32 v11;
	v11 =	vunpack.i.l.bf16.f32 v11  }
0x24e: {  	v14 =	vunpack.i.u.bf16.f32 v46;
	v55 =	vunpack.i.u.bf16.f32 v13;
	v57 =	vunpack.i.l.bf16.f32 v13  }
0x24f: {  	v58 =	vunpack.i.u.bf16.f32 v50;
	v60 =	vunpack.i.u.bf16.f32 v15;
	v61 =	vunpack.i.u.bf16.f32 v51  }
0x250: {  	v62 =	vunpack.i.u.bf16.f32 v52;
	v63 =	vunpack.i.u.bf16.f32 v56;
	v6 =	vadd.f32 v8, v6  }
0x251: {  	v1 =	vadd.f32 v2, v1;
	v2 =	vunpack.i.u.bf16.f32 v3;
	v5 =	vadd.f32 v7, v5  }
0x252: {  	v3 =	vunpack.i.l.bf16.f32 v3;
	v7 =	vadd.f32 v48, v47;
	v2 =	vadd.f32 v10, v2  }
0x253: {  	v8 =	vunpack.i.l.bf16.f32 v44;
	v3 =	vadd.f32 v4, v3;
	v4 =	vadd.f32 v12, v45  }
0x254: {  	v8 =	vadd.f32 v8, v9;
	v10 =	vunpack.i.l.bf16.f32 v46;
	v9 =	vadd.f32 v14, v49  }
0x255: {  	v12 =	vunpack.i.l.bf16.f32 v50;
	v10 =	vadd.f32 v10, v11;
	v1 =	vpack.i.f32.bf16 v6, v1  }
0x256: {  	v59 =	vadd.f32 v12, v57;
	v11 =	vunpack.i.l.bf16.f32 v51;
	v2 =	vpack.i.f32.bf16 v2, v3;
	[tilespmem:s13+$0x14238] =	vst v1  }
0x257: {  	v3 =	vpack.i.f32.bf16 v4, v5;
	v53 =	vpack.i.f32.bf16 v7, v8;
	v1 =	vadd.f32 v58, v55;
	[tilespmem:s13+$0x14248] =	vst v2  }
0x258: {  	v4 =	vunpack.i.l.bf16.f32 v52;
	v8 =	vunpack.i.l.bf16.f32 v56;
	v2 =	vunpack.i.l.bf16.f32 v15;
	[tilespmem:s13+$0x14258] =	vst v3  }
0x259: {  	v54 =	vpack.i.f32.bf16 v9, v10;
	v3 =	vadd.f32 v61, v60;
	[tilespmem:s13+$0x14268] =	vst v53;
	v2 =	vadd.f32 v11, v2  }
0x25a: {  	v5 =	vadd.f32 v63, v62;
	v4 =	vadd.f32 v8, v4;
	[tilespmem:s13+$0x14278] =	vst v54;
	v1 =	vpack.i.f32.bf16 v1, v59  }
0x25b: {  	[tilespmem:s13+$0x14288] =	vst v1;
	v1 =	vpack.i.f32.bf16 v3, v2  }
0x25c: {  	[tilespmem:s13+$0x14298] =	vst v1;
	v1 =	vpack.i.f32.bf16 v5, v4  }
0x25d: {  	[tilespmem:s13+$0x142A8] =	vst v1  }
.LBB2_39:
0x25e: {  	[tilespmem:s6+$0x14218] =	vst.msk $0x1, v0;
	s0 =	sshrl.u32 s12, $0x2  }
0x25f: {  	v0 =	vld [tilespmem:s0+$0x14238];
	_ =	sdelay $0x2  }
0x260: {  	s3 =	sshll.u32 s6, $0x9  }
0x261: {  	s3 =	sshra.s32 s3, $0x2  }
0x262: {  	[tilespmem:s3+$0x14238] =	vst v0  }
0x263: {  	v0 =	vld [tilespmem:s0+$0x14248];
	_ =	sdelay $0x4  }
0x264: {  	[tilespmem:s3+$0x14248] =	vst v0  }
0x265: {  	v0 =	vld [tilespmem:s0+$0x14258];
	_ =	sdelay $0x4  }
0x266: {  	[tilespmem:s3+$0x14258] =	vst v0  }
0x267: {  	v0 =	vld [tilespmem:s0+$0x14268];
	_ =	sdelay $0x4  }
0x268: {  	[tilespmem:s3+$0x14268] =	vst v0  }
0x269: {  	v0 =	vld [tilespmem:s0+$0x14278];
	_ =	sdelay $0x4  }
0x26a: {  	[tilespmem:s3+$0x14278] =	vst v0  }
0x26b: {  	v0 =	vld [tilespmem:s0+$0x14288];
	_ =	sdelay $0x4  }
0x26c: {  	[tilespmem:s3+$0x14288] =	vst v0  }
0x26d: {  	v0 =	vld [tilespmem:s0+$0x14298];
	_ =	sdelay $0x4  }
0x26e: {  	[tilespmem:s3+$0x14298] =	vst v0  }
0x26f: {  	v0 =	vld [tilespmem:s0+$0x142A8]  }
.Ltmp30:
0x270: {  	_ = 	snop;
	(pc) =	sbr.rel .LBB2_40-.Ltmp30, $2  }
0x271: {  	_ =	sdelay $0x2  }
0x272: {  	s6 =	sadd.s32 $0x1, s6;
	[tilespmem:s3+$0x142A8] =	vst v0  }
.LBB2_37:
.Ltmp31:
0x273: {  	(pc) =	sbr.rel .LBB2_39-.Ltmp31, $2  }
0x274: {  	_ =	sdelay $0x2  }
0x275: {  	s12 =	sshll.u32 s11, $0x9  }
.LBB2_41:
0x276: {  	s0 =	simm.s32 $0x6;
	p1 =	seq.s32 s6, $0x0  }
0x277: {  	[sflag:s0] =	ssyncpa.u1 $0x1;
	v0 =	vimm.s32 @p1 $0xFFFFFFFF  }
0x278: {  	s9 =	sadd.s32 $0xFFFFFFFF, s6;
	[tilespmem:$0x15238] =	vst @p1 v0  }
0x279: {  	v0 =	vld.msk @!p1 [tilespmem:s9+$0x14218], $0x1;
	_ =	sdelay $0x1  }
0x27a: {  	v1 =	vld.msk @!p1 [tilespmem:$0x14218], $0x1;
	_ =	sdelay $0x2  }
0x27b: {  	p2 =	seq.s32 @!p1 s9, $0x0;
	v0 =	vbroadcast @!p1 v0, $0x0  }
0x27c: {  	vm0 =	vmmov @!p1 $0x1;
	p2 =	por !p2, p1  }
0x27d: {  	v1 =	vnsel @!p1 vm0, $0xFFFFFFFF, v1;
	vm0 =	vcmask @!p1 $0x308;
	v0 =	vpsel !p2, $0xFFFFFFFF, v0  }
0x27e: {  	p2 =	sne.s32 @!p1 s7, s8;
	v0 =	vsel @!p1 vm0, v1, v0  }
0x27f: {  	s0 =	simm.s32 @!p1 $0x14238;
	s3 =	simm.s32 @!p1 $0x0;
	p3 =	por !p2, p1;
	[tilespmem:$0x15238] =	vst @!p1 v0  }
0x280: {  	[spmem:s3] =	stream.linear.scatter @!p1 [tilespmem:s0], [sflag:$0x1], $0x80, $0x38;
	[tilespmem:$0x1F4C8] =	vst v63  }
0x281: {  	s0 =	sshll.u32 @!p3 s9, $0x9  }
0x282: {  	s0 =	sshra.s32 @!p3 s0, $0x2  }
0x283: {  	s3 =	simm.s32 @!p3 $0x80;
	s0 =	sadd.s32 @!p3 $0x14238, s0  }
0x284: {  	[spmem:s3] =	stream.linear.scatter @!p3 [tilespmem:s0], [sflag:$0x1], $0x80, $0x38;
	[tilespmem:$0x1F4C8] =	vst v63  }
0x285: {  	s0 =	simm.s32 @!p3 $0x1  }
0x286: {  	_ =	swait.ge @!p3 [sflag:s0], $0x100  }
0x287: {  	p1 =	por p2, p1;
	[sflag:s0] =	ssyncset.done @!p3 $0x0  }
0x288: {  	[sflag:s0] =	ssyncadd.s32 @!p3 $0xFFFFFF00;
	s0 =	simm.s32 @!p1 $0x1  }
0x289: {  	_ =	swait.ge @!p1 [sflag:s0], $0x80  }
0x28a: {  	s29 =	simm.s32 $0x15238;
	[sflag:s0] =	ssyncset.done @!p1 $0x0  }
0x28b: {  	s30 =	simm.s32 $0x1000;
	s31 =	simm.s32 $0x1;
	[sflag:s0] =	ssyncadd.s32 @!p1 $0xFFFFFF80  }
0x28c: {  	[spmem:s30] =	stream.linear.scatter [tilespmem:s29], [sflag:$0x1], $0x10, $0x38;
	[tilespmem:$0x1F4C8] =	vst v63  }
0x28d: {  	_ =	swait.ge [sflag:s31], $0x10  }
0x28e: {  	[sflag:s31] =	ssyncset.done $0x0  }
0x28f: {  	p1 =	seq.s32 s5, $0x0;
	[sflag:s31] =	ssyncadd.s32 $0xFFFFFFF0  }
0x290: {  	s3 =	sshll.u32 @p1 s4, $0xE;
	s11 =	rddreg [dreg:$0x2]  }
0x291: {  	s0 =	sadd.s32 @p1 $0x15C3C, s3;
	s3 =	sshll.u32 @p1 s11, $0x11  }
0x292: {  	_ =	sfence.stream.spmem;
	s0 =	sor.u32 @p1 s3, s0  }
0x293: {  	[sflag:s0] =	ssyncadd.remote.s32 @p1 $0x1;
	s0 =	simm.s32 @p1 $0x4  }
0x294: {  	s7 =	simm.s32 @!p1 $0x3C;
	s3 =	sand.u32 $0xFFFFFFFE, s4;
	_ =	swait.ge @p1 [sflag:s0], $0x22  }
0x295: {  	s8 =	simm.s32 @!p1 $0x0;
	s3 =	sadd.s32 @!p1 $0x4, s3;
	[sflag:s0] =	ssyncset.done @p1 $0x0  }
0x296: {  	s10 =	simm.s32 @!p1 $0x100;
	[sflag:s0] =	ssyncadd.s32 @p1 $0xFFFFFFDE;
	s0 =	sshll.u32 @!p1 s3, $0x1A  }
0x297: {  	s3 =	sshll.u32 @!p1 s3, $0xD;
	s0 =	sor.u32 @!p1 s0, s11;
	_ =	swait.eq @!p1 [sflag:s7], $0x1  }
0x298: {  	s3 =	sor.u32 @!p1 $0x1C04, s3;
	s7 =	simm.s32 @!p1 $0x1C03;
	s0 =	sor.u32 @!p1 $0x80004000, s0  }
0x299: {  	[spmem:s10], [sflag:s3] =	dma.general @!p1 [spmem:s8], [sflag:s7], length:$0x20, [dreg:$0x0], stride_count:$0x0, ici_dest:s0, dma_misc:DstOpCode:WRITE  }
0x29a: {  	p2 =	slt.s32 s9, $0x2;
	s8 =	simm.s32 @!p1 $0x200;
	s10 =	simm.s32 @!p1 $0x202  }
0x29b: {  	[spmem:s10], [sflag:s3] =	dma.general @!p1 [spmem:s8], [sflag:s7], length:$0x2, [dreg:$0x0], stride_count:$0x0, ici_dest:s0, dma_misc:DstOpCode:WRITE  }
.Ltmp32:
0x29c: {  	s0 =	simm.s32 @!p1 $0x3;
	(pc) =	sbr.rel @p2 .LBB2_45-.Ltmp32, $4  }
0x29d: {  	s3 =	sshll.u32 @!p1 s4, $0xE;
	_ =	swait.ge @!p1 [sflag:s0], $0x22  }
0x29e: {  	s4 =	sshll.u32 @!p1 s11, $0x11;
	s3 =	sadd.s32 @!p1 $0x11C3C, s3;
	[sflag:s0] =	ssyncset.done @!p1 $0x0  }
0x29f: {  	[sflag:s0] =	ssyncadd.s32 @!p1 $0xFFFFFFDE;
	s0 =	sor.u32 @!p1 s4, s3  }
0x2a0: {  	s3 =	simm.s32 $0x0;
	[sflag:s0] =	ssyncadd.remote.s32 @!p1 $0xFFFFFFFF  }
0x2a1: {  	s0 =	simm.s32 $0x14219  }
0x2a2: {  	v0 =	vld.msk [tilespmem:s0+$0x0], $0x1;
	_ =	sdelay $0x4  }
0x2a3: {  	(v2sf) =	vpush v0, $0x0;
	_ =	sdelay $0xc  }
0x2a4: {  	s4 =	sadd.s32 $0xFFFFFFFE, s6  }
0x2a5: {  	s4 =	sadd.s32 $0xFFFFFFFF, s4  }
0x2a6: {  	p1 =	sne.s32 s4, $0x0;
	s0 =	spop (v2sf)  }
.Ltmp33:
0x2a7: {  	p2 =	sgt.u32 s0, $0xC34F01;
	(pc) =	sbr.rel @!p1 .LBB2_44-.Ltmp33, $4  }
0x2a8: {  	s6 =	sshrl.u32 @!p2 s0, $0x1;
	s0 =	sshrl.u32 @!p2 s0, $0x4  }
0x2a9: {  	s3 =	simm.s32 $0x142B8;
	s0 =	sadd.s32 @!p2 s1, s0;
	s6 =	sand.u32 @!p2 $0x7, s6  }
0x2aa: {  	[hbm4b:s0+s6] =	stream.linear.scatter @!p2 [tilespmem:s3], [sflag:$0x5], $0x80, $0x38;
	[tilespmem:$0x1F4C8] =	vst v63  }
0x2ab: {  	s8 =	simm.s32 $0x1421A;
	s7 =	simm.s32 $0x0;
	s6 =	simm.s32 $0x0  }
.LBB2_43:
0x2ac: {  	s0 =	simm.s32 $0x0  }
0x2ad: {  	v0 =	vld.msk [tilespmem:s8+$0x0], $0x1;
	s4 =	sadd.s32 $0xFFFFFFFF, s4;
	s0 =	simm.s32 @!p2 $0x200  }
0x2ae: {  	p1 =	sne.s32 s4, $0x0;
	s7 =	sadd.s32 s7, s0;
	_ =	sdelay $0x3  }
0x2af: {  	(v2sf) =	vpush v0, $0x0;
	_ =	sdelay $0xe  }
.Ltmp34:
0x2b0: {  	s0 =	spop (v2sf);
	(pc) =	sbr.rel @p1 .LBB2_43-.Ltmp34, $4  }
0x2b1: {  	p2 =	sgt.u32 s0, $0xC34F01  }
0x2b2: {  	s3 =	sadd.s32 $0x80, s3;
	s9 =	sshrl.u32 @!p2 s0, $0x1;
	s0 =	sshrl.u32 @!p2 s0, $0x4  }
0x2b3: {  	s8 =	sadd.s32 $0x1, s8;
	s0 =	sadd.s32 @!p2 s1, s0;
	s9 =	sand.u32 @!p2 $0x7, s9  }
0x2b4: {  	[hbm4b:s0+s9] =	stream.linear.scatter @!p2 [tilespmem:s3], [sflag:$0x5], $0x80, $0x38;
	[tilespmem:$0x1F4C8] =	vst v63  }
.LBB2_44:
0x2b5: {  	s6 =	simm.s32 @!p2 $0x200  }
0x2b6: {  	s0 =	sadd.s32 s7, s6  }
0x2b7: {  	s3 =	sshrl.u32 s0, $0x2  }
.LBB2_45:
0x2b8: {  	s0 =	simm.s32 $0x5  }
0x2b9: {  	_ =	swait.ge [sflag:s0], s3  }
0x2ba: {  	s31 =	ssub.s32 $0x0, s3;
	[sflag:s0] =	ssyncset.done $0x0  }
0x2bb: {  	[sflag:s0] =	ssyncadd.s32 s31  }
0x2bc: {  	[sflag:s0] =	ssyncpa.u1 $0x1  }
.LBB2_46:
0x2bd: {  	s0 =	sor.u32 s5, s2  }
0x2be: {  	p1 =	sne.s32 s0, $0x0  }
.Ltmp35:
0x2bf: {  	_ = 	snop;
	(pc) =	sbr.rel @p1 .LBB2_64-.Ltmp35, $3  }
0x2c0: {  	_ =	sdelay $0x1  }
0x2c1: {  	[bflag:$0x0] =	sbarrier.arrive $0xFFFF  }
0x2c2: {  	_ =	sfence  }
0x2c3: {  	s0 =	simm.s32 $0x7  }
0x2c4: {  	s2 =	simm.s32 $0x1000;
	s3 =	simm.s32 $0x14218;
	[sflag:s0] =	ssyncpa.u1 $0x0  }
0x2c5: {  	[tilespmem:s3], [sflag:$0x7] =	stream.linear.gather [spmem:s2], $0x20, $0x38;
	[tilespmem:$0x1F4C8] =	vst v63  }
0x2c6: {  	s31 =	simm.s32 $0x14238;
	s2 =	simm.s32 $0x0  }
0x2c7: {  	[tilespmem:s31], [sflag:$0x7] =	stream.linear.gather [spmem:s2], $0x1000, $0x38;
	[tilespmem:$0x1F4C8] =	vst v63  }
.Ltmp36:
0x2c8: {  	_ = 	snop;
	(pc) =	sbr.rel .LBB2_48-.Ltmp36, $4  }
0x2c9: {  	_ =	swait.ge [sflag:s0], $0x1020  }
0x2ca: {  	[sflag:s0] =	ssyncset.done $0x0  }
0x2cb: {  	s3 =	simm.s32 $0x8;
	[sflag:s0] =	ssyncadd.s32 $0xFFFFEFE0  }
0x2cc: {  	s4 =	simm.s32 $0x14188;
	s5 =	simm.s32 $0x0;
	[sflag:s3] =	ssyncpa.u1 $0x0  }
.LBB2_56:
0x2cd: {  	s0 =	sshrl.u32 s6, $0x1;
	s31 =	sshrl.u32 s6, $0x4  }
0x2ce: {  	s6 =	sadd.s32 s1, s31;
	s0 =	sand.u32 $0x7, s0  }
0x2cf: {  	[tilespmem:s4], [sflag:$0x8] =	stream.linear.gather [hbm4b:s6+s0], $0x80, $0x38;
	[tilespmem:$0x1F4C8] =	vst v63  }
0x2d0: {  	_ =	swait.ge [sflag:s3], $0x80  }
0x2d1: {  	[sflag:s3] =	ssyncset.done $0x0  }
0x2d2: {  	s6 =	sshll.u32 s5, $0x9;
	[sflag:s3] =	ssyncadd.s32 $0xFFFFFF80  }
0x2d3: {  	s7 =	sshrl.u32 s6, $0x2;
	v1 =	vld [tilespmem:$0x14188]  }
0x2d4: {  	v2 =	vld [tilespmem:s7+$0x14238]  }
0x2d5: {  	v4 =	vld [tilespmem:s7+$0x14248]  }
0x2d6: {  	v5 =	vld [tilespmem:$0x141A8]  }
0x2d7: {  	v7 =	vld [tilespmem:s7+$0x14258]  }
0x2d8: {  	v9 =	vld [tilespmem:$0x141B8]  }
0x2d9: {  	v44 =	vld [tilespmem:s7+$0x14268]  }
0x2da: {  	v11 =	vld [tilespmem:$0x141C8]  }
0x2db: {  	v46 =	vld [tilespmem:s7+$0x14278]  }
0x2dc: {  	v13 =	vld [tilespmem:$0x141D8]  }
0x2dd: {  	v50 =	vld [tilespmem:s7+$0x14288]  }
0x2de: {  	v15 =	vld [tilespmem:$0x141E8]  }
0x2df: {  	v51 =	vld [tilespmem:s7+$0x14298];
	v6 =	vunpack.i.u.bf16.f32 v1;
	v1 =	vunpack.i.l.bf16.f32 v1;
	v8 =	vunpack.i.u.bf16.f32 v2  }
0x2e0: {  	v52 =	vld [tilespmem:$0x141F8];
	v2 =	vunpack.i.l.bf16.f32 v2;
	v10 =	vunpack.i.u.bf16.f32 v4;
	v4 =	vunpack.i.l.bf16.f32 v4  }
0x2e1: {  	v56 =	vld [tilespmem:s7+$0x142A8];
	v45 =	vunpack.i.u.bf16.f32 v5;
	v5 =	vunpack.i.l.bf16.f32 v5;
	v12 =	vunpack.i.u.bf16.f32 v7  }
0x2e2: {  	v3 =	vld [tilespmem:$0x14198];
	v7 =	vunpack.i.l.bf16.f32 v7;
	v47 =	vunpack.i.u.bf16.f32 v9;
	v9 =	vunpack.i.l.bf16.f32 v9  }
0x2e3: {  	v48 =	vunpack.i.u.bf16.f32 v44;
	v49 =	vunpack.i.u.bf16.f32 v11;
	v11 =	vunpack.i.l.bf16.f32 v11  }
0x2e4: {  	v14 =	vunpack.i.u.bf16.f32 v46;
	v55 =	vunpack.i.u.bf16.f32 v13;
	v57 =	vunpack.i.l.bf16.f32 v13  }
0x2e5: {  	v58 =	vunpack.i.u.bf16.f32 v50;
	v60 =	vunpack.i.u.bf16.f32 v15;
	v61 =	vunpack.i.u.bf16.f32 v51  }
0x2e6: {  	v62 =	vunpack.i.u.bf16.f32 v52;
	v63 =	vunpack.i.u.bf16.f32 v56;
	v6 =	vadd.f32 v8, v6  }
0x2e7: {  	v1 =	vadd.f32 v2, v1;
	v2 =	vunpack.i.u.bf16.f32 v3;
	v5 =	vadd.f32 v7, v5  }
0x2e8: {  	v3 =	vunpack.i.l.bf16.f32 v3;
	v7 =	vadd.f32 v48, v47;
	v2 =	vadd.f32 v10, v2  }
0x2e9: {  	v8 =	vunpack.i.l.bf16.f32 v44;
	v3 =	vadd.f32 v4, v3;
	v4 =	vadd.f32 v12, v45  }
0x2ea: {  	v8 =	vadd.f32 v8, v9;
	v10 =	vunpack.i.l.bf16.f32 v46;
	v9 =	vadd.f32 v14, v49  }
0x2eb: {  	v12 =	vunpack.i.l.bf16.f32 v50;
	v10 =	vadd.f32 v10, v11;
	v1 =	vpack.i.f32.bf16 v6, v1  }
0x2ec: {  	v59 =	vadd.f32 v12, v57;
	v11 =	vunpack.i.l.bf16.f32 v51;
	v2 =	vpack.i.f32.bf16 v2, v3;
	[tilespmem:s7+$0x14238] =	vst v1  }
0x2ed: {  	v3 =	vpack.i.f32.bf16 v4, v5;
	v53 =	vpack.i.f32.bf16 v7, v8;
	v1 =	vadd.f32 v58, v55;
	[tilespmem:s7+$0x14248] =	vst v2  }
0x2ee: {  	v4 =	vunpack.i.l.bf16.f32 v52;
	v8 =	vunpack.i.l.bf16.f32 v56;
	v2 =	vunpack.i.l.bf16.f32 v15;
	[tilespmem:s7+$0x14258] =	vst v3  }
0x2ef: {  	v54 =	vpack.i.f32.bf16 v9, v10;
	v3 =	vadd.f32 v61, v60;
	[tilespmem:s7+$0x14268] =	vst v53;
	v2 =	vadd.f32 v11, v2  }
0x2f0: {  	v5 =	vadd.f32 v63, v62;
	v4 =	vadd.f32 v8, v4;
	[tilespmem:s7+$0x14278] =	vst v54;
	v1 =	vpack.i.f32.bf16 v1, v59  }
0x2f1: {  	[tilespmem:s7+$0x14288] =	vst v1;
	v1 =	vpack.i.f32.bf16 v3, v2  }
0x2f2: {  	[tilespmem:s7+$0x14298] =	vst v1;
	v1 =	vpack.i.f32.bf16 v5, v4  }
0x2f3: {  	[tilespmem:s7+$0x142A8] =	vst v1  }
.LBB2_57:
0x2f4: {  	[tilespmem:s2+$0x14218] =	vst.msk $0x1, v0;
	s0 =	sshrl.u32 s6, $0x2  }
0x2f5: {  	v0 =	vld [tilespmem:s0+$0x14238];
	_ =	sdelay $0x2  }
0x2f6: {  	s31 =	sshll.u32 s2, $0x9  }
0x2f7: {  	s6 =	sshra.s32 s31, $0x2  }
0x2f8: {  	[tilespmem:s6+$0x14238] =	vst v0  }
0x2f9: {  	v0 =	vld [tilespmem:s0+$0x14248];
	_ =	sdelay $0x4  }
0x2fa: {  	[tilespmem:s6+$0x14248] =	vst v0  }
0x2fb: {  	v0 =	vld [tilespmem:s0+$0x14258];
	_ =	sdelay $0x4  }
0x2fc: {  	[tilespmem:s6+$0x14258] =	vst v0  }
0x2fd: {  	v0 =	vld [tilespmem:s0+$0x14268];
	_ =	sdelay $0x4  }
0x2fe: {  	[tilespmem:s6+$0x14268] =	vst v0  }
0x2ff: {  	v0 =	vld [tilespmem:s0+$0x14278];
	_ =	sdelay $0x4  }
0x300: {  	[tilespmem:s6+$0x14278] =	vst v0  }
0x301: {  	v0 =	vld [tilespmem:s0+$0x14288];
	_ =	sdelay $0x4  }
0x302: {  	[tilespmem:s6+$0x14288] =	vst v0  }
0x303: {  	v0 =	vld [tilespmem:s0+$0x14298];
	_ =	sdelay $0x4  }
0x304: {  	[tilespmem:s6+$0x14298] =	vst v0  }
0x305: {  	v0 =	vld [tilespmem:s0+$0x142A8];
	_ =	sdelay $0x4  }
0x306: {  	s2 =	sadd.s32 $0x1, s2;
	[tilespmem:s6+$0x142A8] =	vst v0  }
.LBB2_58:
0x307: {  	s5 =	sadd.s32 $0x1, s5  }
0x308: {  	p1 =	sne.s32 s5, $0x20  }
.Ltmp37:
0x309: {  	_ = 	snop;
	(pc) =	sbr.rel @!p1 .LBB2_59-.Ltmp37, $1  }
0x30a: {  	_ =	sdelay $0x3  }
.LBB2_48:
0x30b: {  	v0 =	vld.msk [tilespmem:s5+$0x14218], $0x1;
	_ =	sdelay $0x4  }
0x30c: {  	(v2sf) =	vpush v0, $0x0;
	_ =	sdelay $0xe  }
0x30d: {  	s6 =	spop (v2sf)  }
0x30e: {  	p1 =	seq.s32 s6, $0xFFFFFFFF  }
.Ltmp38:
0x30f: {  	_ = 	snop;
	(pc) =	sbr.rel @p1 .LBB2_58-.Ltmp38, $1  }
0x310: {  	_ =	sdelay $0x3  }
0x311: {  	p1 =	slt.s32 s2, $0x1  }
.Ltmp39:
0x312: {  	_ = 	snop;
	(pc) =	sbr.rel @p1 .LBB2_54-.Ltmp39, $1  }
0x313: {  	_ =	sdelay $0x3  }
0x314: {  	s7 =	simm.s32 $0x14218;
	p1 =	por $0x0, $0x0  }
0x315: {  	v1 =	vld.msk @!p1 [tilespmem:s7+$0x0], $0x1;
	_ =	sdelay $0x4  }
0x316: {  	(v2sf) =	vpush @!p1 v1, $0x0;
	_ =	sdelay $0xe  }
0x317: {  	p3 =	sne.s32 s2, $0x1;
	s0 =	spop @!p1 (v2sf)  }
.Ltmp40:
0x318: {  	s0 =	sxor.u32 @!p1 s6, s0;
	(pc) =	sbr.rel @!p3 .LBB2_52-.Ltmp40, $4  }
0x319: {  	p2 =	slt.u32 @!p1 s0, $0x2  }
0x31a: {  	s8 =	simm.s32 $0x0;
	p2 =	por !p2, p1  }
0x31b: {  	s0 =	simm.s32 $0xFFFFFFFF;
	s8 =	simm.s32 @p2 $0xFFFFFFFF  }
0x31c: {  	s9 =	simm.s32 $0x1;
	s8 =	smov.u32 @p1 s0  }
.LBB2_51:
0x31d: {  	s0 =	smov.u32 s8;
	p1 =	sne.s32 s8, $0xFFFFFFFF  }
0x31e: {  	s7 =	sadd.s32 $0x1, s7;
	s8 =	smov.u32 s9;
	s9 =	sadd.s32 $0x1, s9  }
0x31f: {  	p2 =	sne.s32 s2, s9;
	v1 =	vld.msk @!p1 [tilespmem:s7+$0x0], $0x1;
	_ =	sdelay $0x4  }
0x320: {  	(v2sf) =	vpush @!p1 v1, $0x0;
	_ =	sdelay $0xe  }
0x321: {  	s10 =	spop @!p1 (v2sf)  }
.Ltmp41:
0x322: {  	s10 =	sxor.u32 @!p1 s6, s10;
	(pc) =	sbr.rel @p2 .LBB2_51-.Ltmp41, $4  }
0x323: {  	p3 =	slt.u32 @!p1 s10, $0x2  }
0x324: {  	p3 =	por !p3, p1  }
0x325: {  	s8 =	simm.s32 @p3 $0xFFFFFFFF  }
0x326: {  	s8 =	smov.u32 @p1 s0  }
.LBB2_52:
0x327: {  	p1 =	seq.s32 s8, $0xFFFFFFFF  }
.Ltmp42:
0x328: {  	_ = 	snop;
	(pc) =	sbr.rel @p1 .LBB2_54-.Ltmp42, $1  }
0x329: {  	_ =	sdelay $0x3  }
0x32a: {  	s0 =	sshll.u32 s5, $0x7  }
0x32b: {  	s31 =	sshll.u32 s8, $0x9;
	s7 =	sand.u32 $0x3FFFFF80, s0  }
0x32c: {  	s6 =	sshra.s32 s31, $0x2;
	v0 =	vld [tilespmem:s7+$0x14238]  }
0x32d: {  	v1 =	vld [tilespmem:s6+$0x14238];
	_ =	sdelay $0x3  }
0x32e: {  	v2 =	vunpack.i.u.bf16.f32 v0  }
0x32f: {  	v0 =	vunpack.i.l.bf16.f32 v0;
	v3 =	vunpack.i.u.bf16.f32 v1;
	v1 =	vunpack.i.l.bf16.f32 v1  }
0x330: {  	v2 =	vadd.f32 v3, v2;
	v0 =	vadd.f32 v1, v0;
	_ =	sdelay $0x1  }
0x331: {  	v0 =	vpack.i.f32.bf16 v2, v0  }
0x332: {  	v43 =	vld [tilespmem:s6+$0x14248];
	[tilespmem:s6+$0x14238] =	vst v0  }
0x333: {  	v0 =	vld [tilespmem:s7+$0x14248];
	_ =	sdelay $0x3  }
0x334: {  	v45 =	vunpack.i.u.bf16.f32 v43  }
0x335: {  	v1 =	vunpack.i.l.bf16.f32 v43;
	v44 =	vunpack.i.u.bf16.f32 v0;
	v0 =	vunpack.i.l.bf16.f32 v0  }
0x336: {  	v2 =	vadd.f32 v45, v44;
	v0 =	vadd.f32 v1, v0;
	_ =	sdelay $0x1  }
0x337: {  	v0 =	vpack.i.f32.bf16 v2, v0  }
0x338: {  	v46 =	vld [tilespmem:s6+$0x14258];
	[tilespmem:s6+$0x14248] =	vst v0  }
0x339: {  	v0 =	vld [tilespmem:s7+$0x14258];
	_ =	sdelay $0x3  }
0x33a: {  	v48 =	vunpack.i.u.bf16.f32 v46  }
0x33b: {  	v1 =	vunpack.i.l.bf16.f32 v46;
	v47 =	vunpack.i.u.bf16.f32 v0;
	v0 =	vunpack.i.l.bf16.f32 v0  }
0x33c: {  	v2 =	vadd.f32 v48, v47;
	v0 =	vadd.f32 v1, v0;
	_ =	sdelay $0x1  }
0x33d: {  	v0 =	vpack.i.f32.bf16 v2, v0  }
0x33e: {  	v49 =	vld [tilespmem:s6+$0x14268];
	[tilespmem:s6+$0x14258] =	vst v0  }
0x33f: {  	v0 =	vld [tilespmem:s7+$0x14268];
	_ =	sdelay $0x3  }
0x340: {  	v51 =	vunpack.i.u.bf16.f32 v49  }
0x341: {  	v1 =	vunpack.i.l.bf16.f32 v49;
	v50 =	vunpack.i.u.bf16.f32 v0;
	v0 =	vunpack.i.l.bf16.f32 v0  }
0x342: {  	v2 =	vadd.f32 v51, v50;
	v0 =	vadd.f32 v1, v0;
	_ =	sdelay $0x1  }
0x343: {  	v0 =	vpack.i.f32.bf16 v2, v0  }
0x344: {  	v52 =	vld [tilespmem:s6+$0x14278];
	[tilespmem:s6+$0x14268] =	vst v0  }
0x345: {  	v0 =	vld [tilespmem:s7+$0x14278];
	_ =	sdelay $0x3  }
0x346: {  	v54 =	vunpack.i.u.bf16.f32 v52  }
0x347: {  	v1 =	vunpack.i.l.bf16.f32 v52;
	v53 =	vunpack.i.u.bf16.f32 v0;
	v0 =	vunpack.i.l.bf16.f32 v0  }
0x348: {  	v2 =	vadd.f32 v54, v53;
	v0 =	vadd.f32 v1, v0;
	_ =	sdelay $0x1  }
0x349: {  	v0 =	vpack.i.f32.bf16 v2, v0  }
0x34a: {  	v55 =	vld [tilespmem:s6+$0x14288];
	[tilespmem:s6+$0x14278] =	vst v0  }
0x34b: {  	v0 =	vld [tilespmem:s7+$0x14288];
	_ =	sdelay $0x3  }
0x34c: {  	v57 =	vunpack.i.u.bf16.f32 v55  }
0x34d: {  	v1 =	vunpack.i.l.bf16.f32 v55;
	v56 =	vunpack.i.u.bf16.f32 v0;
	v0 =	vunpack.i.l.bf16.f32 v0  }
0x34e: {  	v2 =	vadd.f32 v57, v56;
	v0 =	vadd.f32 v1, v0;
	_ =	sdelay $0x1  }
0x34f: {  	v0 =	vpack.i.f32.bf16 v2, v0  }
0x350: {  	v58 =	vld [tilespmem:s6+$0x14298];
	[tilespmem:s6+$0x14288] =	vst v0  }
0x351: {  	v0 =	vld [tilespmem:s7+$0x14298];
	_ =	sdelay $0x3  }
0x352: {  	v60 =	vunpack.i.u.bf16.f32 v58  }
0x353: {  	v1 =	vunpack.i.l.bf16.f32 v58;
	v59 =	vunpack.i.u.bf16.f32 v0;
	v0 =	vunpack.i.l.bf16.f32 v0  }
0x354: {  	v2 =	vadd.f32 v60, v59;
	v0 =	vadd.f32 v1, v0;
	_ =	sdelay $0x1  }
0x355: {  	v0 =	vpack.i.f32.bf16 v2, v0  }
0x356: {  	v61 =	vld [tilespmem:s6+$0x142A8];
	[tilespmem:s6+$0x14298] =	vst v0  }
0x357: {  	v0 =	vld [tilespmem:s7+$0x142A8];
	_ =	sdelay $0x3  }
0x358: {  	v63 =	vunpack.i.u.bf16.f32 v61  }
.Ltmp43:
0x359: {  	v1 =	vunpack.i.l.bf16.f32 v61;
	v62 =	vunpack.i.u.bf16.f32 v0;
	v0 =	vunpack.i.l.bf16.f32 v0;
	(pc) =	sbr.rel .LBB2_58-.Ltmp43, $3  }
0x35a: {  	v2 =	vadd.f32 v63, v62;
	v0 =	vadd.f32 v1, v0;
	_ =	sdelay $0x1  }
0x35b: {  	v0 =	vpack.i.f32.bf16 v2, v0  }
0x35c: {  	[tilespmem:s6+$0x142A8] =	vst v0  }
.LBB2_54:
0x35d: {  	p1 =	slt.u32 s6, $0xC34F02  }
.Ltmp44:
0x35e: {  	_ = 	snop;
	(pc) =	sbr.rel @p1 .LBB2_56-.Ltmp44, $1  }
0x35f: {  	_ =	sdelay $0x3  }
.Ltmp45:
0x360: {  	(pc) =	sbr.rel .LBB2_57-.Ltmp45, $2  }
0x361: {  	_ =	sdelay $0x2  }
0x362: {  	s6 =	sshll.u32 s5, $0x9  }
.LBB2_59:
0x363: {  	p1 =	slt.s32 s2, $0x1  }
.Ltmp46:
0x364: {  	_ = 	snop;
	(pc) =	sbr.rel @p1 .LBB2_63-.Ltmp46, $3  }
0x365: {  	_ =	sdelay $0x1  }
0x366: {  	s0 =	simm.s32 $0x8  }
0x367: {  	s3 =	simm.s32 $0x0;
	[sflag:s0] =	ssyncpa.u1 $0x1  }
0x368: {  	s0 =	simm.s32 $0x14218  }
0x369: {  	v0 =	vld.msk [tilespmem:s0+$0x0], $0x1;
	_ =	sdelay $0x4  }
0x36a: {  	(v2sf) =	vpush v0, $0x0;
	_ =	sdelay $0xd  }
0x36b: {  	s2 =	sadd.s32 $0xFFFFFFFF, s2  }
0x36c: {  	p1 =	sne.s32 s2, $0x0;
	s0 =	spop (v2sf)  }
.Ltmp47:
0x36d: {  	p2 =	sgt.u32 s0, $0xC34F01;
	(pc) =	sbr.rel @!p1 .LBB2_62-.Ltmp47, $4  }
0x36e: {  	s5 =	sshrl.u32 @!p2 s0, $0x1;
	s0 =	sshrl.u32 @!p2 s0, $0x4  }
0x36f: {  	s4 =	simm.s32 $0x14238;
	s0 =	sadd.s32 @!p2 s1, s0;
	s5 =	sand.u32 @!p2 $0x7, s5  }
0x370: {  	[hbm4b:s0+s5] =	stream.linear.scatter @!p2 [tilespmem:s4], [sflag:$0x7], $0x80, $0x38;
	[tilespmem:$0x1F4C8] =	vst v63  }
0x371: {  	s6 =	simm.s32 $0x14219;
	s5 =	simm.s32 $0x0  }
.LBB2_61:
0x372: {  	s0 =	simm.s32 $0x0  }
0x373: {  	v0 =	vld.msk [tilespmem:s6+$0x0], $0x1;
	s2 =	sadd.s32 $0xFFFFFFFF, s2;
	s0 =	simm.s32 @!p2 $0x200  }
0x374: {  	p1 =	sne.s32 s2, $0x0;
	s3 =	sadd.s32 s3, s0;
	_ =	sdelay $0x3  }
0x375: {  	(v2sf) =	vpush v0, $0x0;
	_ =	sdelay $0xe  }
.Ltmp48:
0x376: {  	s0 =	spop (v2sf);
	(pc) =	sbr.rel @p1 .LBB2_61-.Ltmp48, $4  }
0x377: {  	p2 =	sgt.u32 s0, $0xC34F01  }
0x378: {  	s4 =	sadd.s32 $0x80, s4;
	s7 =	sshrl.u32 @!p2 s0, $0x1;
	s0 =	sshrl.u32 @!p2 s0, $0x4  }
0x379: {  	s6 =	sadd.s32 $0x1, s6;
	s0 =	sadd.s32 @!p2 s1, s0;
	s7 =	sand.u32 @!p2 $0x7, s7  }
0x37a: {  	[hbm4b:s0+s7] =	stream.linear.scatter @!p2 [tilespmem:s4], [sflag:$0x7], $0x80, $0x38;
	[tilespmem:$0x1F4C8] =	vst v63  }
.LBB2_62:
0x37b: {  	s5 =	simm.s32 @!p2 $0x200  }
0x37c: {  	s0 =	sadd.s32 s3, s5  }
0x37d: {  	s3 =	sshrl.u32 s0, $0x2  }
.LBB2_63:
0x37e: {  	s0 =	simm.s32 $0x7  }
0x37f: {  	_ =	swait.ge [sflag:s0], s3  }
0x380: {  	s1 =	ssub.s32 $0x0, s3;
	[sflag:s0] =	ssyncset.done $0x0  }
0x381: {  	[sflag:s0] =	ssyncadd.s32 s1  }
0x382: {  	[sflag:s0] =	ssyncpa.u1 $0x1  }
.LBB2_64:
0x383: {  	_ =	sfence;
	s0 =	simm.s32 $0x1  }
0x384: {  	[sflag:s0] =	ssyncpa.u1 $0x1  }
0x385: {  	_ =	strace $0x90000053  }
0x386: {  	[bflag:$0x2] =	sbarrier.arrive $0xFFFF  }
0x387: {  	s0 =	rddreg [dreg:$0x3]  }
0x388: {  	s0 =	sadd.s32 @!p0 $0x100000, s0  }
0x389: {  	[sflag:s0] =	ssyncadd.tile.s32 @!p0 $0x1;
	_ =	shalt  }
.Lfunc_end2:
_tile_overlayer_lowered:
.L_overlay_start_2:
0x38a: {  	(tag) =	ssettag $0x2  }
0x38b: {  	s0 =	rddreg [dreg:$0x0];
	s2 =	stileid.u32  }
0x38c: {  	s1 =	rddreg [dreg:$0x1];
	p0 =	sne.s32 s2, $0x0  }
0x38d: {  	s3 =	rddreg [dreg:$0x2];
	[bflag:$0x3] =	sbarrier.arrive $0xFFFF;
	s2 =	simm.s32 @!p0 $0x1C01  }
0x38e: {  	[timem:s3], [sflag:s2] =	dma.local @!p0 [hbm:s0], s1  }
0x38f: {  	s0 =	simm.s32 @!p0 $0x1  }
0x390: {  	_ =	swait.ge @!p0 [sflag:s0], s1  }
0x391: {  	s1 =	ssub.s32 @!p0 $0x0, s1;
	[sflag:s0] =	ssyncset.done @!p0 $0x0  }
0x392: {  	[sflag:s0] =	ssyncadd.s32 @!p0 s1  }
0x393: {  	[bflag:$0x3] =	sbarrier.arrive $0xFFFF  }
0x394: {  	_ =	shalt  }

// kernel: scatter_offload_async_start
scs
__scs_entry_jumppad:
0x0: {  	(pc) =	sbr.rel $0x88, $3  }
0x1: {  	(tag) =	ssettag $0x0;
	lr =	simm.s32 $0x1  }
0x2: {  	[smem:$0x3F8B] =	sst lr;
	_ =	strace $0xD0000000  }
0x3: {  	_ = 	snop  }
0x4: {  	_ = 	snop  }
0x5: {  	_ = 	snop  }
0x6: {  	_ = 	snop  }
0x7: {  	_ = 	snop  }
__scs_overlays_trampoline_lowered:
0x8: {  	[smem:$0x3F9A] =	sst s0  }
0x9: {  	[smem:$0x3F9B] =	sst s1  }
0xa: {  	[smem:$0x3F9C] =	sst s2  }
0xb: {  	[smem:$0x3F9D] =	sst s3  }
0xc: {  	[smem:$0x3F9E] =	sst s4  }
0xd: {  	[smem:$0x3F9F] =	sst s5  }
0xe: {  	[smem:$0x3FA0] =	sst s6  }
0xf: {  	[smem:$0x3FA1] =	sst s7  }
0x10: {  	[smem:$0x3FA2] =	sst s8  }
0x11: {  	[smem:$0x3FA3] =	sst s9;
	s0 =	simm.s32 @!p0 $0x0  }
0x12: {  	s1 =	sld [smem:$0x3F89];
	s0 =	simm.s32 @p0 $0x1  }
0x13: {  	[smem:$0x3FA4] =	sst s0;
	s0 =	simm.s32 @!p1 $0x0  }
0x14: {  	s2 =	sld [smem:$0x3F88];
	s0 =	simm.s32 @p1 $0x1  }
0x15: {  	[smem:$0x3FA5] =	sst s0;
	s0 =	simm.s32 @!p2 $0x0  }
0x16: {  	s3 =	sld [smem:$0x3FDB];
	s0 =	simm.s32 @p2 $0x1  }
0x17: {  	s4 =	simm.s32 $0x1BF5;
	[smem:$0x3FA7] =	sst s0  }
0x18: {  	s0 =	sld [smem:$0x3F8A];
	_ =	swait.ge [sflag:s4], $0x0  }
0x19: {  	s7 =	sld [smem:$0x3F8B]  }
0x1a: {  	s8 =	sadd.s32 $0xFFFFE003, lr  }
0x1b: {  	s9 =	sadd.s32 $0xFFFFFEF7, lr;
	s5 =	simm.s32 $0xFFFFFFFF;
	p2 =	slt.u32 s8, $0xFFFFF086  }
0x1c: {  	p1 =	slt.u32 s9, $0xF7A;
	s5 =	simm.s32 @!p2 $0x0  }
0x1d: {  	s5 =	simm.s32 @p1 $0x1;
	p0 =	seq.s32 s7, s2  }
0x1e: {  	s7 =	smul.u32 @!p0 $0xF7A, s2;
	p2 =	seq.s32 @!p0 s5, $0x0  }
0x1f: {  	s9 =	smul.u32 $0xF7A, s1;
	s8 =	simm.s32 @!p0 $0x1BF5;
	p2 =	por !p2, p0  }
0x20: {  	[sflag:s8] =	ssyncset.s32 @!p0 $0xFFFFF086;
	s6 =	sadd.s32 @!p0 s3, s7;
	s7 =	simm.s32 @!p0 $0x108  }
0x21: {  	s3 =	sadd.s32 s3, s9;
	s6 =	sadd.s32 @!p0 $0x88, s6;
	s7 =	simm.s32 @p2 $0x1082  }
0x22: {  	[simem:s7], [sflag:s8] =	dma.local @!p0 [hbm:s6], $0xF7A  }
0x23: {  	s9 =	sor.u32 $0xD0000000, s2;
	s6 =	simm.s32 $0x108;
	_ =	swait.ge @!p0 [sflag:s8], $0x0  }
0x24: {  	s3 =	sadd.s32 $0x88, s3;
	s6 =	simm.s32 @!p1 $0x1082;
	[sflag:s4] =	ssyncset.s32 $0xFFFFF086  }
0x25: {  	[simem:s6], [sflag:s4] =	dma.local [hbm:s3], $0xF7A  }
0x26: {  	[smem:$0x3F8B] =	sst s1;
	(tag) =	ssettag s2;
	_ =	strace s9  }
0x27: {  	s1 =	sld [smem:$0x3F9B]  }
0x28: {  	s2 =	sld [smem:$0x3F9C]  }
0x29: {  	s4 =	sld [smem:$0x3F9E]  }
0x2a: {  	p0 =	seq.s32 s5, $0x0;
	s5 =	sld [smem:$0x3F9F]  }
0x2b: {  	s6 =	sld [smem:$0x3FA0]  }
0x2c: {  	s7 =	sld [smem:$0x3FA1]  }
0x2d: {  	s3 =	simm.s32 $0x108;
	s8 =	sld [smem:$0x3FA2]  }
0x2e: {  	s3 =	simm.s32 @!p0 $0x1082;
	s9 =	sld [smem:$0x3FA3]  }
0x2f: {  	lr =	sadd.s32 s0, s3;
	s0 =	sld [smem:$0x3F9A]  }
0x30: {  	s3 =	sld [smem:$0x3F9D]  }
0x31: {  	[smem:$0x3FA6] =	sst s10  }
0x32: {  	s10 =	sld [smem:$0x3FA4];
	_ =	sdelay $0x3  }
0x33: {  	p0 =	seq.s32 s10, $0x1;
	s10 =	sld [smem:$0x3FA6];
	_ =	sdelay $0x3  }
0x34: {  	[smem:$0x3FA6] =	sst s10  }
0x35: {  	s10 =	sld [smem:$0x3FA5];
	_ =	sdelay $0x3  }
0x36: {  	p1 =	seq.s32 s10, $0x1;
	s10 =	sld [smem:$0x3FA6];
	_ =	sdelay $0x3  }
0x37: {  	[smem:$0x3FA6] =	sst s10  }
0x38: {  	s10 =	sld [smem:$0x3FA7]  }
0x39: {  	_ = 	snop;
	(pc) =	sbr.ind lr, $3  }
0x3a: {  	_ = 	snop  }
0x3b: {  	_ = 	snop  }
0x3c: {  	p2 =	seq.s32 s10, $0x1;
	s10 =	sld [smem:$0x3FA6]  }
0x3d: {  	_ =	shalt  }
0x3e: {  	_ =	shalt  }
0x3f: {  	_ =	shalt  }
0x40: {  	_ =	shalt  }
0x41: {  	_ =	shalt  }
0x42: {  	_ =	shalt  }
0x43: {  	_ =	shalt  }
0x44: {  	_ =	shalt  }
0x45: {  	_ =	shalt  }
0x46: {  	_ =	shalt  }
0x47: {  	_ =	shalt  }
0x48: {  	_ =	shalt  }
0x49: {  	_ =	shalt  }
0x4a: {  	_ =	shalt  }
0x4b: {  	_ =	shalt  }
0x4c: {  	_ =	shalt  }
0x4d: {  	_ =	shalt  }
0x4e: {  	_ =	shalt  }
0x4f: {  	_ =	shalt  }
0x50: {  	_ =	shalt  }
0x51: {  	_ =	shalt  }
0x52: {  	_ =	shalt  }
0x53: {  	_ =	shalt  }
0x54: {  	_ =	shalt  }
0x55: {  	_ =	shalt  }
0x56: {  	_ =	shalt  }
0x57: {  	_ =	shalt  }
0x58: {  	_ =	shalt  }
0x59: {  	_ =	shalt  }
0x5a: {  	_ =	shalt  }
0x5b: {  	_ =	shalt  }
0x5c: {  	_ =	shalt  }
0x5d: {  	_ =	shalt  }
0x5e: {  	_ =	shalt  }
0x5f: {  	_ =	shalt  }
0x60: {  	_ =	shalt  }
0x61: {  	_ =	shalt  }
0x62: {  	_ =	shalt  }
0x63: {  	_ =	shalt  }
0x64: {  	_ =	shalt  }
0x65: {  	_ =	shalt  }
0x66: {  	_ =	shalt  }
0x67: {  	_ =	shalt  }
0x68: {  	_ =	shalt  }
0x69: {  	_ =	shalt  }
0x6a: {  	_ =	shalt  }
0x6b: {  	_ =	shalt  }
0x6c: {  	_ =	shalt  }
0x6d: {  	_ =	shalt  }
0x6e: {  	_ =	shalt  }
0x6f: {  	_ =	shalt  }
0x70: {  	_ =	shalt  }
0x71: {  	_ =	shalt  }
0x72: {  	_ =	shalt  }
0x73: {  	_ =	shalt  }
0x74: {  	_ =	shalt  }
0x75: {  	_ =	shalt  }
0x76: {  	_ =	shalt  }
0x77: {  	_ =	shalt  }
0x78: {  	_ =	shalt  }
0x79: {  	_ =	shalt  }
0x7a: {  	_ =	shalt  }
0x7b: {  	_ =	shalt  }
0x7c: {  	_ =	shalt  }
0x7d: {  	_ =	shalt  }
0x7e: {  	_ =	shalt  }
0x7f: {  	_ =	shalt  }
0x80: {  	_ =	shalt  }
0x81: {  	_ =	shalt  }
0x82: {  	_ =	shalt  }
0x83: {  	_ =	shalt  }
0x84: {  	_ =	shalt  }
0x85: {  	_ =	shalt  }
0x86: {  	_ =	shalt  }
0x87: {  	_ =	shalt  }
.Lfunc_end0:
.L_simem_size_0:
called_computation_lowered:
.L_overlay_start_0:
0x88: {  	s2 =	sld [smem:$0x3FD9]  }
0x89: {  	s3 =	sld [smem:$0x3FFE];
	_ =	sdelay $0x1  }
0x8a: {  	s1 =	srdreg.scid  }
0x8b: {  	s0 =	sand.u32 $0x1, s1  }
0x8c: {  	s15 =	sshll.u32 s0, $0xA;
	s2 =	sadd.s32 s3, s2  }
0x8d: {  	s2 =	sadd.s32 s2, s15  }
0x8e: {  	[smem:$0x3FB2] =	sst s2  }
0x8f: {  	_ = 	snop  }
0x90: {  	(tm) =	ssettm $0x1  }
0x91: {  	s16 =	sld [smem:$0x3FFB];
	_ =	sdelay $0x3  }
0x92: {  	_ =	strace s16  }
0x93: {  	s2 =	sld [smem:$0x3FFC];
	_ =	sdelay $0x3  }
0x94: {  	_ =	strace s2  }
0x95: {  	s2 =	sld [smem:$0x3FFD];
	_ =	sdelay $0x3  }
0x96: {  	_ =	strace s2  }
0x97: {  	_ =	strace $0x8FFFFFFF  }
0x98: {  	s17 =	sld [smem:$0x3FDB];
	_ =	sdelay $0x1  }
0x99: {  	s18 =	simm.s32 $_scs_section_size  }
0x9a: {  	s4 =	simm.s32 $_size__tile_overlayer_lowered;
	s5 =	simm.s32 $_tile_overlayer_lowered  }
0x9b: {  	s6 =	simm.s32 $0x1BFF;
	s19 =	sshll.u32 s5, $0x1;
	s3 =	sadd.s32 s18, s17  }
0x9c: {  	s20 =	simm.s32 $0x0;
	s4 =	sshll.u32 s4, $0x1;
	s5 =	sadd.s32 s19, s3  }
0x9d: {  	[timem:s20], [sflag:s6] =	dma.local [hbm:s5], s4  }
0x9e: {  	_ =	swait.ge [sflag:s6], s4  }
0x9f: {  	s4 =	ssub.s32 $0x0, s4;
	[sflag:s6] =	ssyncset.done $0x0  }
0xa0: {  	[sflag:s6] =	ssyncadd.s32 s4;
	_ =	sdelay $0x1  }
0xa1: {  	s21 =	simm.s32 $0x1B8B  }
0xa2: {  	_ =	swait.ge [sflag:s21], $0x1  }
0xa3: {  	[sflag:s21] =	ssyncset.done $0x0  }
0xa4: {  	s22 =	sld [smem:$0x3FFE];
	[sflag:s21] =	ssyncadd.s32 $0xFFFFFFFF  }
0xa5: {  	s24 =	simm.s32 $0x1B8E;
	s23 =	sld [smem:$0x0]  }
0xa6: {  	s25 =	simm.s32 $execute0_lowered;
	[smem:$0x3FD2] =	sst s24  }
0xa7: {  	s6 =	sshll.u32 s25, $0x1;
	_ =	strace $0x80000049;
	[dreg:$0x1] =	wrdreg $0xFFFFFFFF  }
0xa8: {  	s7 =	simm.s32 $_size_execute0_lowered;
	s6 =	sadd.s32 s3, s6;
	[dreg:$0x0] =	wrdreg $0x0  }
0xa9: {  	s7 =	sshll.u32 s7, $0x1;
	[dreg:$0x2] =	wrdreg s6  }
0xaa: {  	[dreg:$0x3] =	wrdreg s7  }
0xab: {  	[dreg:$0x4] =	wrdreg $0xC0  }
0xac: {  	s26 =	simm.s32 $execute1_lowered;
	_ =	task [dreg:s20], $0x5FFFF  }
0xad: {  	s6 =	sshll.u32 s26, $0x1;
	[dreg:$0x1] =	wrdreg $0xFFFFFFFF  }
0xae: {  	s3 =	sadd.s32 s3, s6;
	[dreg:$0x0] =	wrdreg $0x60  }
0xaf: {  	[dreg:$0x2] =	wrdreg s3  }
0xb0: {  	[dreg:$0x3] =	wrdreg s22  }
0xb1: {  	[dreg:$0x4] =	wrdreg $0x9  }
0xb2: {  	_ =	task.clear_ibuf [dreg:s20], $0x5FFFF;
	_ =	strace $0x90000049  }
0xb3: {  	s28 =	simm.s32 $0x9;
	_ =	strace $0x8000004B  }
0xb4: {  	_ =	swait.ge [sflag:s28], $0x1  }
0xb5: {  	[sflag:s28] =	ssyncadd.s32 $0xFFFFFFFF  }
0xb6: {  	_ =	strace $0x9000004B  }
0xb7: {  	s3 =	sld [smem:$0x0]  }
0xb8: {  	s6 =	sand.u32 $0xFFFFFFFE, s1  }
0xb9: {  	p0 =	sne.s32 s1, s6  }
0xba: {  	s6 =	sshll.u32 @p0 s6, $0xE  }
0xbb: {  	s6 =	sadd.s32 @p0 $0x11BF3, s6;
	s7 =	sshll.u32 @p0 s3, $0x11  }
0xbc: {  	s6 =	sor.u32 @p0 s7, s6  }
0xbd: {  	[sflag:s6] =	ssyncadd.remote.s32 @p0 $0x1;
	_ =	sdelay $0x1  }
0xbe: {  	s6 =	simm.s32 @p0 $0x1BF3  }
0xbf: {  	_ =	swait.eq @p0 [sflag:s6], $0x1  }
0xc0: {  	[sflag:s6] =	ssyncadd.s32 @p0 $0xFFFFFFFF  }
0xc1: {  	s7 =	sshll.u32 @!p0 s1, $0xE  }
0xc2: {  	s7 =	sor.u32 @!p0 $0x4000, s7;
	s6 =	simm.s32 @!p0 $0x1BF3  }
0xc3: {  	s3 =	sshll.u32 @!p0 s3, $0x11;
	s7 =	sadd.s32 @!p0 $0x11BF3, s7;
	_ =	swait.eq @!p0 [sflag:s6], $0x1  }
0xc4: {  	s3 =	sor.u32 @!p0 s3, s7;
	[sflag:s6] =	ssyncadd.s32 @!p0 $0xFFFFFFFF  }
0xc5: {  	[sflag:s3] =	ssyncadd.remote.s32 @!p0 $0x1  }
0xc6: {  	_ =	strace $0x8000004C;
	[dreg:$0x1] =	wrdreg $0xFFFFFFFF  }
0xc7: {  	[dreg:$0x0] =	wrdreg $0x2030  }
0xc8: {  	[dreg:$0x2] =	wrdreg s22  }
0xc9: {  	[dreg:$0x3] =	wrdreg s1  }
0xca: {  	[dreg:$0x4] =	wrdreg s23  }
0xcb: {  	[dreg:$0x5] =	wrdreg $0xA  }
0xcc: {  	_ =	task.clear_ibuf [dreg:s20], $0x6FFFF;
	_ =	strace $0x9000004C  }
0xcd: {  	s29 =	simm.s32 $0xA;
	_ =	strace $0x8000004E  }
0xce: {  	_ =	swait.ge [sflag:s29], $0x1  }
0xcf: {  	[sflag:s29] =	ssyncadd.s32 $0xFFFFFFFF  }
0xd0: {  	_ =	strace $0x9000004E  }
0xd1: {  	_ =	sfence  }
0xd2: {  	s30 =	sld [smem:$0x0];
	_ =	sdelay $0x2  }
0xd3: {  	s31 =	sshll.u32 s1, $0xD;
	s1 =	sshrl.u32 s1, $0x2  }
0xd4: {  	s4 =	sand.u32 $0x4000, s31;
	s1 =	sadd.s32 s1, s30  }
0xd5: {  	s0 =	sor.u32 s4, s0;
	s1 =	sshll.u32 s1, $0x11  }
0xd6: {  	s0 =	sor.u32 s1, s0  }
0xd7: {  	s0 =	sadd.s32 $0x8F2B, s0  }
0xd8: {  	[sflag:s0] =	ssyncadd.remote.s32 $0x1  }
0xd9: {  	_ =	sfence.sel $0xFFFF  }
0xda: {  	[dreg:$0x0] =	wrdreg $0xFFFFFFFF;
	(pc) =	sbr.abs _section_cstart, $3  }
0xdb: {  	[dreg:$0x1] =	wrdreg $0xFFFFFFFF  }
0xdc: {  	_ =	task.clear_ibuf [dreg:s20], $0x2FFFF;
	_ =	strace $0x9FFFFFFF  }
0xdd: {  	(tm) =	ssettm $0x7FFFFFFF  }
tec
execute0_lowered:
.L_overlay_start_1:
0x0: {  	(tag) =	ssettag $0x1  }
0x1: {  	s2 =	rddreg [dreg:$0x0]  }
0x2: {  	s4 =	rddreg [dreg:$0x1]  }
0x3: {  	s0 =	rddreg [dreg:$0x2];
	s3 =	stileid.u32  }
0x4: {  	[bflag:$0x3] =	sbarrier.arrive $0xFFFF;
	s1 =	simm.s32 $_size_execute1_lowered;
	s29 =	srdreg.scid  }
0x5: {  	s7 =	simm.s32 $0x2;
	s8 =	simm.s32 $0x0;
	p0 =	sne.s32 s3, $0x0  }
0x6: {  	s1 =	sshll.u32 s1, $0x1;
	s5 =	simm.s32 @!p0 $0x1C3F;
	s6 =	simm.s32 @!p0 $0x4060  }
0x7: {  	[timem:s6], [sflag:s5] =	dma.local @!p0 [hbm:s2], s1  }
0x8: {  	s12 =	simm.s32 $0x0;
	s10 =	simm.s32 $0x0;
	s2 =	sshll.u32 s29, $0x8  }
.Ltmp0:
0x9: {  	s3 =	sshll.u32 s3, $0x9;
	s30 =	sand.u32 $0x100, s2;
	(pc) =	sbr.rel .LBB2_1-.Ltmp0, $4  }
0xa: {  	s11 =	simm.s32 $0x0;
	s5 =	simm.s32 $0x1;
	s3 =	sor.u32 s3, s30  }
0xb: {  	_ =	strace $0x8000004A;
	s2 =	sadd.s32 $0x78200, s4;
	s31 =	ssub.s32 $0x18600, s3  }
0xc: {  	s4 =	sadd.s32 $0xAD8200, s4;
	[sflag:s5] =	ssyncpa.u1 $0x0;
	s6 =	sshrl.u32 s31, $0xD  }
0xd: {  	[sflag:s7] =	ssyncpa.u1 $0x0;
	s9 =	smov.u32 s3;
	s7 =	sadd.s32 $0x2, s6  }
.LBB2_5:
0xe: {  	_ =	sdelay $0x3  }
0xf: {  	[tilespmem:v1+s16+$0x0 ss:$0x1] =	vst.idx.msk $0xffff, v7  }
0x10: {  	v62 =	vld.idx.msk [tilespmem:v0+s16+$0x20 ss:$0x1], $0xffff;
	[tilespmem:v1+s17+$0x30 ss:$0x1] =	vst.idx.msk $0xffff, v4  }
0x11: {  	v63 =	vld.idx.msk [tilespmem:v0+s16+$0x30 ss:$0x1], $0xffff;
	[tilespmem:v1+s17+$0x0 ss:$0x1] =	vst.idx.msk $0xffff, v2  }
0x12: {  	[tilespmem:v1+s17+$0x10 ss:$0x1] =	vst.idx.msk $0xffff, v3  }
0x13: {  	[tilespmem:v1+s17+$0x20 ss:$0x1] =	vst.idx.msk $0xffff, v5  }
0x14: {  	[tilespmem:v1+s16+$0x10 ss:$0x1] =	vst.idx.msk $0xffff, v6  }
0x15: {  	[tilespmem:v1+s16+$0x20 ss:$0x1] =	vst.idx.msk $0xffff, v62  }
0x16: {  	[tilespmem:v1+s16+$0x30 ss:$0x1] =	vst.idx.msk $0xffff, v63  }
.LBB2_6:
0x17: {  	s15 =	sand.u32 $0x1FFFFFE, s10  }
0x18: {  	s16 =	smulhi.u32 $0x14F8B59, s15;
	_ =	sdelay $0x1  }
0x19: {  	s16 =	sshrl.u32 s16, $0x9  }
0x1a: {  	s16 =	smul.u32 $0x186A0, s16;
	_ =	sdelay $0x1  }
0x1b: {  	s15 =	ssub.s32 s15, s16  }
0x1c: {  	s15 =	sshll.u32 s15, $0x3  }
0x1d: {  	s15 =	sadd.s32 s4, s15  }
0x1e: {  	[hbm4b:s15+s8] =	stream.linear.scatter [tilespmem:s14], [sflag:$0x2], s13, $0x38;
	[tilespmem:$0x10000] =	vst v63  }
.LBB2_7:
0x1f: {  	p1 =	slt.u32 s11, $0x2  }
0x20: {  	p2 =	sgt.s32 @!p1 s12, $0x185A0  }
0x21: {  	s13 =	smov.u32 s12;
	s14 =	sshra.s32 @!p1 s12, $0x1F;
	p2 =	por !p2, p1  }
0x22: {  	s12 =	sand.u32 @!p1 s14, s12;
	s13 =	simm.s32 @p2 $0x185A0  }
0x23: {  	s12 =	ssub.s32 @!p1 s13, s12  }
0x24: {  	s12 =	sadd.s32 @!p1 $0xFFFE7A60, s12  }
0x25: {  	s13 =	sshll.u32 @!p1 s12, $0x8  }
0x26: {  	p2 =	sgt.s32 @!p1 s12, $0xFF;
	s12 =	ssub.s32 @!p1 $0x10000, s13  }
0x27: {  	s14 =	sadd.s32 $0x2000, s9;
	p2 =	por !p2, p1;
	s12 =	sshrl.u32 @!p1 s12, $0x2  }
0x28: {  	s12 =	simm.s32 @!p2 $0x0;
	p2 =	sgt.s32 s14, $0x1869F  }
0x29: {  	s14 =	smov.u32 @p2 s3;
	p2 =	sne.s32 s11, s7  }
.Ltmp1:
0x2a: {  	_ = 	snop;
	(pc) =	sbr.rel @!p2 .LBB2_8-.Ltmp1, $4  }
0x2b: {  	s13 =	simm.s32 @!p1 $0x2  }
0x2c: {  	_ =	swait.ge @!p1 [sflag:s13], s12;
	s15 =	ssub.s32 @!p1 $0x0, s12  }
0x2d: {  	s12 =	smov.u32 s10;
	s11 =	sadd.s32 $0x1, s11;
	[sflag:s13] =	ssyncset.done @!p1 $0x0  }
0x2e: {  	s10 =	smov.u32 s9;
	s9 =	smov.u32 s14;
	[sflag:s13] =	ssyncadd.s32 @!p1 s15  }
.LBB2_1:
0x2f: {  	p1 =	sgt.u32 s11, s6  }
0x30: {  	s14 =	smov.u32 s9;
	p2 =	sgt.s32 @!p1 s9, $0x185A0  }
0x31: {  	s13 =	sand.u32 @!p1 $0x1FFFFFE, s9;
	s15 =	sshra.s32 @!p1 s9, $0x1F;
	p2 =	por !p2, p1  }
0x32: {  	s16 =	smulhi.u32 @!p1 $0x14F8B59, s13;
	s15 =	sand.u32 @!p1 s15, s9;
	s14 =	simm.s32 @p2 $0x185A0  }
0x33: {  	s14 =	ssub.s32 @!p1 s14, s15  }
0x34: {  	s15 =	sshrl.u32 @!p1 s16, $0x9;
	s14 =	sadd.s32 @!p1 $0xFFFE7A60, s14  }
0x35: {  	s15 =	smul.u32 @!p1 $0x186A0, s15;
	s16 =	sshll.u32 @!p1 s14, $0x8  }
0x36: {  	p2 =	sgt.s32 @!p1 s14, $0xFF;
	s14 =	sxor.u32 @!p1 $0xFFFFFFFF, s11;
	s16 =	ssub.s32 @!p1 $0x10000, s16  }
0x37: {  	s13 =	ssub.s32 @!p1 s13, s15;
	p2 =	por !p2, p1;
	s14 =	sshll.u32 @!p1 s14, $0xE  }
0x38: {  	s15 =	sshrl.u32 @!p1 s16, $0x2;
	s13 =	sshll.u32 @!p1 s13, $0x3;
	s14 =	sand.u32 @!p1 $0x4000, s14  }
0x39: {  	s16 =	simm.s32 @!p1 $0x0;
	s15 =	simm.s32 @!p2 $0x0;
	s13 =	sadd.s32 @!p1 s2, s13  }
0x3a: {  	[tilespmem:s14], [sflag:$0x1] =	stream.linear.gather @!p1 [hbm4b:s13+s16], s15, $0x38;
	[tilespmem:$0x10000] =	vst v63  }
0x3b: {  	p1 =	seq.s32 s11, $0x0  }
0x3c: {  	p2 =	sge.u32 @!p1 s11, s7  }
0x3d: {  	p1 =	por p1, p2  }
.Ltmp2:
0x3e: {  	_ = 	snop;
	(pc) =	sbr.rel @p1 .LBB2_7-.Ltmp2, $1  }
0x3f: {  	_ =	sdelay $0x3  }
0x40: {  	p1 =	sgt.s32 s10, $0x185A0;
	s13 =	smov.u32 s10;
	s14 =	sshra.s32 s10, $0x1F  }
0x41: {  	s13 =	simm.s32 @!p1 $0x185A0;
	s14 =	sand.u32 s14, s10  }
0x42: {  	s13 =	ssub.s32 s13, s14  }
0x43: {  	s13 =	sadd.s32 $0xFFFE7A60, s13  }
0x44: {  	s31 =	sshll.u32 s13, $0x8  }
0x45: {  	s14 =	ssub.s32 $0x10000, s31  }
0x46: {  	p1 =	sgt.s32 s13, $0xFF;
	s13 =	sshrl.u32 s14, $0x2;
	s14 =	sadd.s32 $0x100, s10  }
0x47: {  	s13 =	simm.s32 @p1 $0x0;
	p1 =	slt.s32 s14, $0x186A0  }
0x48: {  	s15 =	sshll.u32 s11, $0xF;
	s14 =	simm.s32 @!p1 $0x186A0  }
0x49: {  	s16 =	sand.u32 $0x8000, s15;
	s15 =	ssub.s32 s14, s10  }
0x4a: {  	p1 =	slt.s32 s15, $0x1  }
.Ltmp3:
0x4b: {  	_ = 	snop;
	(pc) =	sbr.rel @p1 .LBB2_6-.Ltmp3, $4  }
0x4c: {  	_ = 	snop  }
0x4d: {  	_ =	swait.ge [sflag:s5], s13  }
0x4e: {  	s16 =	sshrl.u32 s16, $0x1;
	s17 =	ssub.s32 $0x0, s13;
	[sflag:s5] =	ssyncset.done $0x0  }
0x4f: {  	s14 =	sor.u32 $0x8000, s16;
	[sflag:s5] =	ssyncadd.s32 s17  }
0x50: {  	v0 =	vmov s16;
	_ =	sdelay $0x1  }
0x51: {  	s31 =	simm.s32 $0x0  }
0x52: {  	s17 =	sand.u32 $0xFE00, s31  }
0x53: {  	s16 =	sshrl.u32 s17, $0x2;
	s17 =	sor.u32 $0x100, s17  }
0x54: {  	p1 =	sgt.s32 s15, $0x2;
	s17 =	sshrl.u32 s17, $0x2;
	v7 =	vld.idx.msk [tilespmem:v0+s16+$0x0 ss:$0x1], $0xffff  }
.Ltmp4:
0x55: {  	v1 =	vmov s14;
	v4 =	vld.idx.msk [tilespmem:v0+s17+$0x30 ss:$0x1], $0xffff;
	(pc) =	sbr.rel @!p1 .LBB2_5-.Ltmp4, $4  }
0x56: {  	v2 =	vld.idx.msk [tilespmem:v0+s17+$0x0 ss:$0x1], $0xffff  }
0x57: {  	v3 =	vld.idx.msk [tilespmem:v0+s17+$0x10 ss:$0x1], $0xffff  }
0x58: {  	v5 =	vld.idx.msk [tilespmem:v0+s17+$0x20 ss:$0x1], $0xffff  }
0x59: {  	s18 =	simm.s32 $0x2;
	s19 =	simm.s32 $0x200;
	v6 =	vld.idx.msk [tilespmem:v0+s16+$0x10 ss:$0x1], $0xffff  }
.LBB2_4:
0x5a: {  	s20 =	sand.u32 $0xFE00, s19;
	s18 =	sadd.s32 $0x2, s18;
	[tilespmem:v1+s16+$0x0 ss:$0x1] =	vst.idx.msk $0xffff, v7;
	v8 =	vld.idx.msk [tilespmem:v0+s16+$0x20 ss:$0x1], $0xffff  }
0x5b: {  	s21 =	sshrl.u32 s20, $0x2;
	s20 =	sor.u32 $0x100, s20;
	p1 =	slt.s32 s18, s15;
	v9 =	vld.idx.msk [tilespmem:v0+s16+$0x30 ss:$0x1], $0xffff;
	[tilespmem:v1+s17+$0x30 ss:$0x1] =	vst.idx.msk $0xffff, v4  }
0x5c: {  	v7 =	vld.idx.msk [tilespmem:v0+s21+$0x0 ss:$0x1], $0xffff;
	s20 =	sshrl.u32 s20, $0x2;
	[tilespmem:v1+s17+$0x0 ss:$0x1] =	vst.idx.msk $0xffff, v2  }
.Ltmp5:
0x5d: {  	v4 =	vld.idx.msk [tilespmem:v0+s20+$0x30 ss:$0x1], $0xffff;
	[tilespmem:v1+s17+$0x10 ss:$0x1] =	vst.idx.msk $0xffff, v3;
	(pc) =	sbr.rel @p1 .LBB2_4-.Ltmp5, $4  }
0x5e: {  	v2 =	vld.idx.msk [tilespmem:v0+s20+$0x0 ss:$0x1], $0xffff;
	[tilespmem:v1+s17+$0x20 ss:$0x1] =	vst.idx.msk $0xffff, v5;
	s17 =	smov.u32 s20  }
0x5f: {  	v3 =	vld.idx.msk [tilespmem:v0+s17+$0x10 ss:$0x1], $0xffff;
	[tilespmem:v1+s16+$0x10 ss:$0x1] =	vst.idx.msk $0xffff, v6  }
0x60: {  	v5 =	vld.idx.msk [tilespmem:v0+s17+$0x20 ss:$0x1], $0xffff;
	[tilespmem:v1+s16+$0x20 ss:$0x1] =	vst.idx.msk $0xffff, v8  }
0x61: {  	s19 =	sadd.s32 $0x200, s19;
	v6 =	vld.idx.msk [tilespmem:v0+s21+$0x10 ss:$0x1], $0xffff;
	[tilespmem:v1+s16+$0x30 ss:$0x1] =	vst.idx.msk $0xffff, v9;
	s16 =	smov.u32 s21  }
.Ltmp6:
0x62: {  	_ = 	snop;
	(pc) =	sbr.rel .LBB2_5-.Ltmp6, $1  }
0x63: {  	_ =	sdelay $0x3  }
.LBB2_8:
0x64: {  	_ =	sfence.sel $0x180000  }
0x65: {  	s2 =	simm.s32 $0x1;
	[bflag:$0x0] =	sbarrier.arrive $0xFFFF  }
0x66: {  	s31 =	simm.s32 $0x2;
	[sflag:s2] =	ssyncpa.u1 $0x1  }
0x67: {  	[sflag:s31] =	ssyncpa.u1 $0x1  }
0x68: {  	_ =	strace $0x9000004A  }
0x69: {  	s0 =	sadd.s32 @!p0 $0x100000, s0;
	[bflag:$0x2] =	sbarrier.arrive $0xFFFF  }
0x6a: {  	[sflag:s0] =	ssyncadd.tile.s32 @!p0 $0x1;
	s0 =	simm.s32 @!p0 $0x3F  }
0x6b: {  	_ =	swait.ge @!p0 [sflag:s0], s1  }
0x6c: {  	s1 =	ssub.s32 @!p0 $0x0, s1;
	[sflag:s0] =	ssyncset.done @!p0 $0x0  }
0x6d: {  	[sflag:s0] =	ssyncadd.s32 @!p0 s1  }
0x6e: {  	[bflag:$0x3] =	sbarrier.arrive $0xFFFF  }
0x6f: {  	_ =	shalt  }
.Lfunc_end2:
execute1_lowered:
.L_overlay_start_2:
0x70: {  	(tag) =	ssettag $0x2  }
0x71: {  	s2 =	rddreg [dreg:$0x0]  }
0x72: {  	s4 =	rddreg [dreg:$0x1];
	_ =	strace $0x8000004D;
	s1 =	simm.s32 $0x1  }
0x73: {  	s9 =	simm.s32 $0x108;
	v0 =	vimm.s32 $0x0;
	[sflag:s1] =	ssyncpa.u1 $0x0  }
0x74: {  	[tilespmem:s9+$0x70] =	vst v0  }
0x75: {  	[tilespmem:s9+$0x60] =	vst v0  }
0x76: {  	[tilespmem:s9+$0x50] =	vst v0  }
0x77: {  	[tilespmem:s9+$0x40] =	vst v0  }
0x78: {  	[tilespmem:s9+$0x30] =	vst v0  }
0x79: {  	s1 =	sadd.s32 $0xAD8200, s2;
	[tilespmem:s9+$0x20] =	vst v0  }
0x7a: {  	s5 =	sadd.s32 $0x37600, s2;
	s6 =	sadd.s32 $0x2C2200, s2;
	s2 =	simm.s32 $0x40;
	[tilespmem:s9+$0x10] =	vst v0  }
.LBB3_1:
0x7b: {  	s2 =	sadd.s32 $0x40, s2;
	[tilespmem:s9+$0x0] =	vst v0;
	s9 =	sadd.s32 $0x80, s9  }
0x7c: {  	p0 =	slt.u32 s2, $0x5040;
	[tilespmem:s9+$0x70] =	vst v0  }
0x7d: {  	[tilespmem:s9+$0x60] =	vst v0  }
.Ltmp7:
0x7e: {  	[tilespmem:s9+$0x50] =	vst v0;
	(pc) =	sbr.rel @p0 .LBB3_1-.Ltmp7, $4  }
0x7f: {  	[tilespmem:s9+$0x40] =	vst v0  }
0x80: {  	[tilespmem:s9+$0x30] =	vst v0  }
0x81: {  	[tilespmem:s9+$0x20] =	vst v0  }
0x82: {  	[tilespmem:s9+$0x10] =	vst v0  }
0x83: {  	s2 =	srdreg.scid  }
0x84: {  	s7 =	sshll.u32 s2, $0x4  }
0x85: {  	s2 =	stileid.u32;
	s7 =	sand.u32 $0x10, s7  }
0x86: {  	s8 =	sor.u32 s2, s7  }
0x87: {  	s10 =	smul.u32 $0x67, s8  }
0x88: {  	s8 =	smin.u32 s8, $0x10  }
0x89: {  	s7 =	sshrl.u32 s7, $0x4;
	s8 =	sadd.s32 s8, s10  }
0x8a: {  	s7 =	ssub.s32 s8, s7  }
0x8b: {  	s29 =	smul.u32 $0x140, s7;
	_ =	sdelay $0x1  }
0x8c: {  	s7 =	smul.u32 $0x140, s8;
	s30 =	sadd.s32 $0x8200, s29  }
0x8d: {  	s8 =	smin.u32 s30, $0x102C00  }
0x8e: {  	s11 =	ssub.s32 s8, s7  }
0x8f: {  	p0 =	sgt.s32 s11, $0x0  }
0x90: {  	s11 =	simm.s32 @!p0 $0x0  }
0x91: {  	s31 =	smulhi.u32 $0x66666667, s11;
	_ =	sdelay $0x1  }
0x92: {  	s12 =	sshrl.u32 s31, $0x7  }
0x93: {  	[tilespmem:s9+$0x0] =	vst v0;
	s9 =	simm.s32 $0x2;
	s13 =	smul.u32 $0x140, s12  }
.Ltmp8:
0x94: {  	s17 =	simm.s32 $0x0;
	s14 =	simm.s32 $0xA;
	(pc) =	sbr.rel .LBB3_3-.Ltmp8, $4  }
0x95: {  	v0 =	vimm.s32 $0xFFFFFFFF;
	s16 =	simm.s32 $0x0;
	[sflag:s9] =	ssyncpa.u1 $0x0;
	s10 =	simm.s32 $0x9  }
0x96: {  	[tilespmem:$0x14208] =	vst v0;
	[sflag:s10] =	ssyncpa.u1 $0x0;
	p0 =	sne.s32 s11, s13;
	s13 =	simm.s32 $0x1  }
0x97: {  	s15 =	smov.u32 s7;
	s11 =	simm.s32 $0x1;
	s13 =	simm.s32 @!p0 $0x0  }
0x98: {  	v0 =	vlaneseq.u32;
	p0 =	por $0x0, $0x0;
	s12 =	sadd.s32 s13, s12;
	s13 =	sshll.u32 s2, $0x8  }
.LBB3_20:
0x99: {  	s17 =	sshrl.u32 s24, $0x2  }
.LBB3_22:
0x9a: {  	_ =	swait.ge [sflag:s14], s17;
	v1 =	vmov s20;
	vm0 =	veq.s32 v0, $0x0  }
0x9b: {  	s0 =	ssub.s32 $0x0, s17;
	vm14 =	veq.s32 v0, $0x2;
	[sflag:s14] =	ssyncset.done $0x0;
	v1 =	vsel vm0, s19, v1  }
0x9c: {  	vm15 =	veq.s32 v0, $0x3;
	[sflag:s14] =	ssyncadd.s32 s0;
	v1 =	vsel vm14, s21, v1  }
0x9d: {  	[sflag:s14] =	ssyncpa.u1 $0x1;
	v1 =	vsel vm15, s28, v1  }
0x9e: {  	[tilespmem:$0x14208] =	vst v1  }
.LBB3_23:
0x9f: {  	s0 =	sadd.s32 $0x140, s15  }
0xa0: {  	s3 =	smov.u32 s7;
	p1 =	slt.s32 s0, s8  }
0xa1: {  	s3 =	smov.u32 @p1 s0;
	p1 =	sne.s32 s16, s12  }
.Ltmp9:
0xa2: {  	_ = 	snop;
	(pc) =	sbr.rel @!p1 .LBB3_24-.Ltmp9, $3  }
0xa3: {  	_ =	sdelay $0x1  }
0xa4: {  	s31 =	sadd.s32 $0x1, s16;
	s17 =	smov.u32 s15  }
0xa5: {  	p0 =	por !p0, !p0;
	s16 =	smov.u32 s31;
	s15 =	smov.u32 s3  }
.LBB3_3:
0xa6: {  	p1 =	sge.u32 s16, s12  }
0xa7: {  	p2 =	sgt.s32 @!p1 s15, $0x102AC0  }
0xa8: {  	s18 =	smov.u32 s15;
	s19 =	sshra.s32 @!p1 s15, $0x1F;
	p2 =	por !p2, p1  }
0xa9: {  	s19 =	sand.u32 @!p1 s19, s15;
	s18 =	simm.s32 @p2 $0x102AC0  }
0xaa: {  	s18 =	ssub.s32 @!p1 s18, s19  }
0xab: {  	s19 =	sxor.u32 @!p1 $0xFFFFFFFF, s16;
	s18 =	sadd.s32 @!p1 $0xFFEFD540, s18  }
0xac: {  	s19 =	sand.u32 @!p1 $0x1, s19;
	s20 =	sshll.u32 @!p1 s18, $0x2  }
0xad: {  	p2 =	sgt.s32 @!p1 s18, $0x13F;
	s18 =	ssub.s32 @!p1 $0x500, s20;
	s20 =	smul.u32 @!p1 $0x500, s19  }
0xae: {  	s21 =	sshrl.u32 @!p1 s15, $0x3;
	s22 =	sand.u32 @!p1 $0x7, s15  }
0xaf: {  	p2 =	por !p2, p1;
	s18 =	sshrl.u32 @!p1 s18, $0x2;
	s20 =	sshrl.u32 @!p1 s20, $0x2  }
0xb0: {  	s21 =	sadd.s32 @!p1 s5, s21;
	s18 =	simm.s32 @!p2 $0x0;
	s20 =	sadd.s32 @!p1 $0x15248, s20  }
0xb1: {  	[tilespmem:s20], [sflag:$0x9] =	stream.linear.gather @!p1 [hbm4b:s21+s22], s18, $0x38;
	[tilespmem:$0x1F4C8] =	vst v63  }
0xb2: {  	s18 =	ssub.s32 @!p1 $0x102C00, s15  }
0xb3: {  	p2 =	sgt.s32 @!p1 s18, $0x0  }
0xb4: {  	s19 =	smul.u32 @!p1 $0x14000, s19;
	p2 =	por !p2, p1  }
0xb5: {  	s18 =	simm.s32 @p2 $0x0  }
0xb6: {  	s19 =	sshrl.u32 @!p1 s19, $0x2;
	s20 =	sshll.u32 @!p1 s15, $0x3;
	s18 =	smin.u32 @!p1 s18, $0x140  }
0xb7: {  	s19 =	sadd.s32 @!p1 $0x154C8, s19;
	s20 =	sadd.s32 @!p1 s6, s20;
	s18 =	sshll.u32 @!p1 s18, $0x6  }
0xb8: {  	[tilespmem:s19], [sflag:$0x9] =	stream.linear.gather @!p1 [hbm:s20], s18, $0x38;
	[tilespmem:$0x1F4C8] =	vst v63  }
0xb9: {  	p1 =	seq.s32 s16, $0x0  }
.Ltmp10:
0xba: {  	_ = 	snop;
	(pc) =	sbr.rel @p1 .LBB3_23-.Ltmp10, $1  }
0xbb: {  	_ =	sdelay $0x3  }
0xbc: {  	p1 =	sgt.s32 s17, $0x102AC0  }
0xbd: {  	s18 =	smov.u32 s17;
	s19 =	sshra.s32 s17, $0x1F;
	s20 =	ssub.s32 $0x102C00, s17  }
0xbe: {  	s18 =	simm.s32 @!p1 $0x102AC0;
	s19 =	sand.u32 s19, s17;
	p1 =	sgt.s32 s20, $0x0  }
0xbf: {  	s18 =	ssub.s32 s18, s19;
	s20 =	simm.s32 @!p1 $0x0  }
0xc0: {  	s18 =	sadd.s32 $0xFFEFD540, s18;
	s29 =	smin.u32 s20, $0x140  }
0xc1: {  	s21 =	sshll.u32 s18, $0x2;
	s19 =	sshll.u32 s29, $0x6  }
0xc2: {  	p1 =	sgt.s32 s18, $0x13F;
	s30 =	ssub.s32 $0x500, s21;
	_ =	swait.ge [sflag:s10], s19  }
0xc3: {  	s19 =	ssub.s32 $0x0, s19;
	[sflag:s10] =	ssyncset.done $0x0;
	s18 =	sshrl.u32 s30, $0x2  }
0xc4: {  	[sflag:s10] =	ssyncadd.s32 s19;
	s18 =	simm.s32 @p1 $0x0  }
0xc5: {  	_ =	swait.ge [sflag:s10], s18  }
0xc6: {  	s18 =	ssub.s32 $0x0, s18;
	[sflag:s10] =	ssyncset.done $0x0  }
0xc7: {  	[sflag:s10] =	ssyncadd.s32 s18  }
0xc8: {  	v1 =	vld [tilespmem:$0x14208];
	_ =	sdelay $0x4  }
0xc9: {  	(v2sf) =	vpush v1, $0x0  }
0xca: {  	(v2sf) =	vpush v1, $0x1  }
0xcb: {  	(v2sf) =	vpush v1, $0x2  }
0xcc: {  	(v2sf) =	vpush v1, $0x3;
	_ =	sdelay $0x3  }
0xcd: {  	s18 =	sadd.s32 $0x140, s17  }
0xce: {  	p1 =	slt.s32 s8, s18  }
0xcf: {  	s18 =	smov.u32 @p1 s8  }
0xd0: {  	s17 =	ssub.s32 s18, s17  }
0xd1: {  	p1 =	slt.s32 s20, s17  }
0xd2: {  	s17 =	smov.u32 @p1 s20  }
0xd3: {  	s19 =	simm.s32 $0x1;
	p1 =	slt.s32 s17, $0x1  }
.Ltmp11:
0xd4: {  	s19 =	simm.s32 @!p0 $0x0;
	(pc) =	sbr.rel @p1 .LBB3_8-.Ltmp11, $4  }
0xd5: {  	s31 =	smul.u32 $0x500, s19;
	s24 =	spop (v2sf)  }
0xd6: {  	s25 =	spop (v2sf)  }
0xd7: {  	s18 =	sshrl.u32 s31, $0x2;
	s21 =	spop (v2sf)  }
0xd8: {  	s23 =	simm.s32 $0x0;
	s18 =	sadd.s32 $0x15248, s18;
	s28 =	spop (v2sf)  }
0xd9: {  	s19 =	smin.u32 s17, $0x10  }
0xda: {  	v1 =	vmov s19  }
0xdb: {  	vm1 =	vgt.u32 v1, v0  }
0xdc: {  	p2 =	sgt.s32 s17, $0x10  }
.Ltmp12:
0xdd: {  	_ = 	snop;
	(pc) =	sbr.rel @!p2 .LBB3_7-.Ltmp12, $2  }
0xde: {  	_ =	sdelay $0x2  }
0xdf: {  	s20 =	simm.s32 $0x10;
	s22 =	sadd.s32 $0xFFFFFFF0, s17;
	s19 =	smov.u32 s18;
	vm0 =	vmmov vm1;
	v1 =	vld.msk [tilespmem:s18+$0x0 ss:$0x1], vm1  }
.LBB3_6:
0xe0: {  	s26 =	smin.u32 s22, $0x10;
	s20 =	sadd.s32 $0x10, s20  }
0xe1: {  	v2 =	vmov s26;
	p2 =	slt.s32 s20, s17  }
0xe2: {  	vm1 =	vgt.u32 v2, v0;
	_ =	sdelay $0x1  }
0xe3: {  	v2 =	vshll.u32 v1, $0x7  }
.Ltmp13:
0xe4: {  	v1 =	vand.u32 $0x1, v1;
	v2 =	vand.u32 $0xFFFFFF00, v2;
	(pc) =	sbr.rel @p2 .LBB3_6-.Ltmp13, $4  }
0xe5: {  	v1 =	vor.u32 v1, v2  }
0xe6: {  	[tilespmem:s19+$0x0] =	vst.msk vm0, v1;
	s19 =	sadd.s32 $0x10, s19;
	vm0 =	vmmov vm1  }
0xe7: {  	v1 =	vld.msk [tilespmem:s19+$0x0 ss:$0x1], vm1  }
0xe8: {  	s22 =	sadd.s32 $0xFFFFFFF0, s22  }
.LBB3_7:
0xe9: {  	_ =	sdelay $0x3  }
0xea: {  	v2 =	vshll.u32 v1, $0x7  }
0xeb: {  	v1 =	vand.u32 $0x1, v1;
	v2 =	vand.u32 $0xFFFFFF00, v2  }
0xec: {  	v1 =	vor.u32 v1, v2  }
0xed: {  	[tilespmem:s19+$0x0] =	vst.msk vm0, v1  }
.LBB3_8:
0xee: {  	s22 =	sand.u32 $0x1, s16  }
0xef: {  	s19 =	smul.u32 $0x140, s22  }
0xf0: {  	p2 =	sne.s32 s25, $0xFFFFFFFF  }
0xf1: {  	v1 =	vld.msk @!p2 [tilespmem:s19+$0x15248], $0x1;
	_ =	sdelay $0x4  }
0xf2: {  	(v2sf) =	vpush @!p2 v1, $0x0;
	_ =	sdelay $0xc  }
.Ltmp14:
0xf3: {  	_ = 	snop;
	(pc) =	sbr.rel @p1 .LBB3_21-.Ltmp14, $4  }
0xf4: {  	_ = 	snop  }
0xf5: {  	s19 =	spop @!p2 (v2sf)  }
0xf6: {  	s28 =	simm.s32 @!p2 $0x1;
	s21 =	simm.s32 @!p2 $0x0;
	s20 =	smov.u32 s19  }
0xf7: {  	[sflag:s14] =	ssyncpa.u1 $0x0;
	s19 =	smov.u32 @p2 s24;
	s20 =	smov.u32 @p2 s25  }
0xf8: {  	v1 =	vld.msk [tilespmem:s18+$0x0], $0x1;
	_ =	sdelay $0x4  }
0xf9: {  	(v2sf) =	vpush v1, $0x0;
	_ =	sdelay $0xe  }
0xfa: {  	s25 =	spop (v2sf)  }
0xfb: {  	s24 =	sxor.u32 s19, s25  }
0xfc: {  	p2 =	slt.u32 s24, $0x2;
	s24 =	sadd.s32 $0xFFFFFFFF, s17  }
0xfd: {  	p1 =	sgt.s32 @!p2 s19, $0x0;
	p3 =	sne.s32 s24, $0x0  }
.Ltmp15:
0xfe: {  	s30 =	smov.u32 s19;
	p1 =	por !p1, p2;
	(pc) =	sbr.rel @!p3 .LBB3_11-.Ltmp15, $4  }
0xff: {  	s30 =	simm.s32 @p1 $0x0  }
0x100: {  	s26 =	simm.s32 @!p2 $0x1;
	s29 =	simm.s32 @!p2 $0xA188;
	s30 =	smin.u32 @!p2 s30, $0xC34F01  }
0x101: {  	s26 =	smov.u32 @p2 s23;
	s23 =	sshrl.u32 @!p2 s30, $0x1;
	s30 =	sshrl.u32 @!p2 s30, $0x4  }
0x102: {  	s30 =	sadd.s32 @!p2 s1, s30;
	s31 =	sand.u32 @!p2 $0x7, s23;
	s23 =	sadd.s32 $0x1, s18  }
.LBB3_10:
0x103: {  	s0 =	smov.u32 s26  }
0x104: {  	[tilespmem:s29], [sflag:$0x2] =	stream.linear.gather @!p2 [hbm4b:s30+s31], $0x80, $0x38;
	[tilespmem:$0x1F4C8] =	vst v63  }
0x105: {  	s24 =	sadd.s32 $0xFFFFFFFF, s24;
	s30 =	smov.u32 s25;
	v1 =	vld.msk [tilespmem:s23+$0x0], $0x1  }
0x106: {  	p1 =	sne.s32 s24, $0x0;
	_ =	sdelay $0x3  }
0x107: {  	(v2sf) =	vpush v1, $0x0;
	_ =	sdelay $0xe  }
0x108: {  	s25 =	spop (v2sf)  }
0x109: {  	s26 =	sxor.u32 s30, s25  }
0x10a: {  	p2 =	slt.u32 s26, $0x2  }
0x10b: {  	p3 =	sgt.s32 @!p2 s30, $0x0;
	s29 =	sshll.u32 @!p2 s0, $0x9;
	s26 =	sadd.s32 @!p2 $0x1, s0  }
.Ltmp16:
0x10c: {  	p3 =	por !p3, p2;
	s29 =	sshra.s32 @!p2 s29, $0x2;
	(pc) =	sbr.rel @p1 .LBB3_10-.Ltmp16, $4  }
0x10d: {  	s26 =	smov.u32 @p2 s0;
	s30 =	simm.s32 @p3 $0x0;
	s29 =	sadd.s32 @!p2 $0xA188, s29  }
0x10e: {  	s0 =	smin.u32 @!p2 s30, $0xC34F01  }
0x10f: {  	s31 =	sshrl.u32 @!p2 s0, $0x1;
	s0 =	sshrl.u32 @!p2 s0, $0x4  }
0x110: {  	s23 =	sadd.s32 $0x1, s23;
	s30 =	sadd.s32 @!p2 s1, s0;
	s31 =	sand.u32 @!p2 $0x7, s31  }
.LBB3_11:
0x111: {  	[tilespmem:s29], [sflag:$0x2] =	stream.linear.gather @!p2 [hbm4b:s30+s31], $0x80, $0x38;
	[tilespmem:$0x1F4C8] =	vst v63  }
0x112: {  	s0 =	sshll.u32 s26, $0x7;
	s22 =	smul.u32 $0x14000, s22  }
.Ltmp17:
0x113: {  	s0 =	sand.u32 $0x3FFFFF80, s0;
	(pc) =	sbr.rel .LBB3_12-.Ltmp17, $4  }
0x114: {  	s23 =	simm.s32 $0x0;
	_ =	swait.ge [sflag:s9], s0  }
0x115: {  	s0 =	ssub.s32 $0x0, s0;
	s31 =	sshrl.u32 s22, $0x2;
	[sflag:s9] =	ssyncset.done $0x0  }
0x116: {  	s25 =	simm.s32 $0x0;
	[sflag:s9] =	ssyncadd.s32 s0;
	s0 =	sadd.s32 $0x154C8, s31  }
0x117: {  	s24 =	simm.s32 $0x0;
	s26 =	simm.s32 $0x0;
	s22 =	sand.u32 $0xFFFFFFFE, s20;
	v1 =	vmov s0  }
.LBB3_13:
0x118: {  	_ =	sdelay $0x2  }
0x119: {  	s0 =	sand.u32 $0x7FFFFF80, s23  }
0x11a: {  	v2 =	vld.idx.msk [tilespmem:v1+s0+$0x0 ss:$0x1], $0xffff;
	_ =	sdelay $0x3  }
0x11b: {  	s29 =	sand.u32 $0x1, s26  }
0x11c: {  	s31 =	sshll.u32 s21, $0x9;
	p1 =	seq.s32 s29, $0x1;
	v3 =	vunpack.i.u.bf16.f32 v2;
	v2 =	vunpack.i.l.bf16.f32 v2  }
0x11d: {  	s29 =	sshra.s32 s31, $0x2;
	v2 =	vpsel p1, v3, v2  }
0x11e: {  	[tilespmem:s29+$0x108] =	vst.add.f32.msk $0xffff, v2  }
0x11f: {  	v2 =	vld.idx.msk [tilespmem:v1+s0+$0x10 ss:$0x1], $0xffff  }
0x120: {  	s30 =	sand.u32 $0x7FFFFFC0, s23;
	v3 =	vld.idx.msk [tilespmem:v1+s0+$0x20 ss:$0x1], $0xffff  }
0x121: {  	v4 =	vld.idx.msk [tilespmem:v1+s0+$0x30 ss:$0x1], $0xffff;
	s3 =	sor.u32 $0x40, s30  }
0x122: {  	s31 =	sor.u32 $0x50, s30;
	v5 =	vld.idx.msk [tilespmem:v1+s3+$0x0 ss:$0x1], $0xffff  }
0x123: {  	v6 =	vld.idx.msk [tilespmem:v1+s31+$0x0 ss:$0x1], $0xffff;
	s3 =	sor.u32 $0x60, s30  }
0x124: {  	s31 =	sor.u32 $0x70, s30;
	v8 =	vld.idx.msk [tilespmem:v1+s3+$0x0 ss:$0x1], $0xffff;
	v7 =	vunpack.i.u.bf16.f32 v2;
	v2 =	vunpack.i.l.bf16.f32 v2  }
0x125: {  	v9 =	vld.idx.msk [tilespmem:v1+s31+$0x0 ss:$0x1], $0xffff;
	v59 =	vunpack.i.u.bf16.f32 v3;
	v3 =	vunpack.i.l.bf16.f32 v3;
	v2 =	vpsel p1, v7, v2  }
0x126: {  	[tilespmem:s29+$0x118] =	vst.add.f32.msk $0xffff, v2;
	v2 =	vpsel p1, v59, v3;
	v3 =	vunpack.i.u.bf16.f32 v4;
	v4 =	vunpack.i.l.bf16.f32 v4  }
0x127: {  	v60 =	vunpack.i.l.bf16.f32 v5;
	[tilespmem:s29+$0x128] =	vst.add.f32.msk $0xffff, v2;
	v2 =	vpsel p1, v3, v4;
	v3 =	vunpack.i.u.bf16.f32 v5  }
0x128: {  	v61 =	vunpack.i.l.bf16.f32 v6;
	[tilespmem:s29+$0x138] =	vst.add.f32.msk $0xffff, v2;
	v2 =	vpsel p1, v3, v60;
	v3 =	vunpack.i.u.bf16.f32 v6  }
0x129: {  	v62 =	vunpack.i.l.bf16.f32 v8;
	[tilespmem:s29+$0x148] =	vst.add.f32.msk $0xffff, v2;
	v2 =	vpsel p1, v3, v61;
	v3 =	vunpack.i.u.bf16.f32 v8  }
0x12a: {  	v63 =	vunpack.i.l.bf16.f32 v9;
	[tilespmem:s29+$0x158] =	vst.add.f32.msk $0xffff, v2;
	v2 =	vpsel p1, v3, v62;
	v3 =	vunpack.i.u.bf16.f32 v9  }
0x12b: {  	[tilespmem:s29+$0x168] =	vst.add.f32.msk $0xffff, v2;
	v2 =	vpsel p1, v3, v63  }
0x12c: {  	[tilespmem:s29+$0x178] =	vst.add.f32.msk $0xffff, v2  }
.LBB3_19:
0x12d: {  	s26 =	sadd.s32 $0x1, s26  }
0x12e: {  	p1 =	sne.s32 s17, s26  }
.Ltmp18:
0x12f: {  	_ = 	snop;
	(pc) =	sbr.rel @!p1 .LBB3_20-.Ltmp18, $2  }
0x130: {  	_ =	sdelay $0x2  }
0x131: {  	s23 =	sadd.s32 $0x40, s23;
	s18 =	sadd.s32 $0x1, s18  }
.LBB3_12:
0x132: {  	v2 =	vld.msk [tilespmem:s18+$0x0], $0x1;
	_ =	sdelay $0x4  }
0x133: {  	(v2sf) =	vpush v2, $0x0;
	_ =	sdelay $0xe  }
0x134: {  	s30 =	smov.u32 s19;
	s19 =	spop (v2sf)  }
0x135: {  	p1 =	sne.s32 s30, s19  }
.Ltmp19:
0x136: {  	_ = 	snop;
	(pc) =	sbr.rel @!p1 .LBB3_13-.Ltmp19, $1  }
0x137: {  	_ =	sdelay $0x3  }
0x138: {  	s31 =	sand.u32 $0xFFFFFFFE, s30;
	s0 =	sand.u32 $0xFFFFFFFE, s19  }
0x139: {  	p1 =	sne.s32 s31, s0  }
.Ltmp20:
0x13a: {  	_ = 	snop;
	(pc) =	sbr.rel @p1 .LBB3_16-.Ltmp20, $2  }
0x13b: {  	_ =	sdelay $0x2  }
0x13c: {  	s29 =	sadd.s32 $0x1, s21  }
0x13d: {  	_ =	sdelay $0x2  }
0x13e: {  	s0 =	sand.u32 $0x7FFFFF80, s23  }
0x13f: {  	s21 =	smulhi.u32 $0xCCCCCCCD, s29;
	v2 =	vld.idx.msk [tilespmem:v1+s0+$0x0 ss:$0x1], $0xffff  }
0x140: {  	v3 =	vld.idx.msk [tilespmem:v1+s0+$0x10 ss:$0x1], $0xffff  }
0x141: {  	s30 =	sand.u32 $0x7FFFFFC0, s23;
	v4 =	vld.idx.msk [tilespmem:v1+s0+$0x20 ss:$0x1], $0xffff;
	s21 =	sshrl.u32 s21, $0x8  }
0x142: {  	v5 =	vld.idx.msk [tilespmem:v1+s0+$0x30 ss:$0x1], $0xffff;
	s3 =	sor.u32 $0x40, s30;
	s21 =	smul.u32 $0x140, s21  }
0x143: {  	s31 =	sand.u32 $0x1, s26;
	v6 =	vld.idx.msk [tilespmem:v1+s3+$0x0 ss:$0x1], $0xffff;
	s3 =	sor.u32 $0x50, s30  }
0x144: {  	p1 =	seq.s32 s31, $0x1;
	v8 =	vld.idx.msk [tilespmem:v1+s3+$0x0 ss:$0x1], $0xffff;
	s3 =	sor.u32 $0x60, s30;
	s21 =	ssub.s32 s29, s21;
	v7 =	vunpack.i.u.bf16.f32 v2;
	v2 =	vunpack.i.l.bf16.f32 v2  }
0x145: {  	s31 =	sor.u32 $0x70, s30;
	v9 =	vld.idx.msk [tilespmem:v1+s3+$0x0 ss:$0x1], $0xffff;
	s29 =	sshll.u32 s21, $0x7;
	v57 =	vunpack.i.u.bf16.f32 v3;
	v3 =	vunpack.i.l.bf16.f32 v3;
	v2 =	vpsel p1, v7, v2  }
0x146: {  	v58 =	vld.idx.msk [tilespmem:v1+s31+$0x0 ss:$0x1], $0xffff;
	[tilespmem:s29+$0x108] =	vst v2;
	v2 =	vpsel p1, v57, v3;
	v3 =	vunpack.i.u.bf16.f32 v4;
	v4 =	vunpack.i.l.bf16.f32 v4  }
0x147: {  	v59 =	vunpack.i.l.bf16.f32 v5;
	[tilespmem:s29+$0x118] =	vst v2;
	v2 =	vpsel p1, v3, v4;
	v3 =	vunpack.i.u.bf16.f32 v5  }
0x148: {  	v60 =	vunpack.i.l.bf16.f32 v6;
	[tilespmem:s29+$0x128] =	vst v2;
	v2 =	vpsel p1, v3, v59;
	v3 =	vunpack.i.u.bf16.f32 v6  }
.Ltmp21:
0x149: {  	v61 =	vunpack.i.l.bf16.f32 v8;
	[tilespmem:s29+$0x138] =	vst v2;
	v2 =	vpsel p1, v3, v60;
	v3 =	vunpack.i.u.bf16.f32 v8;
	(pc) =	sbr.rel .LBB3_19-.Ltmp21, $4  }
0x14a: {  	v62 =	vunpack.i.l.bf16.f32 v9;
	[tilespmem:s29+$0x148] =	vst v2;
	v2 =	vpsel p1, v3, v61;
	v3 =	vunpack.i.u.bf16.f32 v9  }
0x14b: {  	v63 =	vunpack.i.l.bf16.f32 v58;
	[tilespmem:s29+$0x158] =	vst v2;
	v2 =	vpsel p1, v3, v62;
	v3 =	vunpack.i.u.bf16.f32 v58  }
0x14c: {  	[tilespmem:s29+$0x168] =	vst v2;
	v2 =	vpsel p1, v3, v63  }
0x14d: {  	s28 =	sadd.s32 $0x1, s28;
	[tilespmem:s29+$0x178] =	vst v2  }
.LBB3_16:
0x14e: {  	p1 =	sne.s32 s28, $0x2  }
0x14f: {  	s0 =	sand.u32 @p1 $0x1, s30;
	s28 =	sshll.u32 @p1 s21, $0x9  }
0x150: {  	p2 =	seq.s32 @p1 s0, $0x0;
	s0 =	sshra.s32 @p1 s28, $0x2  }
0x151: {  	v2 =	vld @p1 [tilespmem:s0+$0x108];
	p3 =	por !p2, !p1  }
0x152: {  	v3 =	vld @!p3 [tilespmem:s0+$0x118]  }
0x153: {  	v4 =	vld @!p3 [tilespmem:s0+$0x128]  }
0x154: {  	v5 =	vld @!p3 [tilespmem:s0+$0x138]  }
0x155: {  	v6 =	vimm.f32 @!p3 $0.0e+00;
	v7 =	vld @!p3 [tilespmem:s0+$0x148]  }
0x156: {  	v9 =	vld @!p3 [tilespmem:s0+$0x158];
	v8 =	vpack.i.f32.bf16 @!p3 v6, v2  }
0x157: {  	[tilespmem:s0+$0x108] =	vst @!p3 v8;
	v3 =	vpack.i.f32.bf16 @!p3 v6, v3;
	v8 =	vld @!p3 [tilespmem:s0+$0x168]  }
0x158: {  	[tilespmem:s0+$0x118] =	vst @!p3 v3;
	v3 =	vpack.i.f32.bf16 @!p3 v6, v4;
	v4 =	vld @!p3 [tilespmem:s0+$0x178]  }
0x159: {  	p2 =	por p2, !p1;
	[tilespmem:s0+$0x128] =	vst @!p3 v3;
	v3 =	vpack.i.f32.bf16 @!p3 v6, v5  }
0x15a: {  	v5 =	vld @!p2 [tilespmem:s0+$0x118];
	[tilespmem:s0+$0x138] =	vst @!p3 v3;
	v3 =	vpack.i.f32.bf16 @!p3 v6, v7  }
0x15b: {  	v7 =	vld @!p2 [tilespmem:s0+$0x128];
	[tilespmem:s0+$0x148] =	vst @!p3 v3;
	v3 =	vpack.i.f32.bf16 @!p3 v6, v9  }
0x15c: {  	[tilespmem:s0+$0x158] =	vst @!p3 v3;
	v3 =	vpack.i.f32.bf16 @!p3 v6, v8;
	v8 =	vld @!p2 [tilespmem:s0+$0x138]  }
0x15d: {  	[tilespmem:s0+$0x168] =	vst @!p3 v3;
	v3 =	vpack.i.f32.bf16 @!p3 v6, v4;
	v4 =	vimm.f32 @!p2 $0.0e+00;
	v6 =	vld @!p2 [tilespmem:s0+$0x148]  }
0x15e: {  	[tilespmem:s0+$0x178] =	vst @!p3 v3;
	v2 =	vpack.i.f32.bf16 @!p2 v2, v4;
	v3 =	vld @!p2 [tilespmem:s0+$0x158]  }
0x15f: {  	s28 =	sadd.s32 @!p1 $0x13F, s21;
	[tilespmem:s0+$0x108] =	vst @!p2 v2;
	v2 =	vpack.i.f32.bf16 @!p2 v5, v4;
	v5 =	vld @!p2 [tilespmem:s0+$0x168]  }
0x160: {  	s3 =	smulhi.u32 @!p1 $0xCCCCCCCD, s28;
	[tilespmem:s0+$0x118] =	vst @!p2 v2;
	v2 =	vpack.i.f32.bf16 @!p2 v7, v4;
	v7 =	vld @!p2 [tilespmem:s0+$0x178]  }
0x161: {  	[tilespmem:s0+$0x128] =	vst @!p2 v2;
	v2 =	vpack.i.f32.bf16 @!p2 v8, v4  }
0x162: {  	s3 =	sshrl.u32 @!p1 s3, $0x8;
	[tilespmem:s0+$0x138] =	vst @!p2 v2;
	v2 =	vpack.i.f32.bf16 @!p2 v6, v4  }
0x163: {  	s3 =	smul.u32 @!p1 $0x140, s3;
	[tilespmem:s0+$0x148] =	vst @!p2 v2;
	v2 =	vpack.i.f32.bf16 @!p2 v3, v4  }
0x164: {  	[tilespmem:s0+$0x158] =	vst @!p2 v2;
	v2 =	vpack.i.f32.bf16 @!p2 v5, v4  }
0x165: {  	s3 =	ssub.s32 @!p1 s28, s3;
	[tilespmem:s0+$0x168] =	vst @!p2 v2;
	v2 =	vpack.i.f32.bf16 @!p2 v7, v4  }
0x166: {  	[tilespmem:s0+$0x178] =	vst @!p2 v2;
	s0 =	sshll.u32 @!p1 s3, $0x7;
	s3 =	sshll.u32 @!p1 s21, $0x9  }
0x167: {  	s3 =	sshra.s32 @!p1 s3, $0x2;
	v2 =	vld @!p1 [tilespmem:s0+$0x108]  }
0x168: {  	v3 =	vld @!p1 [tilespmem:s3+$0x108];
	_ =	sdelay $0x4  }
0x169: {  	v2 =	vpack.i.f32.bf16 @!p1 v3, v2  }
0x16a: {  	v3 =	vld @!p1 [tilespmem:s3+$0x118];
	[tilespmem:s3+$0x108] =	vst @!p1 v2  }
0x16b: {  	v2 =	vld @!p1 [tilespmem:s0+$0x118];
	_ =	sdelay $0x4  }
0x16c: {  	v2 =	vpack.i.f32.bf16 @!p1 v3, v2  }
0x16d: {  	v3 =	vld @!p1 [tilespmem:s3+$0x128];
	[tilespmem:s3+$0x118] =	vst @!p1 v2  }
0x16e: {  	v2 =	vld @!p1 [tilespmem:s0+$0x128];
	_ =	sdelay $0x4  }
0x16f: {  	v2 =	vpack.i.f32.bf16 @!p1 v3, v2  }
0x170: {  	v3 =	vld @!p1 [tilespmem:s3+$0x138];
	[tilespmem:s3+$0x128] =	vst @!p1 v2  }
0x171: {  	v2 =	vld @!p1 [tilespmem:s0+$0x138];
	_ =	sdelay $0x4  }
0x172: {  	v2 =	vpack.i.f32.bf16 @!p1 v3, v2  }
0x173: {  	v3 =	vld @!p1 [tilespmem:s3+$0x148];
	[tilespmem:s3+$0x138] =	vst @!p1 v2  }
0x174: {  	v2 =	vld @!p1 [tilespmem:s0+$0x148];
	_ =	sdelay $0x4  }
0x175: {  	v2 =	vpack.i.f32.bf16 @!p1 v3, v2  }
0x176: {  	v3 =	vld @!p1 [tilespmem:s3+$0x158];
	[tilespmem:s3+$0x148] =	vst @!p1 v2  }
0x177: {  	v2 =	vld @!p1 [tilespmem:s0+$0x158];
	_ =	sdelay $0x4  }
0x178: {  	v2 =	vpack.i.f32.bf16 @!p1 v3, v2  }
0x179: {  	v3 =	vld @!p1 [tilespmem:s3+$0x168];
	[tilespmem:s3+$0x158] =	vst @!p1 v2  }
0x17a: {  	v2 =	vld @!p1 [tilespmem:s0+$0x168];
	_ =	sdelay $0x4  }
0x17b: {  	v2 =	vpack.i.f32.bf16 @!p1 v3, v2  }
0x17c: {  	v3 =	vld @!p1 [tilespmem:s3+$0x178];
	[tilespmem:s3+$0x168] =	vst @!p1 v2  }
0x17d: {  	v2 =	vld @!p1 [tilespmem:s0+$0x178]  }
0x17e: {  	p2 =	seq.s32 s31, s22  }
.Ltmp22:
0x17f: {  	_ = 	snop;
	(pc) =	sbr.rel @!p2 .LBB3_17-.Ltmp22, $3  }
0x180: {  	_ =	sdelay $0x1  }
0x181: {  	s28 =	sshll.u32 s21, $0x9;
	v2 =	vpack.i.f32.bf16 @!p1 v3, v2  }
0x182: {  	s21 =	sshra.s32 s28, $0x2;
	[tilespmem:s3+$0x178] =	vst @!p1 v2  }
.Ltmp23:
0x183: {  	s0 =	sadd.s32 $0x108, s21;
	(pc) =	sbr.rel .LBB3_18-.Ltmp23, $4  }
0x184: {  	[spmem:s13] =	stream.linear.scatter [tilespmem:s0], [sflag:$0x1], $0x80, $0x38;
	[tilespmem:$0x1F4C8] =	vst v63  }
0x185: {  	_ =	swait.ge [sflag:s11], $0x80  }
0x186: {  	[sflag:s11] =	ssyncset.done $0x0  }
0x187: {  	[sflag:s11] =	ssyncadd.s32 $0xFFFFFF80  }
.LBB3_17:
0x188: {  	s0 =	sshll.u32 s25, $0x9  }
0x189: {  	v3 =	vld [tilespmem:s21+$0x108];
	s28 =	sshra.s32 s0, $0x2  }
0x18a: {  	v2 =	vld [tilespmem:s28+$0xA188];
	_ =	sdelay $0x3  }
0x18b: {  	v5 =	vunpack.i.u.bf16.f32 v3  }
0x18c: {  	v3 =	vunpack.i.l.bf16.f32 v3;
	v4 =	vunpack.i.u.bf16.f32 v2;
	v2 =	vunpack.i.l.bf16.f32 v2  }
0x18d: {  	v4 =	vadd.f32 v5, v4;
	v2 =	vadd.f32 v3, v2;
	_ =	sdelay $0x1  }
0x18e: {  	v2 =	vpack.i.f32.bf16 v4, v2  }
0x18f: {  	v3 =	vld [tilespmem:s21+$0x118];
	[tilespmem:s21+$0x108] =	vst v2  }
0x190: {  	v2 =	vld [tilespmem:s28+$0xA198];
	_ =	sdelay $0x3  }
0x191: {  	v51 =	vunpack.i.u.bf16.f32 v3  }
0x192: {  	v3 =	vunpack.i.l.bf16.f32 v3;
	v50 =	vunpack.i.u.bf16.f32 v2;
	v2 =	vunpack.i.l.bf16.f32 v2  }
0x193: {  	v4 =	vadd.f32 v51, v50;
	v2 =	vadd.f32 v3, v2;
	_ =	sdelay $0x1  }
0x194: {  	v2 =	vpack.i.f32.bf16 v4, v2  }
0x195: {  	v3 =	vld [tilespmem:s21+$0x128];
	[tilespmem:s21+$0x118] =	vst v2  }
0x196: {  	v2 =	vld [tilespmem:s28+$0xA1A8];
	_ =	sdelay $0x3  }
0x197: {  	v53 =	vunpack.i.u.bf16.f32 v3  }
0x198: {  	v3 =	vunpack.i.l.bf16.f32 v3;
	v52 =	vunpack.i.u.bf16.f32 v2;
	v2 =	vunpack.i.l.bf16.f32 v2  }
0x199: {  	v4 =	vadd.f32 v53, v52;
	v2 =	vadd.f32 v3, v2;
	_ =	sdelay $0x1  }
0x19a: {  	v2 =	vpack.i.f32.bf16 v4, v2  }
0x19b: {  	v3 =	vld [tilespmem:s21+$0x138];
	[tilespmem:s21+$0x128] =	vst v2  }
0x19c: {  	v2 =	vld [tilespmem:s28+$0xA1B8];
	_ =	sdelay $0x3  }
0x19d: {  	v55 =	vunpack.i.u.bf16.f32 v3  }
0x19e: {  	v3 =	vunpack.i.l.bf16.f32 v3;
	v54 =	vunpack.i.u.bf16.f32 v2;
	v2 =	vunpack.i.l.bf16.f32 v2  }
0x19f: {  	v4 =	vadd.f32 v55, v54;
	v2 =	vadd.f32 v3, v2;
	_ =	sdelay $0x1  }
0x1a0: {  	v2 =	vpack.i.f32.bf16 v4, v2  }
0x1a1: {  	v3 =	vld [tilespmem:s21+$0x148];
	[tilespmem:s21+$0x138] =	vst v2  }
0x1a2: {  	v2 =	vld [tilespmem:s28+$0xA1C8];
	_ =	sdelay $0x3  }
0x1a3: {  	v57 =	vunpack.i.u.bf16.f32 v3  }
0x1a4: {  	v3 =	vunpack.i.l.bf16.f32 v3;
	v56 =	vunpack.i.u.bf16.f32 v2;
	v2 =	vunpack.i.l.bf16.f32 v2  }
0x1a5: {  	v4 =	vadd.f32 v57, v56;
	v2 =	vadd.f32 v3, v2;
	_ =	sdelay $0x1  }
0x1a6: {  	v2 =	vpack.i.f32.bf16 v4, v2  }
0x1a7: {  	v3 =	vld [tilespmem:s21+$0x158];
	[tilespmem:s21+$0x148] =	vst v2  }
0x1a8: {  	v2 =	vld [tilespmem:s28+$0xA1D8];
	_ =	sdelay $0x3  }
0x1a9: {  	v59 =	vunpack.i.u.bf16.f32 v3  }
0x1aa: {  	v3 =	vunpack.i.l.bf16.f32 v3;
	v58 =	vunpack.i.u.bf16.f32 v2;
	v2 =	vunpack.i.l.bf16.f32 v2  }
0x1ab: {  	v4 =	vadd.f32 v59, v58;
	v2 =	vadd.f32 v3, v2;
	_ =	sdelay $0x1  }
0x1ac: {  	v2 =	vpack.i.f32.bf16 v4, v2  }
0x1ad: {  	v3 =	vld [tilespmem:s21+$0x168];
	[tilespmem:s21+$0x158] =	vst v2  }
0x1ae: {  	v2 =	vld [tilespmem:s28+$0xA1E8];
	_ =	sdelay $0x3  }
0x1af: {  	v61 =	vunpack.i.u.bf16.f32 v3  }
0x1b0: {  	v3 =	vunpack.i.l.bf16.f32 v3;
	v60 =	vunpack.i.u.bf16.f32 v2;
	v2 =	vunpack.i.l.bf16.f32 v2  }
0x1b1: {  	v4 =	vadd.f32 v61, v60;
	v2 =	vadd.f32 v3, v2;
	_ =	sdelay $0x1  }
0x1b2: {  	v2 =	vpack.i.f32.bf16 v4, v2  }
0x1b3: {  	v3 =	vld [tilespmem:s21+$0x178];
	[tilespmem:s21+$0x168] =	vst v2  }
0x1b4: {  	v2 =	vld [tilespmem:s28+$0xA1F8];
	_ =	sdelay $0x3  }
0x1b5: {  	v63 =	vunpack.i.u.bf16.f32 v3  }
0x1b6: {  	p1 =	slt.s32 s30, $0x0;
	p2 =	sgt.s32 s31, $0xC34F01;
	v3 =	vunpack.i.l.bf16.f32 v3;
	v62 =	vunpack.i.u.bf16.f32 v2;
	v2 =	vunpack.i.l.bf16.f32 v2  }
0x1b7: {  	p1 =	por p1, p2;
	v4 =	vadd.f32 v63, v62;
	v2 =	vadd.f32 v3, v2  }
0x1b8: {  	s3 =	sshrl.u32 @!p1 s30, $0x4  }
0x1b9: {  	s0 =	sshrl.u32 @!p1 s30, $0x1;
	s3 =	sadd.s32 @!p1 s1, s3;
	v2 =	vpack.i.f32.bf16 v4, v2  }
0x1ba: {  	s0 =	sand.u32 @!p1 $0x7, s0;
	s28 =	sadd.s32 $0x108, s21;
	[tilespmem:s21+$0x178] =	vst v2;
	s21 =	simm.s32 $0x0  }
0x1bb: {  	[hbm4b:s3+s0] =	stream.linear.scatter @!p1 [tilespmem:s28], [sflag:$0xA], $0x80, $0x38;
	[tilespmem:$0x1F4C8] =	vst v63  }
0x1bc: {  	s21 =	simm.s32 @!p1 $0x200  }
0x1bd: {  	s24 =	sadd.s32 s24, s21  }
.LBB3_18:
0x1be: {  	_ =	sdelay $0x2  }
0x1bf: {  	s0 =	sand.u32 $0x7FFFFF80, s23  }
0x1c0: {  	s3 =	smulhi.u32 $0xCCCCCCCD, s29;
	v2 =	vld.idx.msk [tilespmem:v1+s0+$0x0 ss:$0x1], $0xffff  }
0x1c1: {  	v3 =	vld.idx.msk [tilespmem:v1+s0+$0x10 ss:$0x1], $0xffff  }
0x1c2: {  	s28 =	sand.u32 $0x7FFFFFC0, s23;
	v4 =	vld.idx.msk [tilespmem:v1+s0+$0x20 ss:$0x1], $0xffff;
	s3 =	sshrl.u32 s3, $0x8  }
0x1c3: {  	v5 =	vld.idx.msk [tilespmem:v1+s0+$0x30 ss:$0x1], $0xffff;
	s21 =	sor.u32 $0x40, s28;
	s3 =	smul.u32 $0x140, s3  }
0x1c4: {  	s30 =	sand.u32 $0x1, s26;
	s31 =	sor.u32 $0x50, s28;
	v6 =	vld.idx.msk [tilespmem:v1+s21+$0x0 ss:$0x1], $0xffff  }
0x1c5: {  	p1 =	seq.s32 s30, $0x1;
	s30 =	sor.u32 $0x60, s28;
	v8 =	vld.idx.msk [tilespmem:v1+s31+$0x0 ss:$0x1], $0xffff;
	s21 =	ssub.s32 s29, s3;
	v7 =	vunpack.i.u.bf16.f32 v2;
	v2 =	vunpack.i.l.bf16.f32 v2  }
0x1c6: {  	v9 =	vld.idx.msk [tilespmem:v1+s30+$0x0 ss:$0x1], $0xffff;
	s31 =	sor.u32 $0x70, s28;
	s3 =	sshll.u32 s21, $0x7;
	v57 =	vunpack.i.u.bf16.f32 v3;
	v3 =	vunpack.i.l.bf16.f32 v3;
	v2 =	vpsel p1, v7, v2  }
0x1c7: {  	v58 =	vld.idx.msk [tilespmem:v1+s31+$0x0 ss:$0x1], $0xffff;
	[tilespmem:s3+$0x108] =	vst v2;
	v2 =	vpsel p1, v57, v3;
	v3 =	vunpack.i.u.bf16.f32 v4;
	v4 =	vunpack.i.l.bf16.f32 v4  }
0x1c8: {  	v59 =	vunpack.i.l.bf16.f32 v5;
	[tilespmem:s3+$0x118] =	vst v2;
	v2 =	vpsel p1, v3, v4;
	v3 =	vunpack.i.u.bf16.f32 v5  }
0x1c9: {  	v60 =	vunpack.i.l.bf16.f32 v6;
	[tilespmem:s3+$0x128] =	vst v2;
	v2 =	vpsel p1, v3, v59;
	v3 =	vunpack.i.u.bf16.f32 v6  }
.Ltmp24:
0x1ca: {  	v61 =	vunpack.i.l.bf16.f32 v8;
	[tilespmem:s3+$0x138] =	vst v2;
	v2 =	vpsel p1, v3, v60;
	v3 =	vunpack.i.u.bf16.f32 v8;
	(pc) =	sbr.rel .LBB3_19-.Ltmp24, $4  }
0x1cb: {  	v62 =	vunpack.i.l.bf16.f32 v9;
	[tilespmem:s3+$0x148] =	vst v2;
	v2 =	vpsel p1, v3, v61;
	v3 =	vunpack.i.u.bf16.f32 v9  }
0x1cc: {  	v63 =	vunpack.i.l.bf16.f32 v58;
	[tilespmem:s3+$0x158] =	vst v2;
	v2 =	vpsel p1, v3, v62;
	v3 =	vunpack.i.u.bf16.f32 v58  }
0x1cd: {  	[tilespmem:s3+$0x168] =	vst v2;
	v2 =	vpsel p1, v3, v63  }
0x1ce: {  	s25 =	sadd.s32 $0x1, s25;
	s28 =	simm.s32 $0x1;
	[tilespmem:s3+$0x178] =	vst v2  }
.LBB3_21:
.Ltmp25:
0x1cf: {  	(pc) =	sbr.rel .LBB3_22-.Ltmp25, $3  }
0x1d0: {  	_ =	sdelay $0x1  }
0x1d1: {  	_ =	swait.ge [sflag:s9], $0x0  }
0x1d2: {  	s17 =	simm.s32 $0x0;
	[sflag:s9] =	ssyncset.done $0x0  }
.LBB3_24:
0x1d3: {  	_ =	sfence.sel $0x180000  }
0x1d4: {  	s0 =	simm.s32 $0x9;
	[bflag:$0x0] =	sbarrier.arrive $0xFFFF  }
0x1d5: {  	s7 =	simm.s32 $0x2;
	[sflag:s0] =	ssyncpa.u1 $0x1  }
0x1d6: {  	[sflag:s7] =	ssyncpa.u1 $0x1  }
0x1d7: {  	v0 =	vld [tilespmem:$0x14208];
	_ =	sdelay $0x4  }
0x1d8: {  	(v2sf) =	vpush v0, $0x0  }
0x1d9: {  	(v2sf) =	vpush v0, $0x1;
	_ =	sdelay $0x2  }
0x1da: {  	(v2sf) =	vpush v0, $0x2;
	_ =	sdelay $0xa  }
0x1db: {  	s9 =	spop (v2sf)  }
0x1dc: {  	s30 =	spop (v2sf)  }
0x1dd: {  	s0 =	sxor.u32 s30, s9  }
0x1de: {  	p0 =	sgt.u32 s0, $0x1;
	s0 =	smov.u32 s9  }
0x1df: {  	s8 =	spop (v2sf);
	s0 =	simm.s32 @!p0 $0xFFFFFFFF  }
0x1e0: {  	v2 =	vimm.s32 $0x1;
	v3 =	vlaneseq.u32;
	p1 =	seq.s32 s8, $0xFFFFFFFF;
	v1 =	vmov s0  }
.Ltmp26:
0x1e1: {  	v2 =	vperm.xlane v0, v2;
	v1 =	vperm.xlane v1, v3;
	(pc) =	sbr.rel @p1 .LBB3_26-.Ltmp26, $4  }
0x1e2: {  	vm0 =	vcmask $0x3F04  }
0x1e3: {  	s6 =	sshll.u32 s2, $0x1;
	v1 =	vsel vm0, v1, v2  }
0x1e4: {  	s3 =	simm.s32 $0x14208;
	s5 =	simm.s32 $0x1;
	s31 =	sor.u32 $0x1000, s6;
	[tilespmem:$0x14208] =	vst v1  }
0x1e5: {  	[spmem:s31] =	stream.linear.scatter [tilespmem:s3], [sflag:$0x1], $0x2, $0x38;
	[tilespmem:$0x1F4C8] =	vst v63  }
0x1e6: {  	(v2sf) =	vpush v0, $0x3;
	_ =	sdelay $0xe  }
0x1e7: {  	s0 =	spop (v2sf)  }
0x1e8: {  	p1 =	sne.s32 s0, $0x2  }
0x1e9: {  	s0 =	sand.u32 @p1 $0x1, s9;
	s7 =	sshll.u32 @p1 s8, $0x9  }
0x1ea: {  	p2 =	seq.s32 @p1 s0, $0x0;
	s0 =	sshra.s32 @p1 s7, $0x2  }
0x1eb: {  	v0 =	vld @p1 [tilespmem:s0+$0x108];
	p3 =	por !p2, !p1  }
0x1ec: {  	v1 =	vld @!p3 [tilespmem:s0+$0x118]  }
0x1ed: {  	v2 =	vld @!p3 [tilespmem:s0+$0x128]  }
0x1ee: {  	v3 =	vld @!p3 [tilespmem:s0+$0x138]  }
0x1ef: {  	v4 =	vimm.f32 @!p3 $0.0e+00;
	v5 =	vld @!p3 [tilespmem:s0+$0x148]  }
0x1f0: {  	v7 =	vld @!p3 [tilespmem:s0+$0x158];
	v6 =	vpack.i.f32.bf16 @!p3 v4, v0  }
0x1f1: {  	[tilespmem:s0+$0x108] =	vst @!p3 v6;
	v1 =	vpack.i.f32.bf16 @!p3 v4, v1;
	v6 =	vld @!p3 [tilespmem:s0+$0x168]  }
0x1f2: {  	[tilespmem:s0+$0x118] =	vst @!p3 v1;
	v1 =	vpack.i.f32.bf16 @!p3 v4, v2;
	v2 =	vld @!p3 [tilespmem:s0+$0x178]  }
0x1f3: {  	p2 =	por p2, !p1;
	[tilespmem:s0+$0x128] =	vst @!p3 v1;
	v1 =	vpack.i.f32.bf16 @!p3 v4, v3  }
0x1f4: {  	v3 =	vld @!p2 [tilespmem:s0+$0x118];
	[tilespmem:s0+$0x138] =	vst @!p3 v1;
	v1 =	vpack.i.f32.bf16 @!p3 v4, v5  }
0x1f5: {  	v5 =	vld @!p2 [tilespmem:s0+$0x128];
	[tilespmem:s0+$0x148] =	vst @!p3 v1;
	v1 =	vpack.i.f32.bf16 @!p3 v4, v7  }
0x1f6: {  	[tilespmem:s0+$0x158] =	vst @!p3 v1;
	v1 =	vpack.i.f32.bf16 @!p3 v4, v6;
	v6 =	vld @!p2 [tilespmem:s0+$0x138]  }
0x1f7: {  	[tilespmem:s0+$0x168] =	vst @!p3 v1;
	v1 =	vpack.i.f32.bf16 @!p3 v4, v2;
	v2 =	vimm.f32 @!p2 $0.0e+00;
	v4 =	vld @!p2 [tilespmem:s0+$0x148]  }
0x1f8: {  	[tilespmem:s0+$0x178] =	vst @!p3 v1;
	v0 =	vpack.i.f32.bf16 @!p2 v0, v2;
	v1 =	vld @!p2 [tilespmem:s0+$0x158]  }
0x1f9: {  	s3 =	sadd.s32 @!p1 $0x13F, s8;
	[tilespmem:s0+$0x108] =	vst @!p2 v0;
	v0 =	vpack.i.f32.bf16 @!p2 v3, v2;
	v3 =	vld @!p2 [tilespmem:s0+$0x168]  }
0x1fa: {  	s9 =	smulhi.u32 @!p1 $0xCCCCCCCD, s3;
	[tilespmem:s0+$0x118] =	vst @!p2 v0;
	v0 =	vpack.i.f32.bf16 @!p2 v5, v2;
	v5 =	vld @!p2 [tilespmem:s0+$0x178]  }
0x1fb: {  	[tilespmem:s0+$0x128] =	vst @!p2 v0;
	v0 =	vpack.i.f32.bf16 @!p2 v6, v2  }
0x1fc: {  	s9 =	sshrl.u32 @!p1 s9, $0x8;
	[tilespmem:s0+$0x138] =	vst @!p2 v0;
	v0 =	vpack.i.f32.bf16 @!p2 v4, v2  }
0x1fd: {  	s9 =	smul.u32 @!p1 $0x140, s9;
	[tilespmem:s0+$0x148] =	vst @!p2 v0;
	v0 =	vpack.i.f32.bf16 @!p2 v1, v2  }
0x1fe: {  	[tilespmem:s0+$0x158] =	vst @!p2 v0;
	v0 =	vpack.i.f32.bf16 @!p2 v3, v2  }
0x1ff: {  	s3 =	ssub.s32 @!p1 s3, s9;
	[tilespmem:s0+$0x168] =	vst @!p2 v0;
	v0 =	vpack.i.f32.bf16 @!p2 v5, v2  }
0x200: {  	[tilespmem:s0+$0x178] =	vst @!p2 v0;
	s0 =	sshll.u32 @!p1 s3, $0x7;
	s3 =	sshll.u32 @!p1 s8, $0x9  }
0x201: {  	s8 =	sshra.s32 @!p1 s3, $0x2;
	v0 =	vld @!p1 [tilespmem:s0+$0x108]  }
0x202: {  	v1 =	vld @!p1 [tilespmem:s8+$0x108];
	_ =	sdelay $0x4  }
0x203: {  	v0 =	vpack.i.f32.bf16 @!p1 v1, v0  }
0x204: {  	v1 =	vld @!p1 [tilespmem:s8+$0x118];
	[tilespmem:s8+$0x108] =	vst @!p1 v0  }
0x205: {  	v0 =	vld @!p1 [tilespmem:s0+$0x118];
	_ =	sdelay $0x4  }
0x206: {  	v0 =	vpack.i.f32.bf16 @!p1 v1, v0  }
0x207: {  	v1 =	vld @!p1 [tilespmem:s8+$0x128];
	[tilespmem:s8+$0x118] =	vst @!p1 v0  }
0x208: {  	v0 =	vld @!p1 [tilespmem:s0+$0x128];
	_ =	sdelay $0x4  }
0x209: {  	v0 =	vpack.i.f32.bf16 @!p1 v1, v0  }
0x20a: {  	v1 =	vld @!p1 [tilespmem:s8+$0x138];
	[tilespmem:s8+$0x128] =	vst @!p1 v0  }
0x20b: {  	v0 =	vld @!p1 [tilespmem:s0+$0x138];
	_ =	sdelay $0x4  }
0x20c: {  	v0 =	vpack.i.f32.bf16 @!p1 v1, v0  }
0x20d: {  	v1 =	vld @!p1 [tilespmem:s8+$0x148];
	[tilespmem:s8+$0x138] =	vst @!p1 v0  }
0x20e: {  	v0 =	vld @!p1 [tilespmem:s0+$0x148];
	_ =	sdelay $0x4  }
0x20f: {  	v0 =	vpack.i.f32.bf16 @!p1 v1, v0  }
0x210: {  	v1 =	vld @!p1 [tilespmem:s8+$0x158];
	[tilespmem:s8+$0x148] =	vst @!p1 v0  }
0x211: {  	v0 =	vld @!p1 [tilespmem:s0+$0x158];
	_ =	sdelay $0x4  }
0x212: {  	v0 =	vpack.i.f32.bf16 @!p1 v1, v0  }
0x213: {  	v1 =	vld @!p1 [tilespmem:s8+$0x168];
	[tilespmem:s8+$0x158] =	vst @!p1 v0  }
0x214: {  	v0 =	vld @!p1 [tilespmem:s0+$0x168];
	_ =	sdelay $0x4  }
0x215: {  	v0 =	vpack.i.f32.bf16 @!p1 v1, v0  }
0x216: {  	v1 =	vld @!p1 [tilespmem:s8+$0x178];
	[tilespmem:s8+$0x168] =	vst @!p1 v0  }
0x217: {  	v0 =	vld @!p1 [tilespmem:s0+$0x178];
	_ =	sdelay $0x2  }
0x218: {  	s0 =	simm.s32 $0x1  }
0x219: {  	s3 =	smov.u32 @p1 s7;
	s0 =	simm.s32 @!p0 $0x0  }
0x21a: {  	s3 =	sshra.s32 s3, $0x2;
	s0 =	sor.u32 s0, s6;
	v0 =	vpack.i.f32.bf16 @!p1 v1, v0  }
0x21b: {  	s7 =	simm.s32 $0x82;
	s3 =	sadd.s32 $0x108, s3;
	s0 =	sshll.u32 s0, $0x7;
	[tilespmem:s8+$0x178] =	vst @!p1 v0  }
0x21c: {  	[spmem:s0] =	stream.linear.scatter [tilespmem:s3], [sflag:$0x1], $0x80, $0x38;
	[tilespmem:$0x1F4C8] =	vst v63  }
.LBB3_26:
0x21d: {  	_ =	swait.ge [sflag:s5], s7  }
0x21e: {  	s0 =	ssub.s32 $0x0, s7;
	[sflag:s5] =	ssyncset.done $0x0  }
0x21f: {  	p0 =	sne.s32 s2, $0x0;
	[sflag:s5] =	ssyncadd.s32 s0  }
.Ltmp27:
0x220: {  	_ =	sfence.stream.spmem;
	(pc) =	sbr.rel @p0 .LBB3_46-.Ltmp27, $4  }
0x221: {  	s29 =	simm.s32 $0x3;
	[bflag:$0x0] =	sbarrier.arrive $0xFFFF  }
0x222: {  	s30 =	simm.s32 $0x4;
	[sflag:s29] =	ssyncpa.u1 $0x1  }
0x223: {  	s31 =	simm.s32 $0x3C;
	[sflag:s30] =	ssyncpa.u1 $0x1  }
0x224: {  	s5 =	sand.u32 $0x1, s4;
	[sflag:s31] =	ssyncpa.u1 $0x1  }
0x225: {  	_ =	sfence.stream.spmem;
	s0 =	simm.s32 $0x5  }
0x226: {  	s3 =	simm.s32 $0x1000;
	s6 =	simm.s32 $0x14218;
	[sflag:s0] =	ssyncpa.u1 $0x0  }
0x227: {  	[tilespmem:s6], [sflag:$0x5] =	stream.linear.gather [spmem:s3], $0x20, $0x38;
	[tilespmem:$0x1F4C8] =	vst v63  }
0x228: {  	s26 =	simm.s32 $0x0;
	s28 =	simm.s32 $0x14238  }
0x229: {  	[tilespmem:s28], [sflag:$0x5] =	stream.linear.gather [spmem:s26], $0x1000, $0x38;
	[tilespmem:$0x1F4C8] =	vst v63  }
0x22a: {  	_ =	swait.ge [sflag:s0], $0x1020  }
0x22b: {  	[sflag:s0] =	ssyncset.done $0x0  }
0x22c: {  	s29 =	simm.s32 $0x0;
	[sflag:s0] =	ssyncadd.s32 $0xFFFFEFE0  }
0x22d: {  	v0 =	vld.msk [tilespmem:s29+$0x14218], $0x1;
	_ =	sdelay $0x1  }
0x22e: {  	s30 =	simm.s32 $0x1  }
0x22f: {  	v1 =	vld.msk [tilespmem:s30+$0x14218], $0x1;
	_ =	sdelay $0x1  }
0x230: {  	(v2sf) =	vpush v0, $0x0;
	_ =	sdelay $0x2  }
0x231: {  	(v2sf) =	vpush v1, $0x0;
	_ =	sdelay $0x2  }
0x232: {  	s31 =	simm.s32 $0x2  }
0x233: {  	v0 =	vld.msk [tilespmem:s31+$0x14218], $0x1;
	_ =	sdelay $0x2  }
0x234: {  	s8 =	simm.s32 $0xFFFFFFFF;
	s7 =	simm.s32 $0xFFFFFFFF;
	s6 =	simm.s32 $0xC  }
.LBB3_28:
0x235: {  	s0 =	smov.u32 s7;
	s3 =	smov.u32 s8  }
0x236: {  	s7 =	sshra.s32 s6, $0x2;
	p1 =	sne.s32 s6, $0x7C;
	s6 =	sadd.s32 $0x4, s6;
	(v2sf) =	vpush v0, $0x0  }
0x237: {  	v0 =	vld.msk [tilespmem:s7+$0x14218], $0x1  }
.Ltmp28:
0x238: {  	(pc) =	sbr.rel @p1 .LBB3_28-.Ltmp28, $4  }
0x239: {  	s7 =	spop (v2sf)  }
0x23a: {  	p2 =	sne.s32 s8, $0xFFFFFFFF;
	s8 =	smov.u32 s7  }
0x23b: {  	p3 =	seq.s32 s7, $0xFFFFFFFF;
	s8 =	smov.u32 @p2 s3  }
0x23c: {  	s7 =	smov.u32 @p3 s0;
	s8 =	smov.u32 @p3 s3  }
0x23d: {  	(v2sf) =	vpush v0, $0x0;
	_ =	sdelay $0x8  }
0x23e: {  	s0 =	spop (v2sf)  }
0x23f: {  	p1 =	sne.s32 s8, $0xFFFFFFFF;
	s3 =	smov.u32 s0  }
0x240: {  	p2 =	seq.s32 s0, $0xFFFFFFFF;
	s3 =	smov.u32 @p1 s8  }
0x241: {  	s9 =	simm.s32 $0x6;
	s3 =	smov.u32 @p2 s8;
	s6 =	spop (v2sf)  }
0x242: {  	s10 =	simm.s32 $0x14188;
	p1 =	sne.s32 s3, $0xFFFFFFFF;
	s8 =	smov.u32 s6  }
0x243: {  	s11 =	simm.s32 $0x0;
	s8 =	smov.u32 @p1 s3;
	p1 =	seq.s32 s6, $0xFFFFFFFF  }
.Ltmp29:
0x244: {  	s8 =	smov.u32 @p1 s3;
	s3 =	spop (v2sf);
	(pc) =	sbr.rel .LBB3_30-.Ltmp29, $4  }
0x245: {  	s0 =	smov.u32 @p2 s7;
	p2 =	sne.s32 s8, $0xFFFFFFFF;
	s7 =	smov.u32 s3  }
0x246: {  	s6 =	smov.u32 @p1 s0;
	p1 =	seq.s32 s3, $0xFFFFFFFF;
	s7 =	smov.u32 @p2 s8  }
0x247: {  	[sflag:s9] =	ssyncpa.u1 $0x0;
	s3 =	smov.u32 @p1 s6;
	s7 =	smov.u32 @p1 s8  }
0x248: {  	s6 =	simm.s32 $0x0;
	s8 =	sand.u32 $0xFFFFFFFE, s3;
	s7 =	sand.u32 $0xFFFFFFFE, s7  }
.LBB3_35:
0x249: {  	s0 =	sshll.u32 s11, $0x7  }
0x24a: {  	s31 =	sshll.u32 s15, $0x9;
	s13 =	sand.u32 $0x3FFFFF80, s0  }
0x24b: {  	s12 =	sshra.s32 s31, $0x2;
	v0 =	vld [tilespmem:s13+$0x14238]  }
0x24c: {  	v1 =	vld [tilespmem:s12+$0x14238];
	_ =	sdelay $0x3  }
0x24d: {  	v2 =	vunpack.i.u.bf16.f32 v0  }
0x24e: {  	v0 =	vunpack.i.l.bf16.f32 v0;
	v3 =	vunpack.i.u.bf16.f32 v1;
	v1 =	vunpack.i.l.bf16.f32 v1  }
0x24f: {  	v2 =	vadd.f32 v3, v2;
	v0 =	vadd.f32 v1, v0;
	_ =	sdelay $0x1  }
0x250: {  	v0 =	vpack.i.f32.bf16 v2, v0  }
0x251: {  	v43 =	vld [tilespmem:s12+$0x14248];
	[tilespmem:s12+$0x14238] =	vst v0  }
0x252: {  	v0 =	vld [tilespmem:s13+$0x14248];
	_ =	sdelay $0x3  }
0x253: {  	v45 =	vunpack.i.u.bf16.f32 v43  }
0x254: {  	v1 =	vunpack.i.l.bf16.f32 v43;
	v44 =	vunpack.i.u.bf16.f32 v0;
	v0 =	vunpack.i.l.bf16.f32 v0  }
0x255: {  	v2 =	vadd.f32 v45, v44;
	v0 =	vadd.f32 v1, v0;
	_ =	sdelay $0x1  }
0x256: {  	v0 =	vpack.i.f32.bf16 v2, v0  }
0x257: {  	v46 =	vld [tilespmem:s12+$0x14258];
	[tilespmem:s12+$0x14248] =	vst v0  }
0x258: {  	v0 =	vld [tilespmem:s13+$0x14258];
	_ =	sdelay $0x3  }
0x259: {  	v48 =	vunpack.i.u.bf16.f32 v46  }
0x25a: {  	v1 =	vunpack.i.l.bf16.f32 v46;
	v47 =	vunpack.i.u.bf16.f32 v0;
	v0 =	vunpack.i.l.bf16.f32 v0  }
0x25b: {  	v2 =	vadd.f32 v48, v47;
	v0 =	vadd.f32 v1, v0;
	_ =	sdelay $0x1  }
0x25c: {  	v0 =	vpack.i.f32.bf16 v2, v0  }
0x25d: {  	v49 =	vld [tilespmem:s12+$0x14268];
	[tilespmem:s12+$0x14258] =	vst v0  }
0x25e: {  	v0 =	vld [tilespmem:s13+$0x14268];
	_ =	sdelay $0x3  }
0x25f: {  	v51 =	vunpack.i.u.bf16.f32 v49  }
0x260: {  	v1 =	vunpack.i.l.bf16.f32 v49;
	v50 =	vunpack.i.u.bf16.f32 v0;
	v0 =	vunpack.i.l.bf16.f32 v0  }
0x261: {  	v2 =	vadd.f32 v51, v50;
	v0 =	vadd.f32 v1, v0;
	_ =	sdelay $0x1  }
0x262: {  	v0 =	vpack.i.f32.bf16 v2, v0  }
0x263: {  	v52 =	vld [tilespmem:s12+$0x14278];
	[tilespmem:s12+$0x14268] =	vst v0  }
0x264: {  	v0 =	vld [tilespmem:s13+$0x14278];
	_ =	sdelay $0x3  }
0x265: {  	v54 =	vunpack.i.u.bf16.f32 v52  }
0x266: {  	v1 =	vunpack.i.l.bf16.f32 v52;
	v53 =	vunpack.i.u.bf16.f32 v0;
	v0 =	vunpack.i.l.bf16.f32 v0  }
0x267: {  	v2 =	vadd.f32 v54, v53;
	v0 =	vadd.f32 v1, v0;
	_ =	sdelay $0x1  }
0x268: {  	v0 =	vpack.i.f32.bf16 v2, v0  }
0x269: {  	v55 =	vld [tilespmem:s12+$0x14288];
	[tilespmem:s12+$0x14278] =	vst v0  }
0x26a: {  	v0 =	vld [tilespmem:s13+$0x14288];
	_ =	sdelay $0x3  }
0x26b: {  	v57 =	vunpack.i.u.bf16.f32 v55  }
0x26c: {  	v1 =	vunpack.i.l.bf16.f32 v55;
	v56 =	vunpack.i.u.bf16.f32 v0;
	v0 =	vunpack.i.l.bf16.f32 v0  }
0x26d: {  	v2 =	vadd.f32 v57, v56;
	v0 =	vadd.f32 v1, v0;
	_ =	sdelay $0x1  }
0x26e: {  	v0 =	vpack.i.f32.bf16 v2, v0  }
0x26f: {  	v58 =	vld [tilespmem:s12+$0x14298];
	[tilespmem:s12+$0x14288] =	vst v0  }
0x270: {  	v0 =	vld [tilespmem:s13+$0x14298];
	_ =	sdelay $0x3  }
0x271: {  	v60 =	vunpack.i.u.bf16.f32 v58  }
0x272: {  	v1 =	vunpack.i.l.bf16.f32 v58;
	v59 =	vunpack.i.u.bf16.f32 v0;
	v0 =	vunpack.i.l.bf16.f32 v0  }
0x273: {  	v2 =	vadd.f32 v60, v59;
	v0 =	vadd.f32 v1, v0;
	_ =	sdelay $0x1  }
0x274: {  	v0 =	vpack.i.f32.bf16 v2, v0  }
0x275: {  	v61 =	vld [tilespmem:s12+$0x142A8];
	[tilespmem:s12+$0x14298] =	vst v0  }
0x276: {  	v0 =	vld [tilespmem:s13+$0x142A8];
	_ =	sdelay $0x3  }
0x277: {  	v63 =	vunpack.i.u.bf16.f32 v61  }
0x278: {  	v1 =	vunpack.i.l.bf16.f32 v61;
	v62 =	vunpack.i.u.bf16.f32 v0;
	v0 =	vunpack.i.l.bf16.f32 v0  }
0x279: {  	v2 =	vadd.f32 v63, v62;
	v0 =	vadd.f32 v1, v0;
	_ =	sdelay $0x1  }
0x27a: {  	v0 =	vpack.i.f32.bf16 v2, v0  }
0x27b: {  	[tilespmem:s12+$0x142A8] =	vst v0  }
.LBB3_40:
0x27c: {  	s11 =	sadd.s32 $0x1, s11  }
0x27d: {  	p1 =	sne.s32 s11, $0x20  }
.Ltmp30:
0x27e: {  	_ = 	snop;
	(pc) =	sbr.rel @!p1 .LBB3_41-.Ltmp30, $1  }
0x27f: {  	_ =	sdelay $0x3  }
.LBB3_30:
0x280: {  	v0 =	vld.msk [tilespmem:s11+$0x14218], $0x1;
	_ =	sdelay $0x4  }
0x281: {  	(v2sf) =	vpush v0, $0x0;
	_ =	sdelay $0xe  }
0x282: {  	s12 =	spop (v2sf)  }
0x283: {  	p1 =	seq.s32 s12, $0xFFFFFFFF  }
.Ltmp31:
0x284: {  	_ = 	snop;
	(pc) =	sbr.rel @p1 .LBB3_40-.Ltmp31, $1  }
0x285: {  	_ =	sdelay $0x3  }
0x286: {  	p1 =	slt.s32 s6, $0x1  }
.Ltmp32:
0x287: {  	_ = 	snop;
	(pc) =	sbr.rel @p1 .LBB3_36-.Ltmp32, $2  }
0x288: {  	_ =	sdelay $0x2  }
0x289: {  	s13 =	sand.u32 $0xFFFFFFFE, s12  }
0x28a: {  	s14 =	simm.s32 $0x14218;
	p1 =	por $0x0, $0x0  }
0x28b: {  	v1 =	vld.msk @!p1 [tilespmem:s14+$0x0], $0x1;
	_ =	sdelay $0x4  }
0x28c: {  	(v2sf) =	vpush @!p1 v1, $0x0;
	_ =	sdelay $0xe  }
0x28d: {  	p3 =	sne.s32 s6, $0x1;
	s0 =	spop @!p1 (v2sf)  }
.Ltmp33:
0x28e: {  	s0 =	sand.u32 @!p1 $0xFFFFFFFE, s0;
	(pc) =	sbr.rel @!p3 .LBB3_34-.Ltmp33, $4  }
0x28f: {  	p2 =	seq.s32 @!p1 s13, s0  }
0x290: {  	s15 =	simm.s32 $0x0;
	p2 =	por !p2, p1  }
0x291: {  	s0 =	simm.s32 $0xFFFFFFFF;
	s15 =	simm.s32 @p2 $0xFFFFFFFF  }
0x292: {  	s16 =	simm.s32 $0x1;
	s15 =	smov.u32 @p1 s0  }
.LBB3_33:
0x293: {  	s0 =	smov.u32 s15;
	p1 =	sne.s32 s15, $0xFFFFFFFF  }
0x294: {  	s14 =	sadd.s32 $0x1, s14;
	s15 =	smov.u32 s16;
	s16 =	sadd.s32 $0x1, s16  }
0x295: {  	p2 =	sne.s32 s6, s16;
	v1 =	vld.msk @!p1 [tilespmem:s14+$0x0], $0x1;
	_ =	sdelay $0x4  }
0x296: {  	(v2sf) =	vpush @!p1 v1, $0x0;
	_ =	sdelay $0xe  }
0x297: {  	s3 =	spop @!p1 (v2sf)  }
.Ltmp34:
0x298: {  	s3 =	sand.u32 @!p1 $0xFFFFFFFE, s3;
	(pc) =	sbr.rel @p2 .LBB3_33-.Ltmp34, $4  }
0x299: {  	p3 =	seq.s32 @!p1 s13, s3  }
0x29a: {  	p3 =	por !p3, p1  }
0x29b: {  	s15 =	simm.s32 @p3 $0xFFFFFFFF  }
0x29c: {  	s15 =	smov.u32 @p1 s0  }
.LBB3_34:
0x29d: {  	p1 =	seq.s32 s15, $0xFFFFFFFF  }
.Ltmp35:
0x29e: {  	_ = 	snop;
	(pc) =	sbr.rel @!p1 .LBB3_35-.Ltmp35, $1  }
0x29f: {  	_ =	sdelay $0x3  }
.LBB3_36:
0x2a0: {  	p1 =	sgt.u32 s12, $0xC34F01  }
0x2a1: {  	p2 =	seq.s32 @!p1 s13, s7  }
0x2a2: {  	p1 =	por p1, p2  }
0x2a3: {  	p2 =	sne.s32 @!p1 s13, s8  }
0x2a4: {  	p1 =	por p1, !p2  }
.Ltmp36:
0x2a5: {  	_ = 	snop;
	(pc) =	sbr.rel @p1 .LBB3_37-.Ltmp36, $1  }
0x2a6: {  	_ =	sdelay $0x3  }
0x2a7: {  	s0 =	sshrl.u32 s12, $0x1;
	s3 =	sshrl.u32 s12, $0x4  }
0x2a8: {  	s3 =	sadd.s32 s1, s3;
	s0 =	sand.u32 $0x7, s0  }
0x2a9: {  	[tilespmem:s10], [sflag:$0x6] =	stream.linear.gather [hbm4b:s3+s0], $0x80, $0x38;
	[tilespmem:$0x1F4C8] =	vst v63  }
0x2aa: {  	_ =	swait.ge [sflag:s9], $0x80  }
0x2ab: {  	[sflag:s9] =	ssyncset.done $0x0  }
0x2ac: {  	s12 =	sshll.u32 s11, $0x9;
	[sflag:s9] =	ssyncadd.s32 $0xFFFFFF80  }
0x2ad: {  	s13 =	sshrl.u32 s12, $0x2;
	v1 =	vld [tilespmem:$0x14188]  }
0x2ae: {  	v2 =	vld [tilespmem:s13+$0x14238]  }
0x2af: {  	v4 =	vld [tilespmem:s13+$0x14248]  }
0x2b0: {  	v5 =	vld [tilespmem:$0x141A8]  }
0x2b1: {  	v7 =	vld [tilespmem:s13+$0x14258]  }
0x2b2: {  	v9 =	vld [tilespmem:$0x141B8]  }
0x2b3: {  	v44 =	vld [tilespmem:s13+$0x14268]  }
0x2b4: {  	v11 =	vld [tilespmem:$0x141C8]  }
0x2b5: {  	v46 =	vld [tilespmem:s13+$0x14278]  }
0x2b6: {  	v13 =	vld [tilespmem:$0x141D8]  }
0x2b7: {  	v50 =	vld [tilespmem:s13+$0x14288]  }
0x2b8: {  	v15 =	vld [tilespmem:$0x141E8]  }
0x2b9: {  	v51 =	vld [tilespmem:s13+$0x14298];
	v6 =	vunpack.i.u.bf16.f32 v1;
	v1 =	vunpack.i.l.bf16.f32 v1;
	v8 =	vunpack.i.u.bf16.f32 v2  }
0x2ba: {  	v52 =	vld [tilespmem:$0x141F8];
	v2 =	vunpack.i.l.bf16.f32 v2;
	v10 =	vunpack.i.u.bf16.f32 v4;
	v4 =	vunpack.i.l.bf16.f32 v4  }
0x2bb: {  	v56 =	vld [tilespmem:s13+$0x142A8];
	v45 =	vunpack.i.u.bf16.f32 v5;
	v5 =	vunpack.i.l.bf16.f32 v5;
	v12 =	vunpack.i.u.bf16.f32 v7  }
0x2bc: {  	v3 =	vld [tilespmem:$0x14198];
	v7 =	vunpack.i.l.bf16.f32 v7;
	v47 =	vunpack.i.u.bf16.f32 v9;
	v9 =	vunpack.i.l.bf16.f32 v9  }
0x2bd: {  	v48 =	vunpack.i.u.bf16.f32 v44;
	v49 =	vunpack.i.u.bf16.f32 v11;
	v11 =	vunpack.i.l.bf16.f32 v11  }
0x2be: {  	v14 =	vunpack.i.u.bf16.f32 v46;
	v55 =	vunpack.i.u.bf16.f32 v13;
	v57 =	vunpack.i.l.bf16.f32 v13  }
0x2bf: {  	v58 =	vunpack.i.u.bf16.f32 v50;
	v60 =	vunpack.i.u.bf16.f32 v15;
	v61 =	vunpack.i.u.bf16.f32 v51  }
0x2c0: {  	v62 =	vunpack.i.u.bf16.f32 v52;
	v63 =	vunpack.i.u.bf16.f32 v56;
	v6 =	vadd.f32 v8, v6  }
0x2c1: {  	v1 =	vadd.f32 v2, v1;
	v2 =	vunpack.i.u.bf16.f32 v3;
	v5 =	vadd.f32 v7, v5  }
0x2c2: {  	v3 =	vunpack.i.l.bf16.f32 v3;
	v7 =	vadd.f32 v48, v47;
	v2 =	vadd.f32 v10, v2  }
0x2c3: {  	v8 =	vunpack.i.l.bf16.f32 v44;
	v3 =	vadd.f32 v4, v3;
	v4 =	vadd.f32 v12, v45  }
0x2c4: {  	v8 =	vadd.f32 v8, v9;
	v10 =	vunpack.i.l.bf16.f32 v46;
	v9 =	vadd.f32 v14, v49  }
0x2c5: {  	v12 =	vunpack.i.l.bf16.f32 v50;
	v10 =	vadd.f32 v10, v11;
	v1 =	vpack.i.f32.bf16 v6, v1  }
0x2c6: {  	v59 =	vadd.f32 v12, v57;
	v11 =	vunpack.i.l.bf16.f32 v51;
	v2 =	vpack.i.f32.bf16 v2, v3;
	[tilespmem:s13+$0x14238] =	vst v1  }
0x2c7: {  	v3 =	vpack.i.f32.bf16 v4, v5;
	v53 =	vpack.i.f32.bf16 v7, v8;
	v1 =	vadd.f32 v58, v55;
	[tilespmem:s13+$0x14248] =	vst v2  }
0x2c8: {  	v4 =	vunpack.i.l.bf16.f32 v52;
	v8 =	vunpack.i.l.bf16.f32 v56;
	v2 =	vunpack.i.l.bf16.f32 v15;
	[tilespmem:s13+$0x14258] =	vst v3  }
0x2c9: {  	v54 =	vpack.i.f32.bf16 v9, v10;
	v3 =	vadd.f32 v61, v60;
	[tilespmem:s13+$0x14268] =	vst v53;
	v2 =	vadd.f32 v11, v2  }
0x2ca: {  	v5 =	vadd.f32 v63, v62;
	v4 =	vadd.f32 v8, v4;
	[tilespmem:s13+$0x14278] =	vst v54;
	v1 =	vpack.i.f32.bf16 v1, v59  }
0x2cb: {  	[tilespmem:s13+$0x14288] =	vst v1;
	v1 =	vpack.i.f32.bf16 v3, v2  }
0x2cc: {  	[tilespmem:s13+$0x14298] =	vst v1;
	v1 =	vpack.i.f32.bf16 v5, v4  }
0x2cd: {  	[tilespmem:s13+$0x142A8] =	vst v1  }
.LBB3_39:
0x2ce: {  	[tilespmem:s6+$0x14218] =	vst.msk $0x1, v0;
	s0 =	sshrl.u32 s12, $0x2  }
0x2cf: {  	v0 =	vld [tilespmem:s0+$0x14238];
	_ =	sdelay $0x2  }
0x2d0: {  	s3 =	sshll.u32 s6, $0x9  }
0x2d1: {  	s3 =	sshra.s32 s3, $0x2  }
0x2d2: {  	[tilespmem:s3+$0x14238] =	vst v0  }
0x2d3: {  	v0 =	vld [tilespmem:s0+$0x14248];
	_ =	sdelay $0x4  }
0x2d4: {  	[tilespmem:s3+$0x14248] =	vst v0  }
0x2d5: {  	v0 =	vld [tilespmem:s0+$0x14258];
	_ =	sdelay $0x4  }
0x2d6: {  	[tilespmem:s3+$0x14258] =	vst v0  }
0x2d7: {  	v0 =	vld [tilespmem:s0+$0x14268];
	_ =	sdelay $0x4  }
0x2d8: {  	[tilespmem:s3+$0x14268] =	vst v0  }
0x2d9: {  	v0 =	vld [tilespmem:s0+$0x14278];
	_ =	sdelay $0x4  }
0x2da: {  	[tilespmem:s3+$0x14278] =	vst v0  }
0x2db: {  	v0 =	vld [tilespmem:s0+$0x14288];
	_ =	sdelay $0x4  }
0x2dc: {  	[tilespmem:s3+$0x14288] =	vst v0  }
0x2dd: {  	v0 =	vld [tilespmem:s0+$0x14298];
	_ =	sdelay $0x4  }
0x2de: {  	[tilespmem:s3+$0x14298] =	vst v0  }
0x2df: {  	v0 =	vld [tilespmem:s0+$0x142A8]  }
.Ltmp37:
0x2e0: {  	_ = 	snop;
	(pc) =	sbr.rel .LBB3_40-.Ltmp37, $2  }
0x2e1: {  	_ =	sdelay $0x2  }
0x2e2: {  	s6 =	sadd.s32 $0x1, s6;
	[tilespmem:s3+$0x142A8] =	vst v0  }
.LBB3_37:
.Ltmp38:
0x2e3: {  	(pc) =	sbr.rel .LBB3_39-.Ltmp38, $2  }
0x2e4: {  	_ =	sdelay $0x2  }
0x2e5: {  	s12 =	sshll.u32 s11, $0x9  }
.LBB3_41:
0x2e6: {  	s0 =	simm.s32 $0x6;
	p1 =	seq.s32 s6, $0x0  }
0x2e7: {  	[sflag:s0] =	ssyncpa.u1 $0x1;
	v0 =	vimm.s32 @p1 $0xFFFFFFFF  }
0x2e8: {  	s9 =	sadd.s32 $0xFFFFFFFF, s6;
	[tilespmem:$0x15238] =	vst @p1 v0  }
0x2e9: {  	v0 =	vld.msk @!p1 [tilespmem:s9+$0x14218], $0x1;
	_ =	sdelay $0x1  }
0x2ea: {  	v1 =	vld.msk @!p1 [tilespmem:$0x14218], $0x1;
	_ =	sdelay $0x2  }
0x2eb: {  	p2 =	seq.s32 @!p1 s9, $0x0;
	v0 =	vbroadcast @!p1 v0, $0x0  }
0x2ec: {  	vm0 =	vmmov @!p1 $0x1;
	p2 =	por !p2, p1  }
0x2ed: {  	v1 =	vnsel @!p1 vm0, $0xFFFFFFFF, v1;
	vm0 =	vcmask @!p1 $0x308;
	v0 =	vpsel !p2, $0xFFFFFFFF, v0  }
0x2ee: {  	p2 =	sne.s32 @!p1 s7, s8;
	v0 =	vsel @!p1 vm0, v1, v0  }
0x2ef: {  	s0 =	simm.s32 @!p1 $0x14238;
	s3 =	simm.s32 @!p1 $0x0;
	p3 =	por !p2, p1;
	[tilespmem:$0x15238] =	vst @!p1 v0  }
0x2f0: {  	[spmem:s3] =	stream.linear.scatter @!p1 [tilespmem:s0], [sflag:$0x1], $0x80, $0x38;
	[tilespmem:$0x1F4C8] =	vst v63  }
0x2f1: {  	s0 =	sshll.u32 @!p3 s9, $0x9  }
0x2f2: {  	s0 =	sshra.s32 @!p3 s0, $0x2  }
0x2f3: {  	s3 =	simm.s32 @!p3 $0x80;
	s0 =	sadd.s32 @!p3 $0x14238, s0  }
0x2f4: {  	[spmem:s3] =	stream.linear.scatter @!p3 [tilespmem:s0], [sflag:$0x1], $0x80, $0x38;
	[tilespmem:$0x1F4C8] =	vst v63  }
0x2f5: {  	s0 =	simm.s32 @!p3 $0x1  }
0x2f6: {  	_ =	swait.ge @!p3 [sflag:s0], $0x100  }
0x2f7: {  	p1 =	por p2, p1;
	[sflag:s0] =	ssyncset.done @!p3 $0x0  }
0x2f8: {  	[sflag:s0] =	ssyncadd.s32 @!p3 $0xFFFFFF00;
	s0 =	simm.s32 @!p1 $0x1  }
0x2f9: {  	_ =	swait.ge @!p1 [sflag:s0], $0x80  }
0x2fa: {  	s29 =	simm.s32 $0x15238;
	[sflag:s0] =	ssyncset.done @!p1 $0x0  }
0x2fb: {  	s30 =	simm.s32 $0x1000;
	s31 =	simm.s32 $0x1;
	[sflag:s0] =	ssyncadd.s32 @!p1 $0xFFFFFF80  }
0x2fc: {  	[spmem:s30] =	stream.linear.scatter [tilespmem:s29], [sflag:$0x1], $0x10, $0x38;
	[tilespmem:$0x1F4C8] =	vst v63  }
0x2fd: {  	_ =	swait.ge [sflag:s31], $0x10  }
0x2fe: {  	[sflag:s31] =	ssyncset.done $0x0  }
0x2ff: {  	p1 =	seq.s32 s5, $0x0;
	[sflag:s31] =	ssyncadd.s32 $0xFFFFFFF0  }
0x300: {  	s3 =	sshll.u32 @p1 s4, $0xE;
	s11 =	rddreg [dreg:$0x2]  }
0x301: {  	s0 =	sadd.s32 @p1 $0x15C3C, s3;
	s3 =	sshll.u32 @p1 s11, $0x11  }
0x302: {  	_ =	sfence.stream.spmem;
	s0 =	sor.u32 @p1 s3, s0  }
0x303: {  	[sflag:s0] =	ssyncadd.remote.s32 @p1 $0x1;
	s0 =	simm.s32 @p1 $0x4  }
0x304: {  	s7 =	simm.s32 @!p1 $0x3C;
	s3 =	sand.u32 $0xFFFFFFFE, s4;
	_ =	swait.ge @p1 [sflag:s0], $0x22  }
0x305: {  	s8 =	simm.s32 @!p1 $0x0;
	s3 =	sadd.s32 @!p1 $0x4, s3;
	[sflag:s0] =	ssyncset.done @p1 $0x0  }
0x306: {  	s10 =	simm.s32 @!p1 $0x100;
	[sflag:s0] =	ssyncadd.s32 @p1 $0xFFFFFFDE;
	s0 =	sshll.u32 @!p1 s3, $0x1A  }
0x307: {  	s3 =	sshll.u32 @!p1 s3, $0xD;
	s0 =	sor.u32 @!p1 s0, s11;
	_ =	swait.eq @!p1 [sflag:s7], $0x1  }
0x308: {  	s3 =	sor.u32 @!p1 $0x1C04, s3;
	s7 =	simm.s32 @!p1 $0x1C03;
	s0 =	sor.u32 @!p1 $0x80004000, s0  }
0x309: {  	[spmem:s10], [sflag:s3] =	dma.general @!p1 [spmem:s8], [sflag:s7], length:$0x20, [dreg:$0x0], stride_count:$0x0, ici_dest:s0, dma_misc:DstOpCode:WRITE  }
0x30a: {  	p2 =	slt.s32 s9, $0x2;
	s8 =	simm.s32 @!p1 $0x200;
	s10 =	simm.s32 @!p1 $0x202  }
0x30b: {  	[spmem:s10], [sflag:s3] =	dma.general @!p1 [spmem:s8], [sflag:s7], length:$0x2, [dreg:$0x0], stride_count:$0x0, ici_dest:s0, dma_misc:DstOpCode:WRITE  }
.Ltmp39:
0x30c: {  	s0 =	simm.s32 @!p1 $0x3;
	(pc) =	sbr.rel @p2 .LBB3_45-.Ltmp39, $4  }
0x30d: {  	s3 =	sshll.u32 @!p1 s4, $0xE;
	_ =	swait.ge @!p1 [sflag:s0], $0x22  }
0x30e: {  	s4 =	sshll.u32 @!p1 s11, $0x11;
	s3 =	sadd.s32 @!p1 $0x11C3C, s3;
	[sflag:s0] =	ssyncset.done @!p1 $0x0  }
0x30f: {  	[sflag:s0] =	ssyncadd.s32 @!p1 $0xFFFFFFDE;
	s0 =	sor.u32 @!p1 s4, s3  }
0x310: {  	s3 =	simm.s32 $0x0;
	[sflag:s0] =	ssyncadd.remote.s32 @!p1 $0xFFFFFFFF  }
0x311: {  	s0 =	simm.s32 $0x14219  }
0x312: {  	v0 =	vld.msk [tilespmem:s0+$0x0], $0x1;
	_ =	sdelay $0x4  }
0x313: {  	(v2sf) =	vpush v0, $0x0;
	_ =	sdelay $0xc  }
0x314: {  	s4 =	sadd.s32 $0xFFFFFFFE, s6  }
0x315: {  	s4 =	sadd.s32 $0xFFFFFFFF, s4  }
0x316: {  	p1 =	sne.s32 s4, $0x0;
	s0 =	spop (v2sf)  }
.Ltmp40:
0x317: {  	p2 =	sgt.u32 s0, $0xC34F01;
	(pc) =	sbr.rel @!p1 .LBB3_44-.Ltmp40, $4  }
0x318: {  	s6 =	sshrl.u32 @!p2 s0, $0x1;
	s0 =	sshrl.u32 @!p2 s0, $0x4  }
0x319: {  	s3 =	simm.s32 $0x142B8;
	s0 =	sadd.s32 @!p2 s1, s0;
	s6 =	sand.u32 @!p2 $0x7, s6  }
0x31a: {  	[hbm4b:s0+s6] =	stream.linear.scatter @!p2 [tilespmem:s3], [sflag:$0x5], $0x80, $0x38;
	[tilespmem:$0x1F4C8] =	vst v63  }
0x31b: {  	s8 =	simm.s32 $0x1421A;
	s7 =	simm.s32 $0x0;
	s6 =	simm.s32 $0x0  }
.LBB3_43:
0x31c: {  	s0 =	simm.s32 $0x0  }
0x31d: {  	v0 =	vld.msk [tilespmem:s8+$0x0], $0x1;
	s4 =	sadd.s32 $0xFFFFFFFF, s4;
	s0 =	simm.s32 @!p2 $0x200  }
0x31e: {  	p1 =	sne.s32 s4, $0x0;
	s7 =	sadd.s32 s7, s0;
	_ =	sdelay $0x3  }
0x31f: {  	(v2sf) =	vpush v0, $0x0;
	_ =	sdelay $0xe  }
.Ltmp41:
0x320: {  	s0 =	spop (v2sf);
	(pc) =	sbr.rel @p1 .LBB3_43-.Ltmp41, $4  }
0x321: {  	p2 =	sgt.u32 s0, $0xC34F01  }
0x322: {  	s3 =	sadd.s32 $0x80, s3;
	s9 =	sshrl.u32 @!p2 s0, $0x1;
	s0 =	sshrl.u32 @!p2 s0, $0x4  }
0x323: {  	s8 =	sadd.s32 $0x1, s8;
	s0 =	sadd.s32 @!p2 s1, s0;
	s9 =	sand.u32 @!p2 $0x7, s9  }
0x324: {  	[hbm4b:s0+s9] =	stream.linear.scatter @!p2 [tilespmem:s3], [sflag:$0x5], $0x80, $0x38;
	[tilespmem:$0x1F4C8] =	vst v63  }
.LBB3_44:
0x325: {  	s6 =	simm.s32 @!p2 $0x200  }
0x326: {  	s0 =	sadd.s32 s7, s6  }
0x327: {  	s3 =	sshrl.u32 s0, $0x2  }
.LBB3_45:
0x328: {  	s0 =	simm.s32 $0x5  }
0x329: {  	_ =	swait.ge [sflag:s0], s3  }
0x32a: {  	s31 =	ssub.s32 $0x0, s3;
	[sflag:s0] =	ssyncset.done $0x0  }
0x32b: {  	[sflag:s0] =	ssyncadd.s32 s31  }
0x32c: {  	[sflag:s0] =	ssyncpa.u1 $0x1  }
.LBB3_46:
0x32d: {  	s0 =	sor.u32 s5, s2  }
0x32e: {  	p1 =	sne.s32 s0, $0x0  }
.Ltmp42:
0x32f: {  	_ = 	snop;
	(pc) =	sbr.rel @p1 .LBB3_64-.Ltmp42, $3  }
0x330: {  	_ =	sdelay $0x1  }
0x331: {  	[bflag:$0x0] =	sbarrier.arrive $0xFFFF  }
0x332: {  	_ =	sfence  }
0x333: {  	s0 =	simm.s32 $0x7  }
0x334: {  	s2 =	simm.s32 $0x1000;
	s3 =	simm.s32 $0x14218;
	[sflag:s0] =	ssyncpa.u1 $0x0  }
0x335: {  	[tilespmem:s3], [sflag:$0x7] =	stream.linear.gather [spmem:s2], $0x20, $0x38;
	[tilespmem:$0x1F4C8] =	vst v63  }
0x336: {  	s31 =	simm.s32 $0x14238;
	s2 =	simm.s32 $0x0  }
0x337: {  	[tilespmem:s31], [sflag:$0x7] =	stream.linear.gather [spmem:s2], $0x1000, $0x38;
	[tilespmem:$0x1F4C8] =	vst v63  }
.Ltmp43:
0x338: {  	_ = 	snop;
	(pc) =	sbr.rel .LBB3_48-.Ltmp43, $4  }
0x339: {  	_ =	swait.ge [sflag:s0], $0x1020  }
0x33a: {  	[sflag:s0] =	ssyncset.done $0x0  }
0x33b: {  	s3 =	simm.s32 $0x8;
	[sflag:s0] =	ssyncadd.s32 $0xFFFFEFE0  }
0x33c: {  	s4 =	simm.s32 $0x14188;
	s5 =	simm.s32 $0x0;
	[sflag:s3] =	ssyncpa.u1 $0x0  }
.LBB3_56:
0x33d: {  	s0 =	sshrl.u32 s6, $0x1;
	s31 =	sshrl.u32 s6, $0x4  }
0x33e: {  	s6 =	sadd.s32 s1, s31;
	s0 =	sand.u32 $0x7, s0  }
0x33f: {  	[tilespmem:s4], [sflag:$0x8] =	stream.linear.gather [hbm4b:s6+s0], $0x80, $0x38;
	[tilespmem:$0x1F4C8] =	vst v63  }
0x340: {  	_ =	swait.ge [sflag:s3], $0x80  }
0x341: {  	[sflag:s3] =	ssyncset.done $0x0  }
0x342: {  	s6 =	sshll.u32 s5, $0x9;
	[sflag:s3] =	ssyncadd.s32 $0xFFFFFF80  }
0x343: {  	s7 =	sshrl.u32 s6, $0x2;
	v1 =	vld [tilespmem:$0x14188]  }
0x344: {  	v2 =	vld [tilespmem:s7+$0x14238]  }
0x345: {  	v4 =	vld [tilespmem:s7+$0x14248]  }
0x346: {  	v5 =	vld [tilespmem:$0x141A8]  }
0x347: {  	v7 =	vld [tilespmem:s7+$0x14258]  }
0x348: {  	v9 =	vld [tilespmem:$0x141B8]  }
0x349: {  	v44 =	vld [tilespmem:s7+$0x14268]  }
0x34a: {  	v11 =	vld [tilespmem:$0x141C8]  }
0x34b: {  	v46 =	vld [tilespmem:s7+$0x14278]  }
0x34c: {  	v13 =	vld [tilespmem:$0x141D8]  }
0x34d: {  	v50 =	vld [tilespmem:s7+$0x14288]  }
0x34e: {  	v15 =	vld [tilespmem:$0x141E8]  }
0x34f: {  	v51 =	vld [tilespmem:s7+$0x14298];
	v6 =	vunpack.i.u.bf16.f32 v1;
	v1 =	vunpack.i.l.bf16.f32 v1;
	v8 =	vunpack.i.u.bf16.f32 v2  }
0x350: {  	v52 =	vld [tilespmem:$0x141F8];
	v2 =	vunpack.i.l.bf16.f32 v2;
	v10 =	vunpack.i.u.bf16.f32 v4;
	v4 =	vunpack.i.l.bf16.f32 v4  }
0x351: {  	v56 =	vld [tilespmem:s7+$0x142A8];
	v45 =	vunpack.i.u.bf16.f32 v5;
	v5 =	vunpack.i.l.bf16.f32 v5;
	v12 =	vunpack.i.u.bf16.f32 v7  }
0x352: {  	v3 =	vld [tilespmem:$0x14198];
	v7 =	vunpack.i.l.bf16.f32 v7;
	v47 =	vunpack.i.u.bf16.f32 v9;
	v9 =	vunpack.i.l.bf16.f32 v9  }
0x353: {  	v48 =	vunpack.i.u.bf16.f32 v44;
	v49 =	vunpack.i.u.bf16.f32 v11;
	v11 =	vunpack.i.l.bf16.f32 v11  }
0x354: {  	v14 =	vunpack.i.u.bf16.f32 v46;
	v55 =	vunpack.i.u.bf16.f32 v13;
	v57 =	vunpack.i.l.bf16.f32 v13  }
0x355: {  	v58 =	vunpack.i.u.bf16.f32 v50;
	v60 =	vunpack.i.u.bf16.f32 v15;
	v61 =	vunpack.i.u.bf16.f32 v51  }
0x356: {  	v62 =	vunpack.i.u.bf16.f32 v52;
	v63 =	vunpack.i.u.bf16.f32 v56;
	v6 =	vadd.f32 v8, v6  }
0x357: {  	v1 =	vadd.f32 v2, v1;
	v2 =	vunpack.i.u.bf16.f32 v3;
	v5 =	vadd.f32 v7, v5  }
0x358: {  	v3 =	vunpack.i.l.bf16.f32 v3;
	v7 =	vadd.f32 v48, v47;
	v2 =	vadd.f32 v10, v2  }
0x359: {  	v8 =	vunpack.i.l.bf16.f32 v44;
	v3 =	vadd.f32 v4, v3;
	v4 =	vadd.f32 v12, v45  }
0x35a: {  	v8 =	vadd.f32 v8, v9;
	v10 =	vunpack.i.l.bf16.f32 v46;
	v9 =	vadd.f32 v14, v49  }
0x35b: {  	v12 =	vunpack.i.l.bf16.f32 v50;
	v10 =	vadd.f32 v10, v11;
	v1 =	vpack.i.f32.bf16 v6, v1  }
0x35c: {  	v59 =	vadd.f32 v12, v57;
	v11 =	vunpack.i.l.bf16.f32 v51;
	v2 =	vpack.i.f32.bf16 v2, v3;
	[tilespmem:s7+$0x14238] =	vst v1  }
0x35d: {  	v3 =	vpack.i.f32.bf16 v4, v5;
	v53 =	vpack.i.f32.bf16 v7, v8;
	v1 =	vadd.f32 v58, v55;
	[tilespmem:s7+$0x14248] =	vst v2  }
0x35e: {  	v4 =	vunpack.i.l.bf16.f32 v52;
	v8 =	vunpack.i.l.bf16.f32 v56;
	v2 =	vunpack.i.l.bf16.f32 v15;
	[tilespmem:s7+$0x14258] =	vst v3  }
0x35f: {  	v54 =	vpack.i.f32.bf16 v9, v10;
	v3 =	vadd.f32 v61, v60;
	[tilespmem:s7+$0x14268] =	vst v53;
	v2 =	vadd.f32 v11, v2  }
0x360: {  	v5 =	vadd.f32 v63, v62;
	v4 =	vadd.f32 v8, v4;
	[tilespmem:s7+$0x14278] =	vst v54;
	v1 =	vpack.i.f32.bf16 v1, v59  }
0x361: {  	[tilespmem:s7+$0x14288] =	vst v1;
	v1 =	vpack.i.f32.bf16 v3, v2  }
0x362: {  	[tilespmem:s7+$0x14298] =	vst v1;
	v1 =	vpack.i.f32.bf16 v5, v4  }
0x363: {  	[tilespmem:s7+$0x142A8] =	vst v1  }
.LBB3_57:
0x364: {  	[tilespmem:s2+$0x14218] =	vst.msk $0x1, v0;
	s0 =	sshrl.u32 s6, $0x2  }
0x365: {  	v0 =	vld [tilespmem:s0+$0x14238];
	_ =	sdelay $0x2  }
0x366: {  	s31 =	sshll.u32 s2, $0x9  }
0x367: {  	s6 =	sshra.s32 s31, $0x2  }
0x368: {  	[tilespmem:s6+$0x14238] =	vst v0  }
0x369: {  	v0 =	vld [tilespmem:s0+$0x14248];
	_ =	sdelay $0x4  }
0x36a: {  	[tilespmem:s6+$0x14248] =	vst v0  }
0x36b: {  	v0 =	vld [tilespmem:s0+$0x14258];
	_ =	sdelay $0x4  }
0x36c: {  	[tilespmem:s6+$0x14258] =	vst v0  }
0x36d: {  	v0 =	vld [tilespmem:s0+$0x14268];
	_ =	sdelay $0x4  }
0x36e: {  	[tilespmem:s6+$0x14268] =	vst v0  }
0x36f: {  	v0 =	vld [tilespmem:s0+$0x14278];
	_ =	sdelay $0x4  }
0x370: {  	[tilespmem:s6+$0x14278] =	vst v0  }
0x371: {  	v0 =	vld [tilespmem:s0+$0x14288];
	_ =	sdelay $0x4  }
0x372: {  	[tilespmem:s6+$0x14288] =	vst v0  }
0x373: {  	v0 =	vld [tilespmem:s0+$0x14298];
	_ =	sdelay $0x4  }
0x374: {  	[tilespmem:s6+$0x14298] =	vst v0  }
0x375: {  	v0 =	vld [tilespmem:s0+$0x142A8];
	_ =	sdelay $0x4  }
0x376: {  	s2 =	sadd.s32 $0x1, s2;
	[tilespmem:s6+$0x142A8] =	vst v0  }
.LBB3_58:
0x377: {  	s5 =	sadd.s32 $0x1, s5  }
0x378: {  	p1 =	sne.s32 s5, $0x20  }
.Ltmp44:
0x379: {  	_ = 	snop;
	(pc) =	sbr.rel @!p1 .LBB3_59-.Ltmp44, $1  }
0x37a: {  	_ =	sdelay $0x3  }
.LBB3_48:
0x37b: {  	v0 =	vld.msk [tilespmem:s5+$0x14218], $0x1;
	_ =	sdelay $0x4  }
0x37c: {  	(v2sf) =	vpush v0, $0x0;
	_ =	sdelay $0xe  }
0x37d: {  	s6 =	spop (v2sf)  }
0x37e: {  	p1 =	seq.s32 s6, $0xFFFFFFFF  }
.Ltmp45:
0x37f: {  	_ = 	snop;
	(pc) =	sbr.rel @p1 .LBB3_58-.Ltmp45, $1  }
0x380: {  	_ =	sdelay $0x3  }
0x381: {  	p1 =	slt.s32 s2, $0x1  }
.Ltmp46:
0x382: {  	_ = 	snop;
	(pc) =	sbr.rel @p1 .LBB3_54-.Ltmp46, $1  }
0x383: {  	_ =	sdelay $0x3  }
0x384: {  	s7 =	simm.s32 $0x14218;
	p1 =	por $0x0, $0x0  }
0x385: {  	v1 =	vld.msk @!p1 [tilespmem:s7+$0x0], $0x1;
	_ =	sdelay $0x4  }
0x386: {  	(v2sf) =	vpush @!p1 v1, $0x0;
	_ =	sdelay $0xe  }
0x387: {  	p3 =	sne.s32 s2, $0x1;
	s0 =	spop @!p1 (v2sf)  }
.Ltmp47:
0x388: {  	s0 =	sxor.u32 @!p1 s6, s0;
	(pc) =	sbr.rel @!p3 .LBB3_52-.Ltmp47, $4  }
0x389: {  	p2 =	slt.u32 @!p1 s0, $0x2  }
0x38a: {  	s8 =	simm.s32 $0x0;
	p2 =	por !p2, p1  }
0x38b: {  	s0 =	simm.s32 $0xFFFFFFFF;
	s8 =	simm.s32 @p2 $0xFFFFFFFF  }
0x38c: {  	s9 =	simm.s32 $0x1;
	s8 =	smov.u32 @p1 s0  }
.LBB3_51:
0x38d: {  	s0 =	smov.u32 s8;
	p1 =	sne.s32 s8, $0xFFFFFFFF  }
0x38e: {  	s7 =	sadd.s32 $0x1, s7;
	s8 =	smov.u32 s9;
	s9 =	sadd.s32 $0x1, s9  }
0x38f: {  	p2 =	sne.s32 s2, s9;
	v1 =	vld.msk @!p1 [tilespmem:s7+$0x0], $0x1;
	_ =	sdelay $0x4  }
0x390: {  	(v2sf) =	vpush @!p1 v1, $0x0;
	_ =	sdelay $0xe  }
0x391: {  	s10 =	spop @!p1 (v2sf)  }
.Ltmp48:
0x392: {  	s10 =	sxor.u32 @!p1 s6, s10;
	(pc) =	sbr.rel @p2 .LBB3_51-.Ltmp48, $4  }
0x393: {  	p3 =	slt.u32 @!p1 s10, $0x2  }
0x394: {  	p3 =	por !p3, p1  }
0x395: {  	s8 =	simm.s32 @p3 $0xFFFFFFFF  }
0x396: {  	s8 =	smov.u32 @p1 s0  }
.LBB3_52:
0x397: {  	p1 =	seq.s32 s8, $0xFFFFFFFF  }
.Ltmp49:
0x398: {  	_ = 	snop;
	(pc) =	sbr.rel @p1 .LBB3_54-.Ltmp49, $1  }
0x399: {  	_ =	sdelay $0x3  }
0x39a: {  	s0 =	sshll.u32 s5, $0x7  }
0x39b: {  	s31 =	sshll.u32 s8, $0x9;
	s7 =	sand.u32 $0x3FFFFF80, s0  }
0x39c: {  	s6 =	sshra.s32 s31, $0x2;
	v0 =	vld [tilespmem:s7+$0x14238]  }
0x39d: {  	v1 =	vld [tilespmem:s6+$0x14238];
	_ =	sdelay $0x3  }
0x39e: {  	v2 =	vunpack.i.u.bf16.f32 v0  }
0x39f: {  	v0 =	vunpack.i.l.bf16.f32 v0;
	v3 =	vunpack.i.u.bf16.f32 v1;
	v1 =	vunpack.i.l.bf16.f32 v1  }
0x3a0: {  	v2 =	vadd.f32 v3, v2;
	v0 =	vadd.f32 v1, v0;
	_ =	sdelay $0x1  }
0x3a1: {  	v0 =	vpack.i.f32.bf16 v2, v0  }
0x3a2: {  	v43 =	vld [tilespmem:s6+$0x14248];
	[tilespmem:s6+$0x14238] =	vst v0  }
0x3a3: {  	v0 =	vld [tilespmem:s7+$0x14248];
	_ =	sdelay $0x3  }
0x3a4: {  	v45 =	vunpack.i.u.bf16.f32 v43  }
0x3a5: {  	v1 =	vunpack.i.l.bf16.f32 v43;
	v44 =	vunpack.i.u.bf16.f32 v0;
	v0 =	vunpack.i.l.bf16.f32 v0  }
0x3a6: {  	v2 =	vadd.f32 v45, v44;
	v0 =	vadd.f32 v1, v0;
	_ =	sdelay $0x1  }
0x3a7: {  	v0 =	vpack.i.f32.bf16 v2, v0  }
0x3a8: {  	v46 =	vld [tilespmem:s6+$0x14258];
	[tilespmem:s6+$0x14248] =	vst v0  }
0x3a9: {  	v0 =	vld [tilespmem:s7+$0x14258];
	_ =	sdelay $0x3  }
0x3aa: {  	v48 =	vunpack.i.u.bf16.f32 v46  }
0x3ab: {  	v1 =	vunpack.i.l.bf16.f32 v46;
	v47 =	vunpack.i.u.bf16.f32 v0;
	v0 =	vunpack.i.l.bf16.f32 v0  }
0x3ac: {  	v2 =	vadd.f32 v48, v47;
	v0 =	vadd.f32 v1, v0;
	_ =	sdelay $0x1  }
0x3ad: {  	v0 =	vpack.i.f32.bf16 v2, v0  }
0x3ae: {  	v49 =	vld [tilespmem:s6+$0x14268];
	[tilespmem:s6+$0x14258] =	vst v0  }
0x3af: {  	v0 =	vld [tilespmem:s7+$0x14268];
	_ =	sdelay $0x3  }
0x3b0: {  	v51 =	vunpack.i.u.bf16.f32 v49  }
0x3b1: {  	v1 =	vunpack.i.l.bf16.f32 v49;
	v50 =	vunpack.i.u.bf16.f32 v0;
	v0 =	vunpack.i.l.bf16.f32 v0  }
0x3b2: {  	v2 =	vadd.f32 v51, v50;
	v0 =	vadd.f32 v1, v0;
	_ =	sdelay $0x1  }
0x3b3: {  	v0 =	vpack.i.f32.bf16 v2, v0  }
0x3b4: {  	v52 =	vld [tilespmem:s6+$0x14278];
	[tilespmem:s6+$0x14268] =	vst v0  }
0x3b5: {  	v0 =	vld [tilespmem:s7+$0x14278];
	_ =	sdelay $0x3  }
0x3b6: {  	v54 =	vunpack.i.u.bf16.f32 v52  }
0x3b7: {  	v1 =	vunpack.i.l.bf16.f32 v52;
	v53 =	vunpack.i.u.bf16.f32 v0;
	v0 =	vunpack.i.l.bf16.f32 v0  }
0x3b8: {  	v2 =	vadd.f32 v54, v53;
	v0 =	vadd.f32 v1, v0;
	_ =	sdelay $0x1  }
0x3b9: {  	v0 =	vpack.i.f32.bf16 v2, v0  }
0x3ba: {  	v55 =	vld [tilespmem:s6+$0x14288];
	[tilespmem:s6+$0x14278] =	vst v0  }
0x3bb: {  	v0 =	vld [tilespmem:s7+$0x14288];
	_ =	sdelay $0x3  }
0x3bc: {  	v57 =	vunpack.i.u.bf16.f32 v55  }
0x3bd: {  	v1 =	vunpack.i.l.bf16.f32 v55;
	v56 =	vunpack.i.u.bf16.f32 v0;
	v0 =	vunpack.i.l.bf16.f32 v0  }
0x3be: {  	v2 =	vadd.f32 v57, v56;
	v0 =	vadd.f32 v1, v0;
	_ =	sdelay $0x1  }
0x3bf: {  	v0 =	vpack.i.f32.bf16 v2, v0  }
0x3c0: {  	v58 =	vld [tilespmem:s6+$0x14298];
	[tilespmem:s6+$0x14288] =	vst v0  }
0x3c1: {  	v0 =	vld [tilespmem:s7+$0x14298];
	_ =	sdelay $0x3  }
0x3c2: {  	v60 =	vunpack.i.u.bf16.f32 v58  }
0x3c3: {  	v1 =	vunpack.i.l.bf16.f32 v58;
	v59 =	vunpack.i.u.bf16.f32 v0;
	v0 =	vunpack.i.l.bf16.f32 v0  }
0x3c4: {  	v2 =	vadd.f32 v60, v59;
	v0 =	vadd.f32 v1, v0;
	_ =	sdelay $0x1  }
0x3c5: {  	v0 =	vpack.i.f32.bf16 v2, v0  }
0x3c6: {  	v61 =	vld [tilespmem:s6+$0x142A8];
	[tilespmem:s6+$0x14298] =	vst v0  }
0x3c7: {  	v0 =	vld [tilespmem:s7+$0x142A8];
	_ =	sdelay $0x3  }
0x3c8: {  	v63 =	vunpack.i.u.bf16.f32 v61  }
.Ltmp50:
0x3c9: {  	v1 =	vunpack.i.l.bf16.f32 v61;
	v62 =	vunpack.i.u.bf16.f32 v0;
	v0 =	vunpack.i.l.bf16.f32 v0;
	(pc) =	sbr.rel .LBB3_58-.Ltmp50, $3  }
0x3ca: {  	v2 =	vadd.f32 v63, v62;
	v0 =	vadd.f32 v1, v0;
	_ =	sdelay $0x1  }
0x3cb: {  	v0 =	vpack.i.f32.bf16 v2, v0  }
0x3cc: {  	[tilespmem:s6+$0x142A8] =	vst v0  }
.LBB3_54:
0x3cd: {  	p1 =	slt.u32 s6, $0xC34F02  }
.Ltmp51:
0x3ce: {  	_ = 	snop;
	(pc) =	sbr.rel @p1 .LBB3_56-.Ltmp51, $1  }
0x3cf: {  	_ =	sdelay $0x3  }
.Ltmp52:
0x3d0: {  	(pc) =	sbr.rel .LBB3_57-.Ltmp52, $2  }
0x3d1: {  	_ =	sdelay $0x2  }
0x3d2: {  	s6 =	sshll.u32 s5, $0x9  }
.LBB3_59:
0x3d3: {  	p1 =	slt.s32 s2, $0x1  }
.Ltmp53:
0x3d4: {  	_ = 	snop;
	(pc) =	sbr.rel @p1 .LBB3_63-.Ltmp53, $3  }
0x3d5: {  	_ =	sdelay $0x1  }
0x3d6: {  	s0 =	simm.s32 $0x8  }
0x3d7: {  	s3 =	simm.s32 $0x0;
	[sflag:s0] =	ssyncpa.u1 $0x1  }
0x3d8: {  	s0 =	simm.s32 $0x14218  }
0x3d9: {  	v0 =	vld.msk [tilespmem:s0+$0x0], $0x1;
	_ =	sdelay $0x4  }
0x3da: {  	(v2sf) =	vpush v0, $0x0;
	_ =	sdelay $0xd  }
0x3db: {  	s2 =	sadd.s32 $0xFFFFFFFF, s2  }
0x3dc: {  	p1 =	sne.s32 s2, $0x0;
	s0 =	spop (v2sf)  }
.Ltmp54:
0x3dd: {  	p2 =	sgt.u32 s0, $0xC34F01;
	(pc) =	sbr.rel @!p1 .LBB3_62-.Ltmp54, $4  }
0x3de: {  	s5 =	sshrl.u32 @!p2 s0, $0x1;
	s0 =	sshrl.u32 @!p2 s0, $0x4  }
0x3df: {  	s4 =	simm.s32 $0x14238;
	s0 =	sadd.s32 @!p2 s1, s0;
	s5 =	sand.u32 @!p2 $0x7, s5  }
0x3e0: {  	[hbm4b:s0+s5] =	stream.linear.scatter @!p2 [tilespmem:s4], [sflag:$0x7], $0x80, $0x38;
	[tilespmem:$0x1F4C8] =	vst v63  }
0x3e1: {  	s6 =	simm.s32 $0x14219;
	s5 =	simm.s32 $0x0  }
.LBB3_61:
0x3e2: {  	s0 =	simm.s32 $0x0  }
0x3e3: {  	v0 =	vld.msk [tilespmem:s6+$0x0], $0x1;
	s2 =	sadd.s32 $0xFFFFFFFF, s2;
	s0 =	simm.s32 @!p2 $0x200  }
0x3e4: {  	p1 =	sne.s32 s2, $0x0;
	s3 =	sadd.s32 s3, s0;
	_ =	sdelay $0x3  }
0x3e5: {  	(v2sf) =	vpush v0, $0x0;
	_ =	sdelay $0xe  }
.Ltmp55:
0x3e6: {  	s0 =	spop (v2sf);
	(pc) =	sbr.rel @p1 .LBB3_61-.Ltmp55, $4  }
0x3e7: {  	p2 =	sgt.u32 s0, $0xC34F01  }
0x3e8: {  	s4 =	sadd.s32 $0x80, s4;
	s7 =	sshrl.u32 @!p2 s0, $0x1;
	s0 =	sshrl.u32 @!p2 s0, $0x4  }
0x3e9: {  	s6 =	sadd.s32 $0x1, s6;
	s0 =	sadd.s32 @!p2 s1, s0;
	s7 =	sand.u32 @!p2 $0x7, s7  }
0x3ea: {  	[hbm4b:s0+s7] =	stream.linear.scatter @!p2 [tilespmem:s4], [sflag:$0x7], $0x80, $0x38;
	[tilespmem:$0x1F4C8] =	vst v63  }
.LBB3_62:
0x3eb: {  	s5 =	simm.s32 @!p2 $0x200  }
0x3ec: {  	s0 =	sadd.s32 s3, s5  }
0x3ed: {  	s3 =	sshrl.u32 s0, $0x2  }
.LBB3_63:
0x3ee: {  	s0 =	simm.s32 $0x7  }
0x3ef: {  	_ =	swait.ge [sflag:s0], s3  }
0x3f0: {  	s1 =	ssub.s32 $0x0, s3;
	[sflag:s0] =	ssyncset.done $0x0  }
0x3f1: {  	[sflag:s0] =	ssyncadd.s32 s1  }
0x3f2: {  	[sflag:s0] =	ssyncpa.u1 $0x1  }
.LBB3_64:
0x3f3: {  	_ =	sfence;
	s0 =	simm.s32 $0x1  }
0x3f4: {  	[sflag:s0] =	ssyncpa.u1 $0x1  }
0x3f5: {  	_ =	strace $0x9000004D  }
0x3f6: {  	[bflag:$0x2] =	sbarrier.arrive $0xFFFF  }
0x3f7: {  	s0 =	rddreg [dreg:$0x3]  }
0x3f8: {  	s0 =	sadd.s32 @!p0 $0x100000, s0  }
0x3f9: {  	[sflag:s0] =	ssyncadd.tile.s32 @!p0 $0x1;
	_ =	shalt  }
.Lfunc_end3:
_tile_overlayer_lowered:
.L_overlay_start_3:
0x3fa: {  	(tag) =	ssettag $0x3  }
0x3fb: {  	s0 =	rddreg [dreg:$0x0];
	s2 =	stileid.u32  }
0x3fc: {  	s1 =	rddreg [dreg:$0x1];
	p0 =	sne.s32 s2, $0x0  }
0x3fd: {  	s3 =	rddreg [dreg:$0x2];
	[bflag:$0x3] =	sbarrier.arrive $0xFFFF;
	s2 =	simm.s32 @!p0 $0x1C01  }
0x3fe: {  	[timem:s3], [sflag:s2] =	dma.local @!p0 [hbm:s0], s1  }
0x3ff: {  	s0 =	simm.s32 @!p0 $0x1  }
0x400: {  	_ =	swait.ge @!p0 [sflag:s0], s1  }
0x401: {  	s1 =	ssub.s32 @!p0 $0x0, s1;
	[sflag:s0] =	ssyncset.done @!p0 $0x0  }
0x402: {  	[sflag:s0] =	ssyncadd.s32 @!p0 s1  }
0x403: {  	[bflag:$0x3] =	sbarrier.arrive $0xFFFF  }
0x404: {  	_ =	shalt  }

</sc_bundles>
